<compile_context>
chip_gen: v7x
topology: tpu7x:2x2x1
jax: 0.10.2.dev20260603
libtpu: 0.0.44.dev20260713+nightly
codegen_flags: <defaults>
</compile_context>

<pallas_src>
import functools
import jax
import jax.numpy as jnp
from jax import lax
from jax.experimental import pallas as pl
from jax.experimental.pallas import tpu as pltpu
from jax.experimental.pallas import tpu_sc as plsc

N = 10000
NP = 10240
D = 256
QD = 64
E = 160000
TN = 2000
GN = N // TN

K = 80
NBUF = 5
EC_T = E // 16
CHUNKS_T = EC_T // K

ET = E // 32
NV = ET // 16
STRIPE = NP // 16

_mesh = plsc.VectorSubcoreMesh(core_axis_name="c", subcore_axis_name="s")
_sc_params = pltpu.CompilerParams(needs_layout_passes=False)
_sc_agg_params = pltpu.CompilerParams(
    needs_layout_passes=False, use_tc_tiling_on_sc=False)


@functools.partial(
    pl.kernel, mesh=_mesh, compiler_params=_sc_params,
    out_type=jax.ShapeDtypeStruct((2, NP), jnp.float32),
    scratch_types=[
        pltpu.VMEM((ET,), jnp.int32),
        pltpu.VMEM((NP,), jnp.float32),
        pltpu.VMEM((STRIPE,), jnp.float32),
        pltpu.VMEM((STRIPE,), jnp.float32),
        pltpu.VMEM_SHARED((16, NP), jnp.float32),
    ])
def _deg_kernel(dst_hbm, deg_out, dst_v, acc_v, red_v, tmp_v, part_sh):
    c = lax.axis_index("c")
    s = lax.axis_index("s")
    tid = c * 16 + s
    pltpu.sync_copy(dst_hbm.at[pl.ds(tid * ET, ET)], dst_v)

    zero16 = jnp.zeros((16,), jnp.float32)
    ones16 = jnp.ones((16,), jnp.float32)

    def zbody(i, _):
        acc_v[pl.ds(i * 16, 16)] = zero16
        return 0
    lax.fori_loop(0, NP // 16, zbody, 0)

    def body(i, _):
        idx = dst_v[pl.ds(i * 16, 16)]
        plsc.addupdate_scatter(acc_v, [idx], ones16)
        return 0
    lax.fori_loop(0, NV, body, 0)
    rem_idx = dst_v[pl.ds(ET - 16, 16)]
    rem_mask = lax.iota(jnp.int32, 16) >= (16 - (ET - NV * 16))
    plsc.addupdate_scatter(acc_v, [rem_idx], ones16, mask=rem_mask)

    pltpu.sync_copy(acc_v, part_sh.at[s])
    plsc.subcore_barrier()

    sl = pl.ds(s * STRIPE, STRIPE)
    pltpu.sync_copy(part_sh.at[0, sl], red_v)

    def rbody(j, _):
        pltpu.sync_copy(part_sh.at[j, sl], tmp_v)

        def abody(i, _):
            w = pl.ds(i * 16, 16)
            red_v[w] = red_v[w] + tmp_v[w]
            return 0
        lax.fori_loop(0, STRIPE // 16, abody, 0)
        return 0
    lax.fori_loop(1, 16, rbody, 0)
    pltpu.sync_copy(red_v, deg_out.at[c, sl])


@functools.partial(
    pl.kernel, mesh=_mesh, compiler_params=_sc_agg_params,
    out_type=jax.ShapeDtypeStruct((2 * NP, QD), jnp.float32),
    scratch_types=[
        pltpu.VMEM((CHUNKS_T, K), jnp.int32),
        pltpu.VMEM((CHUNKS_T, K), jnp.int32),
    ] + [pltpu.VMEM((K, QD), jnp.float32) for _ in range(NBUF)]
      + [pltpu.SemaphoreType.DMA for _ in range(NBUF)]
      + [pltpu.VMEM_SHARED((NP, QD), jnp.float32)])
def _agg_kernel(hs_hbm, srcs2_hbm, dst2_hbm, out_hbm, src_t, dst_t,
                r0, r1, r2, r3, r4, g0, g1, g2, g3, g4, acc_sh):
    rows = [r0, r1, r2, r3, r4]
    gsems = [g0, g1, g2, g3, g4]
    c = lax.axis_index("c")
    s = lax.axis_index("s")
    row0 = c * NP + s * STRIPE

    pltpu.sync_copy(hs_hbm.at[pl.ds(row0, STRIPE)],
                    acc_sh.at[pl.ds(s * STRIPE, STRIPE)])

    pltpu.sync_copy(srcs2_hbm.at[c * 16 + s], src_t)
    pltpu.sync_copy(dst2_hbm.at[s], dst_t)
    plsc.subcore_barrier()

    for b in range(NBUF):
        pltpu.async_copy(hs_hbm.at[src_t.at[b]], rows[b], gsems[b])

    def gbody(g, _):
        for b in range(NBUF):
            j = g * NBUF + b
            pltpu.make_async_copy(
                hs_hbm.at[src_t.at[j]], rows[b], gsems[b]).wait()
            pltpu.sync_copy(rows[b], acc_sh.at[dst_t.at[j]], add=True)

            @pl.when(j + NBUF < CHUNKS_T)
            def _():
                pltpu.async_copy(
                    hs_hbm.at[src_t.at[j + NBUF]], rows[b], gsems[b])
        return 0
    lax.fori_loop(0, CHUNKS_T // NBUF, gbody, 0)

    plsc.subcore_barrier()
    pltpu.sync_copy(acc_sh.at[pl.ds(s * STRIPE, STRIPE)],
                    out_hbm.at[pl.ds(row0, STRIPE)])


def _dinv_of(deg_ref):
    return lax.rsqrt(deg_ref[:, 0] + deg_ref[:, 1] + 1.0)


def _write_quarters(h, o0_ref, o1_ref):
    o0_ref[0] = h[:, 0 * QD:1 * QD]
    o0_ref[1] = h[:, 1 * QD:2 * QD]
    o1_ref[0] = h[:, 2 * QD:3 * QD]
    o1_ref[1] = h[:, 3 * QD:4 * QD]


def _cat_quarters(a00_ref, a01_ref, a10_ref, a11_ref):
    return jnp.concatenate(
        [a00_ref[0], a01_ref[0], a10_ref[0], a11_ref[0]], axis=1)


_qout_specs = [
    pl.BlockSpec((2, TN, QD), lambda i: (0, i, 0)),
    pl.BlockSpec((2, TN, QD), lambda i: (0, i, 0)),
]
_qout_shapes = [
    jax.ShapeDtypeStruct((2, NP, QD), jnp.float32),
    jax.ShapeDtypeStruct((2, NP, QD), jnp.float32),
]
_qin_specs = [
    pl.BlockSpec((1, TN, QD), lambda i: (0, i, 0)),
    pl.BlockSpec((1, TN, QD), lambda i: (1, i, 0)),
    pl.BlockSpec((1, TN, QD), lambda i: (0, i, 0)),
    pl.BlockSpec((1, TN, QD), lambda i: (1, i, 0)),
]


def _pre_kernel(x_ref, w_ref, deg_ref, o0_ref, o1_ref):
    dinv = _dinv_of(deg_ref)
    h = jax.lax.dot_general(
        x_ref[...], w_ref[...], (((1,), (0,)), ((), ())),
        preferred_element_type=jnp.float32)
    _write_quarters(h * dinv[:, None], o0_ref, o1_ref)


def _tc_pre(x, W1, deg2):
    return pl.pallas_call(
        _pre_kernel,
        grid=(GN,),
        in_specs=[
            pl.BlockSpec((TN, D), lambda i: (i, 0)),
            pl.BlockSpec((D, D), lambda i: (0, 0)),
            pl.BlockSpec((TN, 2), lambda i: (i, 0)),
        ],
        out_specs=_qout_specs,
        out_shape=_qout_shapes,
    )(x, W1, deg2)


def _mid_kernel(a00_ref, a01_ref, a10_ref, a11_ref, deg_ref, b_ref, w_ref,
                o0_ref, o1_ref):
    dinv = _dinv_of(deg_ref)
    acc = _cat_quarters(a00_ref, a01_ref, a10_ref, a11_ref)
    r = jnp.maximum(acc * dinv[:, None] + b_ref[...], 0.0)
    h = jax.lax.dot_general(
        r, w_ref[...], (((1,), (0,)), ((), ())),
        preferred_element_type=jnp.float32)
    _write_quarters(h * dinv[:, None], o0_ref, o1_ref)


def _tc_mid(acc1_p0, acc1_p1, deg2, b1, W2):
    return pl.pallas_call(
        _mid_kernel,
        grid=(GN,),
        in_specs=_qin_specs[:2] + _qin_specs[2:] + [
            pl.BlockSpec((TN, 2), lambda i: (i, 0)),
            pl.BlockSpec((1, D), lambda i: (0, 0)),
            pl.BlockSpec((D, D), lambda i: (0, 0)),
        ],
        out_specs=_qout_specs,
        out_shape=_qout_shapes,
    )(acc1_p0, acc1_p0, acc1_p1, acc1_p1, deg2, b1.reshape(1, D), W2)


def _tail_kernel(a00_ref, a01_ref, a10_ref, a11_ref, deg_ref, b_ref,
                 w1s_ref, b1s_ref, w2s_ref, b2s_ref, o_ref):
    dinv = _dinv_of(deg_ref)
    acc = _cat_quarters(a00_ref, a01_ref, a10_ref, a11_ref)
    h = acc * dinv[:, None] + b_ref[...]
    n1 = w1s_ref.shape[0]
    n2 = w2s_ref.shape[0]
    for i in range(n1):
        h = jax.lax.dot_general(
            h, w1s_ref[i], (((1,), (0,)), ((), ())),
            preferred_element_type=jnp.float32) + b1s_ref[i]
        h = jnp.maximum(h, 0.0)
    for i in range(n2):
        h = jax.lax.dot_general(
            h, w2s_ref[i], (((1,), (0,)), ((), ())),
            preferred_element_type=jnp.float32) + b2s_ref[i]
        if i != n2 - 1:
            h = jnp.maximum(h, 0.0)
    o_ref[...] = h


def _tc_tail(acc2_p0, acc2_p1, deg2, b2, W1s, b1s, W2s, b2s):
    L = W1s.shape[0]
    return pl.pallas_call(
        _tail_kernel,
        grid=(GN,),
        in_specs=_qin_specs[:2] + _qin_specs[2:] + [
            pl.BlockSpec((TN, 2), lambda i: (i, 0)),
            pl.BlockSpec((1, D), lambda i: (0, 0)),
            pl.BlockSpec((L, D, D), lambda i: (0, 0, 0)),
            pl.BlockSpec((L, 1, D), lambda i: (0, 0, 0)),
            pl.BlockSpec((L, D, D), lambda i: (0, 0, 0)),
            pl.BlockSpec((L, 1, D), lambda i: (0, 0, 0)),
        ],
        out_specs=pl.BlockSpec((TN, D), lambda i: (i, 0)),
        out_shape=jax.ShapeDtypeStruct((N, D), jnp.float32),
    )(acc2_p0, acc2_p0, acc2_p1, acc2_p1, deg2, b2.reshape(1, D),
      W1s, b1s.reshape(L, 1, D), W2s, b2s.reshape(L, 1, D))


def kernel(x, edge_index, batch, W1, b1, W2, b2, mlp1_W, mlp1_b, mlp2_W, mlp2_b):
    x = x.astype(jnp.float32)
    src = edge_index[0].astype(jnp.int32)
    dst = edge_index[1].astype(jnp.int32)

    srcs2 = jnp.concatenate([src, src + NP]).reshape(32, CHUNKS_T, K)
    dst2 = dst.reshape(16, CHUNKS_T, K)

    deg2 = _deg_kernel(dst).T

    hs1_p0, hs1_p1 = _tc_pre(x, W1, deg2)
    acc1_p0 = _agg_kernel(hs1_p0.reshape(2 * NP, QD), srcs2, dst2)
    acc1_p1 = _agg_kernel(hs1_p1.reshape(2 * NP, QD), srcs2, dst2)
    acc1_p0 = acc1_p0.reshape(2, NP, QD)
    acc1_p1 = acc1_p1.reshape(2, NP, QD)

    hs2_p0, hs2_p1 = _tc_mid(acc1_p0, acc1_p1, deg2, b1, W2)
    acc2_p0 = _agg_kernel(hs2_p0.reshape(2 * NP, QD), srcs2, dst2)
    acc2_p1 = _agg_kernel(hs2_p1.reshape(2 * NP, QD), srcs2, dst2)
    acc2_p0 = acc2_p0.reshape(2, NP, QD)
    acc2_p1 = acc2_p1.reshape(2, NP, QD)

    return _tc_tail(acc2_p0, acc2_p1, deg2, b2,
                    mlp1_W, mlp1_b, mlp2_W, mlp2_b)

# --- scband reference (transcript-rebuilt; emitter-appended) ---
"""Pipeline reference for scband-gcn-64931315581278 (READ-ONLY COPY).

The authoritative reference and input builder live on the scoring server;
editing this copy changes nothing except your own understanding.
"""

import jax, jax.numpy as jnp
import numpy as np

N = 10000
E = 160000
D = 256
MLP_DEPTH = 8


def gcn_conv(x, src, dst, W, b, num_nodes):
    # PyG GCNConv: linear transform, symmetric normalization with self-loops, scatter-add aggregate, bias
    h = x @ W
    deg = jnp.zeros((num_nodes,), h.dtype).at[dst].add(1.0)
    dinv = jnp.where(deg > 0, 1.0 / jnp.sqrt(deg), 0.0)
    norm = dinv[src] * dinv[dst]
    msg = h[src] * norm[:, None]
    out = jnp.zeros((num_nodes, h.shape[1]), h.dtype).at[dst].add(msg)
    return out + b


def mlp(x, Ws, bs):
    n = Ws.shape[0]
    for i in range(n):
        x = x @ Ws[i] + bs[i]
        if i != n - 1:
            x = jax.nn.relu(x)
    return x


def setup_inputs(seed: int = 0):
    key = jax.random.key(seed)
    ks = jax.random.split(key, 12)
    scale = 1.0 / np.sqrt(D)
    x = jax.random.normal(ks[0], (N, D), dtype=jnp.float32)
    edge_index = jax.random.randint(ks[1], (2, E), 0, N, dtype=jnp.int64)
    batch = jnp.zeros((N,), dtype=jnp.int64)
    W1 = jax.random.normal(ks[2], (D, D), dtype=jnp.float32) * scale
    b1 = jnp.zeros((D,), dtype=jnp.float32)
    W2 = jax.random.normal(ks[3], (D, D), dtype=jnp.float32) * scale
    b2 = jnp.zeros((D,), dtype=jnp.float32)
    mlp1_W = jax.random.normal(ks[4], (MLP_DEPTH, D, D), dtype=jnp.float32) * scale
    mlp1_b = jnp.zeros((MLP_DEPTH, D), dtype=jnp.float32)
    mlp2_W = jax.random.normal(ks[5], (MLP_DEPTH, D, D), dtype=jnp.float32) * scale
    mlp2_b = jnp.zeros((MLP_DEPTH, D), dtype=jnp.float32)
    return {"x": x, "edge_index": edge_index, "batch": batch,
            "W1": W1, "b1": b1, "W2": W2, "b2": b2,
            "mlp1_W": mlp1_W, "mlp1_b": mlp1_b,
            "mlp2_W": mlp2_W, "mlp2_b": mlp2_b}


def reference(x, edge_index, batch, W1, b1, W2, b2, mlp1_W, mlp1_b, mlp2_W, mlp2_b):
    num_nodes = x.shape[0]
    x = x.astype(jnp.float32)
    loops = jnp.arange(num_nodes, dtype=edge_index.dtype)
    src = jnp.concatenate([edge_index[0], loops])
    dst = jnp.concatenate([edge_index[1], loops])
    # two GCNConv layers, relu between (not after last conv)
    h = gcn_conv(x, src, dst, W1, b1, num_nodes)
    h = jax.nn.relu(h)
    h = gcn_conv(h, src, dst, W2, b2, num_nodes)
    # two MLP heads (each 8-layer), relu between heads but not after last
    h = mlp(h, mlp1_W, mlp1_b)
    h = jax.nn.relu(h)
    h = mlp(h, mlp2_W, mlp2_b)
    return h

if __name__ == "__main__":
    import jax
    _d = setup_inputs()
    print(jax.jit(kernel)(*tuple(_d.values())))

</pallas_src>

<mosaic_0001>
#map = affine_map<(d0, d1) -> (0)>
#map1 = affine_map<(d0, d1) -> (0, 0)>
module attributes {stable_mosaic.version = 14 : i64} {
  func.func @_deg_kernel(%arg0: i32, %arg1: i32, %arg2: memref<160000xi32, #tpu.memory_space<hbm>>, %arg3: memref<2x10240xf32, #tpu.memory_space<hbm>>, %arg4: memref<5000xi32, #tpu.memory_space<vmem>>, %arg5: memref<10240xf32, #tpu.memory_space<vmem>>, %arg6: memref<640xf32, #tpu.memory_space<vmem>>, %arg7: memref<640xf32, #tpu.memory_space<vmem>>, %arg8: memref<16x10240xf32, #tpu.memory_space<vmem_shared>>) attributes {dimension_semantics = [#tpu.dimension_semantics<core_parallel>, #tpu.dimension_semantics<subcore_parallel>], iteration_bounds = array<i64: 2, 16>, scalar_prefetch = 0 : i64, scratch_operands = 5 : i64, tpu.core_type = #tpu.core_type<sc_vector_subcore>, window_params = [{transform_indices = #map}, {transform_indices = #map1}]} {
    %mul3A = arith.constant 16 : i32
    %mul3A_0 = arith.muli %arg0, %mul3A : i32
    %add3A = arith.addi %mul3A_0, %arg1 : i32
    %mul3A_1 = arith.constant 5000 : i32
    %mul3A_2 = arith.muli %add3A, %mul3A_1 : i32
    "tpu.region"() ({
      %run_scoped3A_31 = tpu.sem_alloc : memref<!tpu.dma_semaphore, #tpu.memory_space<semaphore_mem>>
      %dma_start3A = tpu.memref_slice %arg2[%mul3A_2] : memref<160000xi32, #tpu.memory_space<hbm>> -> memref<5000xi32, #tpu.memory_space<hbm>>
      %dma_start3A_32 = tpu.memref_slice %arg2[%mul3A_2] : memref<160000xi32, #tpu.memory_space<hbm>> -> memref<5000xi32, #tpu.memory_space<hbm>>
      tpu.enqueue_dma source(%dma_start3A_32 : memref<5000xi32, #tpu.memory_space<hbm>>) target(%arg4 : memref<5000xi32, #tpu.memory_space<vmem>>) target_semaphore(%run_scoped3A_31 : memref<!tpu.dma_semaphore, #tpu.memory_space<semaphore_mem>>)
      %dma_wait3A = tpu.memref_slice %arg2[%mul3A_2] : memref<160000xi32, #tpu.memory_space<hbm>> -> memref<5000xi32, #tpu.memory_space<hbm>>
      %dma_wait3A_33 = tpu.memref_slice %arg2[%mul3A_2] : memref<160000xi32, #tpu.memory_space<hbm>> -> memref<5000xi32, #tpu.memory_space<hbm>>
      tpu.wait_dma2 semaphore(%run_scoped3A_31 : memref<!tpu.dma_semaphore, #tpu.memory_space<semaphore_mem>>) src(%dma_wait3A_33 : memref<5000xi32, #tpu.memory_space<hbm>>) dst(%arg4 : memref<5000xi32, #tpu.memory_space<vmem>>)
      tpu.yield
    }) : () -> ()
    %broadcast_in_dim3A = arith.constant 0.000000e+00 : f32
    %broadcast_in_dim3A_3 = vector.broadcast %broadcast_in_dim3A : f32 to vector<16xf32>
    %broadcast_in_dim3A_4 = arith.constant 1.000000e+00 : f32
    %broadcast_in_dim3A_5 = vector.broadcast %broadcast_in_dim3A_4 : f32 to vector<16xf32>
    %scan3A = arith.constant 0 : i32
    %scan3A_6 = arith.constant 0 : i32
    %scan3A_7 = arith.constant 640 : i32
    %scan3A_8 = arith.addi %scan3A_6, %scan3A_7 : i32
    %scan3A_9 = arith.constant 1 : i32
    %scan3A_10 = scf.for %scan3A_31 = %scan3A_6 to %scan3A_8 step %scan3A_9 iter_args(%scan3A_32 = %scan3A) -> (i32)  : i32 {
      %mul3A_33 = arith.constant 16 : i32
      %mul3A_34 = arith.muli %scan3A_31, %mul3A_33 : i32
      %swap3A = arith.index_cast %mul3A_34 : i32 to index
      %swap3A_35 = tpu.vector_load %arg5[%swap3A] {strides = array<i32>} : memref<10240xf32, #tpu.memory_space<vmem>>, vector<16xf32>,
      tpu.vector_store %arg5[%swap3A], %broadcast_in_dim3A_3 {strides = array<i32>} : memref<10240xf32, #tpu.memory_space<vmem>>, vector<16xf32>,
      %scan3A_36 = arith.constant 0 : i32
      scf.yield %scan3A_36 : i32
    }
    %scan3A_11 = arith.constant 640 : i32
    %scan3A_12 = arith.constant 0 : i32
    %scan3A_13 = arith.constant 0 : i32
    %scan3A_14 = arith.constant 312 : i32
    %scan3A_15 = arith.addi %scan3A_13, %scan3A_14 : i32
    %scan3A_16 = arith.constant 1 : i32
    %scan3A_17 = scf.for %scan3A_31 = %scan3A_13 to %scan3A_15 step %scan3A_16 iter_args(%scan3A_32 = %scan3A_12) -> (i32)  : i32 {
      %mul3A_33 = arith.constant 16 : i32
      %mul3A_34 = arith.muli %scan3A_31, %mul3A_33 : i32
      %get3A_35 = arith.index_cast %mul3A_34 : i32 to index
      %get3A_36 = tpu.vector_load %arg4[%get3A_35] {strides = array<i32>} : memref<5000xi32, #tpu.memory_space<vmem>>, vector<16xi32>,
      tpu.vector_store_idx %arg5[%get3A_36], %broadcast_in_dim3A_5 {add = true} : memref<10240xf32, #tpu.memory_space<vmem>>[vector<16xi32>], vector<16xf32>,
      %scan3A_37 = arith.constant 0 : i32
      scf.yield %scan3A_37 : i32
    }
    %scan3A_18 = arith.constant 312 : i32
    %get3A = arith.constant 4984 : index
    %get3A_19 = tpu.vector_load %arg4[%get3A] {strides = array<i32>} : memref<5000xi32, #tpu.memory_space<vmem>>, vector<16xi32>,
    %iota3A = tpu.iota {dimensions = array<i32: 0>} : vector<16xi32>
    %ge3A = arith.constant 8 : i32
    %ge3A_20 = vector.broadcast %ge3A : i32 to vector<16xi32>
    %ge3A_21 = arith.cmpi sge, %iota3A, %ge3A_20 : vector<16xi32>
    tpu.vector_store_idx %arg5[%get3A_19], %broadcast_in_dim3A_5 masked %ge3A_21 {add = true} : memref<10240xf32, #tpu.memory_space<vmem>>[vector<16xi32>], vector<16xf32>, vector<16xi1>
    "tpu.region"() ({
      %run_scoped3A_31 = tpu.sem_alloc : memref<!tpu.dma_semaphore, #tpu.memory_space<semaphore_mem>>
      %dma_start3A = arith.constant 0 : i32
      %dma_start3A_32 = tpu.memref_slice %arg8[%arg1, %dma_start3A] : memref<16x10240xf32, #tpu.memory_space<vmem_shared>> -> memref<1x10240xf32, #tpu.memory_space<vmem_shared>>
      %dma_start3A_33 = tpu.memref_squeeze %dma_start3A_32 : memref<1x10240xf32, #tpu.memory_space<vmem_shared>> -> memref<10240xf32, #tpu.memory_space<vmem_shared>>
      %dma_start3A_34 = arith.constant 0 : i32
      %dma_start3A_35 = tpu.memref_slice %arg8[%arg1, %dma_start3A_34] : memref<16x10240xf32, #tpu.memory_space<vmem_shared>> -> memref<1x10240xf32, #tpu.memory_space<vmem_shared>>
      %dma_start3A_36 = tpu.memref_squeeze %dma_start3A_35 : memref<1x10240xf32, #tpu.memory_space<vmem_shared>> -> memref<10240xf32, #tpu.memory_space<vmem_shared>>
      tpu.enqueue_dma source(%arg5 : memref<10240xf32, #tpu.memory_space<vmem>>) target(%dma_start3A_36 : memref<10240xf32, #tpu.memory_space<vmem_shared>>) target_semaphore(%run_scoped3A_31 : memref<!tpu.dma_semaphore, #tpu.memory_space<semaphore_mem>>)
      %dma_wait3A = arith.constant 0 : i32
      %dma_wait3A_37 = tpu.memref_slice %arg8[%arg1, %dma_wait3A] : memref<16x10240xf32, #tpu.memory_space<vmem_shared>> -> memref<1x10240xf32, #tpu.memory_space<vmem_shared>>
      %dma_wait3A_38 = tpu.memref_squeeze %dma_wait3A_37 : memref<1x10240xf32, #tpu.memory_space<vmem_shared>> -> memref<10240xf32, #tpu.memory_space<vmem_shared>>
      %dma_wait3A_39 = arith.constant 0 : i32
      %dma_wait3A_40 = tpu.memref_slice %arg8[%arg1, %dma_wait3A_39] : memref<16x10240xf32, #tpu.memory_space<vmem_shared>> -> memref<1x10240xf32, #tpu.memory_space<vmem_shared>>
      %dma_wait3A_41 = tpu.memref_squeeze %dma_wait3A_40 : memref<1x10240xf32, #tpu.memory_space<vmem_shared>> -> memref<10240xf32, #tpu.memory_space<vmem_shared>>
      tpu.wait_dma2 semaphore(%run_scoped3A_31 : memref<!tpu.dma_semaphore, #tpu.memory_space<semaphore_mem>>) src(%arg5 : memref<10240xf32, #tpu.memory_space<vmem>>) dst(%dma_wait3A_41 : memref<10240xf32, #tpu.memory_space<vmem_shared>>)
      tpu.yield
    }) : () -> ()
    %barrier3A = arith.constant 0 : index
    tpu.barrier barrier_id(%barrier3A)
    %mul3A_22 = arith.constant 640 : i32
    %mul3A_23 = arith.muli %arg1, %mul3A_22 : i32
    %run_scoped3A = arith.constant 0 : i32
    "tpu.region"() ({
      %run_scoped3A_31 = tpu.sem_alloc : memref<!tpu.dma_semaphore, #tpu.memory_space<semaphore_mem>>
      %dma_start3A = tpu.memref_slice %arg8[%run_scoped3A, %mul3A_23] : memref<16x10240xf32, #tpu.memory_space<vmem_shared>> -> memref<1x640xf32, #tpu.memory_space<vmem_shared>>
      %dma_start3A_32 = tpu.memref_squeeze %dma_start3A : memref<1x640xf32, #tpu.memory_space<vmem_shared>> -> memref<640xf32, #tpu.memory_space<vmem_shared>>
      %dma_start3A_33 = tpu.memref_slice %arg8[%run_scoped3A, %mul3A_23] : memref<16x10240xf32, #tpu.memory_space<vmem_shared>> -> memref<1x640xf32, #tpu.memory_space<vmem_shared>>
      %dma_start3A_34 = tpu.memref_squeeze %dma_start3A_33 : memref<1x640xf32, #tpu.memory_space<vmem_shared>> -> memref<640xf32, #tpu.memory_space<vmem_shared>>
      tpu.enqueue_dma source(%dma_start3A_34 : memref<640xf32, #tpu.memory_space<vmem_shared>>) target(%arg6 : memref<640xf32, #tpu.memory_space<vmem>>) target_semaphore(%run_scoped3A_31 : memref<!tpu.dma_semaphore, #tpu.memory_space<semaphore_mem>>)
      %dma_wait3A = tpu.memref_slice %arg8[%run_scoped3A, %mul3A_23] : memref<16x10240xf32, #tpu.memory_space<vmem_shared>> -> memref<1x640xf32, #tpu.memory_space<vmem_shared>>
      %dma_wait3A_35 = tpu.memref_squeeze %dma_wait3A : memref<1x640xf32, #tpu.memory_space<vmem_shared>> -> memref<640xf32, #tpu.memory_space<vmem_shared>>
      %dma_wait3A_36 = tpu.memref_slice %arg8[%run_scoped3A, %mul3A_23] : memref<16x10240xf32, #tpu.memory_space<vmem_shared>> -> memref<1x640xf32, #tpu.memory_space<vmem_shared>>
      %dma_wait3A_37 = tpu.memref_squeeze %dma_wait3A_36 : memref<1x640xf32, #tpu.memory_space<vmem_shared>> -> memref<640xf32, #tpu.memory_space<vmem_shared>>
      tpu.wait_dma2 semaphore(%run_scoped3A_31 : memref<!tpu.dma_semaphore, #tpu.memory_space<semaphore_mem>>) src(%dma_wait3A_37 : memref<640xf32, #tpu.memory_space<vmem_shared>>) dst(%arg6 : memref<640xf32, #tpu.memory_space<vmem>>)
      tpu.yield
    }) : () -> ()
    %scan3A_24 = arith.constant 0 : i32
    %scan3A_25 = arith.constant 1 : i32
    %scan3A_26 = arith.constant 15 : i32
    %scan3A_27 = arith.addi %scan3A_25, %scan3A_26 : i32
    %scan3A_28 = arith.constant 1 : i32
    %scan3A_29 = scf.for %scan3A_31 = %scan3A_25 to %scan3A_27 step %scan3A_28 iter_args(%scan3A_32 = %scan3A_24) -> (i32)  : i32 {
      "tpu.region"() ({
        %run_scoped3A_41 = tpu.sem_alloc : memref<!tpu.dma_semaphore, #tpu.memory_space<semaphore_mem>>
        %dma_start3A = tpu.memref_slice %arg8[%scan3A_31, %mul3A_23] : memref<16x10240xf32, #tpu.memory_space<vmem_shared>> -> memref<1x640xf32, #tpu.memory_space<vmem_shared>>
        %dma_start3A_42 = tpu.memref_squeeze %dma_start3A : memref<1x640xf32, #tpu.memory_space<vmem_shared>> -> memref<640xf32, #tpu.memory_space<vmem_shared>>
        %dma_start3A_43 = tpu.memref_slice %arg8[%scan3A_31, %mul3A_23] : memref<16x10240xf32, #tpu.memory_space<vmem_shared>> -> memref<1x640xf32, #tpu.memory_space<vmem_shared>>
        %dma_start3A_44 = tpu.memref_squeeze %dma_start3A_43 : memref<1x640xf32, #tpu.memory_space<vmem_shared>> -> memref<640xf32, #tpu.memory_space<vmem_shared>>
        tpu.enqueue_dma source(%dma_start3A_44 : memref<640xf32, #tpu.memory_space<vmem_shared>>) target(%arg7 : memref<640xf32, #tpu.memory_space<vmem>>) target_semaphore(%run_scoped3A_41 : memref<!tpu.dma_semaphore, #tpu.memory_space<semaphore_mem>>)
        %dma_wait3A = tpu.memref_slice %arg8[%scan3A_31, %mul3A_23] : memref<16x10240xf32, #tpu.memory_space<vmem_shared>> -> memref<1x640xf32, #tpu.memory_space<vmem_shared>>
        %dma_wait3A_45 = tpu.memref_squeeze %dma_wait3A : memref<1x640xf32, #tpu.memory_space<vmem_shared>> -> memref<640xf32, #tpu.memory_space<vmem_shared>>
        %dma_wait3A_46 = tpu.memref_slice %arg8[%scan3A_31, %mul3A_23] : memref<16x10240xf32, #tpu.memory_space<vmem_shared>> -> memref<1x640xf32, #tpu.memory_space<vmem_shared>>
        %dma_wait3A_47 = tpu.memref_squeeze %dma_wait3A_46 : memref<1x640xf32, #tpu.memory_space<vmem_shared>> -> memref<640xf32, #tpu.memory_space<vmem_shared>>
        tpu.wait_dma2 semaphore(%run_scoped3A_41 : memref<!tpu.dma_semaphore, #tpu.memory_space<semaphore_mem>>) src(%dma_wait3A_47 : memref<640xf32, #tpu.memory_space<vmem_shared>>) dst(%arg7 : memref<640xf32, #tpu.memory_space<vmem>>)
        tpu.yield
      }) : () -> ()
      %scan3A_33 = arith.constant 0 : i32
      %scan3A_34 = arith.constant 0 : i32
      %scan3A_35 = arith.constant 40 : i32
      %scan3A_36 = arith.addi %scan3A_34, %scan3A_35 : i32
      %scan3A_37 = arith.constant 1 : i32
      %scan3A_38 = scf.for %scan3A_41 = %scan3A_34 to %scan3A_36 step %scan3A_37 iter_args(%scan3A_42 = %scan3A_33) -> (i32)  : i32 {
        %mul3A_43 = arith.constant 16 : i32
        %mul3A_44 = arith.muli %scan3A_41, %mul3A_43 : i32
        %get3A_45 = arith.index_cast %mul3A_44 : i32 to index
        %get3A_46 = tpu.vector_load %arg6[%get3A_45] {strides = array<i32>} : memref<640xf32, #tpu.memory_space<vmem>>, vector<16xf32>,
        %get3A_47 = arith.index_cast %mul3A_44 : i32 to index
        %get3A_48 = tpu.vector_load %arg7[%get3A_47] {strides = array<i32>} : memref<640xf32, #tpu.memory_space<vmem>>, vector<16xf32>,
        %add3A_49 = arith.addf %get3A_46, %get3A_48 : vector<16xf32>
        %swap3A = arith.index_cast %mul3A_44 : i32 to index
        %swap3A_50 = tpu.vector_load %arg6[%swap3A] {strides = array<i32>} : memref<640xf32, #tpu.memory_space<vmem>>, vector<16xf32>,
        tpu.vector_store %arg6[%swap3A], %add3A_49 {strides = array<i32>} : memref<640xf32, #tpu.memory_space<vmem>>, vector<16xf32>,
        %scan3A_51 = arith.constant 0 : i32
        scf.yield %scan3A_51 : i32
      }
      %scan3A_39 = arith.constant 40 : i32
      %scan3A_40 = arith.constant 0 : i32
      scf.yield %scan3A_40 : i32
    }
    %scan3A_30 = arith.constant 15 : i32
    "tpu.region"() ({
      %run_scoped3A_31 = tpu.sem_alloc : memref<!tpu.dma_semaphore, #tpu.memory_space<semaphore_mem>>
      %dma_start3A = tpu.memref_slice %arg3[%arg0, %mul3A_23] : memref<2x10240xf32, #tpu.memory_space<hbm>> -> memref<1x640xf32, #tpu.memory_space<hbm>>
      %dma_start3A_32 = tpu.memref_squeeze %dma_start3A : memref<1x640xf32, #tpu.memory_space<hbm>> -> memref<640xf32, #tpu.memory_space<hbm>>
      %dma_start3A_33 = tpu.memref_slice %arg3[%arg0, %mul3A_23] : memref<2x10240xf32, #tpu.memory_space<hbm>> -> memref<1x640xf32, #tpu.memory_space<hbm>>
      %dma_start3A_34 = tpu.memref_squeeze %dma_start3A_33 : memref<1x640xf32, #tpu.memory_space<hbm>> -> memref<640xf32, #tpu.memory_space<hbm>>
      tpu.enqueue_dma source(%arg6 : memref<640xf32, #tpu.memory_space<vmem>>) target(%dma_start3A_34 : memref<640xf32, #tpu.memory_space<hbm>>) target_semaphore(%run_scoped3A_31 : memref<!tpu.dma_semaphore, #tpu.memory_space<semaphore_mem>>)
      %dma_wait3A = tpu.memref_slice %arg3[%arg0, %mul3A_23] : memref<2x10240xf32, #tpu.memory_space<hbm>> -> memref<1x640xf32, #tpu.memory_space<hbm>>
      %dma_wait3A_35 = tpu.memref_squeeze %dma_wait3A : memref<1x640xf32, #tpu.memory_space<hbm>> -> memref<640xf32, #tpu.memory_space<hbm>>
      %dma_wait3A_36 = tpu.memref_slice %arg3[%arg0, %mul3A_23] : memref<2x10240xf32, #tpu.memory_space<hbm>> -> memref<1x640xf32, #tpu.memory_space<hbm>>
      %dma_wait3A_37 = tpu.memref_squeeze %dma_wait3A_36 : memref<1x640xf32, #tpu.memory_space<hbm>> -> memref<640xf32, #tpu.memory_space<hbm>>
      tpu.wait_dma2 semaphore(%run_scoped3A_31 : memref<!tpu.dma_semaphore, #tpu.memory_space<semaphore_mem>>) src(%arg6 : memref<640xf32, #tpu.memory_space<vmem>>) dst(%dma_wait3A_37 : memref<640xf32, #tpu.memory_space<hbm>>)
      tpu.yield
    }) : () -> ()
    return
  }
}

#map = affine_map<(d0, d1) -> (0, 0)>
#map1 = affine_map<(d0, d1) -> (0, 0, 0)>
module attributes {stable_mosaic.version = 14 : i64} {
  func.func @_agg_kernel(%arg0: i32, %arg1: i32, %arg2: memref<20480x64xf32, #tpu.memory_space<hbm>>, %arg3: memref<32x125x80xi32, #tpu.memory_space<hbm>>, %arg4: memref<16x125x80xi32, #tpu.memory_space<hbm>>, %arg5: memref<20480x64xf32, #tpu.memory_space<hbm>>, %arg6: memref<125x80xi32, #tpu.memory_space<vmem>>, %arg7: memref<125x80xi32, #tpu.memory_space<vmem>>, %arg8: memref<80x64xf32, #tpu.memory_space<vmem>>, %arg9: memref<80x64xf32, #tpu.memory_space<vmem>>, %arg10: memref<80x64xf32, #tpu.memory_space<vmem>>, %arg11: memref<80x64xf32, #tpu.memory_space<vmem>>, %arg12: memref<80x64xf32, #tpu.memory_space<vmem>>, %arg13: memref<!tpu.dma_semaphore, #tpu.memory_space<semaphore_mem>>, %arg14: memref<!tpu.dma_semaphore, #tpu.memory_space<semaphore_mem>>, %arg15: memref<!tpu.dma_semaphore, #tpu.memory_space<semaphore_mem>>, %arg16: memref<!tpu.dma_semaphore, #tpu.memory_space<semaphore_mem>>, %arg17: memref<!tpu.dma_semaphore, #tpu.memory_space<semaphore_mem>>, %arg18: memref<10240x64xf32, #tpu.memory_space<vmem_shared>>) attributes {dimension_semantics = [#tpu.dimension_semantics<core_parallel>, #tpu.dimension_semantics<subcore_parallel>], iteration_bounds = array<i64: 2, 16>, scalar_prefetch = 0 : i64, scratch_operands = 13 : i64, tpu.core_type = #tpu.core_type<sc_vector_subcore>, window_params = [{transform_indices = #map}, {transform_indices = #map1}, {transform_indices = #map1}, {transform_indices = #map}]} {
    %mul3A = arith.constant 10240 : i32
    %mul3A_0 = arith.muli %arg0, %mul3A : i32
    %mul3A_1 = arith.constant 640 : i32
    %mul3A_2 = arith.muli %arg1, %mul3A_1 : i32
    %add3A = arith.addi %mul3A_0, %mul3A_2 : i32
    %mul3A_3 = arith.constant 640 : i32
    %mul3A_4 = arith.muli %arg1, %mul3A_3 : i32
    "tpu.region"() ({
      %run_scoped3A = tpu.sem_alloc : memref<!tpu.dma_semaphore, #tpu.memory_space<semaphore_mem>>
      %dma_start3A_51 = arith.constant 0 : i32
      %dma_start3A_52 = tpu.memref_slice %arg18[%mul3A_4, %dma_start3A_51] : memref<10240x64xf32, #tpu.memory_space<vmem_shared>> -> memref<640x64xf32, #tpu.memory_space<vmem_shared>>
      %dma_start3A_53 = arith.constant 0 : i32
      %dma_start3A_54 = tpu.memref_slice %arg2[%add3A, %dma_start3A_53] : memref<20480x64xf32, #tpu.memory_space<hbm>> -> memref<640x64xf32, #tpu.memory_space<hbm>>
      tpu.enqueue_dma source(%dma_start3A_54 : memref<640x64xf32, #tpu.memory_space<hbm>>) target(%dma_start3A_52 : memref<640x64xf32, #tpu.memory_space<vmem_shared>>) target_semaphore(%run_scoped3A : memref<!tpu.dma_semaphore, #tpu.memory_space<semaphore_mem>>)
      %dma_wait3A = arith.constant 0 : i32
      %dma_wait3A_55 = tpu.memref_slice %arg18[%mul3A_4, %dma_wait3A] : memref<10240x64xf32, #tpu.memory_space<vmem_shared>> -> memref<640x64xf32, #tpu.memory_space<vmem_shared>>
      %dma_wait3A_56 = arith.constant 0 : i32
      %dma_wait3A_57 = tpu.memref_slice %arg2[%add3A, %dma_wait3A_56] : memref<20480x64xf32, #tpu.memory_space<hbm>> -> memref<640x64xf32, #tpu.memory_space<hbm>>
      tpu.wait_dma2 semaphore(%run_scoped3A : memref<!tpu.dma_semaphore, #tpu.memory_space<semaphore_mem>>) src(%dma_wait3A_57 : memref<640x64xf32, #tpu.memory_space<hbm>>) dst(%dma_wait3A_55 : memref<640x64xf32, #tpu.memory_space<vmem_shared>>)
      tpu.yield
    }) : () -> ()
    %mul3A_5 = arith.constant 16 : i32
    %mul3A_6 = arith.muli %arg0, %mul3A_5 : i32
    %add3A_7 = arith.addi %mul3A_6, %arg1 : i32
    "tpu.region"() ({
      %run_scoped3A = tpu.sem_alloc : memref<!tpu.dma_semaphore, #tpu.memory_space<semaphore_mem>>
      %dma_start3A_51 = arith.constant 0 : i32
      %dma_start3A_52 = arith.constant 0 : i32
      %dma_start3A_53 = tpu.memref_slice %arg3[%add3A_7, %dma_start3A_51, %dma_start3A_52] : memref<32x125x80xi32, #tpu.memory_space<hbm>> -> memref<1x125x80xi32, #tpu.memory_space<hbm>>
      %dma_start3A_54 = tpu.memref_squeeze %dma_start3A_53 : memref<1x125x80xi32, #tpu.memory_space<hbm>> -> memref<125x80xi32, #tpu.memory_space<hbm>>
      %dma_start3A_55 = arith.constant 0 : i32
      %dma_start3A_56 = arith.constant 0 : i32
      %dma_start3A_57 = tpu.memref_slice %arg3[%add3A_7, %dma_start3A_55, %dma_start3A_56] : memref<32x125x80xi32, #tpu.memory_space<hbm>> -> memref<1x125x80xi32, #tpu.memory_space<hbm>>
      %dma_start3A_58 = tpu.memref_squeeze %dma_start3A_57 : memref<1x125x80xi32, #tpu.memory_space<hbm>> -> memref<125x80xi32, #tpu.memory_space<hbm>>
      tpu.enqueue_dma source(%dma_start3A_58 : memref<125x80xi32, #tpu.memory_space<hbm>>) target(%arg6 : memref<125x80xi32, #tpu.memory_space<vmem>>) target_semaphore(%run_scoped3A : memref<!tpu.dma_semaphore, #tpu.memory_space<semaphore_mem>>)
      %dma_wait3A = arith.constant 0 : i32
      %dma_wait3A_59 = arith.constant 0 : i32
      %dma_wait3A_60 = tpu.memref_slice %arg3[%add3A_7, %dma_wait3A, %dma_wait3A_59] : memref<32x125x80xi32, #tpu.memory_space<hbm>> -> memref<1x125x80xi32, #tpu.memory_space<hbm>>
      %dma_wait3A_61 = tpu.memref_squeeze %dma_wait3A_60 : memref<1x125x80xi32, #tpu.memory_space<hbm>> -> memref<125x80xi32, #tpu.memory_space<hbm>>
      %dma_wait3A_62 = arith.constant 0 : i32
      %dma_wait3A_63 = arith.constant 0 : i32
      %dma_wait3A_64 = tpu.memref_slice %arg3[%add3A_7, %dma_wait3A_62, %dma_wait3A_63] : memref<32x125x80xi32, #tpu.memory_space<hbm>> -> memref<1x125x80xi32, #tpu.memory_space<hbm>>
      %dma_wait3A_65 = tpu.memref_squeeze %dma_wait3A_64 : memref<1x125x80xi32, #tpu.memory_space<hbm>> -> memref<125x80xi32, #tpu.memory_space<hbm>>
      tpu.wait_dma2 semaphore(%run_scoped3A : memref<!tpu.dma_semaphore, #tpu.memory_space<semaphore_mem>>) src(%dma_wait3A_65 : memref<125x80xi32, #tpu.memory_space<hbm>>) dst(%arg6 : memref<125x80xi32, #tpu.memory_space<vmem>>)
      tpu.yield
    }) : () -> ()
    "tpu.region"() ({
      %run_scoped3A = tpu.sem_alloc : memref<!tpu.dma_semaphore, #tpu.memory_space<semaphore_mem>>
      %dma_start3A_51 = arith.constant 0 : i32
      %dma_start3A_52 = arith.constant 0 : i32
      %dma_start3A_53 = tpu.memref_slice %arg4[%arg1, %dma_start3A_51, %dma_start3A_52] : memref<16x125x80xi32, #tpu.memory_space<hbm>> -> memref<1x125x80xi32, #tpu.memory_space<hbm>>
      %dma_start3A_54 = tpu.memref_squeeze %dma_start3A_53 : memref<1x125x80xi32, #tpu.memory_space<hbm>> -> memref<125x80xi32, #tpu.memory_space<hbm>>
      %dma_start3A_55 = arith.constant 0 : i32
      %dma_start3A_56 = arith.constant 0 : i32
      %dma_start3A_57 = tpu.memref_slice %arg4[%arg1, %dma_start3A_55, %dma_start3A_56] : memref<16x125x80xi32, #tpu.memory_space<hbm>> -> memref<1x125x80xi32, #tpu.memory_space<hbm>>
      %dma_start3A_58 = tpu.memref_squeeze %dma_start3A_57 : memref<1x125x80xi32, #tpu.memory_space<hbm>> -> memref<125x80xi32, #tpu.memory_space<hbm>>
      tpu.enqueue_dma source(%dma_start3A_58 : memref<125x80xi32, #tpu.memory_space<hbm>>) target(%arg7 : memref<125x80xi32, #tpu.memory_space<vmem>>) target_semaphore(%run_scoped3A : memref<!tpu.dma_semaphore, #tpu.memory_space<semaphore_mem>>)
      %dma_wait3A = arith.constant 0 : i32
      %dma_wait3A_59 = arith.constant 0 : i32
      %dma_wait3A_60 = tpu.memref_slice %arg4[%arg1, %dma_wait3A, %dma_wait3A_59] : memref<16x125x80xi32, #tpu.memory_space<hbm>> -> memref<1x125x80xi32, #tpu.memory_space<hbm>>
      %dma_wait3A_61 = tpu.memref_squeeze %dma_wait3A_60 : memref<1x125x80xi32, #tpu.memory_space<hbm>> -> memref<125x80xi32, #tpu.memory_space<hbm>>
      %dma_wait3A_62 = arith.constant 0 : i32
      %dma_wait3A_63 = arith.constant 0 : i32
      %dma_wait3A_64 = tpu.memref_slice %arg4[%arg1, %dma_wait3A_62, %dma_wait3A_63] : memref<16x125x80xi32, #tpu.memory_space<hbm>> -> memref<1x125x80xi32, #tpu.memory_space<hbm>>
      %dma_wait3A_65 = tpu.memref_squeeze %dma_wait3A_64 : memref<1x125x80xi32, #tpu.memory_space<hbm>> -> memref<125x80xi32, #tpu.memory_space<hbm>>
      tpu.wait_dma2 semaphore(%run_scoped3A : memref<!tpu.dma_semaphore, #tpu.memory_space<semaphore_mem>>) src(%dma_wait3A_65 : memref<125x80xi32, #tpu.memory_space<hbm>>) dst(%arg7 : memref<125x80xi32, #tpu.memory_space<vmem>>)
      tpu.yield
    }) : () -> ()
    %barrier3A = arith.constant 0 : index
    tpu.barrier barrier_id(%barrier3A)
    %dma_start3A = arith.constant 0 : i32
    %dma_start3A_8 = arith.constant 0 : i32
    %dma_start3A_9 = tpu.memref_slice %arg6[%dma_start3A, %dma_start3A_8] : memref<125x80xi32, #tpu.memory_space<vmem>> -> memref<1x80xi32, #tpu.memory_space<vmem>>
    %dma_start3A_10 = tpu.memref_squeeze %dma_start3A_9 : memref<1x80xi32, #tpu.memory_space<vmem>> -> memref<80xi32, #tpu.memory_space<vmem>>
    %dma_start3A_11 = arith.constant 0 : i32
    %dma_start3A_12 = arith.constant 0 : i32
    %dma_start3A_13 = tpu.memref_slice %arg2[%dma_start3A_11, %dma_start3A_12] : memref<20480x64xf32, #tpu.memory_space<hbm>> -> memref<20480x64xf32, #tpu.memory_space<hbm>>
    tpu.enqueue_indirect_dma source(%dma_start3A_13 : memref<20480x64xf32, #tpu.memory_space<hbm>>) target(%arg8 : memref<80x64xf32, #tpu.memory_space<vmem>>) offsets(%dma_start3A_10 : memref<80xi32, #tpu.memory_space<vmem>>) semaphore(%arg13 : memref<!tpu.dma_semaphore, #tpu.memory_space<semaphore_mem>>)
    %dma_start3A_14 = arith.constant 1 : i32
    %dma_start3A_15 = arith.constant 0 : i32
    %dma_start3A_16 = tpu.memref_slice %arg6[%dma_start3A_14, %dma_start3A_15] : memref<125x80xi32, #tpu.memory_space<vmem>> -> memref<1x80xi32, #tpu.memory_space<vmem>>
    %dma_start3A_17 = tpu.memref_squeeze %dma_start3A_16 : memref<1x80xi32, #tpu.memory_space<vmem>> -> memref<80xi32, #tpu.memory_space<vmem>>
    %dma_start3A_18 = arith.constant 0 : i32
    %dma_start3A_19 = arith.constant 0 : i32
    %dma_start3A_20 = tpu.memref_slice %arg2[%dma_start3A_18, %dma_start3A_19] : memref<20480x64xf32, #tpu.memory_space<hbm>> -> memref<20480x64xf32, #tpu.memory_space<hbm>>
    tpu.enqueue_indirect_dma source(%dma_start3A_20 : memref<20480x64xf32, #tpu.memory_space<hbm>>) target(%arg9 : memref<80x64xf32, #tpu.memory_space<vmem>>) offsets(%dma_start3A_17 : memref<80xi32, #tpu.memory_space<vmem>>) semaphore(%arg14 : memref<!tpu.dma_semaphore, #tpu.memory_space<semaphore_mem>>)
    %dma_start3A_21 = arith.constant 2 : i32
    %dma_start3A_22 = arith.constant 0 : i32
    %dma_start3A_23 = tpu.memref_slice %arg6[%dma_start3A_21, %dma_start3A_22] : memref<125x80xi32, #tpu.memory_space<vmem>> -> memref<1x80xi32, #tpu.memory_space<vmem>>
    %dma_start3A_24 = tpu.memref_squeeze %dma_start3A_23 : memref<1x80xi32, #tpu.memory_space<vmem>> -> memref<80xi32, #tpu.memory_space<vmem>>
    %dma_start3A_25 = arith.constant 0 : i32
    %dma_start3A_26 = arith.constant 0 : i32
    %dma_start3A_27 = tpu.memref_slice %arg2[%dma_start3A_25, %dma_start3A_26] : memref<20480x64xf32, #tpu.memory_space<hbm>> -> memref<20480x64xf32, #tpu.memory_space<hbm>>
    tpu.enqueue_indirect_dma source(%dma_start3A_27 : memref<20480x64xf32, #tpu.memory_space<hbm>>) target(%arg10 : memref<80x64xf32, #tpu.memory_space<vmem>>) offsets(%dma_start3A_24 : memref<80xi32, #tpu.memory_space<vmem>>) semaphore(%arg15 : memref<!tpu.dma_semaphore, #tpu.memory_space<semaphore_mem>>)
    %dma_start3A_28 = arith.constant 3 : i32
    %dma_start3A_29 = arith.constant 0 : i32
    %dma_start3A_30 = tpu.memref_slice %arg6[%dma_start3A_28, %dma_start3A_29] : memref<125x80xi32, #tpu.memory_space<vmem>> -> memref<1x80xi32, #tpu.memory_space<vmem>>
    %dma_start3A_31 = tpu.memref_squeeze %dma_start3A_30 : memref<1x80xi32, #tpu.memory_space<vmem>> -> memref<80xi32, #tpu.memory_space<vmem>>
    %dma_start3A_32 = arith.constant 0 : i32
    %dma_start3A_33 = arith.constant 0 : i32
    %dma_start3A_34 = tpu.memref_slice %arg2[%dma_start3A_32, %dma_start3A_33] : memref<20480x64xf32, #tpu.memory_space<hbm>> -> memref<20480x64xf32, #tpu.memory_space<hbm>>
    tpu.enqueue_indirect_dma source(%dma_start3A_34 : memref<20480x64xf32, #tpu.memory_space<hbm>>) target(%arg11 : memref<80x64xf32, #tpu.memory_space<vmem>>) offsets(%dma_start3A_31 : memref<80xi32, #tpu.memory_space<vmem>>) semaphore(%arg16 : memref<!tpu.dma_semaphore, #tpu.memory_space<semaphore_mem>>)
    %dma_start3A_35 = arith.constant 4 : i32
    %dma_start3A_36 = arith.constant 0 : i32
    %dma_start3A_37 = tpu.memref_slice %arg6[%dma_start3A_35, %dma_start3A_36] : memref<125x80xi32, #tpu.memory_space<vmem>> -> memref<1x80xi32, #tpu.memory_space<vmem>>
    %dma_start3A_38 = tpu.memref_squeeze %dma_start3A_37 : memref<1x80xi32, #tpu.memory_space<vmem>> -> memref<80xi32, #tpu.memory_space<vmem>>
    %dma_start3A_39 = arith.constant 0 : i32
    %dma_start3A_40 = arith.constant 0 : i32
    %dma_start3A_41 = tpu.memref_slice %arg2[%dma_start3A_39, %dma_start3A_40] : memref<20480x64xf32, #tpu.memory_space<hbm>> -> memref<20480x64xf32, #tpu.memory_space<hbm>>
    tpu.enqueue_indirect_dma source(%dma_start3A_41 : memref<20480x64xf32, #tpu.memory_space<hbm>>) target(%arg12 : memref<80x64xf32, #tpu.memory_space<vmem>>) offsets(%dma_start3A_38 : memref<80xi32, #tpu.memory_space<vmem>>) semaphore(%arg17 : memref<!tpu.dma_semaphore, #tpu.memory_space<semaphore_mem>>)
    %scan3A = arith.constant 0 : i32
    %scan3A_42 = arith.constant 0 : i32
    %scan3A_43 = arith.constant 25 : i32
    %scan3A_44 = arith.addi %scan3A_42, %scan3A_43 : i32
    %scan3A_45 = arith.constant 1 : i32
    %scan3A_46 = scf.for %scan3A_51 = %scan3A_42 to %scan3A_44 step %scan3A_45 iter_args(%scan3A_52 = %scan3A) -> (i32)  : i32 {
      %mul3A_53 = arith.constant 5 : i32
      %mul3A_54 = arith.muli %scan3A_51, %mul3A_53 : i32
      %add3A_55 = arith.constant 0 : i32
      %add3A_56 = arith.addi %mul3A_54, %add3A_55 : i32
      %dma_wait3A = arith.constant 0 : i32
      %dma_wait3A_57 = tpu.memref_slice %arg6[%add3A_56, %dma_wait3A] : memref<125x80xi32, #tpu.memory_space<vmem>> -> memref<1x80xi32, #tpu.memory_space<vmem>>
      %dma_wait3A_58 = tpu.memref_squeeze %dma_wait3A_57 : memref<1x80xi32, #tpu.memory_space<vmem>> -> memref<80xi32, #tpu.memory_space<vmem>>
      %dma_wait3A_59 = arith.constant 0 : i32
      %dma_wait3A_60 = arith.constant 0 : i32
      %dma_wait3A_61 = tpu.memref_slice %arg2[%dma_wait3A_59, %dma_wait3A_60] : memref<20480x64xf32, #tpu.memory_space<hbm>> -> memref<20480x64xf32, #tpu.memory_space<hbm>>
      tpu.wait_indirect_dma semaphore(%arg13 : memref<!tpu.dma_semaphore, #tpu.memory_space<semaphore_mem>>) src(%dma_wait3A_61 : memref<20480x64xf32, #tpu.memory_space<hbm>>) dst(%arg8 : memref<80x64xf32, #tpu.memory_space<vmem>>)
      "tpu.region"() ({
        %run_scoped3A = tpu.sem_alloc : memref<!tpu.dma_semaphore, #tpu.memory_space<semaphore_mem>>
        %dma_start3A_135 = arith.constant 0 : i32
        %dma_start3A_136 = tpu.memref_slice %arg7[%add3A_56, %dma_start3A_135] : memref<125x80xi32, #tpu.memory_space<vmem>> -> memref<1x80xi32, #tpu.memory_space<vmem>>
        %dma_start3A_137 = tpu.memref_squeeze %dma_start3A_136 : memref<1x80xi32, #tpu.memory_space<vmem>> -> memref<80xi32, #tpu.memory_space<vmem>>
        %dma_start3A_138 = arith.constant 0 : i32
        %dma_start3A_139 = arith.constant 0 : i32
        %dma_start3A_140 = tpu.memref_slice %arg18[%dma_start3A_138, %dma_start3A_139] : memref<10240x64xf32, #tpu.memory_space<vmem_shared>> -> memref<10240x64xf32, #tpu.memory_space<vmem_shared>>
        tpu.enqueue_indirect_dma source(%arg8 : memref<80x64xf32, #tpu.memory_space<vmem>>) target(%dma_start3A_140 : memref<10240x64xf32, #tpu.memory_space<vmem_shared>>) offsets(%dma_start3A_137 : memref<80xi32, #tpu.memory_space<vmem>>) semaphore(%run_scoped3A : memref<!tpu.dma_semaphore, #tpu.memory_space<semaphore_mem>>) {add = true}
        %dma_wait3A_141 = arith.constant 0 : i32
        %dma_wait3A_142 = tpu.memref_slice %arg7[%add3A_56, %dma_wait3A_141] : memref<125x80xi32, #tpu.memory_space<vmem>> -> memref<1x80xi32, #tpu.memory_space<vmem>>
        %dma_wait3A_143 = tpu.memref_squeeze %dma_wait3A_142 : memref<1x80xi32, #tpu.memory_space<vmem>> -> memref<80xi32, #tpu.memory_space<vmem>>
        %dma_wait3A_144 = arith.constant 0 : i32
        %dma_wait3A_145 = arith.constant 0 : i32
        %dma_wait3A_146 = tpu.memref_slice %arg18[%dma_wait3A_144, %dma_wait3A_145] : memref<10240x64xf32, #tpu.memory_space<vmem_shared>> -> memref<10240x64xf32, #tpu.memory_space<vmem_shared>>
        tpu.wait_indirect_dma semaphore(%run_scoped3A : memref<!tpu.dma_semaphore, #tpu.memory_space<semaphore_mem>>) src(%arg8 : memref<80x64xf32, #tpu.memory_space<vmem>>) dst(%dma_wait3A_146 : memref<10240x64xf32, #tpu.memory_space<vmem_shared>>)
        tpu.yield
      }) : () -> ()
      %add3A_62 = arith.constant 5 : i32
      %add3A_63 = arith.addi %add3A_56, %add3A_62 : i32
      %lt3A = arith.constant 125 : i32
      %lt3A_64 = arith.cmpi slt, %add3A_63, %lt3A : i32
      %convert_element_type3A = arith.extui %lt3A_64 : i1 to i32
      %cond3A = arith.constant 0 : i32
      %cond3A_65 = arith.cmpi ne, %convert_element_type3A, %cond3A : i32
      scf.if %cond3A_65 {
        %add3A_135 = arith.constant 5 : i32
        %add3A_136 = arith.addi %add3A_56, %add3A_135 : i32
        %dma_start3A_137 = arith.constant 0 : i32
        %dma_start3A_138 = tpu.memref_slice %arg6[%add3A_136, %dma_start3A_137] : memref<125x80xi32, #tpu.memory_space<vmem>> -> memref<1x80xi32, #tpu.memory_space<vmem>>
        %dma_start3A_139 = tpu.memref_squeeze %dma_start3A_138 : memref<1x80xi32, #tpu.memory_space<vmem>> -> memref<80xi32, #tpu.memory_space<vmem>>
        %dma_start3A_140 = arith.constant 0 : i32
        %dma_start3A_141 = arith.constant 0 : i32
        %dma_start3A_142 = tpu.memref_slice %arg2[%dma_start3A_140, %dma_start3A_141] : memref<20480x64xf32, #tpu.memory_space<hbm>> -> memref<20480x64xf32, #tpu.memory_space<hbm>>
        tpu.enqueue_indirect_dma source(%dma_start3A_142 : memref<20480x64xf32, #tpu.memory_space<hbm>>) target(%arg8 : memref<80x64xf32, #tpu.memory_space<vmem>>) offsets(%dma_start3A_139 : memref<80xi32, #tpu.memory_space<vmem>>) semaphore(%arg13 : memref<!tpu.dma_semaphore, #tpu.memory_space<semaphore_mem>>)
      } else {
      }
      %mul3A_66 = arith.constant 5 : i32
      %mul3A_67 = arith.muli %scan3A_51, %mul3A_66 : i32
      %add3A_68 = arith.constant 1 : i32
      %add3A_69 = arith.addi %mul3A_67, %add3A_68 : i32
      %dma_wait3A_70 = arith.constant 0 : i32
      %dma_wait3A_71 = tpu.memref_slice %arg6[%add3A_69, %dma_wait3A_70] : memref<125x80xi32, #tpu.memory_space<vmem>> -> memref<1x80xi32, #tpu.memory_space<vmem>>
      %dma_wait3A_72 = tpu.memref_squeeze %dma_wait3A_71 : memref<1x80xi32, #tpu.memory_space<vmem>> -> memref<80xi32, #tpu.memory_space<vmem>>
      %dma_wait3A_73 = arith.constant 0 : i32
      %dma_wait3A_74 = arith.constant 0 : i32
      %dma_wait3A_75 = tpu.memref_slice %arg2[%dma_wait3A_73, %dma_wait3A_74] : memref<20480x64xf32, #tpu.memory_space<hbm>> -> memref<20480x64xf32, #tpu.memory_space<hbm>>
      tpu.wait_indirect_dma semaphore(%arg14 : memref<!tpu.dma_semaphore, #tpu.memory_space<semaphore_mem>>) src(%dma_wait3A_75 : memref<20480x64xf32, #tpu.memory_space<hbm>>) dst(%arg9 : memref<80x64xf32, #tpu.memory_space<vmem>>)
      "tpu.region"() ({
        %run_scoped3A = tpu.sem_alloc : memref<!tpu.dma_semaphore, #tpu.memory_space<semaphore_mem>>
        %dma_start3A_135 = arith.constant 0 : i32
        %dma_start3A_136 = tpu.memref_slice %arg7[%add3A_69, %dma_start3A_135] : memref<125x80xi32, #tpu.memory_space<vmem>> -> memref<1x80xi32, #tpu.memory_space<vmem>>
        %dma_start3A_137 = tpu.memref_squeeze %dma_start3A_136 : memref<1x80xi32, #tpu.memory_space<vmem>> -> memref<80xi32, #tpu.memory_space<vmem>>
        %dma_start3A_138 = arith.constant 0 : i32
        %dma_start3A_139 = arith.constant 0 : i32
        %dma_start3A_140 = tpu.memref_slice %arg18[%dma_start3A_138, %dma_start3A_139] : memref<10240x64xf32, #tpu.memory_space<vmem_shared>> -> memref<10240x64xf32, #tpu.memory_space<vmem_shared>>
        tpu.enqueue_indirect_dma source(%arg9 : memref<80x64xf32, #tpu.memory_space<vmem>>) target(%dma_start3A_140 : memref<10240x64xf32, #tpu.memory_space<vmem_shared>>) offsets(%dma_start3A_137 : memref<80xi32, #tpu.memory_space<vmem>>) semaphore(%run_scoped3A : memref<!tpu.dma_semaphore, #tpu.memory_space<semaphore_mem>>) {add = true}
        %dma_wait3A_141 = arith.constant 0 : i32
        %dma_wait3A_142 = tpu.memref_slice %arg7[%add3A_69, %dma_wait3A_141] : memref<125x80xi32, #tpu.memory_space<vmem>> -> memref<1x80xi32, #tpu.memory_space<vmem>>
        %dma_wait3A_143 = tpu.memref_squeeze %dma_wait3A_142 : memref<1x80xi32, #tpu.memory_space<vmem>> -> memref<80xi32, #tpu.memory_space<vmem>>
        %dma_wait3A_144 = arith.constant 0 : i32
        %dma_wait3A_145 = arith.constant 0 : i32
        %dma_wait3A_146 = tpu.memref_slice %arg18[%dma_wait3A_144, %dma_wait3A_145] : memref<10240x64xf32, #tpu.memory_space<vmem_shared>> -> memref<10240x64xf32, #tpu.memory_space<vmem_shared>>
        tpu.wait_indirect_dma semaphore(%run_scoped3A : memref<!tpu.dma_semaphore, #tpu.memory_space<semaphore_mem>>) src(%arg9 : memref<80x64xf32, #tpu.memory_space<vmem>>) dst(%dma_wait3A_146 : memref<10240x64xf32, #tpu.memory_space<vmem_shared>>)
        tpu.yield
      }) : () -> ()
      %add3A_76 = arith.constant 5 : i32
      %add3A_77 = arith.addi %add3A_69, %add3A_76 : i32
      %lt3A_78 = arith.constant 125 : i32
      %lt3A_79 = arith.cmpi slt, %add3A_77, %lt3A_78 : i32
      %convert_element_type3A_80 = arith.extui %lt3A_79 : i1 to i32
      %cond3A_81 = arith.constant 0 : i32
      %cond3A_82 = arith.cmpi ne, %convert_element_type3A_80, %cond3A_81 : i32
      scf.if %cond3A_82 {
        %add3A_135 = arith.constant 5 : i32
        %add3A_136 = arith.addi %add3A_69, %add3A_135 : i32
        %dma_start3A_137 = arith.constant 0 : i32
        %dma_start3A_138 = tpu.memref_slice %arg6[%add3A_136, %dma_start3A_137] : memref<125x80xi32, #tpu.memory_space<vmem>> -> memref<1x80xi32, #tpu.memory_space<vmem>>
        %dma_start3A_139 = tpu.memref_squeeze %dma_start3A_138 : memref<1x80xi32, #tpu.memory_space<vmem>> -> memref<80xi32, #tpu.memory_space<vmem>>
        %dma_start3A_140 = arith.constant 0 : i32
        %dma_start3A_141 = arith.constant 0 : i32
        %dma_start3A_142 = tpu.memref_slice %arg2[%dma_start3A_140, %dma_start3A_141] : memref<20480x64xf32, #tpu.memory_space<hbm>> -> memref<20480x64xf32, #tpu.memory_space<hbm>>
        tpu.enqueue_indirect_dma source(%dma_start3A_142 : memref<20480x64xf32, #tpu.memory_space<hbm>>) target(%arg9 : memref<80x64xf32, #tpu.memory_space<vmem>>) offsets(%dma_start3A_139 : memref<80xi32, #tpu.memory_space<vmem>>) semaphore(%arg14 : memref<!tpu.dma_semaphore, #tpu.memory_space<semaphore_mem>>)
      } else {
      }
      %mul3A_83 = arith.constant 5 : i32
      %mul3A_84 = arith.muli %scan3A_51, %mul3A_83 : i32
      %add3A_85 = arith.constant 2 : i32
      %add3A_86 = arith.addi %mul3A_84, %add3A_85 : i32
      %dma_wait3A_87 = arith.constant 0 : i32
      %dma_wait3A_88 = tpu.memref_slice %arg6[%add3A_86, %dma_wait3A_87] : memref<125x80xi32, #tpu.memory_space<vmem>> -> memref<1x80xi32, #tpu.memory_space<vmem>>
      %dma_wait3A_89 = tpu.memref_squeeze %dma_wait3A_88 : memref<1x80xi32, #tpu.memory_space<vmem>> -> memref<80xi32, #tpu.memory_space<vmem>>
      %dma_wait3A_90 = arith.constant 0 : i32
      %dma_wait3A_91 = arith.constant 0 : i32
      %dma_wait3A_92 = tpu.memref_slice %arg2[%dma_wait3A_90, %dma_wait3A_91] : memref<20480x64xf32, #tpu.memory_space<hbm>> -> memref<20480x64xf32, #tpu.memory_space<hbm>>
      tpu.wait_indirect_dma semaphore(%arg15 : memref<!tpu.dma_semaphore, #tpu.memory_space<semaphore_mem>>) src(%dma_wait3A_92 : memref<20480x64xf32, #tpu.memory_space<hbm>>) dst(%arg10 : memref<80x64xf32, #tpu.memory_space<vmem>>)
      "tpu.region"() ({
        %run_scoped3A = tpu.sem_alloc : memref<!tpu.dma_semaphore, #tpu.memory_space<semaphore_mem>>
        %dma_start3A_135 = arith.constant 0 : i32
        %dma_start3A_136 = tpu.memref_slice %arg7[%add3A_86, %dma_start3A_135] : memref<125x80xi32, #tpu.memory_space<vmem>> -> memref<1x80xi32, #tpu.memory_space<vmem>>
        %dma_start3A_137 = tpu.memref_squeeze %dma_start3A_136 : memref<1x80xi32, #tpu.memory_space<vmem>> -> memref<80xi32, #tpu.memory_space<vmem>>
        %dma_start3A_138 = arith.constant 0 : i32
        %dma_start3A_139 = arith.constant 0 : i32
        %dma_start3A_140 = tpu.memref_slice %arg18[%dma_start3A_138, %dma_start3A_139] : memref<10240x64xf32, #tpu.memory_space<vmem_shared>> -> memref<10240x64xf32, #tpu.memory_space<vmem_shared>>
        tpu.enqueue_indirect_dma source(%arg10 : memref<80x64xf32, #tpu.memory_space<vmem>>) target(%dma_start3A_140 : memref<10240x64xf32, #tpu.memory_space<vmem_shared>>) offsets(%dma_start3A_137 : memref<80xi32, #tpu.memory_space<vmem>>) semaphore(%run_scoped3A : memref<!tpu.dma_semaphore, #tpu.memory_space<semaphore_mem>>) {add = true}
        %dma_wait3A_141 = arith.constant 0 : i32
        %dma_wait3A_142 = tpu.memref_slice %arg7[%add3A_86, %dma_wait3A_141] : memref<125x80xi32, #tpu.memory_space<vmem>> -> memref<1x80xi32, #tpu.memory_space<vmem>>
        %dma_wait3A_143 = tpu.memref_squeeze %dma_wait3A_142 : memref<1x80xi32, #tpu.memory_space<vmem>> -> memref<80xi32, #tpu.memory_space<vmem>>
        %dma_wait3A_144 = arith.constant 0 : i32
        %dma_wait3A_145 = arith.constant 0 : i32
        %dma_wait3A_146 = tpu.memref_slice %arg18[%dma_wait3A_144, %dma_wait3A_145] : memref<10240x64xf32, #tpu.memory_space<vmem_shared>> -> memref<10240x64xf32, #tpu.memory_space<vmem_shared>>
        tpu.wait_indirect_dma semaphore(%run_scoped3A : memref<!tpu.dma_semaphore, #tpu.memory_space<semaphore_mem>>) src(%arg10 : memref<80x64xf32, #tpu.memory_space<vmem>>) dst(%dma_wait3A_146 : memref<10240x64xf32, #tpu.memory_space<vmem_shared>>)
        tpu.yield
      }) : () -> ()
      %add3A_93 = arith.constant 5 : i32
      %add3A_94 = arith.addi %add3A_86, %add3A_93 : i32
      %lt3A_95 = arith.constant 125 : i32
      %lt3A_96 = arith.cmpi slt, %add3A_94, %lt3A_95 : i32
      %convert_element_type3A_97 = arith.extui %lt3A_96 : i1 to i32
      %cond3A_98 = arith.constant 0 : i32
      %cond3A_99 = arith.cmpi ne, %convert_element_type3A_97, %cond3A_98 : i32
      scf.if %cond3A_99 {
        %add3A_135 = arith.constant 5 : i32
        %add3A_136 = arith.addi %add3A_86, %add3A_135 : i32
        %dma_start3A_137 = arith.constant 0 : i32
        %dma_start3A_138 = tpu.memref_slice %arg6[%add3A_136, %dma_start3A_137] : memref<125x80xi32, #tpu.memory_space<vmem>> -> memref<1x80xi32, #tpu.memory_space<vmem>>
        %dma_start3A_139 = tpu.memref_squeeze %dma_start3A_138 : memref<1x80xi32, #tpu.memory_space<vmem>> -> memref<80xi32, #tpu.memory_space<vmem>>
        %dma_start3A_140 = arith.constant 0 : i32
        %dma_start3A_141 = arith.constant 0 : i32
        %dma_start3A_142 = tpu.memref_slice %arg2[%dma_start3A_140, %dma_start3A_141] : memref<20480x64xf32, #tpu.memory_space<hbm>> -> memref<20480x64xf32, #tpu.memory_space<hbm>>
        tpu.enqueue_indirect_dma source(%dma_start3A_142 : memref<20480x64xf32, #tpu.memory_space<hbm>>) target(%arg10 : memref<80x64xf32, #tpu.memory_space<vmem>>) offsets(%dma_start3A_139 : memref<80xi32, #tpu.memory_space<vmem>>) semaphore(%arg15 : memref<!tpu.dma_semaphore, #tpu.memory_space<semaphore_mem>>)
      } else {
      }
      %mul3A_100 = arith.constant 5 : i32
      %mul3A_101 = arith.muli %scan3A_51, %mul3A_100 : i32
      %add3A_102 = arith.constant 3 : i32
      %add3A_103 = arith.addi %mul3A_101, %add3A_102 : i32
      %dma_wait3A_104 = arith.constant 0 : i32
      %dma_wait3A_105 = tpu.memref_slice %arg6[%add3A_103, %dma_wait3A_104] : memref<125x80xi32, #tpu.memory_space<vmem>> -> memref<1x80xi32, #tpu.memory_space<vmem>>
      %dma_wait3A_106 = tpu.memref_squeeze %dma_wait3A_105 : memref<1x80xi32, #tpu.memory_space<vmem>> -> memref<80xi32, #tpu.memory_space<vmem>>
      %dma_wait3A_107 = arith.constant 0 : i32
      %dma_wait3A_108 = arith.constant 0 : i32
      %dma_wait3A_109 = tpu.memref_slice %arg2[%dma_wait3A_107, %dma_wait3A_108] : memref<20480x64xf32, #tpu.memory_space<hbm>> -> memref<20480x64xf32, #tpu.memory_space<hbm>>
      tpu.wait_indirect_dma semaphore(%arg16 : memref<!tpu.dma_semaphore, #tpu.memory_space<semaphore_mem>>) src(%dma_wait3A_109 : memref<20480x64xf32, #tpu.memory_space<hbm>>) dst(%arg11 : memref<80x64xf32, #tpu.memory_space<vmem>>)
      "tpu.region"() ({
        %run_scoped3A = tpu.sem_alloc : memref<!tpu.dma_semaphore, #tpu.memory_space<semaphore_mem>>
        %dma_start3A_135 = arith.constant 0 : i32
        %dma_start3A_136 = tpu.memref_slice %arg7[%add3A_103, %dma_start3A_135] : memref<125x80xi32, #tpu.memory_space<vmem>> -> memref<1x80xi32, #tpu.memory_space<vmem>>
        %dma_start3A_137 = tpu.memref_squeeze %dma_start3A_136 : memref<1x80xi32, #tpu.memory_space<vmem>> -> memref<80xi32, #tpu.memory_space<vmem>>
        %dma_start3A_138 = arith.constant 0 : i32
        %dma_start3A_139 = arith.constant 0 : i32
        %dma_start3A_140 = tpu.memref_slice %arg18[%dma_start3A_138, %dma_start3A_139] : memref<10240x64xf32, #tpu.memory_space<vmem_shared>> -> memref<10240x64xf32, #tpu.memory_space<vmem_shared>>
        tpu.enqueue_indirect_dma source(%arg11 : memref<80x64xf32, #tpu.memory_space<vmem>>) target(%dma_start3A_140 : memref<10240x64xf32, #tpu.memory_space<vmem_shared>>) offsets(%dma_start3A_137 : memref<80xi32, #tpu.memory_space<vmem>>) semaphore(%run_scoped3A : memref<!tpu.dma_semaphore, #tpu.memory_space<semaphore_mem>>) {add = true}
        %dma_wait3A_141 = arith.constant 0 : i32
        %dma_wait3A_142 = tpu.memref_slice %arg7[%add3A_103, %dma_wait3A_141] : memref<125x80xi32, #tpu.memory_space<vmem>> -> memref<1x80xi32, #tpu.memory_space<vmem>>
        %dma_wait3A_143 = tpu.memref_squeeze %dma_wait3A_142 : memref<1x80xi32, #tpu.memory_space<vmem>> -> memref<80xi32, #tpu.memory_space<vmem>>
        %dma_wait3A_144 = arith.constant 0 : i32
        %dma_wait3A_145 = arith.constant 0 : i32
        %dma_wait3A_146 = tpu.memref_slice %arg18[%dma_wait3A_144, %dma_wait3A_145] : memref<10240x64xf32, #tpu.memory_space<vmem_shared>> -> memref<10240x64xf32, #tpu.memory_space<vmem_shared>>
        tpu.wait_indirect_dma semaphore(%run_scoped3A : memref<!tpu.dma_semaphore, #tpu.memory_space<semaphore_mem>>) src(%arg11 : memref<80x64xf32, #tpu.memory_space<vmem>>) dst(%dma_wait3A_146 : memref<10240x64xf32, #tpu.memory_space<vmem_shared>>)
        tpu.yield
      }) : () -> ()
      %add3A_110 = arith.constant 5 : i32
      %add3A_111 = arith.addi %add3A_103, %add3A_110 : i32
      %lt3A_112 = arith.constant 125 : i32
      %lt3A_113 = arith.cmpi slt, %add3A_111, %lt3A_112 : i32
      %convert_element_type3A_114 = arith.extui %lt3A_113 : i1 to i32
      %cond3A_115 = arith.constant 0 : i32
      %cond3A_116 = arith.cmpi ne, %convert_element_type3A_114, %cond3A_115 : i32
      scf.if %cond3A_116 {
        %add3A_135 = arith.constant 5 : i32
        %add3A_136 = arith.addi %add3A_103, %add3A_135 : i32
        %dma_start3A_137 = arith.constant 0 : i32
        %dma_start3A_138 = tpu.memref_slice %arg6[%add3A_136, %dma_start3A_137] : memref<125x80xi32, #tpu.memory_space<vmem>> -> memref<1x80xi32, #tpu.memory_space<vmem>>
        %dma_start3A_139 = tpu.memref_squeeze %dma_start3A_138 : memref<1x80xi32, #tpu.memory_space<vmem>> -> memref<80xi32, #tpu.memory_space<vmem>>
        %dma_start3A_140 = arith.constant 0 : i32
        %dma_start3A_141 = arith.constant 0 : i32
        %dma_start3A_142 = tpu.memref_slice %arg2[%dma_start3A_140, %dma_start3A_141] : memref<20480x64xf32, #tpu.memory_space<hbm>> -> memref<20480x64xf32, #tpu.memory_space<hbm>>
        tpu.enqueue_indirect_dma source(%dma_start3A_142 : memref<20480x64xf32, #tpu.memory_space<hbm>>) target(%arg11 : memref<80x64xf32, #tpu.memory_space<vmem>>) offsets(%dma_start3A_139 : memref<80xi32, #tpu.memory_space<vmem>>) semaphore(%arg16 : memref<!tpu.dma_semaphore, #tpu.memory_space<semaphore_mem>>)
      } else {
      }
      %mul3A_117 = arith.constant 5 : i32
      %mul3A_118 = arith.muli %scan3A_51, %mul3A_117 : i32
      %add3A_119 = arith.constant 4 : i32
      %add3A_120 = arith.addi %mul3A_118, %add3A_119 : i32
      %dma_wait3A_121 = arith.constant 0 : i32
      %dma_wait3A_122 = tpu.memref_slice %arg6[%add3A_120, %dma_wait3A_121] : memref<125x80xi32, #tpu.memory_space<vmem>> -> memref<1x80xi32, #tpu.memory_space<vmem>>
      %dma_wait3A_123 = tpu.memref_squeeze %dma_wait3A_122 : memref<1x80xi32, #tpu.memory_space<vmem>> -> memref<80xi32, #tpu.memory_space<vmem>>
      %dma_wait3A_124 = arith.constant 0 : i32
      %dma_wait3A_125 = arith.constant 0 : i32
      %dma_wait3A_126 = tpu.memref_slice %arg2[%dma_wait3A_124, %dma_wait3A_125] : memref<20480x64xf32, #tpu.memory_space<hbm>> -> memref<20480x64xf32, #tpu.memory_space<hbm>>
      tpu.wait_indirect_dma semaphore(%arg17 : memref<!tpu.dma_semaphore, #tpu.memory_space<semaphore_mem>>) src(%dma_wait3A_126 : memref<20480x64xf32, #tpu.memory_space<hbm>>) dst(%arg12 : memref<80x64xf32, #tpu.memory_space<vmem>>)
      "tpu.region"() ({
        %run_scoped3A = tpu.sem_alloc : memref<!tpu.dma_semaphore, #tpu.memory_space<semaphore_mem>>
        %dma_start3A_135 = arith.constant 0 : i32
        %dma_start3A_136 = tpu.memref_slice %arg7[%add3A_120, %dma_start3A_135] : memref<125x80xi32, #tpu.memory_space<vmem>> -> memref<1x80xi32, #tpu.memory_space<vmem>>
        %dma_start3A_137 = tpu.memref_squeeze %dma_start3A_136 : memref<1x80xi32, #tpu.memory_space<vmem>> -> memref<80xi32, #tpu.memory_space<vmem>>
        %dma_start3A_138 = arith.constant 0 : i32
        %dma_start3A_139 = arith.constant 0 : i32
        %dma_start3A_140 = tpu.memref_slice %arg18[%dma_start3A_138, %dma_start3A_139] : memref<10240x64xf32, #tpu.memory_space<vmem_shared>> -> memref<10240x64xf32, #tpu.memory_space<vmem_shared>>
        tpu.enqueue_indirect_dma source(%arg12 : memref<80x64xf32, #tpu.memory_space<vmem>>) target(%dma_start3A_140 : memref<10240x64xf32, #tpu.memory_space<vmem_shared>>) offsets(%dma_start3A_137 : memref<80xi32, #tpu.memory_space<vmem>>) semaphore(%run_scoped3A : memref<!tpu.dma_semaphore, #tpu.memory_space<semaphore_mem>>) {add = true}
        %dma_wait3A_141 = arith.constant 0 : i32
        %dma_wait3A_142 = tpu.memref_slice %arg7[%add3A_120, %dma_wait3A_141] : memref<125x80xi32, #tpu.memory_space<vmem>> -> memref<1x80xi32, #tpu.memory_space<vmem>>
        %dma_wait3A_143 = tpu.memref_squeeze %dma_wait3A_142 : memref<1x80xi32, #tpu.memory_space<vmem>> -> memref<80xi32, #tpu.memory_space<vmem>>
        %dma_wait3A_144 = arith.constant 0 : i32
        %dma_wait3A_145 = arith.constant 0 : i32
        %dma_wait3A_146 = tpu.memref_slice %arg18[%dma_wait3A_144, %dma_wait3A_145] : memref<10240x64xf32, #tpu.memory_space<vmem_shared>> -> memref<10240x64xf32, #tpu.memory_space<vmem_shared>>
        tpu.wait_indirect_dma semaphore(%run_scoped3A : memref<!tpu.dma_semaphore, #tpu.memory_space<semaphore_mem>>) src(%arg12 : memref<80x64xf32, #tpu.memory_space<vmem>>) dst(%dma_wait3A_146 : memref<10240x64xf32, #tpu.memory_space<vmem_shared>>)
        tpu.yield
      }) : () -> ()
      %add3A_127 = arith.constant 5 : i32
      %add3A_128 = arith.addi %add3A_120, %add3A_127 : i32
      %lt3A_129 = arith.constant 125 : i32
      %lt3A_130 = arith.cmpi slt, %add3A_128, %lt3A_129 : i32
      %convert_element_type3A_131 = arith.extui %lt3A_130 : i1 to i32
      %cond3A_132 = arith.constant 0 : i32
      %cond3A_133 = arith.cmpi ne, %convert_element_type3A_131, %cond3A_132 : i32
      scf.if %cond3A_133 {
        %add3A_135 = arith.constant 5 : i32
        %add3A_136 = arith.addi %add3A_120, %add3A_135 : i32
        %dma_start3A_137 = arith.constant 0 : i32
        %dma_start3A_138 = tpu.memref_slice %arg6[%add3A_136, %dma_start3A_137] : memref<125x80xi32, #tpu.memory_space<vmem>> -> memref<1x80xi32, #tpu.memory_space<vmem>>
        %dma_start3A_139 = tpu.memref_squeeze %dma_start3A_138 : memref<1x80xi32, #tpu.memory_space<vmem>> -> memref<80xi32, #tpu.memory_space<vmem>>
        %dma_start3A_140 = arith.constant 0 : i32
        %dma_start3A_141 = arith.constant 0 : i32
        %dma_start3A_142 = tpu.memref_slice %arg2[%dma_start3A_140, %dma_start3A_141] : memref<20480x64xf32, #tpu.memory_space<hbm>> -> memref<20480x64xf32, #tpu.memory_space<hbm>>
        tpu.enqueue_indirect_dma source(%dma_start3A_142 : memref<20480x64xf32, #tpu.memory_space<hbm>>) target(%arg12 : memref<80x64xf32, #tpu.memory_space<vmem>>) offsets(%dma_start3A_139 : memref<80xi32, #tpu.memory_space<vmem>>) semaphore(%arg17 : memref<!tpu.dma_semaphore, #tpu.memory_space<semaphore_mem>>)
      } else {
      }
      %scan3A_134 = arith.constant 0 : i32
      scf.yield %scan3A_134 : i32
    }
    %scan3A_47 = arith.constant 25 : i32
    %barrier3A_48 = arith.constant 0 : index
    tpu.barrier barrier_id(%barrier3A_48)
    %mul3A_49 = arith.constant 640 : i32
    %mul3A_50 = arith.muli %arg1, %mul3A_49 : i32
    "tpu.region"() ({
      %run_scoped3A = tpu.sem_alloc : memref<!tpu.dma_semaphore, #tpu.memory_space<semaphore_mem>>
      %dma_start3A_51 = arith.constant 0 : i32
      %dma_start3A_52 = tpu.memref_slice %arg5[%add3A, %dma_start3A_51] : memref<20480x64xf32, #tpu.memory_space<hbm>> -> memref<640x64xf32, #tpu.memory_space<hbm>>
      %dma_start3A_53 = arith.constant 0 : i32
      %dma_start3A_54 = tpu.memref_slice %arg18[%mul3A_50, %dma_start3A_53] : memref<10240x64xf32, #tpu.memory_space<vmem_shared>> -> memref<640x64xf32, #tpu.memory_space<vmem_shared>>
      tpu.enqueue_dma source(%dma_start3A_54 : memref<640x64xf32, #tpu.memory_space<vmem_shared>>) target(%dma_start3A_52 : memref<640x64xf32, #tpu.memory_space<hbm>>) target_semaphore(%run_scoped3A : memref<!tpu.dma_semaphore, #tpu.memory_space<semaphore_mem>>)
      %dma_wait3A = arith.constant 0 : i32
      %dma_wait3A_55 = tpu.memref_slice %arg5[%add3A, %dma_wait3A] : memref<20480x64xf32, #tpu.memory_space<hbm>> -> memref<640x64xf32, #tpu.memory_space<hbm>>
      %dma_wait3A_56 = arith.constant 0 : i32
      %dma_wait3A_57 = tpu.memref_slice %arg18[%mul3A_50, %dma_wait3A_56] : memref<10240x64xf32, #tpu.memory_space<vmem_shared>> -> memref<640x64xf32, #tpu.memory_space<vmem_shared>>
      tpu.wait_dma2 semaphore(%run_scoped3A : memref<!tpu.dma_semaphore, #tpu.memory_space<semaphore_mem>>) src(%dma_wait3A_57 : memref<640x64xf32, #tpu.memory_space<vmem_shared>>) dst(%dma_wait3A_55 : memref<640x64xf32, #tpu.memory_space<hbm>>)
      tpu.yield
    }) : () -> ()
    return
  }
}

#map = affine_map<(d0, d1) -> (0, 0)>
#map1 = affine_map<(d0, d1) -> (0, 0, 0)>
module attributes {stable_mosaic.version = 14 : i64} {
  func.func @_agg_kernel(%arg0: i32, %arg1: i32, %arg2: memref<20480x64xf32, #tpu.memory_space<hbm>>, %arg3: memref<32x125x80xi32, #tpu.memory_space<hbm>>, %arg4: memref<16x125x80xi32, #tpu.memory_space<hbm>>, %arg5: memref<20480x64xf32, #tpu.memory_space<hbm>>, %arg6: memref<125x80xi32, #tpu.memory_space<vmem>>, %arg7: memref<125x80xi32, #tpu.memory_space<vmem>>, %arg8: memref<80x64xf32, #tpu.memory_space<vmem>>, %arg9: memref<80x64xf32, #tpu.memory_space<vmem>>, %arg10: memref<80x64xf32, #tpu.memory_space<vmem>>, %arg11: memref<80x64xf32, #tpu.memory_space<vmem>>, %arg12: memref<80x64xf32, #tpu.memory_space<vmem>>, %arg13: memref<!tpu.dma_semaphore, #tpu.memory_space<semaphore_mem>>, %arg14: memref<!tpu.dma_semaphore, #tpu.memory_space<semaphore_mem>>, %arg15: memref<!tpu.dma_semaphore, #tpu.memory_space<semaphore_mem>>, %arg16: memref<!tpu.dma_semaphore, #tpu.memory_space<semaphore_mem>>, %arg17: memref<!tpu.dma_semaphore, #tpu.memory_space<semaphore_mem>>, %arg18: memref<10240x64xf32, #tpu.memory_space<vmem_shared>>) attributes {dimension_semantics = [#tpu.dimension_semantics<core_parallel>, #tpu.dimension_semantics<subcore_parallel>], iteration_bounds = array<i64: 2, 16>, scalar_prefetch = 0 : i64, scratch_operands = 13 : i64, tpu.core_type = #tpu.core_type<sc_vector_subcore>, window_params = [{transform_indices = #map}, {transform_indices = #map1}, {transform_indices = #map1}, {transform_indices = #map}]} {
    %mul3A = arith.constant 10240 : i32
    %mul3A_0 = arith.muli %arg0, %mul3A : i32
    %mul3A_1 = arith.constant 640 : i32
    %mul3A_2 = arith.muli %arg1, %mul3A_1 : i32
    %add3A = arith.addi %mul3A_0, %mul3A_2 : i32
    %mul3A_3 = arith.constant 640 : i32
    %mul3A_4 = arith.muli %arg1, %mul3A_3 : i32
    "tpu.region"() ({
      %run_scoped3A = tpu.sem_alloc : memref<!tpu.dma_semaphore, #tpu.memory_space<semaphore_mem>>
      %dma_start3A_51 = arith.constant 0 : i32
      %dma_start3A_52 = tpu.memref_slice %arg18[%mul3A_4, %dma_start3A_51] : memref<10240x64xf32, #tpu.memory_space<vmem_shared>> -> memref<640x64xf32, #tpu.memory_space<vmem_shared>>
      %dma_start3A_53 = arith.constant 0 : i32
      %dma_start3A_54 = tpu.memref_slice %arg2[%add3A, %dma_start3A_53] : memref<20480x64xf32, #tpu.memory_space<hbm>> -> memref<640x64xf32, #tpu.memory_space<hbm>>
      tpu.enqueue_dma source(%dma_start3A_54 : memref<640x64xf32, #tpu.memory_space<hbm>>) target(%dma_start3A_52 : memref<640x64xf32, #tpu.memory_space<vmem_shared>>) target_semaphore(%run_scoped3A : memref<!tpu.dma_semaphore, #tpu.memory_space<semaphore_mem>>)
      %dma_wait3A = arith.constant 0 : i32
      %dma_wait3A_55 = tpu.memref_slice %arg18[%mul3A_4, %dma_wait3A] : memref<10240x64xf32, #tpu.memory_space<vmem_shared>> -> memref<640x64xf32, #tpu.memory_space<vmem_shared>>
      %dma_wait3A_56 = arith.constant 0 : i32
      %dma_wait3A_57 = tpu.memref_slice %arg2[%add3A, %dma_wait3A_56] : memref<20480x64xf32, #tpu.memory_space<hbm>> -> memref<640x64xf32, #tpu.memory_space<hbm>>
      tpu.wait_dma2 semaphore(%run_scoped3A : memref<!tpu.dma_semaphore, #tpu.memory_space<semaphore_mem>>) src(%dma_wait3A_57 : memref<640x64xf32, #tpu.memory_space<hbm>>) dst(%dma_wait3A_55 : memref<640x64xf32, #tpu.memory_space<vmem_shared>>)
      tpu.yield
    }) : () -> ()
    %mul3A_5 = arith.constant 16 : i32
    %mul3A_6 = arith.muli %arg0, %mul3A_5 : i32
    %add3A_7 = arith.addi %mul3A_6, %arg1 : i32
    "tpu.region"() ({
      %run_scoped3A = tpu.sem_alloc : memref<!tpu.dma_semaphore, #tpu.memory_space<semaphore_mem>>
      %dma_start3A_51 = arith.constant 0 : i32
      %dma_start3A_52 = arith.constant 0 : i32
      %dma_start3A_53 = tpu.memref_slice %arg3[%add3A_7, %dma_start3A_51, %dma_start3A_52] : memref<32x125x80xi32, #tpu.memory_space<hbm>> -> memref<1x125x80xi32, #tpu.memory_space<hbm>>
      %dma_start3A_54 = tpu.memref_squeeze %dma_start3A_53 : memref<1x125x80xi32, #tpu.memory_space<hbm>> -> memref<125x80xi32, #tpu.memory_space<hbm>>
      %dma_start3A_55 = arith.constant 0 : i32
      %dma_start3A_56 = arith.constant 0 : i32
      %dma_start3A_57 = tpu.memref_slice %arg3[%add3A_7, %dma_start3A_55, %dma_start3A_56] : memref<32x125x80xi32, #tpu.memory_space<hbm>> -> memref<1x125x80xi32, #tpu.memory_space<hbm>>
      %dma_start3A_58 = tpu.memref_squeeze %dma_start3A_57 : memref<1x125x80xi32, #tpu.memory_space<hbm>> -> memref<125x80xi32, #tpu.memory_space<hbm>>
      tpu.enqueue_dma source(%dma_start3A_58 : memref<125x80xi32, #tpu.memory_space<hbm>>) target(%arg6 : memref<125x80xi32, #tpu.memory_space<vmem>>) target_semaphore(%run_scoped3A : memref<!tpu.dma_semaphore, #tpu.memory_space<semaphore_mem>>)
      %dma_wait3A = arith.constant 0 : i32
      %dma_wait3A_59 = arith.constant 0 : i32
      %dma_wait3A_60 = tpu.memref_slice %arg3[%add3A_7, %dma_wait3A, %dma_wait3A_59] : memref<32x125x80xi32, #tpu.memory_space<hbm>> -> memref<1x125x80xi32, #tpu.memory_space<hbm>>
      %dma_wait3A_61 = tpu.memref_squeeze %dma_wait3A_60 : memref<1x125x80xi32, #tpu.memory_space<hbm>> -> memref<125x80xi32, #tpu.memory_space<hbm>>
      %dma_wait3A_62 = arith.constant 0 : i32
      %dma_wait3A_63 = arith.constant 0 : i32
      %dma_wait3A_64 = tpu.memref_slice %arg3[%add3A_7, %dma_wait3A_62, %dma_wait3A_63] : memref<32x125x80xi32, #tpu.memory_space<hbm>> -> memref<1x125x80xi32, #tpu.memory_space<hbm>>
      %dma_wait3A_65 = tpu.memref_squeeze %dma_wait3A_64 : memref<1x125x80xi32, #tpu.memory_space<hbm>> -> memref<125x80xi32, #tpu.memory_space<hbm>>
      tpu.wait_dma2 semaphore(%run_scoped3A : memref<!tpu.dma_semaphore, #tpu.memory_space<semaphore_mem>>) src(%dma_wait3A_65 : memref<125x80xi32, #tpu.memory_space<hbm>>) dst(%arg6 : memref<125x80xi32, #tpu.memory_space<vmem>>)
      tpu.yield
    }) : () -> ()
    "tpu.region"() ({
      %run_scoped3A = tpu.sem_alloc : memref<!tpu.dma_semaphore, #tpu.memory_space<semaphore_mem>>
      %dma_start3A_51 = arith.constant 0 : i32
      %dma_start3A_52 = arith.constant 0 : i32
      %dma_start3A_53 = tpu.memref_slice %arg4[%arg1, %dma_start3A_51, %dma_start3A_52] : memref<16x125x80xi32, #tpu.memory_space<hbm>> -> memref<1x125x80xi32, #tpu.memory_space<hbm>>
      %dma_start3A_54 = tpu.memref_squeeze %dma_start3A_53 : memref<1x125x80xi32, #tpu.memory_space<hbm>> -> memref<125x80xi32, #tpu.memory_space<hbm>>
      %dma_start3A_55 = arith.constant 0 : i32
      %dma_start3A_56 = arith.constant 0 : i32
      %dma_start3A_57 = tpu.memref_slice %arg4[%arg1, %dma_start3A_55, %dma_start3A_56] : memref<16x125x80xi32, #tpu.memory_space<hbm>> -> memref<1x125x80xi32, #tpu.memory_space<hbm>>
      %dma_start3A_58 = tpu.memref_squeeze %dma_start3A_57 : memref<1x125x80xi32, #tpu.memory_space<hbm>> -> memref<125x80xi32, #tpu.memory_space<hbm>>
      tpu.enqueue_dma source(%dma_start3A_58 : memref<125x80xi32, #tpu.memory_space<hbm>>) target(%arg7 : memref<125x80xi32, #tpu.memory_space<vmem>>) target_semaphore(%run_scoped3A : memref<!tpu.dma_semaphore, #tpu.memory_space<semaphore_mem>>)
      %dma_wait3A = arith.constant 0 : i32
      %dma_wait3A_59 = arith.constant 0 : i32
      %dma_wait3A_60 = tpu.memref_slice %arg4[%arg1, %dma_wait3A, %dma_wait3A_59] : memref<16x125x80xi32, #tpu.memory_space<hbm>> -> memref<1x125x80xi32, #tpu.memory_space<hbm>>
      %dma_wait3A_61 = tpu.memref_squeeze %dma_wait3A_60 : memref<1x125x80xi32, #tpu.memory_space<hbm>> -> memref<125x80xi32, #tpu.memory_space<hbm>>
      %dma_wait3A_62 = arith.constant 0 : i32
      %dma_wait3A_63 = arith.constant 0 : i32
      %dma_wait3A_64 = tpu.memref_slice %arg4[%arg1, %dma_wait3A_62, %dma_wait3A_63] : memref<16x125x80xi32, #tpu.memory_space<hbm>> -> memref<1x125x80xi32, #tpu.memory_space<hbm>>
      %dma_wait3A_65 = tpu.memref_squeeze %dma_wait3A_64 : memref<1x125x80xi32, #tpu.memory_space<hbm>> -> memref<125x80xi32, #tpu.memory_space<hbm>>
      tpu.wait_dma2 semaphore(%run_scoped3A : memref<!tpu.dma_semaphore, #tpu.memory_space<semaphore_mem>>) src(%dma_wait3A_65 : memref<125x80xi32, #tpu.memory_space<hbm>>) dst(%arg7 : memref<125x80xi32, #tpu.memory_space<vmem>>)
      tpu.yield
    }) : () -> ()
    %barrier3A = arith.constant 0 : index
    tpu.barrier barrier_id(%barrier3A)
    %dma_start3A = arith.constant 0 : i32
    %dma_start3A_8 = arith.constant 0 : i32
    %dma_start3A_9 = tpu.memref_slice %arg6[%dma_start3A, %dma_start3A_8] : memref<125x80xi32, #tpu.memory_space<vmem>> -> memref<1x80xi32, #tpu.memory_space<vmem>>
    %dma_start3A_10 = tpu.memref_squeeze %dma_start3A_9 : memref<1x80xi32, #tpu.memory_space<vmem>> -> memref<80xi32, #tpu.memory_space<vmem>>
    %dma_start3A_11 = arith.constant 0 : i32
    %dma_start3A_12 = arith.constant 0 : i32
    %dma_start3A_13 = tpu.memref_slice %arg2[%dma_start3A_11, %dma_start3A_12] : memref<20480x64xf32, #tpu.memory_space<hbm>> -> memref<20480x64xf32, #tpu.memory_space<hbm>>
    tpu.enqueue_indirect_dma source(%dma_start3A_13 : memref<20480x64xf32, #tpu.memory_space<hbm>>) target(%arg8 : memref<80x64xf32, #tpu.memory_space<vmem>>) offsets(%dma_start3A_10 : memref<80xi32, #tpu.memory_space<vmem>>) semaphore(%arg13 : memref<!tpu.dma_semaphore, #tpu.memory_space<semaphore_mem>>)
    %dma_start3A_14 = arith.constant 1 : i32
    %dma_start3A_15 = arith.constant 0 : i32
    %dma_start3A_16 = tpu.memref_slice %arg6[%dma_start3A_14, %dma_start3A_15] : memref<125x80xi32, #tpu.memory_space<vmem>> -> memref<1x80xi32, #tpu.memory_space<vmem>>
    %dma_start3A_17 = tpu.memref_squeeze %dma_start3A_16 : memref<1x80xi32, #tpu.memory_space<vmem>> -> memref<80xi32, #tpu.memory_space<vmem>>
    %dma_start3A_18 = arith.constant 0 : i32
    %dma_start3A_19 = arith.constant 0 : i32
    %dma_start3A_20 = tpu.memref_slice %arg2[%dma_start3A_18, %dma_start3A_19] : memref<20480x64xf32, #tpu.memory_space<hbm>> -> memref<20480x64xf32, #tpu.memory_space<hbm>>
    tpu.enqueue_indirect_dma source(%dma_start3A_20 : memref<20480x64xf32, #tpu.memory_space<hbm>>) target(%arg9 : memref<80x64xf32, #tpu.memory_space<vmem>>) offsets(%dma_start3A_17 : memref<80xi32, #tpu.memory_space<vmem>>) semaphore(%arg14 : memref<!tpu.dma_semaphore, #tpu.memory_space<semaphore_mem>>)
    %dma_start3A_21 = arith.constant 2 : i32
    %dma_start3A_22 = arith.constant 0 : i32
    %dma_start3A_23 = tpu.memref_slice %arg6[%dma_start3A_21, %dma_start3A_22] : memref<125x80xi32, #tpu.memory_space<vmem>> -> memref<1x80xi32, #tpu.memory_space<vmem>>
    %dma_start3A_24 = tpu.memref_squeeze %dma_start3A_23 : memref<1x80xi32, #tpu.memory_space<vmem>> -> memref<80xi32, #tpu.memory_space<vmem>>
    %dma_start3A_25 = arith.constant 0 : i32
    %dma_start3A_26 = arith.constant 0 : i32
    %dma_start3A_27 = tpu.memref_slice %arg2[%dma_start3A_25, %dma_start3A_26] : memref<20480x64xf32, #tpu.memory_space<hbm>> -> memref<20480x64xf32, #tpu.memory_space<hbm>>
    tpu.enqueue_indirect_dma source(%dma_start3A_27 : memref<20480x64xf32, #tpu.memory_space<hbm>>) target(%arg10 : memref<80x64xf32, #tpu.memory_space<vmem>>) offsets(%dma_start3A_24 : memref<80xi32, #tpu.memory_space<vmem>>) semaphore(%arg15 : memref<!tpu.dma_semaphore, #tpu.memory_space<semaphore_mem>>)
    %dma_start3A_28 = arith.constant 3 : i32
    %dma_start3A_29 = arith.constant 0 : i32
    %dma_start3A_30 = tpu.memref_slice %arg6[%dma_start3A_28, %dma_start3A_29] : memref<125x80xi32, #tpu.memory_space<vmem>> -> memref<1x80xi32, #tpu.memory_space<vmem>>
    %dma_start3A_31 = tpu.memref_squeeze %dma_start3A_30 : memref<1x80xi32, #tpu.memory_space<vmem>> -> memref<80xi32, #tpu.memory_space<vmem>>
    %dma_start3A_32 = arith.constant 0 : i32
    %dma_start3A_33 = arith.constant 0 : i32
    %dma_start3A_34 = tpu.memref_slice %arg2[%dma_start3A_32, %dma_start3A_33] : memref<20480x64xf32, #tpu.memory_space<hbm>> -> memref<20480x64xf32, #tpu.memory_space<hbm>>
    tpu.enqueue_indirect_dma source(%dma_start3A_34 : memref<20480x64xf32, #tpu.memory_space<hbm>>) target(%arg11 : memref<80x64xf32, #tpu.memory_space<vmem>>) offsets(%dma_start3A_31 : memref<80xi32, #tpu.memory_space<vmem>>) semaphore(%arg16 : memref<!tpu.dma_semaphore, #tpu.memory_space<semaphore_mem>>)
    %dma_start3A_35 = arith.constant 4 : i32
    %dma_start3A_36 = arith.constant 0 : i32
    %dma_start3A_37 = tpu.memref_slice %arg6[%dma_start3A_35, %dma_start3A_36] : memref<125x80xi32, #tpu.memory_space<vmem>> -> memref<1x80xi32, #tpu.memory_space<vmem>>
    %dma_start3A_38 = tpu.memref_squeeze %dma_start3A_37 : memref<1x80xi32, #tpu.memory_space<vmem>> -> memref<80xi32, #tpu.memory_space<vmem>>
    %dma_start3A_39 = arith.constant 0 : i32
    %dma_start3A_40 = arith.constant 0 : i32
    %dma_start3A_41 = tpu.memref_slice %arg2[%dma_start3A_39, %dma_start3A_40] : memref<20480x64xf32, #tpu.memory_space<hbm>> -> memref<20480x64xf32, #tpu.memory_space<hbm>>
    tpu.enqueue_indirect_dma source(%dma_start3A_41 : memref<20480x64xf32, #tpu.memory_space<hbm>>) target(%arg12 : memref<80x64xf32, #tpu.memory_space<vmem>>) offsets(%dma_start3A_38 : memref<80xi32, #tpu.memory_space<vmem>>) semaphore(%arg17 : memref<!tpu.dma_semaphore, #tpu.memory_space<semaphore_mem>>)
    %scan3A = arith.constant 0 : i32
    %scan3A_42 = arith.constant 0 : i32
    %scan3A_43 = arith.constant 25 : i32
    %scan3A_44 = arith.addi %scan3A_42, %scan3A_43 : i32
    %scan3A_45 = arith.constant 1 : i32
    %scan3A_46 = scf.for %scan3A_51 = %scan3A_42 to %scan3A_44 step %scan3A_45 iter_args(%scan3A_52 = %scan3A) -> (i32)  : i32 {
      %mul3A_53 = arith.constant 5 : i32
      %mul3A_54 = arith.muli %scan3A_51, %mul3A_53 : i32
      %add3A_55 = arith.constant 0 : i32
      %add3A_56 = arith.addi %mul3A_54, %add3A_55 : i32
      %dma_wait3A = arith.constant 0 : i32
      %dma_wait3A_57 = tpu.memref_slice %arg6[%add3A_56, %dma_wait3A] : memref<125x80xi32, #tpu.memory_space<vmem>> -> memref<1x80xi32, #tpu.memory_space<vmem>>
      %dma_wait3A_58 = tpu.memref_squeeze %dma_wait3A_57 : memref<1x80xi32, #tpu.memory_space<vmem>> -> memref<80xi32, #tpu.memory_space<vmem>>
      %dma_wait3A_59 = arith.constant 0 : i32
      %dma_wait3A_60 = arith.constant 0 : i32
      %dma_wait3A_61 = tpu.memref_slice %arg2[%dma_wait3A_59, %dma_wait3A_60] : memref<20480x64xf32, #tpu.memory_space<hbm>> -> memref<20480x64xf32, #tpu.memory_space<hbm>>
      tpu.wait_indirect_dma semaphore(%arg13 : memref<!tpu.dma_semaphore, #tpu.memory_space<semaphore_mem>>) src(%dma_wait3A_61 : memref<20480x64xf32, #tpu.memory_space<hbm>>) dst(%arg8 : memref<80x64xf32, #tpu.memory_space<vmem>>)
      "tpu.region"() ({
        %run_scoped3A = tpu.sem_alloc : memref<!tpu.dma_semaphore, #tpu.memory_space<semaphore_mem>>
        %dma_start3A_135 = arith.constant 0 : i32
        %dma_start3A_136 = tpu.memref_slice %arg7[%add3A_56, %dma_start3A_135] : memref<125x80xi32, #tpu.memory_space<vmem>> -> memref<1x80xi32, #tpu.memory_space<vmem>>
        %dma_start3A_137 = tpu.memref_squeeze %dma_start3A_136 : memref<1x80xi32, #tpu.memory_space<vmem>> -> memref<80xi32, #tpu.memory_space<vmem>>
        %dma_start3A_138 = arith.constant 0 : i32
        %dma_start3A_139 = arith.constant 0 : i32
        %dma_start3A_140 = tpu.memref_slice %arg18[%dma_start3A_138, %dma_start3A_139] : memref<10240x64xf32, #tpu.memory_space<vmem_shared>> -> memref<10240x64xf32, #tpu.memory_space<vmem_shared>>
        tpu.enqueue_indirect_dma source(%arg8 : memref<80x64xf32, #tpu.memory_space<vmem>>) target(%dma_start3A_140 : memref<10240x64xf32, #tpu.memory_space<vmem_shared>>) offsets(%dma_start3A_137 : memref<80xi32, #tpu.memory_space<vmem>>) semaphore(%run_scoped3A : memref<!tpu.dma_semaphore, #tpu.memory_space<semaphore_mem>>) {add = true}
        %dma_wait3A_141 = arith.constant 0 : i32
        %dma_wait3A_142 = tpu.memref_slice %arg7[%add3A_56, %dma_wait3A_141] : memref<125x80xi32, #tpu.memory_space<vmem>> -> memref<1x80xi32, #tpu.memory_space<vmem>>
        %dma_wait3A_143 = tpu.memref_squeeze %dma_wait3A_142 : memref<1x80xi32, #tpu.memory_space<vmem>> -> memref<80xi32, #tpu.memory_space<vmem>>
        %dma_wait3A_144 = arith.constant 0 : i32
        %dma_wait3A_145 = arith.constant 0 : i32
        %dma_wait3A_146 = tpu.memref_slice %arg18[%dma_wait3A_144, %dma_wait3A_145] : memref<10240x64xf32, #tpu.memory_space<vmem_shared>> -> memref<10240x64xf32, #tpu.memory_space<vmem_shared>>
        tpu.wait_indirect_dma semaphore(%run_scoped3A : memref<!tpu.dma_semaphore, #tpu.memory_space<semaphore_mem>>) src(%arg8 : memref<80x64xf32, #tpu.memory_space<vmem>>) dst(%dma_wait3A_146 : memref<10240x64xf32, #tpu.memory_space<vmem_shared>>)
        tpu.yield
      }) : () -> ()
      %add3A_62 = arith.constant 5 : i32
      %add3A_63 = arith.addi %add3A_56, %add3A_62 : i32
      %lt3A = arith.constant 125 : i32
      %lt3A_64 = arith.cmpi slt, %add3A_63, %lt3A : i32
      %convert_element_type3A = arith.extui %lt3A_64 : i1 to i32
      %cond3A = arith.constant 0 : i32
      %cond3A_65 = arith.cmpi ne, %convert_element_type3A, %cond3A : i32
      scf.if %cond3A_65 {
        %add3A_135 = arith.constant 5 : i32
        %add3A_136 = arith.addi %add3A_56, %add3A_135 : i32
        %dma_start3A_137 = arith.constant 0 : i32
        %dma_start3A_138 = tpu.memref_slice %arg6[%add3A_136, %dma_start3A_137] : memref<125x80xi32, #tpu.memory_space<vmem>> -> memref<1x80xi32, #tpu.memory_space<vmem>>
        %dma_start3A_139 = tpu.memref_squeeze %dma_start3A_138 : memref<1x80xi32, #tpu.memory_space<vmem>> -> memref<80xi32, #tpu.memory_space<vmem>>
        %dma_start3A_140 = arith.constant 0 : i32
        %dma_start3A_141 = arith.constant 0 : i32
        %dma_start3A_142 = tpu.memref_slice %arg2[%dma_start3A_140, %dma_start3A_141] : memref<20480x64xf32, #tpu.memory_space<hbm>> -> memref<20480x64xf32, #tpu.memory_space<hbm>>
        tpu.enqueue_indirect_dma source(%dma_start3A_142 : memref<20480x64xf32, #tpu.memory_space<hbm>>) target(%arg8 : memref<80x64xf32, #tpu.memory_space<vmem>>) offsets(%dma_start3A_139 : memref<80xi32, #tpu.memory_space<vmem>>) semaphore(%arg13 : memref<!tpu.dma_semaphore, #tpu.memory_space<semaphore_mem>>)
      } else {
      }
      %mul3A_66 = arith.constant 5 : i32
      %mul3A_67 = arith.muli %scan3A_51, %mul3A_66 : i32
      %add3A_68 = arith.constant 1 : i32
      %add3A_69 = arith.addi %mul3A_67, %add3A_68 : i32
      %dma_wait3A_70 = arith.constant 0 : i32
      %dma_wait3A_71 = tpu.memref_slice %arg6[%add3A_69, %dma_wait3A_70] : memref<125x80xi32, #tpu.memory_space<vmem>> -> memref<1x80xi32, #tpu.memory_space<vmem>>
      %dma_wait3A_72 = tpu.memref_squeeze %dma_wait3A_71 : memref<1x80xi32, #tpu.memory_space<vmem>> -> memref<80xi32, #tpu.memory_space<vmem>>
      %dma_wait3A_73 = arith.constant 0 : i32
      %dma_wait3A_74 = arith.constant 0 : i32
      %dma_wait3A_75 = tpu.memref_slice %arg2[%dma_wait3A_73, %dma_wait3A_74] : memref<20480x64xf32, #tpu.memory_space<hbm>> -> memref<20480x64xf32, #tpu.memory_space<hbm>>
      tpu.wait_indirect_dma semaphore(%arg14 : memref<!tpu.dma_semaphore, #tpu.memory_space<semaphore_mem>>) src(%dma_wait3A_75 : memref<20480x64xf32, #tpu.memory_space<hbm>>) dst(%arg9 : memref<80x64xf32, #tpu.memory_space<vmem>>)
      "tpu.region"() ({
        %run_scoped3A = tpu.sem_alloc : memref<!tpu.dma_semaphore, #tpu.memory_space<semaphore_mem>>
        %dma_start3A_135 = arith.constant 0 : i32
        %dma_start3A_136 = tpu.memref_slice %arg7[%add3A_69, %dma_start3A_135] : memref<125x80xi32, #tpu.memory_space<vmem>> -> memref<1x80xi32, #tpu.memory_space<vmem>>
        %dma_start3A_137 = tpu.memref_squeeze %dma_start3A_136 : memref<1x80xi32, #tpu.memory_space<vmem>> -> memref<80xi32, #tpu.memory_space<vmem>>
        %dma_start3A_138 = arith.constant 0 : i32
        %dma_start3A_139 = arith.constant 0 : i32
        %dma_start3A_140 = tpu.memref_slice %arg18[%dma_start3A_138, %dma_start3A_139] : memref<10240x64xf32, #tpu.memory_space<vmem_shared>> -> memref<10240x64xf32, #tpu.memory_space<vmem_shared>>
        tpu.enqueue_indirect_dma source(%arg9 : memref<80x64xf32, #tpu.memory_space<vmem>>) target(%dma_start3A_140 : memref<10240x64xf32, #tpu.memory_space<vmem_shared>>) offsets(%dma_start3A_137 : memref<80xi32, #tpu.memory_space<vmem>>) semaphore(%run_scoped3A : memref<!tpu.dma_semaphore, #tpu.memory_space<semaphore_mem>>) {add = true}
        %dma_wait3A_141 = arith.constant 0 : i32
        %dma_wait3A_142 = tpu.memref_slice %arg7[%add3A_69, %dma_wait3A_141] : memref<125x80xi32, #tpu.memory_space<vmem>> -> memref<1x80xi32, #tpu.memory_space<vmem>>
        %dma_wait3A_143 = tpu.memref_squeeze %dma_wait3A_142 : memref<1x80xi32, #tpu.memory_space<vmem>> -> memref<80xi32, #tpu.memory_space<vmem>>
        %dma_wait3A_144 = arith.constant 0 : i32
        %dma_wait3A_145 = arith.constant 0 : i32
        %dma_wait3A_146 = tpu.memref_slice %arg18[%dma_wait3A_144, %dma_wait3A_145] : memref<10240x64xf32, #tpu.memory_space<vmem_shared>> -> memref<10240x64xf32, #tpu.memory_space<vmem_shared>>
        tpu.wait_indirect_dma semaphore(%run_scoped3A : memref<!tpu.dma_semaphore, #tpu.memory_space<semaphore_mem>>) src(%arg9 : memref<80x64xf32, #tpu.memory_space<vmem>>) dst(%dma_wait3A_146 : memref<10240x64xf32, #tpu.memory_space<vmem_shared>>)
        tpu.yield
      }) : () -> ()
      %add3A_76 = arith.constant 5 : i32
      %add3A_77 = arith.addi %add3A_69, %add3A_76 : i32
      %lt3A_78 = arith.constant 125 : i32
      %lt3A_79 = arith.cmpi slt, %add3A_77, %lt3A_78 : i32
      %convert_element_type3A_80 = arith.extui %lt3A_79 : i1 to i32
      %cond3A_81 = arith.constant 0 : i32
      %cond3A_82 = arith.cmpi ne, %convert_element_type3A_80, %cond3A_81 : i32
      scf.if %cond3A_82 {
        %add3A_135 = arith.constant 5 : i32
        %add3A_136 = arith.addi %add3A_69, %add3A_135 : i32
        %dma_start3A_137 = arith.constant 0 : i32
        %dma_start3A_138 = tpu.memref_slice %arg6[%add3A_136, %dma_start3A_137] : memref<125x80xi32, #tpu.memory_space<vmem>> -> memref<1x80xi32, #tpu.memory_space<vmem>>
        %dma_start3A_139 = tpu.memref_squeeze %dma_start3A_138 : memref<1x80xi32, #tpu.memory_space<vmem>> -> memref<80xi32, #tpu.memory_space<vmem>>
        %dma_start3A_140 = arith.constant 0 : i32
        %dma_start3A_141 = arith.constant 0 : i32
        %dma_start3A_142 = tpu.memref_slice %arg2[%dma_start3A_140, %dma_start3A_141] : memref<20480x64xf32, #tpu.memory_space<hbm>> -> memref<20480x64xf32, #tpu.memory_space<hbm>>
        tpu.enqueue_indirect_dma source(%dma_start3A_142 : memref<20480x64xf32, #tpu.memory_space<hbm>>) target(%arg9 : memref<80x64xf32, #tpu.memory_space<vmem>>) offsets(%dma_start3A_139 : memref<80xi32, #tpu.memory_space<vmem>>) semaphore(%arg14 : memref<!tpu.dma_semaphore, #tpu.memory_space<semaphore_mem>>)
      } else {
      }
      %mul3A_83 = arith.constant 5 : i32
      %mul3A_84 = arith.muli %scan3A_51, %mul3A_83 : i32
      %add3A_85 = arith.constant 2 : i32
      %add3A_86 = arith.addi %mul3A_84, %add3A_85 : i32
      %dma_wait3A_87 = arith.constant 0 : i32
      %dma_wait3A_88 = tpu.memref_slice %arg6[%add3A_86, %dma_wait3A_87] : memref<125x80xi32, #tpu.memory_space<vmem>> -> memref<1x80xi32, #tpu.memory_space<vmem>>
      %dma_wait3A_89 = tpu.memref_squeeze %dma_wait3A_88 : memref<1x80xi32, #tpu.memory_space<vmem>> -> memref<80xi32, #tpu.memory_space<vmem>>
      %dma_wait3A_90 = arith.constant 0 : i32
      %dma_wait3A_91 = arith.constant 0 : i32
      %dma_wait3A_92 = tpu.memref_slice %arg2[%dma_wait3A_90, %dma_wait3A_91] : memref<20480x64xf32, #tpu.memory_space<hbm>> -> memref<20480x64xf32, #tpu.memory_space<hbm>>
      tpu.wait_indirect_dma semaphore(%arg15 : memref<!tpu.dma_semaphore, #tpu.memory_space<semaphore_mem>>) src(%dma_wait3A_92 : memref<20480x64xf32, #tpu.memory_space<hbm>>) dst(%arg10 : memref<80x64xf32, #tpu.memory_space<vmem>>)
      "tpu.region"() ({
        %run_scoped3A = tpu.sem_alloc : memref<!tpu.dma_semaphore, #tpu.memory_space<semaphore_mem>>
        %dma_start3A_135 = arith.constant 0 : i32
        %dma_start3A_136 = tpu.memref_slice %arg7[%add3A_86, %dma_start3A_135] : memref<125x80xi32, #tpu.memory_space<vmem>> -> memref<1x80xi32, #tpu.memory_space<vmem>>
        %dma_start3A_137 = tpu.memref_squeeze %dma_start3A_136 : memref<1x80xi32, #tpu.memory_space<vmem>> -> memref<80xi32, #tpu.memory_space<vmem>>
        %dma_start3A_138 = arith.constant 0 : i32
        %dma_start3A_139 = arith.constant 0 : i32
        %dma_start3A_140 = tpu.memref_slice %arg18[%dma_start3A_138, %dma_start3A_139] : memref<10240x64xf32, #tpu.memory_space<vmem_shared>> -> memref<10240x64xf32, #tpu.memory_space<vmem_shared>>
        tpu.enqueue_indirect_dma source(%arg10 : memref<80x64xf32, #tpu.memory_space<vmem>>) target(%dma_start3A_140 : memref<10240x64xf32, #tpu.memory_space<vmem_shared>>) offsets(%dma_start3A_137 : memref<80xi32, #tpu.memory_space<vmem>>) semaphore(%run_scoped3A : memref<!tpu.dma_semaphore, #tpu.memory_space<semaphore_mem>>) {add = true}
        %dma_wait3A_141 = arith.constant 0 : i32
        %dma_wait3A_142 = tpu.memref_slice %arg7[%add3A_86, %dma_wait3A_141] : memref<125x80xi32, #tpu.memory_space<vmem>> -> memref<1x80xi32, #tpu.memory_space<vmem>>
        %dma_wait3A_143 = tpu.memref_squeeze %dma_wait3A_142 : memref<1x80xi32, #tpu.memory_space<vmem>> -> memref<80xi32, #tpu.memory_space<vmem>>
        %dma_wait3A_144 = arith.constant 0 : i32
        %dma_wait3A_145 = arith.constant 0 : i32
        %dma_wait3A_146 = tpu.memref_slice %arg18[%dma_wait3A_144, %dma_wait3A_145] : memref<10240x64xf32, #tpu.memory_space<vmem_shared>> -> memref<10240x64xf32, #tpu.memory_space<vmem_shared>>
        tpu.wait_indirect_dma semaphore(%run_scoped3A : memref<!tpu.dma_semaphore, #tpu.memory_space<semaphore_mem>>) src(%arg10 : memref<80x64xf32, #tpu.memory_space<vmem>>) dst(%dma_wait3A_146 : memref<10240x64xf32, #tpu.memory_space<vmem_shared>>)
        tpu.yield
      }) : () -> ()
      %add3A_93 = arith.constant 5 : i32
      %add3A_94 = arith.addi %add3A_86, %add3A_93 : i32
      %lt3A_95 = arith.constant 125 : i32
      %lt3A_96 = arith.cmpi slt, %add3A_94, %lt3A_95 : i32
      %convert_element_type3A_97 = arith.extui %lt3A_96 : i1 to i32
      %cond3A_98 = arith.constant 0 : i32
      %cond3A_99 = arith.cmpi ne, %convert_element_type3A_97, %cond3A_98 : i32
      scf.if %cond3A_99 {
        %add3A_135 = arith.constant 5 : i32
        %add3A_136 = arith.addi %add3A_86, %add3A_135 : i32
        %dma_start3A_137 = arith.constant 0 : i32
        %dma_start3A_138 = tpu.memref_slice %arg6[%add3A_136, %dma_start3A_137] : memref<125x80xi32, #tpu.memory_space<vmem>> -> memref<1x80xi32, #tpu.memory_space<vmem>>
        %dma_start3A_139 = tpu.memref_squeeze %dma_start3A_138 : memref<1x80xi32, #tpu.memory_space<vmem>> -> memref<80xi32, #tpu.memory_space<vmem>>
        %dma_start3A_140 = arith.constant 0 : i32
        %dma_start3A_141 = arith.constant 0 : i32
        %dma_start3A_142 = tpu.memref_slice %arg2[%dma_start3A_140, %dma_start3A_141] : memref<20480x64xf32, #tpu.memory_space<hbm>> -> memref<20480x64xf32, #tpu.memory_space<hbm>>
        tpu.enqueue_indirect_dma source(%dma_start3A_142 : memref<20480x64xf32, #tpu.memory_space<hbm>>) target(%arg10 : memref<80x64xf32, #tpu.memory_space<vmem>>) offsets(%dma_start3A_139 : memref<80xi32, #tpu.memory_space<vmem>>) semaphore(%arg15 : memref<!tpu.dma_semaphore, #tpu.memory_space<semaphore_mem>>)
      } else {
      }
      %mul3A_100 = arith.constant 5 : i32
      %mul3A_101 = arith.muli %scan3A_51, %mul3A_100 : i32
      %add3A_102 = arith.constant 3 : i32
      %add3A_103 = arith.addi %mul3A_101, %add3A_102 : i32
      %dma_wait3A_104 = arith.constant 0 : i32
      %dma_wait3A_105 = tpu.memref_slice %arg6[%add3A_103, %dma_wait3A_104] : memref<125x80xi32, #tpu.memory_space<vmem>> -> memref<1x80xi32, #tpu.memory_space<vmem>>
      %dma_wait3A_106 = tpu.memref_squeeze %dma_wait3A_105 : memref<1x80xi32, #tpu.memory_space<vmem>> -> memref<80xi32, #tpu.memory_space<vmem>>
      %dma_wait3A_107 = arith.constant 0 : i32
      %dma_wait3A_108 = arith.constant 0 : i32
      %dma_wait3A_109 = tpu.memref_slice %arg2[%dma_wait3A_107, %dma_wait3A_108] : memref<20480x64xf32, #tpu.memory_space<hbm>> -> memref<20480x64xf32, #tpu.memory_space<hbm>>
      tpu.wait_indirect_dma semaphore(%arg16 : memref<!tpu.dma_semaphore, #tpu.memory_space<semaphore_mem>>) src(%dma_wait3A_109 : memref<20480x64xf32, #tpu.memory_space<hbm>>) dst(%arg11 : memref<80x64xf32, #tpu.memory_space<vmem>>)
      "tpu.region"() ({
        %run_scoped3A = tpu.sem_alloc : memref<!tpu.dma_semaphore, #tpu.memory_space<semaphore_mem>>
        %dma_start3A_135 = arith.constant 0 : i32
        %dma_start3A_136 = tpu.memref_slice %arg7[%add3A_103, %dma_start3A_135] : memref<125x80xi32, #tpu.memory_space<vmem>> -> memref<1x80xi32, #tpu.memory_space<vmem>>
        %dma_start3A_137 = tpu.memref_squeeze %dma_start3A_136 : memref<1x80xi32, #tpu.memory_space<vmem>> -> memref<80xi32, #tpu.memory_space<vmem>>
        %dma_start3A_138 = arith.constant 0 : i32
        %dma_start3A_139 = arith.constant 0 : i32
        %dma_start3A_140 = tpu.memref_slice %arg18[%dma_start3A_138, %dma_start3A_139] : memref<10240x64xf32, #tpu.memory_space<vmem_shared>> -> memref<10240x64xf32, #tpu.memory_space<vmem_shared>>
        tpu.enqueue_indirect_dma source(%arg11 : memref<80x64xf32, #tpu.memory_space<vmem>>) target(%dma_start3A_140 : memref<10240x64xf32, #tpu.memory_space<vmem_shared>>) offsets(%dma_start3A_137 : memref<80xi32, #tpu.memory_space<vmem>>) semaphore(%run_scoped3A : memref<!tpu.dma_semaphore, #tpu.memory_space<semaphore_mem>>) {add = true}
        %dma_wait3A_141 = arith.constant 0 : i32
        %dma_wait3A_142 = tpu.memref_slice %arg7[%add3A_103, %dma_wait3A_141] : memref<125x80xi32, #tpu.memory_space<vmem>> -> memref<1x80xi32, #tpu.memory_space<vmem>>
        %dma_wait3A_143 = tpu.memref_squeeze %dma_wait3A_142 : memref<1x80xi32, #tpu.memory_space<vmem>> -> memref<80xi32, #tpu.memory_space<vmem>>
        %dma_wait3A_144 = arith.constant 0 : i32
        %dma_wait3A_145 = arith.constant 0 : i32
        %dma_wait3A_146 = tpu.memref_slice %arg18[%dma_wait3A_144, %dma_wait3A_145] : memref<10240x64xf32, #tpu.memory_space<vmem_shared>> -> memref<10240x64xf32, #tpu.memory_space<vmem_shared>>
        tpu.wait_indirect_dma semaphore(%run_scoped3A : memref<!tpu.dma_semaphore, #tpu.memory_space<semaphore_mem>>) src(%arg11 : memref<80x64xf32, #tpu.memory_space<vmem>>) dst(%dma_wait3A_146 : memref<10240x64xf32, #tpu.memory_space<vmem_shared>>)
        tpu.yield
      }) : () -> ()
      %add3A_110 = arith.constant 5 : i32
      %add3A_111 = arith.addi %add3A_103, %add3A_110 : i32
      %lt3A_112 = arith.constant 125 : i32
      %lt3A_113 = arith.cmpi slt, %add3A_111, %lt3A_112 : i32
      %convert_element_type3A_114 = arith.extui %lt3A_113 : i1 to i32
      %cond3A_115 = arith.constant 0 : i32
      %cond3A_116 = arith.cmpi ne, %convert_element_type3A_114, %cond3A_115 : i32
      scf.if %cond3A_116 {
        %add3A_135 = arith.constant 5 : i32
        %add3A_136 = arith.addi %add3A_103, %add3A_135 : i32
        %dma_start3A_137 = arith.constant 0 : i32
        %dma_start3A_138 = tpu.memref_slice %arg6[%add3A_136, %dma_start3A_137] : memref<125x80xi32, #tpu.memory_space<vmem>> -> memref<1x80xi32, #tpu.memory_space<vmem>>
        %dma_start3A_139 = tpu.memref_squeeze %dma_start3A_138 : memref<1x80xi32, #tpu.memory_space<vmem>> -> memref<80xi32, #tpu.memory_space<vmem>>
        %dma_start3A_140 = arith.constant 0 : i32
        %dma_start3A_141 = arith.constant 0 : i32
        %dma_start3A_142 = tpu.memref_slice %arg2[%dma_start3A_140, %dma_start3A_141] : memref<20480x64xf32, #tpu.memory_space<hbm>> -> memref<20480x64xf32, #tpu.memory_space<hbm>>
        tpu.enqueue_indirect_dma source(%dma_start3A_142 : memref<20480x64xf32, #tpu.memory_space<hbm>>) target(%arg11 : memref<80x64xf32, #tpu.memory_space<vmem>>) offsets(%dma_start3A_139 : memref<80xi32, #tpu.memory_space<vmem>>) semaphore(%arg16 : memref<!tpu.dma_semaphore, #tpu.memory_space<semaphore_mem>>)
      } else {
      }
      %mul3A_117 = arith.constant 5 : i32
      %mul3A_118 = arith.muli %scan3A_51, %mul3A_117 : i32
      %add3A_119 = arith.constant 4 : i32
      %add3A_120 = arith.addi %mul3A_118, %add3A_119 : i32
      %dma_wait3A_121 = arith.constant 0 : i32
      %dma_wait3A_122 = tpu.memref_slice %arg6[%add3A_120, %dma_wait3A_121] : memref<125x80xi32, #tpu.memory_space<vmem>> -> memref<1x80xi32, #tpu.memory_space<vmem>>
      %dma_wait3A_123 = tpu.memref_squeeze %dma_wait3A_122 : memref<1x80xi32, #tpu.memory_space<vmem>> -> memref<80xi32, #tpu.memory_space<vmem>>
      %dma_wait3A_124 = arith.constant 0 : i32
      %dma_wait3A_125 = arith.constant 0 : i32
      %dma_wait3A_126 = tpu.memref_slice %arg2[%dma_wait3A_124, %dma_wait3A_125] : memref<20480x64xf32, #tpu.memory_space<hbm>> -> memref<20480x64xf32, #tpu.memory_space<hbm>>
      tpu.wait_indirect_dma semaphore(%arg17 : memref<!tpu.dma_semaphore, #tpu.memory_space<semaphore_mem>>) src(%dma_wait3A_126 : memref<20480x64xf32, #tpu.memory_space<hbm>>) dst(%arg12 : memref<80x64xf32, #tpu.memory_space<vmem>>)
      "tpu.region"() ({
        %run_scoped3A = tpu.sem_alloc : memref<!tpu.dma_semaphore, #tpu.memory_space<semaphore_mem>>
        %dma_start3A_135 = arith.constant 0 : i32
        %dma_start3A_136 = tpu.memref_slice %arg7[%add3A_120, %dma_start3A_135] : memref<125x80xi32, #tpu.memory_space<vmem>> -> memref<1x80xi32, #tpu.memory_space<vmem>>
        %dma_start3A_137 = tpu.memref_squeeze %dma_start3A_136 : memref<1x80xi32, #tpu.memory_space<vmem>> -> memref<80xi32, #tpu.memory_space<vmem>>
        %dma_start3A_138 = arith.constant 0 : i32
        %dma_start3A_139 = arith.constant 0 : i32
        %dma_start3A_140 = tpu.memref_slice %arg18[%dma_start3A_138, %dma_start3A_139] : memref<10240x64xf32, #tpu.memory_space<vmem_shared>> -> memref<10240x64xf32, #tpu.memory_space<vmem_shared>>
        tpu.enqueue_indirect_dma source(%arg12 : memref<80x64xf32, #tpu.memory_space<vmem>>) target(%dma_start3A_140 : memref<10240x64xf32, #tpu.memory_space<vmem_shared>>) offsets(%dma_start3A_137 : memref<80xi32, #tpu.memory_space<vmem>>) semaphore(%run_scoped3A : memref<!tpu.dma_semaphore, #tpu.memory_space<semaphore_mem>>) {add = true}
        %dma_wait3A_141 = arith.constant 0 : i32
        %dma_wait3A_142 = tpu.memref_slice %arg7[%add3A_120, %dma_wait3A_141] : memref<125x80xi32, #tpu.memory_space<vmem>> -> memref<1x80xi32, #tpu.memory_space<vmem>>
        %dma_wait3A_143 = tpu.memref_squeeze %dma_wait3A_142 : memref<1x80xi32, #tpu.memory_space<vmem>> -> memref<80xi32, #tpu.memory_space<vmem>>
        %dma_wait3A_144 = arith.constant 0 : i32
        %dma_wait3A_145 = arith.constant 0 : i32
        %dma_wait3A_146 = tpu.memref_slice %arg18[%dma_wait3A_144, %dma_wait3A_145] : memref<10240x64xf32, #tpu.memory_space<vmem_shared>> -> memref<10240x64xf32, #tpu.memory_space<vmem_shared>>
        tpu.wait_indirect_dma semaphore(%run_scoped3A : memref<!tpu.dma_semaphore, #tpu.memory_space<semaphore_mem>>) src(%arg12 : memref<80x64xf32, #tpu.memory_space<vmem>>) dst(%dma_wait3A_146 : memref<10240x64xf32, #tpu.memory_space<vmem_shared>>)
        tpu.yield
      }) : () -> ()
      %add3A_127 = arith.constant 5 : i32
      %add3A_128 = arith.addi %add3A_120, %add3A_127 : i32
      %lt3A_129 = arith.constant 125 : i32
      %lt3A_130 = arith.cmpi slt, %add3A_128, %lt3A_129 : i32
      %convert_element_type3A_131 = arith.extui %lt3A_130 : i1 to i32
      %cond3A_132 = arith.constant 0 : i32
      %cond3A_133 = arith.cmpi ne, %convert_element_type3A_131, %cond3A_132 : i32
      scf.if %cond3A_133 {
        %add3A_135 = arith.constant 5 : i32
        %add3A_136 = arith.addi %add3A_120, %add3A_135 : i32
        %dma_start3A_137 = arith.constant 0 : i32
        %dma_start3A_138 = tpu.memref_slice %arg6[%add3A_136, %dma_start3A_137] : memref<125x80xi32, #tpu.memory_space<vmem>> -> memref<1x80xi32, #tpu.memory_space<vmem>>
        %dma_start3A_139 = tpu.memref_squeeze %dma_start3A_138 : memref<1x80xi32, #tpu.memory_space<vmem>> -> memref<80xi32, #tpu.memory_space<vmem>>
        %dma_start3A_140 = arith.constant 0 : i32
        %dma_start3A_141 = arith.constant 0 : i32
        %dma_start3A_142 = tpu.memref_slice %arg2[%dma_start3A_140, %dma_start3A_141] : memref<20480x64xf32, #tpu.memory_space<hbm>> -> memref<20480x64xf32, #tpu.memory_space<hbm>>
        tpu.enqueue_indirect_dma source(%dma_start3A_142 : memref<20480x64xf32, #tpu.memory_space<hbm>>) target(%arg12 : memref<80x64xf32, #tpu.memory_space<vmem>>) offsets(%dma_start3A_139 : memref<80xi32, #tpu.memory_space<vmem>>) semaphore(%arg17 : memref<!tpu.dma_semaphore, #tpu.memory_space<semaphore_mem>>)
      } else {
      }
      %scan3A_134 = arith.constant 0 : i32
      scf.yield %scan3A_134 : i32
    }
    %scan3A_47 = arith.constant 25 : i32
    %barrier3A_48 = arith.constant 0 : index
    tpu.barrier barrier_id(%barrier3A_48)
    %mul3A_49 = arith.constant 640 : i32
    %mul3A_50 = arith.muli %arg1, %mul3A_49 : i32
    "tpu.region"() ({
      %run_scoped3A = tpu.sem_alloc : memref<!tpu.dma_semaphore, #tpu.memory_space<semaphore_mem>>
      %dma_start3A_51 = arith.constant 0 : i32
      %dma_start3A_52 = tpu.memref_slice %arg5[%add3A, %dma_start3A_51] : memref<20480x64xf32, #tpu.memory_space<hbm>> -> memref<640x64xf32, #tpu.memory_space<hbm>>
      %dma_start3A_53 = arith.constant 0 : i32
      %dma_start3A_54 = tpu.memref_slice %arg18[%mul3A_50, %dma_start3A_53] : memref<10240x64xf32, #tpu.memory_space<vmem_shared>> -> memref<640x64xf32, #tpu.memory_space<vmem_shared>>
      tpu.enqueue_dma source(%dma_start3A_54 : memref<640x64xf32, #tpu.memory_space<vmem_shared>>) target(%dma_start3A_52 : memref<640x64xf32, #tpu.memory_space<hbm>>) target_semaphore(%run_scoped3A : memref<!tpu.dma_semaphore, #tpu.memory_space<semaphore_mem>>)
      %dma_wait3A = arith.constant 0 : i32
      %dma_wait3A_55 = tpu.memref_slice %arg5[%add3A, %dma_wait3A] : memref<20480x64xf32, #tpu.memory_space<hbm>> -> memref<640x64xf32, #tpu.memory_space<hbm>>
      %dma_wait3A_56 = arith.constant 0 : i32
      %dma_wait3A_57 = tpu.memref_slice %arg18[%mul3A_50, %dma_wait3A_56] : memref<10240x64xf32, #tpu.memory_space<vmem_shared>> -> memref<640x64xf32, #tpu.memory_space<vmem_shared>>
      tpu.wait_dma2 semaphore(%run_scoped3A : memref<!tpu.dma_semaphore, #tpu.memory_space<semaphore_mem>>) src(%dma_wait3A_57 : memref<640x64xf32, #tpu.memory_space<vmem_shared>>) dst(%dma_wait3A_55 : memref<640x64xf32, #tpu.memory_space<hbm>>)
      tpu.yield
    }) : () -> ()
    return
  }
}

#map = affine_map<(d0, d1) -> (0, 0)>
#map1 = affine_map<(d0, d1) -> (0, 0, 0)>
module attributes {stable_mosaic.version = 14 : i64} {
  func.func @_agg_kernel(%arg0: i32, %arg1: i32, %arg2: memref<20480x64xf32, #tpu.memory_space<hbm>>, %arg3: memref<32x125x80xi32, #tpu.memory_space<hbm>>, %arg4: memref<16x125x80xi32, #tpu.memory_space<hbm>>, %arg5: memref<20480x64xf32, #tpu.memory_space<hbm>>, %arg6: memref<125x80xi32, #tpu.memory_space<vmem>>, %arg7: memref<125x80xi32, #tpu.memory_space<vmem>>, %arg8: memref<80x64xf32, #tpu.memory_space<vmem>>, %arg9: memref<80x64xf32, #tpu.memory_space<vmem>>, %arg10: memref<80x64xf32, #tpu.memory_space<vmem>>, %arg11: memref<80x64xf32, #tpu.memory_space<vmem>>, %arg12: memref<80x64xf32, #tpu.memory_space<vmem>>, %arg13: memref<!tpu.dma_semaphore, #tpu.memory_space<semaphore_mem>>, %arg14: memref<!tpu.dma_semaphore, #tpu.memory_space<semaphore_mem>>, %arg15: memref<!tpu.dma_semaphore, #tpu.memory_space<semaphore_mem>>, %arg16: memref<!tpu.dma_semaphore, #tpu.memory_space<semaphore_mem>>, %arg17: memref<!tpu.dma_semaphore, #tpu.memory_space<semaphore_mem>>, %arg18: memref<10240x64xf32, #tpu.memory_space<vmem_shared>>) attributes {dimension_semantics = [#tpu.dimension_semantics<core_parallel>, #tpu.dimension_semantics<subcore_parallel>], iteration_bounds = array<i64: 2, 16>, scalar_prefetch = 0 : i64, scratch_operands = 13 : i64, tpu.core_type = #tpu.core_type<sc_vector_subcore>, window_params = [{transform_indices = #map}, {transform_indices = #map1}, {transform_indices = #map1}, {transform_indices = #map}]} {
    %mul3A = arith.constant 10240 : i32
    %mul3A_0 = arith.muli %arg0, %mul3A : i32
    %mul3A_1 = arith.constant 640 : i32
    %mul3A_2 = arith.muli %arg1, %mul3A_1 : i32
    %add3A = arith.addi %mul3A_0, %mul3A_2 : i32
    %mul3A_3 = arith.constant 640 : i32
    %mul3A_4 = arith.muli %arg1, %mul3A_3 : i32
    "tpu.region"() ({
      %run_scoped3A = tpu.sem_alloc : memref<!tpu.dma_semaphore, #tpu.memory_space<semaphore_mem>>
      %dma_start3A_51 = arith.constant 0 : i32
      %dma_start3A_52 = tpu.memref_slice %arg18[%mul3A_4, %dma_start3A_51] : memref<10240x64xf32, #tpu.memory_space<vmem_shared>> -> memref<640x64xf32, #tpu.memory_space<vmem_shared>>
      %dma_start3A_53 = arith.constant 0 : i32
      %dma_start3A_54 = tpu.memref_slice %arg2[%add3A, %dma_start3A_53] : memref<20480x64xf32, #tpu.memory_space<hbm>> -> memref<640x64xf32, #tpu.memory_space<hbm>>
      tpu.enqueue_dma source(%dma_start3A_54 : memref<640x64xf32, #tpu.memory_space<hbm>>) target(%dma_start3A_52 : memref<640x64xf32, #tpu.memory_space<vmem_shared>>) target_semaphore(%run_scoped3A : memref<!tpu.dma_semaphore, #tpu.memory_space<semaphore_mem>>)
      %dma_wait3A = arith.constant 0 : i32
      %dma_wait3A_55 = tpu.memref_slice %arg18[%mul3A_4, %dma_wait3A] : memref<10240x64xf32, #tpu.memory_space<vmem_shared>> -> memref<640x64xf32, #tpu.memory_space<vmem_shared>>
      %dma_wait3A_56 = arith.constant 0 : i32
      %dma_wait3A_57 = tpu.memref_slice %arg2[%add3A, %dma_wait3A_56] : memref<20480x64xf32, #tpu.memory_space<hbm>> -> memref<640x64xf32, #tpu.memory_space<hbm>>
      tpu.wait_dma2 semaphore(%run_scoped3A : memref<!tpu.dma_semaphore, #tpu.memory_space<semaphore_mem>>) src(%dma_wait3A_57 : memref<640x64xf32, #tpu.memory_space<hbm>>) dst(%dma_wait3A_55 : memref<640x64xf32, #tpu.memory_space<vmem_shared>>)
      tpu.yield
    }) : () -> ()
    %mul3A_5 = arith.constant 16 : i32
    %mul3A_6 = arith.muli %arg0, %mul3A_5 : i32
    %add3A_7 = arith.addi %mul3A_6, %arg1 : i32
    "tpu.region"() ({
      %run_scoped3A = tpu.sem_alloc : memref<!tpu.dma_semaphore, #tpu.memory_space<semaphore_mem>>
      %dma_start3A_51 = arith.constant 0 : i32
      %dma_start3A_52 = arith.constant 0 : i32
      %dma_start3A_53 = tpu.memref_slice %arg3[%add3A_7, %dma_start3A_51, %dma_start3A_52] : memref<32x125x80xi32, #tpu.memory_space<hbm>> -> memref<1x125x80xi32, #tpu.memory_space<hbm>>
      %dma_start3A_54 = tpu.memref_squeeze %dma_start3A_53 : memref<1x125x80xi32, #tpu.memory_space<hbm>> -> memref<125x80xi32, #tpu.memory_space<hbm>>
      %dma_start3A_55 = arith.constant 0 : i32
      %dma_start3A_56 = arith.constant 0 : i32
      %dma_start3A_57 = tpu.memref_slice %arg3[%add3A_7, %dma_start3A_55, %dma_start3A_56] : memref<32x125x80xi32, #tpu.memory_space<hbm>> -> memref<1x125x80xi32, #tpu.memory_space<hbm>>
      %dma_start3A_58 = tpu.memref_squeeze %dma_start3A_57 : memref<1x125x80xi32, #tpu.memory_space<hbm>> -> memref<125x80xi32, #tpu.memory_space<hbm>>
      tpu.enqueue_dma source(%dma_start3A_58 : memref<125x80xi32, #tpu.memory_space<hbm>>) target(%arg6 : memref<125x80xi32, #tpu.memory_space<vmem>>) target_semaphore(%run_scoped3A : memref<!tpu.dma_semaphore, #tpu.memory_space<semaphore_mem>>)
      %dma_wait3A = arith.constant 0 : i32
      %dma_wait3A_59 = arith.constant 0 : i32
      %dma_wait3A_60 = tpu.memref_slice %arg3[%add3A_7, %dma_wait3A, %dma_wait3A_59] : memref<32x125x80xi32, #tpu.memory_space<hbm>> -> memref<1x125x80xi32, #tpu.memory_space<hbm>>
      %dma_wait3A_61 = tpu.memref_squeeze %dma_wait3A_60 : memref<1x125x80xi32, #tpu.memory_space<hbm>> -> memref<125x80xi32, #tpu.memory_space<hbm>>
      %dma_wait3A_62 = arith.constant 0 : i32
      %dma_wait3A_63 = arith.constant 0 : i32
      %dma_wait3A_64 = tpu.memref_slice %arg3[%add3A_7, %dma_wait3A_62, %dma_wait3A_63] : memref<32x125x80xi32, #tpu.memory_space<hbm>> -> memref<1x125x80xi32, #tpu.memory_space<hbm>>
      %dma_wait3A_65 = tpu.memref_squeeze %dma_wait3A_64 : memref<1x125x80xi32, #tpu.memory_space<hbm>> -> memref<125x80xi32, #tpu.memory_space<hbm>>
      tpu.wait_dma2 semaphore(%run_scoped3A : memref<!tpu.dma_semaphore, #tpu.memory_space<semaphore_mem>>) src(%dma_wait3A_65 : memref<125x80xi32, #tpu.memory_space<hbm>>) dst(%arg6 : memref<125x80xi32, #tpu.memory_space<vmem>>)
      tpu.yield
    }) : () -> ()
    "tpu.region"() ({
      %run_scoped3A = tpu.sem_alloc : memref<!tpu.dma_semaphore, #tpu.memory_space<semaphore_mem>>
      %dma_start3A_51 = arith.constant 0 : i32
      %dma_start3A_52 = arith.constant 0 : i32
      %dma_start3A_53 = tpu.memref_slice %arg4[%arg1, %dma_start3A_51, %dma_start3A_52] : memref<16x125x80xi32, #tpu.memory_space<hbm>> -> memref<1x125x80xi32, #tpu.memory_space<hbm>>
      %dma_start3A_54 = tpu.memref_squeeze %dma_start3A_53 : memref<1x125x80xi32, #tpu.memory_space<hbm>> -> memref<125x80xi32, #tpu.memory_space<hbm>>
      %dma_start3A_55 = arith.constant 0 : i32
      %dma_start3A_56 = arith.constant 0 : i32
      %dma_start3A_57 = tpu.memref_slice %arg4[%arg1, %dma_start3A_55, %dma_start3A_56] : memref<16x125x80xi32, #tpu.memory_space<hbm>> -> memref<1x125x80xi32, #tpu.memory_space<hbm>>
      %dma_start3A_58 = tpu.memref_squeeze %dma_start3A_57 : memref<1x125x80xi32, #tpu.memory_space<hbm>> -> memref<125x80xi32, #tpu.memory_space<hbm>>
      tpu.enqueue_dma source(%dma_start3A_58 : memref<125x80xi32, #tpu.memory_space<hbm>>) target(%arg7 : memref<125x80xi32, #tpu.memory_space<vmem>>) target_semaphore(%run_scoped3A : memref<!tpu.dma_semaphore, #tpu.memory_space<semaphore_mem>>)
      %dma_wait3A = arith.constant 0 : i32
      %dma_wait3A_59 = arith.constant 0 : i32
      %dma_wait3A_60 = tpu.memref_slice %arg4[%arg1, %dma_wait3A, %dma_wait3A_59] : memref<16x125x80xi32, #tpu.memory_space<hbm>> -> memref<1x125x80xi32, #tpu.memory_space<hbm>>
      %dma_wait3A_61 = tpu.memref_squeeze %dma_wait3A_60 : memref<1x125x80xi32, #tpu.memory_space<hbm>> -> memref<125x80xi32, #tpu.memory_space<hbm>>
      %dma_wait3A_62 = arith.constant 0 : i32
      %dma_wait3A_63 = arith.constant 0 : i32
      %dma_wait3A_64 = tpu.memref_slice %arg4[%arg1, %dma_wait3A_62, %dma_wait3A_63] : memref<16x125x80xi32, #tpu.memory_space<hbm>> -> memref<1x125x80xi32, #tpu.memory_space<hbm>>
      %dma_wait3A_65 = tpu.memref_squeeze %dma_wait3A_64 : memref<1x125x80xi32, #tpu.memory_space<hbm>> -> memref<125x80xi32, #tpu.memory_space<hbm>>
      tpu.wait_dma2 semaphore(%run_scoped3A : memref<!tpu.dma_semaphore, #tpu.memory_space<semaphore_mem>>) src(%dma_wait3A_65 : memref<125x80xi32, #tpu.memory_space<hbm>>) dst(%arg7 : memref<125x80xi32, #tpu.memory_space<vmem>>)
      tpu.yield
    }) : () -> ()
    %barrier3A = arith.constant 0 : index
    tpu.barrier barrier_id(%barrier3A)
    %dma_start3A = arith.constant 0 : i32
    %dma_start3A_8 = arith.constant 0 : i32
    %dma_start3A_9 = tpu.memref_slice %arg6[%dma_start3A, %dma_start3A_8] : memref<125x80xi32, #tpu.memory_space<vmem>> -> memref<1x80xi32, #tpu.memory_space<vmem>>
    %dma_start3A_10 = tpu.memref_squeeze %dma_start3A_9 : memref<1x80xi32, #tpu.memory_space<vmem>> -> memref<80xi32, #tpu.memory_space<vmem>>
    %dma_start3A_11 = arith.constant 0 : i32
    %dma_start3A_12 = arith.constant 0 : i32
    %dma_start3A_13 = tpu.memref_slice %arg2[%dma_start3A_11, %dma_start3A_12] : memref<20480x64xf32, #tpu.memory_space<hbm>> -> memref<20480x64xf32, #tpu.memory_space<hbm>>
    tpu.enqueue_indirect_dma source(%dma_start3A_13 : memref<20480x64xf32, #tpu.memory_space<hbm>>) target(%arg8 : memref<80x64xf32, #tpu.memory_space<vmem>>) offsets(%dma_start3A_10 : memref<80xi32, #tpu.memory_space<vmem>>) semaphore(%arg13 : memref<!tpu.dma_semaphore, #tpu.memory_space<semaphore_mem>>)
    %dma_start3A_14 = arith.constant 1 : i32
    %dma_start3A_15 = arith.constant 0 : i32
    %dma_start3A_16 = tpu.memref_slice %arg6[%dma_start3A_14, %dma_start3A_15] : memref<125x80xi32, #tpu.memory_space<vmem>> -> memref<1x80xi32, #tpu.memory_space<vmem>>
    %dma_start3A_17 = tpu.memref_squeeze %dma_start3A_16 : memref<1x80xi32, #tpu.memory_space<vmem>> -> memref<80xi32, #tpu.memory_space<vmem>>
    %dma_start3A_18 = arith.constant 0 : i32
    %dma_start3A_19 = arith.constant 0 : i32
    %dma_start3A_20 = tpu.memref_slice %arg2[%dma_start3A_18, %dma_start3A_19] : memref<20480x64xf32, #tpu.memory_space<hbm>> -> memref<20480x64xf32, #tpu.memory_space<hbm>>
    tpu.enqueue_indirect_dma source(%dma_start3A_20 : memref<20480x64xf32, #tpu.memory_space<hbm>>) target(%arg9 : memref<80x64xf32, #tpu.memory_space<vmem>>) offsets(%dma_start3A_17 : memref<80xi32, #tpu.memory_space<vmem>>) semaphore(%arg14 : memref<!tpu.dma_semaphore, #tpu.memory_space<semaphore_mem>>)
    %dma_start3A_21 = arith.constant 2 : i32
    %dma_start3A_22 = arith.constant 0 : i32
    %dma_start3A_23 = tpu.memref_slice %arg6[%dma_start3A_21, %dma_start3A_22] : memref<125x80xi32, #tpu.memory_space<vmem>> -> memref<1x80xi32, #tpu.memory_space<vmem>>
    %dma_start3A_24 = tpu.memref_squeeze %dma_start3A_23 : memref<1x80xi32, #tpu.memory_space<vmem>> -> memref<80xi32, #tpu.memory_space<vmem>>
    %dma_start3A_25 = arith.constant 0 : i32
    %dma_start3A_26 = arith.constant 0 : i32
    %dma_start3A_27 = tpu.memref_slice %arg2[%dma_start3A_25, %dma_start3A_26] : memref<20480x64xf32, #tpu.memory_space<hbm>> -> memref<20480x64xf32, #tpu.memory_space<hbm>>
    tpu.enqueue_indirect_dma source(%dma_start3A_27 : memref<20480x64xf32, #tpu.memory_space<hbm>>) target(%arg10 : memref<80x64xf32, #tpu.memory_space<vmem>>) offsets(%dma_start3A_24 : memref<80xi32, #tpu.memory_space<vmem>>) semaphore(%arg15 : memref<!tpu.dma_semaphore, #tpu.memory_space<semaphore_mem>>)
    %dma_start3A_28 = arith.constant 3 : i32
    %dma_start3A_29 = arith.constant 0 : i32
    %dma_start3A_30 = tpu.memref_slice %arg6[%dma_start3A_28, %dma_start3A_29] : memref<125x80xi32, #tpu.memory_space<vmem>> -> memref<1x80xi32, #tpu.memory_space<vmem>>
    %dma_start3A_31 = tpu.memref_squeeze %dma_start3A_30 : memref<1x80xi32, #tpu.memory_space<vmem>> -> memref<80xi32, #tpu.memory_space<vmem>>
    %dma_start3A_32 = arith.constant 0 : i32
    %dma_start3A_33 = arith.constant 0 : i32
    %dma_start3A_34 = tpu.memref_slice %arg2[%dma_start3A_32, %dma_start3A_33] : memref<20480x64xf32, #tpu.memory_space<hbm>> -> memref<20480x64xf32, #tpu.memory_space<hbm>>
    tpu.enqueue_indirect_dma source(%dma_start3A_34 : memref<20480x64xf32, #tpu.memory_space<hbm>>) target(%arg11 : memref<80x64xf32, #tpu.memory_space<vmem>>) offsets(%dma_start3A_31 : memref<80xi32, #tpu.memory_space<vmem>>) semaphore(%arg16 : memref<!tpu.dma_semaphore, #tpu.memory_space<semaphore_mem>>)
    %dma_start3A_35 = arith.constant 4 : i32
    %dma_start3A_36 = arith.constant 0 : i32
    %dma_start3A_37 = tpu.memref_slice %arg6[%dma_start3A_35, %dma_start3A_36] : memref<125x80xi32, #tpu.memory_space<vmem>> -> memref<1x80xi32, #tpu.memory_space<vmem>>
    %dma_start3A_38 = tpu.memref_squeeze %dma_start3A_37 : memref<1x80xi32, #tpu.memory_space<vmem>> -> memref<80xi32, #tpu.memory_space<vmem>>
    %dma_start3A_39 = arith.constant 0 : i32
    %dma_start3A_40 = arith.constant 0 : i32
    %dma_start3A_41 = tpu.memref_slice %arg2[%dma_start3A_39, %dma_start3A_40] : memref<20480x64xf32, #tpu.memory_space<hbm>> -> memref<20480x64xf32, #tpu.memory_space<hbm>>
    tpu.enqueue_indirect_dma source(%dma_start3A_41 : memref<20480x64xf32, #tpu.memory_space<hbm>>) target(%arg12 : memref<80x64xf32, #tpu.memory_space<vmem>>) offsets(%dma_start3A_38 : memref<80xi32, #tpu.memory_space<vmem>>) semaphore(%arg17 : memref<!tpu.dma_semaphore, #tpu.memory_space<semaphore_mem>>)
    %scan3A = arith.constant 0 : i32
    %scan3A_42 = arith.constant 0 : i32
    %scan3A_43 = arith.constant 25 : i32
    %scan3A_44 = arith.addi %scan3A_42, %scan3A_43 : i32
    %scan3A_45 = arith.constant 1 : i32
    %scan3A_46 = scf.for %scan3A_51 = %scan3A_42 to %scan3A_44 step %scan3A_45 iter_args(%scan3A_52 = %scan3A) -> (i32)  : i32 {
      %mul3A_53 = arith.constant 5 : i32
      %mul3A_54 = arith.muli %scan3A_51, %mul3A_53 : i32
      %add3A_55 = arith.constant 0 : i32
      %add3A_56 = arith.addi %mul3A_54, %add3A_55 : i32
      %dma_wait3A = arith.constant 0 : i32
      %dma_wait3A_57 = tpu.memref_slice %arg6[%add3A_56, %dma_wait3A] : memref<125x80xi32, #tpu.memory_space<vmem>> -> memref<1x80xi32, #tpu.memory_space<vmem>>
      %dma_wait3A_58 = tpu.memref_squeeze %dma_wait3A_57 : memref<1x80xi32, #tpu.memory_space<vmem>> -> memref<80xi32, #tpu.memory_space<vmem>>
      %dma_wait3A_59 = arith.constant 0 : i32
      %dma_wait3A_60 = arith.constant 0 : i32
      %dma_wait3A_61 = tpu.memref_slice %arg2[%dma_wait3A_59, %dma_wait3A_60] : memref<20480x64xf32, #tpu.memory_space<hbm>> -> memref<20480x64xf32, #tpu.memory_space<hbm>>
      tpu.wait_indirect_dma semaphore(%arg13 : memref<!tpu.dma_semaphore, #tpu.memory_space<semaphore_mem>>) src(%dma_wait3A_61 : memref<20480x64xf32, #tpu.memory_space<hbm>>) dst(%arg8 : memref<80x64xf32, #tpu.memory_space<vmem>>)
      "tpu.region"() ({
        %run_scoped3A = tpu.sem_alloc : memref<!tpu.dma_semaphore, #tpu.memory_space<semaphore_mem>>
        %dma_start3A_135 = arith.constant 0 : i32
        %dma_start3A_136 = tpu.memref_slice %arg7[%add3A_56, %dma_start3A_135] : memref<125x80xi32, #tpu.memory_space<vmem>> -> memref<1x80xi32, #tpu.memory_space<vmem>>
        %dma_start3A_137 = tpu.memref_squeeze %dma_start3A_136 : memref<1x80xi32, #tpu.memory_space<vmem>> -> memref<80xi32, #tpu.memory_space<vmem>>
        %dma_start3A_138 = arith.constant 0 : i32
        %dma_start3A_139 = arith.constant 0 : i32
        %dma_start3A_140 = tpu.memref_slice %arg18[%dma_start3A_138, %dma_start3A_139] : memref<10240x64xf32, #tpu.memory_space<vmem_shared>> -> memref<10240x64xf32, #tpu.memory_space<vmem_shared>>
        tpu.enqueue_indirect_dma source(%arg8 : memref<80x64xf32, #tpu.memory_space<vmem>>) target(%dma_start3A_140 : memref<10240x64xf32, #tpu.memory_space<vmem_shared>>) offsets(%dma_start3A_137 : memref<80xi32, #tpu.memory_space<vmem>>) semaphore(%run_scoped3A : memref<!tpu.dma_semaphore, #tpu.memory_space<semaphore_mem>>) {add = true}
        %dma_wait3A_141 = arith.constant 0 : i32
        %dma_wait3A_142 = tpu.memref_slice %arg7[%add3A_56, %dma_wait3A_141] : memref<125x80xi32, #tpu.memory_space<vmem>> -> memref<1x80xi32, #tpu.memory_space<vmem>>
        %dma_wait3A_143 = tpu.memref_squeeze %dma_wait3A_142 : memref<1x80xi32, #tpu.memory_space<vmem>> -> memref<80xi32, #tpu.memory_space<vmem>>
        %dma_wait3A_144 = arith.constant 0 : i32
        %dma_wait3A_145 = arith.constant 0 : i32
        %dma_wait3A_146 = tpu.memref_slice %arg18[%dma_wait3A_144, %dma_wait3A_145] : memref<10240x64xf32, #tpu.memory_space<vmem_shared>> -> memref<10240x64xf32, #tpu.memory_space<vmem_shared>>
        tpu.wait_indirect_dma semaphore(%run_scoped3A : memref<!tpu.dma_semaphore, #tpu.memory_space<semaphore_mem>>) src(%arg8 : memref<80x64xf32, #tpu.memory_space<vmem>>) dst(%dma_wait3A_146 : memref<10240x64xf32, #tpu.memory_space<vmem_shared>>)
        tpu.yield
      }) : () -> ()
      %add3A_62 = arith.constant 5 : i32
      %add3A_63 = arith.addi %add3A_56, %add3A_62 : i32
      %lt3A = arith.constant 125 : i32
      %lt3A_64 = arith.cmpi slt, %add3A_63, %lt3A : i32
      %convert_element_type3A = arith.extui %lt3A_64 : i1 to i32
      %cond3A = arith.constant 0 : i32
      %cond3A_65 = arith.cmpi ne, %convert_element_type3A, %cond3A : i32
      scf.if %cond3A_65 {
        %add3A_135 = arith.constant 5 : i32
        %add3A_136 = arith.addi %add3A_56, %add3A_135 : i32
        %dma_start3A_137 = arith.constant 0 : i32
        %dma_start3A_138 = tpu.memref_slice %arg6[%add3A_136, %dma_start3A_137] : memref<125x80xi32, #tpu.memory_space<vmem>> -> memref<1x80xi32, #tpu.memory_space<vmem>>
        %dma_start3A_139 = tpu.memref_squeeze %dma_start3A_138 : memref<1x80xi32, #tpu.memory_space<vmem>> -> memref<80xi32, #tpu.memory_space<vmem>>
        %dma_start3A_140 = arith.constant 0 : i32
        %dma_start3A_141 = arith.constant 0 : i32
        %dma_start3A_142 = tpu.memref_slice %arg2[%dma_start3A_140, %dma_start3A_141] : memref<20480x64xf32, #tpu.memory_space<hbm>> -> memref<20480x64xf32, #tpu.memory_space<hbm>>
        tpu.enqueue_indirect_dma source(%dma_start3A_142 : memref<20480x64xf32, #tpu.memory_space<hbm>>) target(%arg8 : memref<80x64xf32, #tpu.memory_space<vmem>>) offsets(%dma_start3A_139 : memref<80xi32, #tpu.memory_space<vmem>>) semaphore(%arg13 : memref<!tpu.dma_semaphore, #tpu.memory_space<semaphore_mem>>)
      } else {
      }
      %mul3A_66 = arith.constant 5 : i32
      %mul3A_67 = arith.muli %scan3A_51, %mul3A_66 : i32
      %add3A_68 = arith.constant 1 : i32
      %add3A_69 = arith.addi %mul3A_67, %add3A_68 : i32
      %dma_wait3A_70 = arith.constant 0 : i32
      %dma_wait3A_71 = tpu.memref_slice %arg6[%add3A_69, %dma_wait3A_70] : memref<125x80xi32, #tpu.memory_space<vmem>> -> memref<1x80xi32, #tpu.memory_space<vmem>>
      %dma_wait3A_72 = tpu.memref_squeeze %dma_wait3A_71 : memref<1x80xi32, #tpu.memory_space<vmem>> -> memref<80xi32, #tpu.memory_space<vmem>>
      %dma_wait3A_73 = arith.constant 0 : i32
      %dma_wait3A_74 = arith.constant 0 : i32
      %dma_wait3A_75 = tpu.memref_slice %arg2[%dma_wait3A_73, %dma_wait3A_74] : memref<20480x64xf32, #tpu.memory_space<hbm>> -> memref<20480x64xf32, #tpu.memory_space<hbm>>
      tpu.wait_indirect_dma semaphore(%arg14 : memref<!tpu.dma_semaphore, #tpu.memory_space<semaphore_mem>>) src(%dma_wait3A_75 : memref<20480x64xf32, #tpu.memory_space<hbm>>) dst(%arg9 : memref<80x64xf32, #tpu.memory_space<vmem>>)
      "tpu.region"() ({
        %run_scoped3A = tpu.sem_alloc : memref<!tpu.dma_semaphore, #tpu.memory_space<semaphore_mem>>
        %dma_start3A_135 = arith.constant 0 : i32
        %dma_start3A_136 = tpu.memref_slice %arg7[%add3A_69, %dma_start3A_135] : memref<125x80xi32, #tpu.memory_space<vmem>> -> memref<1x80xi32, #tpu.memory_space<vmem>>
        %dma_start3A_137 = tpu.memref_squeeze %dma_start3A_136 : memref<1x80xi32, #tpu.memory_space<vmem>> -> memref<80xi32, #tpu.memory_space<vmem>>
        %dma_start3A_138 = arith.constant 0 : i32
        %dma_start3A_139 = arith.constant 0 : i32
        %dma_start3A_140 = tpu.memref_slice %arg18[%dma_start3A_138, %dma_start3A_139] : memref<10240x64xf32, #tpu.memory_space<vmem_shared>> -> memref<10240x64xf32, #tpu.memory_space<vmem_shared>>
        tpu.enqueue_indirect_dma source(%arg9 : memref<80x64xf32, #tpu.memory_space<vmem>>) target(%dma_start3A_140 : memref<10240x64xf32, #tpu.memory_space<vmem_shared>>) offsets(%dma_start3A_137 : memref<80xi32, #tpu.memory_space<vmem>>) semaphore(%run_scoped3A : memref<!tpu.dma_semaphore, #tpu.memory_space<semaphore_mem>>) {add = true}
        %dma_wait3A_141 = arith.constant 0 : i32
        %dma_wait3A_142 = tpu.memref_slice %arg7[%add3A_69, %dma_wait3A_141] : memref<125x80xi32, #tpu.memory_space<vmem>> -> memref<1x80xi32, #tpu.memory_space<vmem>>
        %dma_wait3A_143 = tpu.memref_squeeze %dma_wait3A_142 : memref<1x80xi32, #tpu.memory_space<vmem>> -> memref<80xi32, #tpu.memory_space<vmem>>
        %dma_wait3A_144 = arith.constant 0 : i32
        %dma_wait3A_145 = arith.constant 0 : i32
        %dma_wait3A_146 = tpu.memref_slice %arg18[%dma_wait3A_144, %dma_wait3A_145] : memref<10240x64xf32, #tpu.memory_space<vmem_shared>> -> memref<10240x64xf32, #tpu.memory_space<vmem_shared>>
        tpu.wait_indirect_dma semaphore(%run_scoped3A : memref<!tpu.dma_semaphore, #tpu.memory_space<semaphore_mem>>) src(%arg9 : memref<80x64xf32, #tpu.memory_space<vmem>>) dst(%dma_wait3A_146 : memref<10240x64xf32, #tpu.memory_space<vmem_shared>>)
        tpu.yield
      }) : () -> ()
      %add3A_76 = arith.constant 5 : i32
      %add3A_77 = arith.addi %add3A_69, %add3A_76 : i32
      %lt3A_78 = arith.constant 125 : i32
      %lt3A_79 = arith.cmpi slt, %add3A_77, %lt3A_78 : i32
      %convert_element_type3A_80 = arith.extui %lt3A_79 : i1 to i32
      %cond3A_81 = arith.constant 0 : i32
      %cond3A_82 = arith.cmpi ne, %convert_element_type3A_80, %cond3A_81 : i32
      scf.if %cond3A_82 {
        %add3A_135 = arith.constant 5 : i32
        %add3A_136 = arith.addi %add3A_69, %add3A_135 : i32
        %dma_start3A_137 = arith.constant 0 : i32
        %dma_start3A_138 = tpu.memref_slice %arg6[%add3A_136, %dma_start3A_137] : memref<125x80xi32, #tpu.memory_space<vmem>> -> memref<1x80xi32, #tpu.memory_space<vmem>>
        %dma_start3A_139 = tpu.memref_squeeze %dma_start3A_138 : memref<1x80xi32, #tpu.memory_space<vmem>> -> memref<80xi32, #tpu.memory_space<vmem>>
        %dma_start3A_140 = arith.constant 0 : i32
        %dma_start3A_141 = arith.constant 0 : i32
        %dma_start3A_142 = tpu.memref_slice %arg2[%dma_start3A_140, %dma_start3A_141] : memref<20480x64xf32, #tpu.memory_space<hbm>> -> memref<20480x64xf32, #tpu.memory_space<hbm>>
        tpu.enqueue_indirect_dma source(%dma_start3A_142 : memref<20480x64xf32, #tpu.memory_space<hbm>>) target(%arg9 : memref<80x64xf32, #tpu.memory_space<vmem>>) offsets(%dma_start3A_139 : memref<80xi32, #tpu.memory_space<vmem>>) semaphore(%arg14 : memref<!tpu.dma_semaphore, #tpu.memory_space<semaphore_mem>>)
      } else {
      }
      %mul3A_83 = arith.constant 5 : i32
      %mul3A_84 = arith.muli %scan3A_51, %mul3A_83 : i32
      %add3A_85 = arith.constant 2 : i32
      %add3A_86 = arith.addi %mul3A_84, %add3A_85 : i32
      %dma_wait3A_87 = arith.constant 0 : i32
      %dma_wait3A_88 = tpu.memref_slice %arg6[%add3A_86, %dma_wait3A_87] : memref<125x80xi32, #tpu.memory_space<vmem>> -> memref<1x80xi32, #tpu.memory_space<vmem>>
      %dma_wait3A_89 = tpu.memref_squeeze %dma_wait3A_88 : memref<1x80xi32, #tpu.memory_space<vmem>> -> memref<80xi32, #tpu.memory_space<vmem>>
      %dma_wait3A_90 = arith.constant 0 : i32
      %dma_wait3A_91 = arith.constant 0 : i32
      %dma_wait3A_92 = tpu.memref_slice %arg2[%dma_wait3A_90, %dma_wait3A_91] : memref<20480x64xf32, #tpu.memory_space<hbm>> -> memref<20480x64xf32, #tpu.memory_space<hbm>>
      tpu.wait_indirect_dma semaphore(%arg15 : memref<!tpu.dma_semaphore, #tpu.memory_space<semaphore_mem>>) src(%dma_wait3A_92 : memref<20480x64xf32, #tpu.memory_space<hbm>>) dst(%arg10 : memref<80x64xf32, #tpu.memory_space<vmem>>)
      "tpu.region"() ({
        %run_scoped3A = tpu.sem_alloc : memref<!tpu.dma_semaphore, #tpu.memory_space<semaphore_mem>>
        %dma_start3A_135 = arith.constant 0 : i32
        %dma_start3A_136 = tpu.memref_slice %arg7[%add3A_86, %dma_start3A_135] : memref<125x80xi32, #tpu.memory_space<vmem>> -> memref<1x80xi32, #tpu.memory_space<vmem>>
        %dma_start3A_137 = tpu.memref_squeeze %dma_start3A_136 : memref<1x80xi32, #tpu.memory_space<vmem>> -> memref<80xi32, #tpu.memory_space<vmem>>
        %dma_start3A_138 = arith.constant 0 : i32
        %dma_start3A_139 = arith.constant 0 : i32
        %dma_start3A_140 = tpu.memref_slice %arg18[%dma_start3A_138, %dma_start3A_139] : memref<10240x64xf32, #tpu.memory_space<vmem_shared>> -> memref<10240x64xf32, #tpu.memory_space<vmem_shared>>
        tpu.enqueue_indirect_dma source(%arg10 : memref<80x64xf32, #tpu.memory_space<vmem>>) target(%dma_start3A_140 : memref<10240x64xf32, #tpu.memory_space<vmem_shared>>) offsets(%dma_start3A_137 : memref<80xi32, #tpu.memory_space<vmem>>) semaphore(%run_scoped3A : memref<!tpu.dma_semaphore, #tpu.memory_space<semaphore_mem>>) {add = true}
        %dma_wait3A_141 = arith.constant 0 : i32
        %dma_wait3A_142 = tpu.memref_slice %arg7[%add3A_86, %dma_wait3A_141] : memref<125x80xi32, #tpu.memory_space<vmem>> -> memref<1x80xi32, #tpu.memory_space<vmem>>
        %dma_wait3A_143 = tpu.memref_squeeze %dma_wait3A_142 : memref<1x80xi32, #tpu.memory_space<vmem>> -> memref<80xi32, #tpu.memory_space<vmem>>
        %dma_wait3A_144 = arith.constant 0 : i32
        %dma_wait3A_145 = arith.constant 0 : i32
        %dma_wait3A_146 = tpu.memref_slice %arg18[%dma_wait3A_144, %dma_wait3A_145] : memref<10240x64xf32, #tpu.memory_space<vmem_shared>> -> memref<10240x64xf32, #tpu.memory_space<vmem_shared>>
        tpu.wait_indirect_dma semaphore(%run_scoped3A : memref<!tpu.dma_semaphore, #tpu.memory_space<semaphore_mem>>) src(%arg10 : memref<80x64xf32, #tpu.memory_space<vmem>>) dst(%dma_wait3A_146 : memref<10240x64xf32, #tpu.memory_space<vmem_shared>>)
        tpu.yield
      }) : () -> ()
      %add3A_93 = arith.constant 5 : i32
      %add3A_94 = arith.addi %add3A_86, %add3A_93 : i32
      %lt3A_95 = arith.constant 125 : i32
      %lt3A_96 = arith.cmpi slt, %add3A_94, %lt3A_95 : i32
      %convert_element_type3A_97 = arith.extui %lt3A_96 : i1 to i32
      %cond3A_98 = arith.constant 0 : i32
      %cond3A_99 = arith.cmpi ne, %convert_element_type3A_97, %cond3A_98 : i32
      scf.if %cond3A_99 {
        %add3A_135 = arith.constant 5 : i32
        %add3A_136 = arith.addi %add3A_86, %add3A_135 : i32
        %dma_start3A_137 = arith.constant 0 : i32
        %dma_start3A_138 = tpu.memref_slice %arg6[%add3A_136, %dma_start3A_137] : memref<125x80xi32, #tpu.memory_space<vmem>> -> memref<1x80xi32, #tpu.memory_space<vmem>>
        %dma_start3A_139 = tpu.memref_squeeze %dma_start3A_138 : memref<1x80xi32, #tpu.memory_space<vmem>> -> memref<80xi32, #tpu.memory_space<vmem>>
        %dma_start3A_140 = arith.constant 0 : i32
        %dma_start3A_141 = arith.constant 0 : i32
        %dma_start3A_142 = tpu.memref_slice %arg2[%dma_start3A_140, %dma_start3A_141] : memref<20480x64xf32, #tpu.memory_space<hbm>> -> memref<20480x64xf32, #tpu.memory_space<hbm>>
        tpu.enqueue_indirect_dma source(%dma_start3A_142 : memref<20480x64xf32, #tpu.memory_space<hbm>>) target(%arg10 : memref<80x64xf32, #tpu.memory_space<vmem>>) offsets(%dma_start3A_139 : memref<80xi32, #tpu.memory_space<vmem>>) semaphore(%arg15 : memref<!tpu.dma_semaphore, #tpu.memory_space<semaphore_mem>>)
      } else {
      }
      %mul3A_100 = arith.constant 5 : i32
      %mul3A_101 = arith.muli %scan3A_51, %mul3A_100 : i32
      %add3A_102 = arith.constant 3 : i32
      %add3A_103 = arith.addi %mul3A_101, %add3A_102 : i32
      %dma_wait3A_104 = arith.constant 0 : i32
      %dma_wait3A_105 = tpu.memref_slice %arg6[%add3A_103, %dma_wait3A_104] : memref<125x80xi32, #tpu.memory_space<vmem>> -> memref<1x80xi32, #tpu.memory_space<vmem>>
      %dma_wait3A_106 = tpu.memref_squeeze %dma_wait3A_105 : memref<1x80xi32, #tpu.memory_space<vmem>> -> memref<80xi32, #tpu.memory_space<vmem>>
      %dma_wait3A_107 = arith.constant 0 : i32
      %dma_wait3A_108 = arith.constant 0 : i32
      %dma_wait3A_109 = tpu.memref_slice %arg2[%dma_wait3A_107, %dma_wait3A_108] : memref<20480x64xf32, #tpu.memory_space<hbm>> -> memref<20480x64xf32, #tpu.memory_space<hbm>>
      tpu.wait_indirect_dma semaphore(%arg16 : memref<!tpu.dma_semaphore, #tpu.memory_space<semaphore_mem>>) src(%dma_wait3A_109 : memref<20480x64xf32, #tpu.memory_space<hbm>>) dst(%arg11 : memref<80x64xf32, #tpu.memory_space<vmem>>)
      "tpu.region"() ({
        %run_scoped3A = tpu.sem_alloc : memref<!tpu.dma_semaphore, #tpu.memory_space<semaphore_mem>>
        %dma_start3A_135 = arith.constant 0 : i32
        %dma_start3A_136 = tpu.memref_slice %arg7[%add3A_103, %dma_start3A_135] : memref<125x80xi32, #tpu.memory_space<vmem>> -> memref<1x80xi32, #tpu.memory_space<vmem>>
        %dma_start3A_137 = tpu.memref_squeeze %dma_start3A_136 : memref<1x80xi32, #tpu.memory_space<vmem>> -> memref<80xi32, #tpu.memory_space<vmem>>
        %dma_start3A_138 = arith.constant 0 : i32
        %dma_start3A_139 = arith.constant 0 : i32
        %dma_start3A_140 = tpu.memref_slice %arg18[%dma_start3A_138, %dma_start3A_139] : memref<10240x64xf32, #tpu.memory_space<vmem_shared>> -> memref<10240x64xf32, #tpu.memory_space<vmem_shared>>
        tpu.enqueue_indirect_dma source(%arg11 : memref<80x64xf32, #tpu.memory_space<vmem>>) target(%dma_start3A_140 : memref<10240x64xf32, #tpu.memory_space<vmem_shared>>) offsets(%dma_start3A_137 : memref<80xi32, #tpu.memory_space<vmem>>) semaphore(%run_scoped3A : memref<!tpu.dma_semaphore, #tpu.memory_space<semaphore_mem>>) {add = true}
        %dma_wait3A_141 = arith.constant 0 : i32
        %dma_wait3A_142 = tpu.memref_slice %arg7[%add3A_103, %dma_wait3A_141] : memref<125x80xi32, #tpu.memory_space<vmem>> -> memref<1x80xi32, #tpu.memory_space<vmem>>
        %dma_wait3A_143 = tpu.memref_squeeze %dma_wait3A_142 : memref<1x80xi32, #tpu.memory_space<vmem>> -> memref<80xi32, #tpu.memory_space<vmem>>
        %dma_wait3A_144 = arith.constant 0 : i32
        %dma_wait3A_145 = arith.constant 0 : i32
        %dma_wait3A_146 = tpu.memref_slice %arg18[%dma_wait3A_144, %dma_wait3A_145] : memref<10240x64xf32, #tpu.memory_space<vmem_shared>> -> memref<10240x64xf32, #tpu.memory_space<vmem_shared>>
        tpu.wait_indirect_dma semaphore(%run_scoped3A : memref<!tpu.dma_semaphore, #tpu.memory_space<semaphore_mem>>) src(%arg11 : memref<80x64xf32, #tpu.memory_space<vmem>>) dst(%dma_wait3A_146 : memref<10240x64xf32, #tpu.memory_space<vmem_shared>>)
        tpu.yield
      }) : () -> ()
      %add3A_110 = arith.constant 5 : i32
      %add3A_111 = arith.addi %add3A_103, %add3A_110 : i32
      %lt3A_112 = arith.constant 125 : i32
      %lt3A_113 = arith.cmpi slt, %add3A_111, %lt3A_112 : i32
      %convert_element_type3A_114 = arith.extui %lt3A_113 : i1 to i32
      %cond3A_115 = arith.constant 0 : i32
      %cond3A_116 = arith.cmpi ne, %convert_element_type3A_114, %cond3A_115 : i32
      scf.if %cond3A_116 {
        %add3A_135 = arith.constant 5 : i32
        %add3A_136 = arith.addi %add3A_103, %add3A_135 : i32
        %dma_start3A_137 = arith.constant 0 : i32
        %dma_start3A_138 = tpu.memref_slice %arg6[%add3A_136, %dma_start3A_137] : memref<125x80xi32, #tpu.memory_space<vmem>> -> memref<1x80xi32, #tpu.memory_space<vmem>>
        %dma_start3A_139 = tpu.memref_squeeze %dma_start3A_138 : memref<1x80xi32, #tpu.memory_space<vmem>> -> memref<80xi32, #tpu.memory_space<vmem>>
        %dma_start3A_140 = arith.constant 0 : i32
        %dma_start3A_141 = arith.constant 0 : i32
        %dma_start3A_142 = tpu.memref_slice %arg2[%dma_start3A_140, %dma_start3A_141] : memref<20480x64xf32, #tpu.memory_space<hbm>> -> memref<20480x64xf32, #tpu.memory_space<hbm>>
        tpu.enqueue_indirect_dma source(%dma_start3A_142 : memref<20480x64xf32, #tpu.memory_space<hbm>>) target(%arg11 : memref<80x64xf32, #tpu.memory_space<vmem>>) offsets(%dma_start3A_139 : memref<80xi32, #tpu.memory_space<vmem>>) semaphore(%arg16 : memref<!tpu.dma_semaphore, #tpu.memory_space<semaphore_mem>>)
      } else {
      }
      %mul3A_117 = arith.constant 5 : i32
      %mul3A_118 = arith.muli %scan3A_51, %mul3A_117 : i32
      %add3A_119 = arith.constant 4 : i32
      %add3A_120 = arith.addi %mul3A_118, %add3A_119 : i32
      %dma_wait3A_121 = arith.constant 0 : i32
      %dma_wait3A_122 = tpu.memref_slice %arg6[%add3A_120, %dma_wait3A_121] : memref<125x80xi32, #tpu.memory_space<vmem>> -> memref<1x80xi32, #tpu.memory_space<vmem>>
      %dma_wait3A_123 = tpu.memref_squeeze %dma_wait3A_122 : memref<1x80xi32, #tpu.memory_space<vmem>> -> memref<80xi32, #tpu.memory_space<vmem>>
      %dma_wait3A_124 = arith.constant 0 : i32
      %dma_wait3A_125 = arith.constant 0 : i32
      %dma_wait3A_126 = tpu.memref_slice %arg2[%dma_wait3A_124, %dma_wait3A_125] : memref<20480x64xf32, #tpu.memory_space<hbm>> -> memref<20480x64xf32, #tpu.memory_space<hbm>>
      tpu.wait_indirect_dma semaphore(%arg17 : memref<!tpu.dma_semaphore, #tpu.memory_space<semaphore_mem>>) src(%dma_wait3A_126 : memref<20480x64xf32, #tpu.memory_space<hbm>>) dst(%arg12 : memref<80x64xf32, #tpu.memory_space<vmem>>)
      "tpu.region"() ({
        %run_scoped3A = tpu.sem_alloc : memref<!tpu.dma_semaphore, #tpu.memory_space<semaphore_mem>>
        %dma_start3A_135 = arith.constant 0 : i32
        %dma_start3A_136 = tpu.memref_slice %arg7[%add3A_120, %dma_start3A_135] : memref<125x80xi32, #tpu.memory_space<vmem>> -> memref<1x80xi32, #tpu.memory_space<vmem>>
        %dma_start3A_137 = tpu.memref_squeeze %dma_start3A_136 : memref<1x80xi32, #tpu.memory_space<vmem>> -> memref<80xi32, #tpu.memory_space<vmem>>
        %dma_start3A_138 = arith.constant 0 : i32
        %dma_start3A_139 = arith.constant 0 : i32
        %dma_start3A_140 = tpu.memref_slice %arg18[%dma_start3A_138, %dma_start3A_139] : memref<10240x64xf32, #tpu.memory_space<vmem_shared>> -> memref<10240x64xf32, #tpu.memory_space<vmem_shared>>
        tpu.enqueue_indirect_dma source(%arg12 : memref<80x64xf32, #tpu.memory_space<vmem>>) target(%dma_start3A_140 : memref<10240x64xf32, #tpu.memory_space<vmem_shared>>) offsets(%dma_start3A_137 : memref<80xi32, #tpu.memory_space<vmem>>) semaphore(%run_scoped3A : memref<!tpu.dma_semaphore, #tpu.memory_space<semaphore_mem>>) {add = true}
        %dma_wait3A_141 = arith.constant 0 : i32
        %dma_wait3A_142 = tpu.memref_slice %arg7[%add3A_120, %dma_wait3A_141] : memref<125x80xi32, #tpu.memory_space<vmem>> -> memref<1x80xi32, #tpu.memory_space<vmem>>
        %dma_wait3A_143 = tpu.memref_squeeze %dma_wait3A_142 : memref<1x80xi32, #tpu.memory_space<vmem>> -> memref<80xi32, #tpu.memory_space<vmem>>
        %dma_wait3A_144 = arith.constant 0 : i32
        %dma_wait3A_145 = arith.constant 0 : i32
        %dma_wait3A_146 = tpu.memref_slice %arg18[%dma_wait3A_144, %dma_wait3A_145] : memref<10240x64xf32, #tpu.memory_space<vmem_shared>> -> memref<10240x64xf32, #tpu.memory_space<vmem_shared>>
        tpu.wait_indirect_dma semaphore(%run_scoped3A : memref<!tpu.dma_semaphore, #tpu.memory_space<semaphore_mem>>) src(%arg12 : memref<80x64xf32, #tpu.memory_space<vmem>>) dst(%dma_wait3A_146 : memref<10240x64xf32, #tpu.memory_space<vmem_shared>>)
        tpu.yield
      }) : () -> ()
      %add3A_127 = arith.constant 5 : i32
      %add3A_128 = arith.addi %add3A_120, %add3A_127 : i32
      %lt3A_129 = arith.constant 125 : i32
      %lt3A_130 = arith.cmpi slt, %add3A_128, %lt3A_129 : i32
      %convert_element_type3A_131 = arith.extui %lt3A_130 : i1 to i32
      %cond3A_132 = arith.constant 0 : i32
      %cond3A_133 = arith.cmpi ne, %convert_element_type3A_131, %cond3A_132 : i32
      scf.if %cond3A_133 {
        %add3A_135 = arith.constant 5 : i32
        %add3A_136 = arith.addi %add3A_120, %add3A_135 : i32
        %dma_start3A_137 = arith.constant 0 : i32
        %dma_start3A_138 = tpu.memref_slice %arg6[%add3A_136, %dma_start3A_137] : memref<125x80xi32, #tpu.memory_space<vmem>> -> memref<1x80xi32, #tpu.memory_space<vmem>>
        %dma_start3A_139 = tpu.memref_squeeze %dma_start3A_138 : memref<1x80xi32, #tpu.memory_space<vmem>> -> memref<80xi32, #tpu.memory_space<vmem>>
        %dma_start3A_140 = arith.constant 0 : i32
        %dma_start3A_141 = arith.constant 0 : i32
        %dma_start3A_142 = tpu.memref_slice %arg2[%dma_start3A_140, %dma_start3A_141] : memref<20480x64xf32, #tpu.memory_space<hbm>> -> memref<20480x64xf32, #tpu.memory_space<hbm>>
        tpu.enqueue_indirect_dma source(%dma_start3A_142 : memref<20480x64xf32, #tpu.memory_space<hbm>>) target(%arg12 : memref<80x64xf32, #tpu.memory_space<vmem>>) offsets(%dma_start3A_139 : memref<80xi32, #tpu.memory_space<vmem>>) semaphore(%arg17 : memref<!tpu.dma_semaphore, #tpu.memory_space<semaphore_mem>>)
      } else {
      }
      %scan3A_134 = arith.constant 0 : i32
      scf.yield %scan3A_134 : i32
    }
    %scan3A_47 = arith.constant 25 : i32
    %barrier3A_48 = arith.constant 0 : index
    tpu.barrier barrier_id(%barrier3A_48)
    %mul3A_49 = arith.constant 640 : i32
    %mul3A_50 = arith.muli %arg1, %mul3A_49 : i32
    "tpu.region"() ({
      %run_scoped3A = tpu.sem_alloc : memref<!tpu.dma_semaphore, #tpu.memory_space<semaphore_mem>>
      %dma_start3A_51 = arith.constant 0 : i32
      %dma_start3A_52 = tpu.memref_slice %arg5[%add3A, %dma_start3A_51] : memref<20480x64xf32, #tpu.memory_space<hbm>> -> memref<640x64xf32, #tpu.memory_space<hbm>>
      %dma_start3A_53 = arith.constant 0 : i32
      %dma_start3A_54 = tpu.memref_slice %arg18[%mul3A_50, %dma_start3A_53] : memref<10240x64xf32, #tpu.memory_space<vmem_shared>> -> memref<640x64xf32, #tpu.memory_space<vmem_shared>>
      tpu.enqueue_dma source(%dma_start3A_54 : memref<640x64xf32, #tpu.memory_space<vmem_shared>>) target(%dma_start3A_52 : memref<640x64xf32, #tpu.memory_space<hbm>>) target_semaphore(%run_scoped3A : memref<!tpu.dma_semaphore, #tpu.memory_space<semaphore_mem>>)
      %dma_wait3A = arith.constant 0 : i32
      %dma_wait3A_55 = tpu.memref_slice %arg5[%add3A, %dma_wait3A] : memref<20480x64xf32, #tpu.memory_space<hbm>> -> memref<640x64xf32, #tpu.memory_space<hbm>>
      %dma_wait3A_56 = arith.constant 0 : i32
      %dma_wait3A_57 = tpu.memref_slice %arg18[%mul3A_50, %dma_wait3A_56] : memref<10240x64xf32, #tpu.memory_space<vmem_shared>> -> memref<640x64xf32, #tpu.memory_space<vmem_shared>>
      tpu.wait_dma2 semaphore(%run_scoped3A : memref<!tpu.dma_semaphore, #tpu.memory_space<semaphore_mem>>) src(%dma_wait3A_57 : memref<640x64xf32, #tpu.memory_space<vmem_shared>>) dst(%dma_wait3A_55 : memref<640x64xf32, #tpu.memory_space<hbm>>)
      tpu.yield
    }) : () -> ()
    return
  }
}

#map = affine_map<(d0, d1) -> (0, 0)>
#map1 = affine_map<(d0, d1) -> (0, 0, 0)>
module attributes {stable_mosaic.version = 14 : i64} {
  func.func @_agg_kernel(%arg0: i32, %arg1: i32, %arg2: memref<20480x64xf32, #tpu.memory_space<hbm>>, %arg3: memref<32x125x80xi32, #tpu.memory_space<hbm>>, %arg4: memref<16x125x80xi32, #tpu.memory_space<hbm>>, %arg5: memref<20480x64xf32, #tpu.memory_space<hbm>>, %arg6: memref<125x80xi32, #tpu.memory_space<vmem>>, %arg7: memref<125x80xi32, #tpu.memory_space<vmem>>, %arg8: memref<80x64xf32, #tpu.memory_space<vmem>>, %arg9: memref<80x64xf32, #tpu.memory_space<vmem>>, %arg10: memref<80x64xf32, #tpu.memory_space<vmem>>, %arg11: memref<80x64xf32, #tpu.memory_space<vmem>>, %arg12: memref<80x64xf32, #tpu.memory_space<vmem>>, %arg13: memref<!tpu.dma_semaphore, #tpu.memory_space<semaphore_mem>>, %arg14: memref<!tpu.dma_semaphore, #tpu.memory_space<semaphore_mem>>, %arg15: memref<!tpu.dma_semaphore, #tpu.memory_space<semaphore_mem>>, %arg16: memref<!tpu.dma_semaphore, #tpu.memory_space<semaphore_mem>>, %arg17: memref<!tpu.dma_semaphore, #tpu.memory_space<semaphore_mem>>, %arg18: memref<10240x64xf32, #tpu.memory_space<vmem_shared>>) attributes {dimension_semantics = [#tpu.dimension_semantics<core_parallel>, #tpu.dimension_semantics<subcore_parallel>], iteration_bounds = array<i64: 2, 16>, scalar_prefetch = 0 : i64, scratch_operands = 13 : i64, tpu.core_type = #tpu.core_type<sc_vector_subcore>, window_params = [{transform_indices = #map}, {transform_indices = #map1}, {transform_indices = #map1}, {transform_indices = #map}]} {
    %mul3A = arith.constant 10240 : i32
    %mul3A_0 = arith.muli %arg0, %mul3A : i32
    %mul3A_1 = arith.constant 640 : i32
    %mul3A_2 = arith.muli %arg1, %mul3A_1 : i32
    %add3A = arith.addi %mul3A_0, %mul3A_2 : i32
    %mul3A_3 = arith.constant 640 : i32
    %mul3A_4 = arith.muli %arg1, %mul3A_3 : i32
    "tpu.region"() ({
      %run_scoped3A = tpu.sem_alloc : memref<!tpu.dma_semaphore, #tpu.memory_space<semaphore_mem>>
      %dma_start3A_51 = arith.constant 0 : i32
      %dma_start3A_52 = tpu.memref_slice %arg18[%mul3A_4, %dma_start3A_51] : memref<10240x64xf32, #tpu.memory_space<vmem_shared>> -> memref<640x64xf32, #tpu.memory_space<vmem_shared>>
      %dma_start3A_53 = arith.constant 0 : i32
      %dma_start3A_54 = tpu.memref_slice %arg2[%add3A, %dma_start3A_53] : memref<20480x64xf32, #tpu.memory_space<hbm>> -> memref<640x64xf32, #tpu.memory_space<hbm>>
      tpu.enqueue_dma source(%dma_start3A_54 : memref<640x64xf32, #tpu.memory_space<hbm>>) target(%dma_start3A_52 : memref<640x64xf32, #tpu.memory_space<vmem_shared>>) target_semaphore(%run_scoped3A : memref<!tpu.dma_semaphore, #tpu.memory_space<semaphore_mem>>)
      %dma_wait3A = arith.constant 0 : i32
      %dma_wait3A_55 = tpu.memref_slice %arg18[%mul3A_4, %dma_wait3A] : memref<10240x64xf32, #tpu.memory_space<vmem_shared>> -> memref<640x64xf32, #tpu.memory_space<vmem_shared>>
      %dma_wait3A_56 = arith.constant 0 : i32
      %dma_wait3A_57 = tpu.memref_slice %arg2[%add3A, %dma_wait3A_56] : memref<20480x64xf32, #tpu.memory_space<hbm>> -> memref<640x64xf32, #tpu.memory_space<hbm>>
      tpu.wait_dma2 semaphore(%run_scoped3A : memref<!tpu.dma_semaphore, #tpu.memory_space<semaphore_mem>>) src(%dma_wait3A_57 : memref<640x64xf32, #tpu.memory_space<hbm>>) dst(%dma_wait3A_55 : memref<640x64xf32, #tpu.memory_space<vmem_shared>>)
      tpu.yield
    }) : () -> ()
    %mul3A_5 = arith.constant 16 : i32
    %mul3A_6 = arith.muli %arg0, %mul3A_5 : i32
    %add3A_7 = arith.addi %mul3A_6, %arg1 : i32
    "tpu.region"() ({
      %run_scoped3A = tpu.sem_alloc : memref<!tpu.dma_semaphore, #tpu.memory_space<semaphore_mem>>
      %dma_start3A_51 = arith.constant 0 : i32
      %dma_start3A_52 = arith.constant 0 : i32
      %dma_start3A_53 = tpu.memref_slice %arg3[%add3A_7, %dma_start3A_51, %dma_start3A_52] : memref<32x125x80xi32, #tpu.memory_space<hbm>> -> memref<1x125x80xi32, #tpu.memory_space<hbm>>
      %dma_start3A_54 = tpu.memref_squeeze %dma_start3A_53 : memref<1x125x80xi32, #tpu.memory_space<hbm>> -> memref<125x80xi32, #tpu.memory_space<hbm>>
      %dma_start3A_55 = arith.constant 0 : i32
      %dma_start3A_56 = arith.constant 0 : i32
      %dma_start3A_57 = tpu.memref_slice %arg3[%add3A_7, %dma_start3A_55, %dma_start3A_56] : memref<32x125x80xi32, #tpu.memory_space<hbm>> -> memref<1x125x80xi32, #tpu.memory_space<hbm>>
      %dma_start3A_58 = tpu.memref_squeeze %dma_start3A_57 : memref<1x125x80xi32, #tpu.memory_space<hbm>> -> memref<125x80xi32, #tpu.memory_space<hbm>>
      tpu.enqueue_dma source(%dma_start3A_58 : memref<125x80xi32, #tpu.memory_space<hbm>>) target(%arg6 : memref<125x80xi32, #tpu.memory_space<vmem>>) target_semaphore(%run_scoped3A : memref<!tpu.dma_semaphore, #tpu.memory_space<semaphore_mem>>)
      %dma_wait3A = arith.constant 0 : i32
      %dma_wait3A_59 = arith.constant 0 : i32
      %dma_wait3A_60 = tpu.memref_slice %arg3[%add3A_7, %dma_wait3A, %dma_wait3A_59] : memref<32x125x80xi32, #tpu.memory_space<hbm>> -> memref<1x125x80xi32, #tpu.memory_space<hbm>>
      %dma_wait3A_61 = tpu.memref_squeeze %dma_wait3A_60 : memref<1x125x80xi32, #tpu.memory_space<hbm>> -> memref<125x80xi32, #tpu.memory_space<hbm>>
      %dma_wait3A_62 = arith.constant 0 : i32
      %dma_wait3A_63 = arith.constant 0 : i32
      %dma_wait3A_64 = tpu.memref_slice %arg3[%add3A_7, %dma_wait3A_62, %dma_wait3A_63] : memref<32x125x80xi32, #tpu.memory_space<hbm>> -> memref<1x125x80xi32, #tpu.memory_space<hbm>>
      %dma_wait3A_65 = tpu.memref_squeeze %dma_wait3A_64 : memref<1x125x80xi32, #tpu.memory_space<hbm>> -> memref<125x80xi32, #tpu.memory_space<hbm>>
      tpu.wait_dma2 semaphore(%run_scoped3A : memref<!tpu.dma_semaphore, #tpu.memory_space<semaphore_mem>>) src(%dma_wait3A_65 : memref<125x80xi32, #tpu.memory_space<hbm>>) dst(%arg6 : memref<125x80xi32, #tpu.memory_space<vmem>>)
      tpu.yield
    }) : () -> ()
    "tpu.region"() ({
      %run_scoped3A = tpu.sem_alloc : memref<!tpu.dma_semaphore, #tpu.memory_space<semaphore_mem>>
      %dma_start3A_51 = arith.constant 0 : i32
      %dma_start3A_52 = arith.constant 0 : i32
      %dma_start3A_53 = tpu.memref_slice %arg4[%arg1, %dma_start3A_51, %dma_start3A_52] : memref<16x125x80xi32, #tpu.memory_space<hbm>> -> memref<1x125x80xi32, #tpu.memory_space<hbm>>
      %dma_start3A_54 = tpu.memref_squeeze %dma_start3A_53 : memref<1x125x80xi32, #tpu.memory_space<hbm>> -> memref<125x80xi32, #tpu.memory_space<hbm>>
      %dma_start3A_55 = arith.constant 0 : i32
      %dma_start3A_56 = arith.constant 0 : i32
      %dma_start3A_57 = tpu.memref_slice %arg4[%arg1, %dma_start3A_55, %dma_start3A_56] : memref<16x125x80xi32, #tpu.memory_space<hbm>> -> memref<1x125x80xi32, #tpu.memory_space<hbm>>
      %dma_start3A_58 = tpu.memref_squeeze %dma_start3A_57 : memref<1x125x80xi32, #tpu.memory_space<hbm>> -> memref<125x80xi32, #tpu.memory_space<hbm>>
      tpu.enqueue_dma source(%dma_start3A_58 : memref<125x80xi32, #tpu.memory_space<hbm>>) target(%arg7 : memref<125x80xi32, #tpu.memory_space<vmem>>) target_semaphore(%run_scoped3A : memref<!tpu.dma_semaphore, #tpu.memory_space<semaphore_mem>>)
      %dma_wait3A = arith.constant 0 : i32
      %dma_wait3A_59 = arith.constant 0 : i32
      %dma_wait3A_60 = tpu.memref_slice %arg4[%arg1, %dma_wait3A, %dma_wait3A_59] : memref<16x125x80xi32, #tpu.memory_space<hbm>> -> memref<1x125x80xi32, #tpu.memory_space<hbm>>
      %dma_wait3A_61 = tpu.memref_squeeze %dma_wait3A_60 : memref<1x125x80xi32, #tpu.memory_space<hbm>> -> memref<125x80xi32, #tpu.memory_space<hbm>>
      %dma_wait3A_62 = arith.constant 0 : i32
      %dma_wait3A_63 = arith.constant 0 : i32
      %dma_wait3A_64 = tpu.memref_slice %arg4[%arg1, %dma_wait3A_62, %dma_wait3A_63] : memref<16x125x80xi32, #tpu.memory_space<hbm>> -> memref<1x125x80xi32, #tpu.memory_space<hbm>>
      %dma_wait3A_65 = tpu.memref_squeeze %dma_wait3A_64 : memref<1x125x80xi32, #tpu.memory_space<hbm>> -> memref<125x80xi32, #tpu.memory_space<hbm>>
      tpu.wait_dma2 semaphore(%run_scoped3A : memref<!tpu.dma_semaphore, #tpu.memory_space<semaphore_mem>>) src(%dma_wait3A_65 : memref<125x80xi32, #tpu.memory_space<hbm>>) dst(%arg7 : memref<125x80xi32, #tpu.memory_space<vmem>>)
      tpu.yield
    }) : () -> ()
    %barrier3A = arith.constant 0 : index
    tpu.barrier barrier_id(%barrier3A)
    %dma_start3A = arith.constant 0 : i32
    %dma_start3A_8 = arith.constant 0 : i32
    %dma_start3A_9 = tpu.memref_slice %arg6[%dma_start3A, %dma_start3A_8] : memref<125x80xi32, #tpu.memory_space<vmem>> -> memref<1x80xi32, #tpu.memory_space<vmem>>
    %dma_start3A_10 = tpu.memref_squeeze %dma_start3A_9 : memref<1x80xi32, #tpu.memory_space<vmem>> -> memref<80xi32, #tpu.memory_space<vmem>>
    %dma_start3A_11 = arith.constant 0 : i32
    %dma_start3A_12 = arith.constant 0 : i32
    %dma_start3A_13 = tpu.memref_slice %arg2[%dma_start3A_11, %dma_start3A_12] : memref<20480x64xf32, #tpu.memory_space<hbm>> -> memref<20480x64xf32, #tpu.memory_space<hbm>>
    tpu.enqueue_indirect_dma source(%dma_start3A_13 : memref<20480x64xf32, #tpu.memory_space<hbm>>) target(%arg8 : memref<80x64xf32, #tpu.memory_space<vmem>>) offsets(%dma_start3A_10 : memref<80xi32, #tpu.memory_space<vmem>>) semaphore(%arg13 : memref<!tpu.dma_semaphore, #tpu.memory_space<semaphore_mem>>)
    %dma_start3A_14 = arith.constant 1 : i32
    %dma_start3A_15 = arith.constant 0 : i32
    %dma_start3A_16 = tpu.memref_slice %arg6[%dma_start3A_14, %dma_start3A_15] : memref<125x80xi32, #tpu.memory_space<vmem>> -> memref<1x80xi32, #tpu.memory_space<vmem>>
    %dma_start3A_17 = tpu.memref_squeeze %dma_start3A_16 : memref<1x80xi32, #tpu.memory_space<vmem>> -> memref<80xi32, #tpu.memory_space<vmem>>
    %dma_start3A_18 = arith.constant 0 : i32
    %dma_start3A_19 = arith.constant 0 : i32
    %dma_start3A_20 = tpu.memref_slice %arg2[%dma_start3A_18, %dma_start3A_19] : memref<20480x64xf32, #tpu.memory_space<hbm>> -> memref<20480x64xf32, #tpu.memory_space<hbm>>
    tpu.enqueue_indirect_dma source(%dma_start3A_20 : memref<20480x64xf32, #tpu.memory_space<hbm>>) target(%arg9 : memref<80x64xf32, #tpu.memory_space<vmem>>) offsets(%dma_start3A_17 : memref<80xi32, #tpu.memory_space<vmem>>) semaphore(%arg14 : memref<!tpu.dma_semaphore, #tpu.memory_space<semaphore_mem>>)
    %dma_start3A_21 = arith.constant 2 : i32
    %dma_start3A_22 = arith.constant 0 : i32
    %dma_start3A_23 = tpu.memref_slice %arg6[%dma_start3A_21, %dma_start3A_22] : memref<125x80xi32, #tpu.memory_space<vmem>> -> memref<1x80xi32, #tpu.memory_space<vmem>>
    %dma_start3A_24 = tpu.memref_squeeze %dma_start3A_23 : memref<1x80xi32, #tpu.memory_space<vmem>> -> memref<80xi32, #tpu.memory_space<vmem>>
    %dma_start3A_25 = arith.constant 0 : i32
    %dma_start3A_26 = arith.constant 0 : i32
    %dma_start3A_27 = tpu.memref_slice %arg2[%dma_start3A_25, %dma_start3A_26] : memref<20480x64xf32, #tpu.memory_space<hbm>> -> memref<20480x64xf32, #tpu.memory_space<hbm>>
    tpu.enqueue_indirect_dma source(%dma_start3A_27 : memref<20480x64xf32, #tpu.memory_space<hbm>>) target(%arg10 : memref<80x64xf32, #tpu.memory_space<vmem>>) offsets(%dma_start3A_24 : memref<80xi32, #tpu.memory_space<vmem>>) semaphore(%arg15 : memref<!tpu.dma_semaphore, #tpu.memory_space<semaphore_mem>>)
    %dma_start3A_28 = arith.constant 3 : i32
    %dma_start3A_29 = arith.constant 0 : i32
    %dma_start3A_30 = tpu.memref_slice %arg6[%dma_start3A_28, %dma_start3A_29] : memref<125x80xi32, #tpu.memory_space<vmem>> -> memref<1x80xi32, #tpu.memory_space<vmem>>
    %dma_start3A_31 = tpu.memref_squeeze %dma_start3A_30 : memref<1x80xi32, #tpu.memory_space<vmem>> -> memref<80xi32, #tpu.memory_space<vmem>>
    %dma_start3A_32 = arith.constant 0 : i32
    %dma_start3A_33 = arith.constant 0 : i32
    %dma_start3A_34 = tpu.memref_slice %arg2[%dma_start3A_32, %dma_start3A_33] : memref<20480x64xf32, #tpu.memory_space<hbm>> -> memref<20480x64xf32, #tpu.memory_space<hbm>>
    tpu.enqueue_indirect_dma source(%dma_start3A_34 : memref<20480x64xf32, #tpu.memory_space<hbm>>) target(%arg11 : memref<80x64xf32, #tpu.memory_space<vmem>>) offsets(%dma_start3A_31 : memref<80xi32, #tpu.memory_space<vmem>>) semaphore(%arg16 : memref<!tpu.dma_semaphore, #tpu.memory_space<semaphore_mem>>)
    %dma_start3A_35 = arith.constant 4 : i32
    %dma_start3A_36 = arith.constant 0 : i32
    %dma_start3A_37 = tpu.memref_slice %arg6[%dma_start3A_35, %dma_start3A_36] : memref<125x80xi32, #tpu.memory_space<vmem>> -> memref<1x80xi32, #tpu.memory_space<vmem>>
    %dma_start3A_38 = tpu.memref_squeeze %dma_start3A_37 : memref<1x80xi32, #tpu.memory_space<vmem>> -> memref<80xi32, #tpu.memory_space<vmem>>
    %dma_start3A_39 = arith.constant 0 : i32
    %dma_start3A_40 = arith.constant 0 : i32
    %dma_start3A_41 = tpu.memref_slice %arg2[%dma_start3A_39, %dma_start3A_40] : memref<20480x64xf32, #tpu.memory_space<hbm>> -> memref<20480x64xf32, #tpu.memory_space<hbm>>
    tpu.enqueue_indirect_dma source(%dma_start3A_41 : memref<20480x64xf32, #tpu.memory_space<hbm>>) target(%arg12 : memref<80x64xf32, #tpu.memory_space<vmem>>) offsets(%dma_start3A_38 : memref<80xi32, #tpu.memory_space<vmem>>) semaphore(%arg17 : memref<!tpu.dma_semaphore, #tpu.memory_space<semaphore_mem>>)
    %scan3A = arith.constant 0 : i32
    %scan3A_42 = arith.constant 0 : i32
    %scan3A_43 = arith.constant 25 : i32
    %scan3A_44 = arith.addi %scan3A_42, %scan3A_43 : i32
    %scan3A_45 = arith.constant 1 : i32
    %scan3A_46 = scf.for %scan3A_51 = %scan3A_42 to %scan3A_44 step %scan3A_45 iter_args(%scan3A_52 = %scan3A) -> (i32)  : i32 {
      %mul3A_53 = arith.constant 5 : i32
      %mul3A_54 = arith.muli %scan3A_51, %mul3A_53 : i32
      %add3A_55 = arith.constant 0 : i32
      %add3A_56 = arith.addi %mul3A_54, %add3A_55 : i32
      %dma_wait3A = arith.constant 0 : i32
      %dma_wait3A_57 = tpu.memref_slice %arg6[%add3A_56, %dma_wait3A] : memref<125x80xi32, #tpu.memory_space<vmem>> -> memref<1x80xi32, #tpu.memory_space<vmem>>
      %dma_wait3A_58 = tpu.memref_squeeze %dma_wait3A_57 : memref<1x80xi32, #tpu.memory_space<vmem>> -> memref<80xi32, #tpu.memory_space<vmem>>
      %dma_wait3A_59 = arith.constant 0 : i32
      %dma_wait3A_60 = arith.constant 0 : i32
      %dma_wait3A_61 = tpu.memref_slice %arg2[%dma_wait3A_59, %dma_wait3A_60] : memref<20480x64xf32, #tpu.memory_space<hbm>> -> memref<20480x64xf32, #tpu.memory_space<hbm>>
      tpu.wait_indirect_dma semaphore(%arg13 : memref<!tpu.dma_semaphore, #tpu.memory_space<semaphore_mem>>) src(%dma_wait3A_61 : memref<20480x64xf32, #tpu.memory_space<hbm>>) dst(%arg8 : memref<80x64xf32, #tpu.memory_space<vmem>>)
      "tpu.region"() ({
        %run_scoped3A = tpu.sem_alloc : memref<!tpu.dma_semaphore, #tpu.memory_space<semaphore_mem>>
        %dma_start3A_135 = arith.constant 0 : i32
        %dma_start3A_136 = tpu.memref_slice %arg7[%add3A_56, %dma_start3A_135] : memref<125x80xi32, #tpu.memory_space<vmem>> -> memref<1x80xi32, #tpu.memory_space<vmem>>
        %dma_start3A_137 = tpu.memref_squeeze %dma_start3A_136 : memref<1x80xi32, #tpu.memory_space<vmem>> -> memref<80xi32, #tpu.memory_space<vmem>>
        %dma_start3A_138 = arith.constant 0 : i32
        %dma_start3A_139 = arith.constant 0 : i32
        %dma_start3A_140 = tpu.memref_slice %arg18[%dma_start3A_138, %dma_start3A_139] : memref<10240x64xf32, #tpu.memory_space<vmem_shared>> -> memref<10240x64xf32, #tpu.memory_space<vmem_shared>>
        tpu.enqueue_indirect_dma source(%arg8 : memref<80x64xf32, #tpu.memory_space<vmem>>) target(%dma_start3A_140 : memref<10240x64xf32, #tpu.memory_space<vmem_shared>>) offsets(%dma_start3A_137 : memref<80xi32, #tpu.memory_space<vmem>>) semaphore(%run_scoped3A : memref<!tpu.dma_semaphore, #tpu.memory_space<semaphore_mem>>) {add = true}
        %dma_wait3A_141 = arith.constant 0 : i32
        %dma_wait3A_142 = tpu.memref_slice %arg7[%add3A_56, %dma_wait3A_141] : memref<125x80xi32, #tpu.memory_space<vmem>> -> memref<1x80xi32, #tpu.memory_space<vmem>>
        %dma_wait3A_143 = tpu.memref_squeeze %dma_wait3A_142 : memref<1x80xi32, #tpu.memory_space<vmem>> -> memref<80xi32, #tpu.memory_space<vmem>>
        %dma_wait3A_144 = arith.constant 0 : i32
        %dma_wait3A_145 = arith.constant 0 : i32
        %dma_wait3A_146 = tpu.memref_slice %arg18[%dma_wait3A_144, %dma_wait3A_145] : memref<10240x64xf32, #tpu.memory_space<vmem_shared>> -> memref<10240x64xf32, #tpu.memory_space<vmem_shared>>
        tpu.wait_indirect_dma semaphore(%run_scoped3A : memref<!tpu.dma_semaphore, #tpu.memory_space<semaphore_mem>>) src(%arg8 : memref<80x64xf32, #tpu.memory_space<vmem>>) dst(%dma_wait3A_146 : memref<10240x64xf32, #tpu.memory_space<vmem_shared>>)
        tpu.yield
      }) : () -> ()
      %add3A_62 = arith.constant 5 : i32
      %add3A_63 = arith.addi %add3A_56, %add3A_62 : i32
      %lt3A = arith.constant 125 : i32
      %lt3A_64 = arith.cmpi slt, %add3A_63, %lt3A : i32
      %convert_element_type3A = arith.extui %lt3A_64 : i1 to i32
      %cond3A = arith.constant 0 : i32
      %cond3A_65 = arith.cmpi ne, %convert_element_type3A, %cond3A : i32
      scf.if %cond3A_65 {
        %add3A_135 = arith.constant 5 : i32
        %add3A_136 = arith.addi %add3A_56, %add3A_135 : i32
        %dma_start3A_137 = arith.constant 0 : i32
        %dma_start3A_138 = tpu.memref_slice %arg6[%add3A_136, %dma_start3A_137] : memref<125x80xi32, #tpu.memory_space<vmem>> -> memref<1x80xi32, #tpu.memory_space<vmem>>
        %dma_start3A_139 = tpu.memref_squeeze %dma_start3A_138 : memref<1x80xi32, #tpu.memory_space<vmem>> -> memref<80xi32, #tpu.memory_space<vmem>>
        %dma_start3A_140 = arith.constant 0 : i32
        %dma_start3A_141 = arith.constant 0 : i32
        %dma_start3A_142 = tpu.memref_slice %arg2[%dma_start3A_140, %dma_start3A_141] : memref<20480x64xf32, #tpu.memory_space<hbm>> -> memref<20480x64xf32, #tpu.memory_space<hbm>>
        tpu.enqueue_indirect_dma source(%dma_start3A_142 : memref<20480x64xf32, #tpu.memory_space<hbm>>) target(%arg8 : memref<80x64xf32, #tpu.memory_space<vmem>>) offsets(%dma_start3A_139 : memref<80xi32, #tpu.memory_space<vmem>>) semaphore(%arg13 : memref<!tpu.dma_semaphore, #tpu.memory_space<semaphore_mem>>)
      } else {
      }
      %mul3A_66 = arith.constant 5 : i32
      %mul3A_67 = arith.muli %scan3A_51, %mul3A_66 : i32
      %add3A_68 = arith.constant 1 : i32
      %add3A_69 = arith.addi %mul3A_67, %add3A_68 : i32
      %dma_wait3A_70 = arith.constant 0 : i32
      %dma_wait3A_71 = tpu.memref_slice %arg6[%add3A_69, %dma_wait3A_70] : memref<125x80xi32, #tpu.memory_space<vmem>> -> memref<1x80xi32, #tpu.memory_space<vmem>>
      %dma_wait3A_72 = tpu.memref_squeeze %dma_wait3A_71 : memref<1x80xi32, #tpu.memory_space<vmem>> -> memref<80xi32, #tpu.memory_space<vmem>>
      %dma_wait3A_73 = arith.constant 0 : i32
      %dma_wait3A_74 = arith.constant 0 : i32
      %dma_wait3A_75 = tpu.memref_slice %arg2[%dma_wait3A_73, %dma_wait3A_74] : memref<20480x64xf32, #tpu.memory_space<hbm>> -> memref<20480x64xf32, #tpu.memory_space<hbm>>
      tpu.wait_indirect_dma semaphore(%arg14 : memref<!tpu.dma_semaphore, #tpu.memory_space<semaphore_mem>>) src(%dma_wait3A_75 : memref<20480x64xf32, #tpu.memory_space<hbm>>) dst(%arg9 : memref<80x64xf32, #tpu.memory_space<vmem>>)
      "tpu.region"() ({
        %run_scoped3A = tpu.sem_alloc : memref<!tpu.dma_semaphore, #tpu.memory_space<semaphore_mem>>
        %dma_start3A_135 = arith.constant 0 : i32
        %dma_start3A_136 = tpu.memref_slice %arg7[%add3A_69, %dma_start3A_135] : memref<125x80xi32, #tpu.memory_space<vmem>> -> memref<1x80xi32, #tpu.memory_space<vmem>>
        %dma_start3A_137 = tpu.memref_squeeze %dma_start3A_136 : memref<1x80xi32, #tpu.memory_space<vmem>> -> memref<80xi32, #tpu.memory_space<vmem>>
        %dma_start3A_138 = arith.constant 0 : i32
        %dma_start3A_139 = arith.constant 0 : i32
        %dma_start3A_140 = tpu.memref_slice %arg18[%dma_start3A_138, %dma_start3A_139] : memref<10240x64xf32, #tpu.memory_space<vmem_shared>> -> memref<10240x64xf32, #tpu.memory_space<vmem_shared>>
        tpu.enqueue_indirect_dma source(%arg9 : memref<80x64xf32, #tpu.memory_space<vmem>>) target(%dma_start3A_140 : memref<10240x64xf32, #tpu.memory_space<vmem_shared>>) offsets(%dma_start3A_137 : memref<80xi32, #tpu.memory_space<vmem>>) semaphore(%run_scoped3A : memref<!tpu.dma_semaphore, #tpu.memory_space<semaphore_mem>>) {add = true}
        %dma_wait3A_141 = arith.constant 0 : i32
        %dma_wait3A_142 = tpu.memref_slice %arg7[%add3A_69, %dma_wait3A_141] : memref<125x80xi32, #tpu.memory_space<vmem>> -> memref<1x80xi32, #tpu.memory_space<vmem>>
        %dma_wait3A_143 = tpu.memref_squeeze %dma_wait3A_142 : memref<1x80xi32, #tpu.memory_space<vmem>> -> memref<80xi32, #tpu.memory_space<vmem>>
        %dma_wait3A_144 = arith.constant 0 : i32
        %dma_wait3A_145 = arith.constant 0 : i32
        %dma_wait3A_146 = tpu.memref_slice %arg18[%dma_wait3A_144, %dma_wait3A_145] : memref<10240x64xf32, #tpu.memory_space<vmem_shared>> -> memref<10240x64xf32, #tpu.memory_space<vmem_shared>>
        tpu.wait_indirect_dma semaphore(%run_scoped3A : memref<!tpu.dma_semaphore, #tpu.memory_space<semaphore_mem>>) src(%arg9 : memref<80x64xf32, #tpu.memory_space<vmem>>) dst(%dma_wait3A_146 : memref<10240x64xf32, #tpu.memory_space<vmem_shared>>)
        tpu.yield
      }) : () -> ()
      %add3A_76 = arith.constant 5 : i32
      %add3A_77 = arith.addi %add3A_69, %add3A_76 : i32
      %lt3A_78 = arith.constant 125 : i32
      %lt3A_79 = arith.cmpi slt, %add3A_77, %lt3A_78 : i32
      %convert_element_type3A_80 = arith.extui %lt3A_79 : i1 to i32
      %cond3A_81 = arith.constant 0 : i32
      %cond3A_82 = arith.cmpi ne, %convert_element_type3A_80, %cond3A_81 : i32
      scf.if %cond3A_82 {
        %add3A_135 = arith.constant 5 : i32
        %add3A_136 = arith.addi %add3A_69, %add3A_135 : i32
        %dma_start3A_137 = arith.constant 0 : i32
        %dma_start3A_138 = tpu.memref_slice %arg6[%add3A_136, %dma_start3A_137] : memref<125x80xi32, #tpu.memory_space<vmem>> -> memref<1x80xi32, #tpu.memory_space<vmem>>
        %dma_start3A_139 = tpu.memref_squeeze %dma_start3A_138 : memref<1x80xi32, #tpu.memory_space<vmem>> -> memref<80xi32, #tpu.memory_space<vmem>>
        %dma_start3A_140 = arith.constant 0 : i32
        %dma_start3A_141 = arith.constant 0 : i32
        %dma_start3A_142 = tpu.memref_slice %arg2[%dma_start3A_140, %dma_start3A_141] : memref<20480x64xf32, #tpu.memory_space<hbm>> -> memref<20480x64xf32, #tpu.memory_space<hbm>>
        tpu.enqueue_indirect_dma source(%dma_start3A_142 : memref<20480x64xf32, #tpu.memory_space<hbm>>) target(%arg9 : memref<80x64xf32, #tpu.memory_space<vmem>>) offsets(%dma_start3A_139 : memref<80xi32, #tpu.memory_space<vmem>>) semaphore(%arg14 : memref<!tpu.dma_semaphore, #tpu.memory_space<semaphore_mem>>)
      } else {
      }
      %mul3A_83 = arith.constant 5 : i32
      %mul3A_84 = arith.muli %scan3A_51, %mul3A_83 : i32
      %add3A_85 = arith.constant 2 : i32
      %add3A_86 = arith.addi %mul3A_84, %add3A_85 : i32
      %dma_wait3A_87 = arith.constant 0 : i32
      %dma_wait3A_88 = tpu.memref_slice %arg6[%add3A_86, %dma_wait3A_87] : memref<125x80xi32, #tpu.memory_space<vmem>> -> memref<1x80xi32, #tpu.memory_space<vmem>>
      %dma_wait3A_89 = tpu.memref_squeeze %dma_wait3A_88 : memref<1x80xi32, #tpu.memory_space<vmem>> -> memref<80xi32, #tpu.memory_space<vmem>>
      %dma_wait3A_90 = arith.constant 0 : i32
      %dma_wait3A_91 = arith.constant 0 : i32
      %dma_wait3A_92 = tpu.memref_slice %arg2[%dma_wait3A_90, %dma_wait3A_91] : memref<20480x64xf32, #tpu.memory_space<hbm>> -> memref<20480x64xf32, #tpu.memory_space<hbm>>
      tpu.wait_indirect_dma semaphore(%arg15 : memref<!tpu.dma_semaphore, #tpu.memory_space<semaphore_mem>>) src(%dma_wait3A_92 : memref<20480x64xf32, #tpu.memory_space<hbm>>) dst(%arg10 : memref<80x64xf32, #tpu.memory_space<vmem>>)
      "tpu.region"() ({
        %run_scoped3A = tpu.sem_alloc : memref<!tpu.dma_semaphore, #tpu.memory_space<semaphore_mem>>
        %dma_start3A_135 = arith.constant 0 : i32
        %dma_start3A_136 = tpu.memref_slice %arg7[%add3A_86, %dma_start3A_135] : memref<125x80xi32, #tpu.memory_space<vmem>> -> memref<1x80xi32, #tpu.memory_space<vmem>>
        %dma_start3A_137 = tpu.memref_squeeze %dma_start3A_136 : memref<1x80xi32, #tpu.memory_space<vmem>> -> memref<80xi32, #tpu.memory_space<vmem>>
        %dma_start3A_138 = arith.constant 0 : i32
        %dma_start3A_139 = arith.constant 0 : i32
        %dma_start3A_140 = tpu.memref_slice %arg18[%dma_start3A_138, %dma_start3A_139] : memref<10240x64xf32, #tpu.memory_space<vmem_shared>> -> memref<10240x64xf32, #tpu.memory_space<vmem_shared>>
        tpu.enqueue_indirect_dma source(%arg10 : memref<80x64xf32, #tpu.memory_space<vmem>>) target(%dma_start3A_140 : memref<10240x64xf32, #tpu.memory_space<vmem_shared>>) offsets(%dma_start3A_137 : memref<80xi32, #tpu.memory_space<vmem>>) semaphore(%run_scoped3A : memref<!tpu.dma_semaphore, #tpu.memory_space<semaphore_mem>>) {add = true}
        %dma_wait3A_141 = arith.constant 0 : i32
        %dma_wait3A_142 = tpu.memref_slice %arg7[%add3A_86, %dma_wait3A_141] : memref<125x80xi32, #tpu.memory_space<vmem>> -> memref<1x80xi32, #tpu.memory_space<vmem>>
        %dma_wait3A_143 = tpu.memref_squeeze %dma_wait3A_142 : memref<1x80xi32, #tpu.memory_space<vmem>> -> memref<80xi32, #tpu.memory_space<vmem>>
        %dma_wait3A_144 = arith.constant 0 : i32
        %dma_wait3A_145 = arith.constant 0 : i32
        %dma_wait3A_146 = tpu.memref_slice %arg18[%dma_wait3A_144, %dma_wait3A_145] : memref<10240x64xf32, #tpu.memory_space<vmem_shared>> -> memref<10240x64xf32, #tpu.memory_space<vmem_shared>>
        tpu.wait_indirect_dma semaphore(%run_scoped3A : memref<!tpu.dma_semaphore, #tpu.memory_space<semaphore_mem>>) src(%arg10 : memref<80x64xf32, #tpu.memory_space<vmem>>) dst(%dma_wait3A_146 : memref<10240x64xf32, #tpu.memory_space<vmem_shared>>)
        tpu.yield
      }) : () -> ()
      %add3A_93 = arith.constant 5 : i32
      %add3A_94 = arith.addi %add3A_86, %add3A_93 : i32
      %lt3A_95 = arith.constant 125 : i32
      %lt3A_96 = arith.cmpi slt, %add3A_94, %lt3A_95 : i32
      %convert_element_type3A_97 = arith.extui %lt3A_96 : i1 to i32
      %cond3A_98 = arith.constant 0 : i32
      %cond3A_99 = arith.cmpi ne, %convert_element_type3A_97, %cond3A_98 : i32
      scf.if %cond3A_99 {
        %add3A_135 = arith.constant 5 : i32
        %add3A_136 = arith.addi %add3A_86, %add3A_135 : i32
        %dma_start3A_137 = arith.constant 0 : i32
        %dma_start3A_138 = tpu.memref_slice %arg6[%add3A_136, %dma_start3A_137] : memref<125x80xi32, #tpu.memory_space<vmem>> -> memref<1x80xi32, #tpu.memory_space<vmem>>
        %dma_start3A_139 = tpu.memref_squeeze %dma_start3A_138 : memref<1x80xi32, #tpu.memory_space<vmem>> -> memref<80xi32, #tpu.memory_space<vmem>>
        %dma_start3A_140 = arith.constant 0 : i32
        %dma_start3A_141 = arith.constant 0 : i32
        %dma_start3A_142 = tpu.memref_slice %arg2[%dma_start3A_140, %dma_start3A_141] : memref<20480x64xf32, #tpu.memory_space<hbm>> -> memref<20480x64xf32, #tpu.memory_space<hbm>>
        tpu.enqueue_indirect_dma source(%dma_start3A_142 : memref<20480x64xf32, #tpu.memory_space<hbm>>) target(%arg10 : memref<80x64xf32, #tpu.memory_space<vmem>>) offsets(%dma_start3A_139 : memref<80xi32, #tpu.memory_space<vmem>>) semaphore(%arg15 : memref<!tpu.dma_semaphore, #tpu.memory_space<semaphore_mem>>)
      } else {
      }
      %mul3A_100 = arith.constant 5 : i32
      %mul3A_101 = arith.muli %scan3A_51, %mul3A_100 : i32
      %add3A_102 = arith.constant 3 : i32
      %add3A_103 = arith.addi %mul3A_101, %add3A_102 : i32
      %dma_wait3A_104 = arith.constant 0 : i32
      %dma_wait3A_105 = tpu.memref_slice %arg6[%add3A_103, %dma_wait3A_104] : memref<125x80xi32, #tpu.memory_space<vmem>> -> memref<1x80xi32, #tpu.memory_space<vmem>>
      %dma_wait3A_106 = tpu.memref_squeeze %dma_wait3A_105 : memref<1x80xi32, #tpu.memory_space<vmem>> -> memref<80xi32, #tpu.memory_space<vmem>>
      %dma_wait3A_107 = arith.constant 0 : i32
      %dma_wait3A_108 = arith.constant 0 : i32
      %dma_wait3A_109 = tpu.memref_slice %arg2[%dma_wait3A_107, %dma_wait3A_108] : memref<20480x64xf32, #tpu.memory_space<hbm>> -> memref<20480x64xf32, #tpu.memory_space<hbm>>
      tpu.wait_indirect_dma semaphore(%arg16 : memref<!tpu.dma_semaphore, #tpu.memory_space<semaphore_mem>>) src(%dma_wait3A_109 : memref<20480x64xf32, #tpu.memory_space<hbm>>) dst(%arg11 : memref<80x64xf32, #tpu.memory_space<vmem>>)
      "tpu.region"() ({
        %run_scoped3A = tpu.sem_alloc : memref<!tpu.dma_semaphore, #tpu.memory_space<semaphore_mem>>
        %dma_start3A_135 = arith.constant 0 : i32
        %dma_start3A_136 = tpu.memref_slice %arg7[%add3A_103, %dma_start3A_135] : memref<125x80xi32, #tpu.memory_space<vmem>> -> memref<1x80xi32, #tpu.memory_space<vmem>>
        %dma_start3A_137 = tpu.memref_squeeze %dma_start3A_136 : memref<1x80xi32, #tpu.memory_space<vmem>> -> memref<80xi32, #tpu.memory_space<vmem>>
        %dma_start3A_138 = arith.constant 0 : i32
        %dma_start3A_139 = arith.constant 0 : i32
        %dma_start3A_140 = tpu.memref_slice %arg18[%dma_start3A_138, %dma_start3A_139] : memref<10240x64xf32, #tpu.memory_space<vmem_shared>> -> memref<10240x64xf32, #tpu.memory_space<vmem_shared>>
        tpu.enqueue_indirect_dma source(%arg11 : memref<80x64xf32, #tpu.memory_space<vmem>>) target(%dma_start3A_140 : memref<10240x64xf32, #tpu.memory_space<vmem_shared>>) offsets(%dma_start3A_137 : memref<80xi32, #tpu.memory_space<vmem>>) semaphore(%run_scoped3A : memref<!tpu.dma_semaphore, #tpu.memory_space<semaphore_mem>>) {add = true}
        %dma_wait3A_141 = arith.constant 0 : i32
        %dma_wait3A_142 = tpu.memref_slice %arg7[%add3A_103, %dma_wait3A_141] : memref<125x80xi32, #tpu.memory_space<vmem>> -> memref<1x80xi32, #tpu.memory_space<vmem>>
        %dma_wait3A_143 = tpu.memref_squeeze %dma_wait3A_142 : memref<1x80xi32, #tpu.memory_space<vmem>> -> memref<80xi32, #tpu.memory_space<vmem>>
        %dma_wait3A_144 = arith.constant 0 : i32
        %dma_wait3A_145 = arith.constant 0 : i32
        %dma_wait3A_146 = tpu.memref_slice %arg18[%dma_wait3A_144, %dma_wait3A_145] : memref<10240x64xf32, #tpu.memory_space<vmem_shared>> -> memref<10240x64xf32, #tpu.memory_space<vmem_shared>>
        tpu.wait_indirect_dma semaphore(%run_scoped3A : memref<!tpu.dma_semaphore, #tpu.memory_space<semaphore_mem>>) src(%arg11 : memref<80x64xf32, #tpu.memory_space<vmem>>) dst(%dma_wait3A_146 : memref<10240x64xf32, #tpu.memory_space<vmem_shared>>)
        tpu.yield
      }) : () -> ()
      %add3A_110 = arith.constant 5 : i32
      %add3A_111 = arith.addi %add3A_103, %add3A_110 : i32
      %lt3A_112 = arith.constant 125 : i32
      %lt3A_113 = arith.cmpi slt, %add3A_111, %lt3A_112 : i32
      %convert_element_type3A_114 = arith.extui %lt3A_113 : i1 to i32
      %cond3A_115 = arith.constant 0 : i32
      %cond3A_116 = arith.cmpi ne, %convert_element_type3A_114, %cond3A_115 : i32
      scf.if %cond3A_116 {
        %add3A_135 = arith.constant 5 : i32
        %add3A_136 = arith.addi %add3A_103, %add3A_135 : i32
        %dma_start3A_137 = arith.constant 0 : i32
        %dma_start3A_138 = tpu.memref_slice %arg6[%add3A_136, %dma_start3A_137] : memref<125x80xi32, #tpu.memory_space<vmem>> -> memref<1x80xi32, #tpu.memory_space<vmem>>
        %dma_start3A_139 = tpu.memref_squeeze %dma_start3A_138 : memref<1x80xi32, #tpu.memory_space<vmem>> -> memref<80xi32, #tpu.memory_space<vmem>>
        %dma_start3A_140 = arith.constant 0 : i32
        %dma_start3A_141 = arith.constant 0 : i32
        %dma_start3A_142 = tpu.memref_slice %arg2[%dma_start3A_140, %dma_start3A_141] : memref<20480x64xf32, #tpu.memory_space<hbm>> -> memref<20480x64xf32, #tpu.memory_space<hbm>>
        tpu.enqueue_indirect_dma source(%dma_start3A_142 : memref<20480x64xf32, #tpu.memory_space<hbm>>) target(%arg11 : memref<80x64xf32, #tpu.memory_space<vmem>>) offsets(%dma_start3A_139 : memref<80xi32, #tpu.memory_space<vmem>>) semaphore(%arg16 : memref<!tpu.dma_semaphore, #tpu.memory_space<semaphore_mem>>)
      } else {
      }
      %mul3A_117 = arith.constant 5 : i32
      %mul3A_118 = arith.muli %scan3A_51, %mul3A_117 : i32
      %add3A_119 = arith.constant 4 : i32
      %add3A_120 = arith.addi %mul3A_118, %add3A_119 : i32
      %dma_wait3A_121 = arith.constant 0 : i32
      %dma_wait3A_122 = tpu.memref_slice %arg6[%add3A_120, %dma_wait3A_121] : memref<125x80xi32, #tpu.memory_space<vmem>> -> memref<1x80xi32, #tpu.memory_space<vmem>>
      %dma_wait3A_123 = tpu.memref_squeeze %dma_wait3A_122 : memref<1x80xi32, #tpu.memory_space<vmem>> -> memref<80xi32, #tpu.memory_space<vmem>>
      %dma_wait3A_124 = arith.constant 0 : i32
      %dma_wait3A_125 = arith.constant 0 : i32
      %dma_wait3A_126 = tpu.memref_slice %arg2[%dma_wait3A_124, %dma_wait3A_125] : memref<20480x64xf32, #tpu.memory_space<hbm>> -> memref<20480x64xf32, #tpu.memory_space<hbm>>
      tpu.wait_indirect_dma semaphore(%arg17 : memref<!tpu.dma_semaphore, #tpu.memory_space<semaphore_mem>>) src(%dma_wait3A_126 : memref<20480x64xf32, #tpu.memory_space<hbm>>) dst(%arg12 : memref<80x64xf32, #tpu.memory_space<vmem>>)
      "tpu.region"() ({
        %run_scoped3A = tpu.sem_alloc : memref<!tpu.dma_semaphore, #tpu.memory_space<semaphore_mem>>
        %dma_start3A_135 = arith.constant 0 : i32
        %dma_start3A_136 = tpu.memref_slice %arg7[%add3A_120, %dma_start3A_135] : memref<125x80xi32, #tpu.memory_space<vmem>> -> memref<1x80xi32, #tpu.memory_space<vmem>>
        %dma_start3A_137 = tpu.memref_squeeze %dma_start3A_136 : memref<1x80xi32, #tpu.memory_space<vmem>> -> memref<80xi32, #tpu.memory_space<vmem>>
        %dma_start3A_138 = arith.constant 0 : i32
        %dma_start3A_139 = arith.constant 0 : i32
        %dma_start3A_140 = tpu.memref_slice %arg18[%dma_start3A_138, %dma_start3A_139] : memref<10240x64xf32, #tpu.memory_space<vmem_shared>> -> memref<10240x64xf32, #tpu.memory_space<vmem_shared>>
        tpu.enqueue_indirect_dma source(%arg12 : memref<80x64xf32, #tpu.memory_space<vmem>>) target(%dma_start3A_140 : memref<10240x64xf32, #tpu.memory_space<vmem_shared>>) offsets(%dma_start3A_137 : memref<80xi32, #tpu.memory_space<vmem>>) semaphore(%run_scoped3A : memref<!tpu.dma_semaphore, #tpu.memory_space<semaphore_mem>>) {add = true}
        %dma_wait3A_141 = arith.constant 0 : i32
        %dma_wait3A_142 = tpu.memref_slice %arg7[%add3A_120, %dma_wait3A_141] : memref<125x80xi32, #tpu.memory_space<vmem>> -> memref<1x80xi32, #tpu.memory_space<vmem>>
        %dma_wait3A_143 = tpu.memref_squeeze %dma_wait3A_142 : memref<1x80xi32, #tpu.memory_space<vmem>> -> memref<80xi32, #tpu.memory_space<vmem>>
        %dma_wait3A_144 = arith.constant 0 : i32
        %dma_wait3A_145 = arith.constant 0 : i32
        %dma_wait3A_146 = tpu.memref_slice %arg18[%dma_wait3A_144, %dma_wait3A_145] : memref<10240x64xf32, #tpu.memory_space<vmem_shared>> -> memref<10240x64xf32, #tpu.memory_space<vmem_shared>>
        tpu.wait_indirect_dma semaphore(%run_scoped3A : memref<!tpu.dma_semaphore, #tpu.memory_space<semaphore_mem>>) src(%arg12 : memref<80x64xf32, #tpu.memory_space<vmem>>) dst(%dma_wait3A_146 : memref<10240x64xf32, #tpu.memory_space<vmem_shared>>)
        tpu.yield
      }) : () -> ()
      %add3A_127 = arith.constant 5 : i32
      %add3A_128 = arith.addi %add3A_120, %add3A_127 : i32
      %lt3A_129 = arith.constant 125 : i32
      %lt3A_130 = arith.cmpi slt, %add3A_128, %lt3A_129 : i32
      %convert_element_type3A_131 = arith.extui %lt3A_130 : i1 to i32
      %cond3A_132 = arith.constant 0 : i32
      %cond3A_133 = arith.cmpi ne, %convert_element_type3A_131, %cond3A_132 : i32
      scf.if %cond3A_133 {
        %add3A_135 = arith.constant 5 : i32
        %add3A_136 = arith.addi %add3A_120, %add3A_135 : i32
        %dma_start3A_137 = arith.constant 0 : i32
        %dma_start3A_138 = tpu.memref_slice %arg6[%add3A_136, %dma_start3A_137] : memref<125x80xi32, #tpu.memory_space<vmem>> -> memref<1x80xi32, #tpu.memory_space<vmem>>
        %dma_start3A_139 = tpu.memref_squeeze %dma_start3A_138 : memref<1x80xi32, #tpu.memory_space<vmem>> -> memref<80xi32, #tpu.memory_space<vmem>>
        %dma_start3A_140 = arith.constant 0 : i32
        %dma_start3A_141 = arith.constant 0 : i32
        %dma_start3A_142 = tpu.memref_slice %arg2[%dma_start3A_140, %dma_start3A_141] : memref<20480x64xf32, #tpu.memory_space<hbm>> -> memref<20480x64xf32, #tpu.memory_space<hbm>>
        tpu.enqueue_indirect_dma source(%dma_start3A_142 : memref<20480x64xf32, #tpu.memory_space<hbm>>) target(%arg12 : memref<80x64xf32, #tpu.memory_space<vmem>>) offsets(%dma_start3A_139 : memref<80xi32, #tpu.memory_space<vmem>>) semaphore(%arg17 : memref<!tpu.dma_semaphore, #tpu.memory_space<semaphore_mem>>)
      } else {
      }
      %scan3A_134 = arith.constant 0 : i32
      scf.yield %scan3A_134 : i32
    }
    %scan3A_47 = arith.constant 25 : i32
    %barrier3A_48 = arith.constant 0 : index
    tpu.barrier barrier_id(%barrier3A_48)
    %mul3A_49 = arith.constant 640 : i32
    %mul3A_50 = arith.muli %arg1, %mul3A_49 : i32
    "tpu.region"() ({
      %run_scoped3A = tpu.sem_alloc : memref<!tpu.dma_semaphore, #tpu.memory_space<semaphore_mem>>
      %dma_start3A_51 = arith.constant 0 : i32
      %dma_start3A_52 = tpu.memref_slice %arg5[%add3A, %dma_start3A_51] : memref<20480x64xf32, #tpu.memory_space<hbm>> -> memref<640x64xf32, #tpu.memory_space<hbm>>
      %dma_start3A_53 = arith.constant 0 : i32
      %dma_start3A_54 = tpu.memref_slice %arg18[%mul3A_50, %dma_start3A_53] : memref<10240x64xf32, #tpu.memory_space<vmem_shared>> -> memref<640x64xf32, #tpu.memory_space<vmem_shared>>
      tpu.enqueue_dma source(%dma_start3A_54 : memref<640x64xf32, #tpu.memory_space<vmem_shared>>) target(%dma_start3A_52 : memref<640x64xf32, #tpu.memory_space<hbm>>) target_semaphore(%run_scoped3A : memref<!tpu.dma_semaphore, #tpu.memory_space<semaphore_mem>>)
      %dma_wait3A = arith.constant 0 : i32
      %dma_wait3A_55 = tpu.memref_slice %arg5[%add3A, %dma_wait3A] : memref<20480x64xf32, #tpu.memory_space<hbm>> -> memref<640x64xf32, #tpu.memory_space<hbm>>
      %dma_wait3A_56 = arith.constant 0 : i32
      %dma_wait3A_57 = tpu.memref_slice %arg18[%mul3A_50, %dma_wait3A_56] : memref<10240x64xf32, #tpu.memory_space<vmem_shared>> -> memref<640x64xf32, #tpu.memory_space<vmem_shared>>
      tpu.wait_dma2 semaphore(%run_scoped3A : memref<!tpu.dma_semaphore, #tpu.memory_space<semaphore_mem>>) src(%dma_wait3A_57 : memref<640x64xf32, #tpu.memory_space<vmem_shared>>) dst(%dma_wait3A_55 : memref<640x64xf32, #tpu.memory_space<hbm>>)
      tpu.yield
    }) : () -> ()
    return
  }
}

module attributes {stable_mosaic.version = 14 : i64} {
  func.func @_pre_kernel(%arg0: i32, %arg1: memref<2000x256xf32, #tpu.memory_space<vmem>>, %arg2: memref<256x256xf32, #tpu.memory_space<vmem>>, %arg3: memref<2000x2xf32, #tpu.memory_space<vmem>>, %arg4: memref<2x2000x64xf32, #tpu.memory_space<vmem>>, %arg5: memref<2x2000x64xf32, #tpu.memory_space<vmem>>) attributes {dimension_semantics = [#tpu.dimension_semantics<arbitrary>], iteration_bounds = array<i64: 5>, scalar_prefetch = 0 : i64, scratch_operands = 0 : i64, tpu.core_type = #tpu.core_type<tc>, window_params = [{transform_indices = @transform_0, window_bounds = array<i64: 2000, 256>}, {pipeline_mode = #tpu.pipeline_mode<synchronous>, transform_indices = @transform_1, window_bounds = array<i64: 256, 256>}, {transform_indices = @transform_2, window_bounds = array<i64: 2000, 2>}, {transform_indices = @transform_3, window_bounds = array<i64: 2, 2000, 64>}, {transform_indices = @transform_4, window_bounds = array<i64: 2, 2000, 64>}]} {
    %get3A = arith.constant 0 : index
    %get3A_0 = arith.constant 0 : index
    %get3A_1 = vector.load %arg3[%get3A, %get3A_0] : memref<2000x2xf32, #tpu.memory_space<vmem>>, vector<2000x1xf32>
    %get3A_2 = vector.shape_cast %get3A_1 : vector<2000x1xf32> to vector<2000xf32>
    %get3A_3 = arith.constant 0 : index
    %get3A_4 = arith.constant 1 : index
    %get3A_5 = vector.load %arg3[%get3A_3, %get3A_4] : memref<2000x2xf32, #tpu.memory_space<vmem>>, vector<2000x1xf32>
    %get3A_6 = vector.shape_cast %get3A_5 : vector<2000x1xf32> to vector<2000xf32>
    %add3A = arith.addf %get3A_2, %get3A_6 : vector<2000xf32>
    %add3A_7 = arith.constant 1.000000e+00 : f32
    %add3A_8 = vector.broadcast %add3A_7 : f32 to vector<2000xf32>
    %add3A_9 = arith.addf %add3A, %add3A_8 : vector<2000xf32>
    %rsqrt3A = math.rsqrt %add3A_9 : vector<2000xf32>
    %get3A_10 = arith.constant 0 : index
    %get3A_11 = arith.constant 0 : index
    %get3A_12 = vector.load %arg1[%get3A_10, %get3A_11] : memref<2000x256xf32, #tpu.memory_space<vmem>>, vector<2000x256xf32>
    %get3A_13 = arith.constant 0 : index
    %get3A_14 = arith.constant 0 : index
    %get3A_15 = vector.load %arg2[%get3A_13, %get3A_14] : memref<256x256xf32, #tpu.memory_space<vmem>>, vector<256x256xf32>
    %dot_general3A = arith.constant dense<0.000000e+00> : vector<2000x256xf32>
    %dot_general3A_16 = tpu.matmul %get3A_12, %get3A_15, %dot_general3A {dimension_numbers = #tpu.dot_dimension_numbers<[1], [0], [0], [1], [0, 0, 1, 1], [], []>, transpose_lhs_hint = false} : vector<2000x256xf32>, vector<256x256xf32>, vector<2000x256xf32> -> vector<2000x256xf32>
    %broadcast_in_dim3A = vector.shape_cast %rsqrt3A : vector<2000xf32> to vector<2000x1xf32>
    %mul3A = vector.broadcast %broadcast_in_dim3A : vector<2000x1xf32> to vector<2000x256xf32>
    %mul3A_17 = arith.mulf %dot_general3A_16, %mul3A : vector<2000x256xf32>
    %slice3A = vector.extract_strided_slice %mul3A_17 {offsets = [0, 0], sizes = [2000, 64], strides = [1, 1]} : vector<2000x256xf32> to vector<2000x64xf32>
    %swap3A = arith.constant 0 : index
    %swap3A_18 = arith.constant 0 : index
    %swap3A_19 = arith.constant 0 : index
    %swap3A_20 = vector.load %arg4[%swap3A, %swap3A_18, %swap3A_19] : memref<2x2000x64xf32, #tpu.memory_space<vmem>>, vector<1x2000x64xf32>
    %swap3A_21 = vector.shape_cast %swap3A_20 : vector<1x2000x64xf32> to vector<2000x64xf32>
    %swap3A_22 = vector.shape_cast %slice3A : vector<2000x64xf32> to vector<1x2000x64xf32>
    tpu.vector_store %arg4[%swap3A, %swap3A_18, %swap3A_19], %swap3A_22 {strides = array<i32>} : memref<2x2000x64xf32, #tpu.memory_space<vmem>>, vector<1x2000x64xf32>,
    %slice3A_23 = vector.extract_strided_slice %mul3A_17 {offsets = [0, 64], sizes = [2000, 64], strides = [1, 1]} : vector<2000x256xf32> to vector<2000x64xf32>
    %swap3A_24 = arith.constant 1 : index
    %swap3A_25 = arith.constant 0 : index
    %swap3A_26 = arith.constant 0 : index
    %swap3A_27 = vector.load %arg4[%swap3A_24, %swap3A_25, %swap3A_26] : memref<2x2000x64xf32, #tpu.memory_space<vmem>>, vector<1x2000x64xf32>
    %swap3A_28 = vector.shape_cast %swap3A_27 : vector<1x2000x64xf32> to vector<2000x64xf32>
    %swap3A_29 = vector.shape_cast %slice3A_23 : vector<2000x64xf32> to vector<1x2000x64xf32>
    tpu.vector_store %arg4[%swap3A_24, %swap3A_25, %swap3A_26], %swap3A_29 {strides = array<i32>} : memref<2x2000x64xf32, #tpu.memory_space<vmem>>, vector<1x2000x64xf32>,
    %slice3A_30 = vector.extract_strided_slice %mul3A_17 {offsets = [0, 128], sizes = [2000, 64], strides = [1, 1]} : vector<2000x256xf32> to vector<2000x64xf32>
    %swap3A_31 = arith.constant 0 : index
    %swap3A_32 = arith.constant 0 : index
    %swap3A_33 = arith.constant 0 : index
    %swap3A_34 = vector.load %arg5[%swap3A_31, %swap3A_32, %swap3A_33] : memref<2x2000x64xf32, #tpu.memory_space<vmem>>, vector<1x2000x64xf32>
    %swap3A_35 = vector.shape_cast %swap3A_34 : vector<1x2000x64xf32> to vector<2000x64xf32>
    %swap3A_36 = vector.shape_cast %slice3A_30 : vector<2000x64xf32> to vector<1x2000x64xf32>
    tpu.vector_store %arg5[%swap3A_31, %swap3A_32, %swap3A_33], %swap3A_36 {strides = array<i32>} : memref<2x2000x64xf32, #tpu.memory_space<vmem>>, vector<1x2000x64xf32>,
    %slice3A_37 = vector.extract_strided_slice %mul3A_17 {offsets = [0, 192], sizes = [2000, 64], strides = [1, 1]} : vector<2000x256xf32> to vector<2000x64xf32>
    %swap3A_38 = arith.constant 1 : index
    %swap3A_39 = arith.constant 0 : index
    %swap3A_40 = arith.constant 0 : index
    %swap3A_41 = vector.load %arg5[%swap3A_38, %swap3A_39, %swap3A_40] : memref<2x2000x64xf32, #tpu.memory_space<vmem>>, vector<1x2000x64xf32>
    %swap3A_42 = vector.shape_cast %swap3A_41 : vector<1x2000x64xf32> to vector<2000x64xf32>
    %swap3A_43 = vector.shape_cast %slice3A_37 : vector<2000x64xf32> to vector<1x2000x64xf32>
    tpu.vector_store %arg5[%swap3A_38, %swap3A_39, %swap3A_40], %swap3A_43 {strides = array<i32>} : memref<2x2000x64xf32, #tpu.memory_space<vmem>>, vector<1x2000x64xf32>,
    return
  }
  func.func @transform_0(%arg0: i32) -> (i32, i32) {
    %c0_i32 = arith.constant 0 : i32
    %c0_i32_0 = arith.constant 0 : i32
    return %arg0, %c0_i32 : i32, i32
  }
  func.func @transform_1(%arg0: i32) -> (i32, i32) {
    %c0_i32 = arith.constant 0 : i32
    %c0_i32_0 = arith.constant 0 : i32
    %c0_i32_1 = arith.constant 0 : i32
    return %c0_i32, %c0_i32_0 : i32, i32
  }
  func.func @transform_2(%arg0: i32) -> (i32, i32) {
    %c0_i32 = arith.constant 0 : i32
    %c0_i32_0 = arith.constant 0 : i32
    return %arg0, %c0_i32 : i32, i32
  }
  func.func @transform_3(%arg0: i32) -> (i32, i32, i32) {
    %c0_i32 = arith.constant 0 : i32
    %c0_i32_0 = arith.constant 0 : i32
    %c0_i32_1 = arith.constant 0 : i32
    return %c0_i32, %arg0, %c0_i32_0 : i32, i32, i32
  }
  func.func @transform_4(%arg0: i32) -> (i32, i32, i32) {
    %c0_i32 = arith.constant 0 : i32
    %c0_i32_0 = arith.constant 0 : i32
    %c0_i32_1 = arith.constant 0 : i32
    return %c0_i32, %arg0, %c0_i32_0 : i32, i32, i32
  }
}

module attributes {stable_mosaic.version = 14 : i64} {
  func.func @_mid_kernel(%arg0: i32, %arg1: memref<1x2000x64xf32, #tpu.memory_space<vmem>>, %arg2: memref<1x2000x64xf32, #tpu.memory_space<vmem>>, %arg3: memref<1x2000x64xf32, #tpu.memory_space<vmem>>, %arg4: memref<1x2000x64xf32, #tpu.memory_space<vmem>>, %arg5: memref<2000x2xf32, #tpu.memory_space<vmem>>, %arg6: memref<1x256xf32, #tpu.memory_space<vmem>>, %arg7: memref<256x256xf32, #tpu.memory_space<vmem>>, %arg8: memref<2x2000x64xf32, #tpu.memory_space<vmem>>, %arg9: memref<2x2000x64xf32, #tpu.memory_space<vmem>>) attributes {dimension_semantics = [#tpu.dimension_semantics<arbitrary>], iteration_bounds = array<i64: 5>, scalar_prefetch = 0 : i64, scratch_operands = 0 : i64, tpu.core_type = #tpu.core_type<tc>, window_params = [{transform_indices = @transform_0, window_bounds = array<i64: 1, 2000, 64>}, {transform_indices = @transform_1, window_bounds = array<i64: 1, 2000, 64>}, {transform_indices = @transform_2, window_bounds = array<i64: 1, 2000, 64>}, {transform_indices = @transform_3, window_bounds = array<i64: 1, 2000, 64>}, {transform_indices = @transform_4, window_bounds = array<i64: 2000, 2>}, {pipeline_mode = #tpu.pipeline_mode<synchronous>, transform_indices = @transform_5, window_bounds = array<i64: 1, 256>}, {pipeline_mode = #tpu.pipeline_mode<synchronous>, transform_indices = @transform_6, window_bounds = array<i64: 256, 256>}, {transform_indices = @transform_7, window_bounds = array<i64: 2, 2000, 64>}, {transform_indices = @transform_8, window_bounds = array<i64: 2, 2000, 64>}]} {
    %get3A = arith.constant 0 : index
    %get3A_0 = arith.constant 0 : index
    %get3A_1 = vector.load %arg5[%get3A, %get3A_0] : memref<2000x2xf32, #tpu.memory_space<vmem>>, vector<2000x1xf32>
    %get3A_2 = vector.shape_cast %get3A_1 : vector<2000x1xf32> to vector<2000xf32>
    %get3A_3 = arith.constant 0 : index
    %get3A_4 = arith.constant 1 : index
    %get3A_5 = vector.load %arg5[%get3A_3, %get3A_4] : memref<2000x2xf32, #tpu.memory_space<vmem>>, vector<2000x1xf32>
    %get3A_6 = vector.shape_cast %get3A_5 : vector<2000x1xf32> to vector<2000xf32>
    %add3A = arith.addf %get3A_2, %get3A_6 : vector<2000xf32>
    %add3A_7 = arith.constant 1.000000e+00 : f32
    %add3A_8 = vector.broadcast %add3A_7 : f32 to vector<2000xf32>
    %add3A_9 = arith.addf %add3A, %add3A_8 : vector<2000xf32>
    %rsqrt3A = math.rsqrt %add3A_9 : vector<2000xf32>
    %get3A_10 = arith.constant 0 : index
    %get3A_11 = arith.constant 0 : index
    %get3A_12 = arith.constant 0 : index
    %get3A_13 = vector.load %arg1[%get3A_10, %get3A_11, %get3A_12] : memref<1x2000x64xf32, #tpu.memory_space<vmem>>, vector<1x2000x64xf32>
    %get3A_14 = vector.shape_cast %get3A_13 : vector<1x2000x64xf32> to vector<2000x64xf32>
    %get3A_15 = arith.constant 0 : index
    %get3A_16 = arith.constant 0 : index
    %get3A_17 = arith.constant 0 : index
    %get3A_18 = vector.load %arg2[%get3A_15, %get3A_16, %get3A_17] : memref<1x2000x64xf32, #tpu.memory_space<vmem>>, vector<1x2000x64xf32>
    %get3A_19 = vector.shape_cast %get3A_18 : vector<1x2000x64xf32> to vector<2000x64xf32>
    %get3A_20 = arith.constant 0 : index
    %get3A_21 = arith.constant 0 : index
    %get3A_22 = arith.constant 0 : index
    %get3A_23 = vector.load %arg3[%get3A_20, %get3A_21, %get3A_22] : memref<1x2000x64xf32, #tpu.memory_space<vmem>>, vector<1x2000x64xf32>
    %get3A_24 = vector.shape_cast %get3A_23 : vector<1x2000x64xf32> to vector<2000x64xf32>
    %get3A_25 = arith.constant 0 : index
    %get3A_26 = arith.constant 0 : index
    %get3A_27 = arith.constant 0 : index
    %get3A_28 = vector.load %arg4[%get3A_25, %get3A_26, %get3A_27] : memref<1x2000x64xf32, #tpu.memory_space<vmem>>, vector<1x2000x64xf32>
    %get3A_29 = vector.shape_cast %get3A_28 : vector<1x2000x64xf32> to vector<2000x64xf32>
    %concatenate3A = tpu.concatenate %get3A_14, %get3A_19, %get3A_24, %get3A_29 in 1 : vector<2000x64xf32>, vector<2000x64xf32>, vector<2000x64xf32>, vector<2000x64xf32> -> vector<2000x256xf32>
    %broadcast_in_dim3A = vector.shape_cast %rsqrt3A : vector<2000xf32> to vector<2000x1xf32>
    %mul3A = vector.broadcast %broadcast_in_dim3A : vector<2000x1xf32> to vector<2000x256xf32>
    %mul3A_30 = arith.mulf %concatenate3A, %mul3A : vector<2000x256xf32>
    %get3A_31 = arith.constant 0 : index
    %get3A_32 = arith.constant 0 : index
    %get3A_33 = vector.load %arg6[%get3A_31, %get3A_32] : memref<1x256xf32, #tpu.memory_space<vmem>>, vector<1x256xf32>
    %add3A_34 = vector.broadcast %get3A_33 : vector<1x256xf32> to vector<2000x256xf32>
    %add3A_35 = arith.addf %mul3A_30, %add3A_34 : vector<2000x256xf32>
    %max3A = arith.constant 0.000000e+00 : f32
    %max3A_36 = vector.broadcast %max3A : f32 to vector<2000x256xf32>
    %max3A_37 = arith.maximumf %add3A_35, %max3A_36 : vector<2000x256xf32>
    %get3A_38 = arith.constant 0 : index
    %get3A_39 = arith.constant 0 : index
    %get3A_40 = vector.load %arg7[%get3A_38, %get3A_39] : memref<256x256xf32, #tpu.memory_space<vmem>>, vector<256x256xf32>
    %dot_general3A = arith.constant dense<0.000000e+00> : vector<2000x256xf32>
    %dot_general3A_41 = tpu.matmul %max3A_37, %get3A_40, %dot_general3A {dimension_numbers = #tpu.dot_dimension_numbers<[1], [0], [0], [1], [0, 0, 1, 1], [], []>, transpose_lhs_hint = false} : vector<2000x256xf32>, vector<256x256xf32>, vector<2000x256xf32> -> vector<2000x256xf32>
    %broadcast_in_dim3A_42 = vector.shape_cast %rsqrt3A : vector<2000xf32> to vector<2000x1xf32>
    %mul3A_43 = vector.broadcast %broadcast_in_dim3A_42 : vector<2000x1xf32> to vector<2000x256xf32>
    %mul3A_44 = arith.mulf %dot_general3A_41, %mul3A_43 : vector<2000x256xf32>
    %slice3A = vector.extract_strided_slice %mul3A_44 {offsets = [0, 0], sizes = [2000, 64], strides = [1, 1]} : vector<2000x256xf32> to vector<2000x64xf32>
    %swap3A = arith.constant 0 : index
    %swap3A_45 = arith.constant 0 : index
    %swap3A_46 = arith.constant 0 : index
    %swap3A_47 = vector.load %arg8[%swap3A, %swap3A_45, %swap3A_46] : memref<2x2000x64xf32, #tpu.memory_space<vmem>>, vector<1x2000x64xf32>
    %swap3A_48 = vector.shape_cast %swap3A_47 : vector<1x2000x64xf32> to vector<2000x64xf32>
    %swap3A_49 = vector.shape_cast %slice3A : vector<2000x64xf32> to vector<1x2000x64xf32>
    tpu.vector_store %arg8[%swap3A, %swap3A_45, %swap3A_46], %swap3A_49 {strides = array<i32>} : memref<2x2000x64xf32, #tpu.memory_space<vmem>>, vector<1x2000x64xf32>,
    %slice3A_50 = vector.extract_strided_slice %mul3A_44 {offsets = [0, 64], sizes = [2000, 64], strides = [1, 1]} : vector<2000x256xf32> to vector<2000x64xf32>
    %swap3A_51 = arith.constant 1 : index
    %swap3A_52 = arith.constant 0 : index
    %swap3A_53 = arith.constant 0 : index
    %swap3A_54 = vector.load %arg8[%swap3A_51, %swap3A_52, %swap3A_53] : memref<2x2000x64xf32, #tpu.memory_space<vmem>>, vector<1x2000x64xf32>
    %swap3A_55 = vector.shape_cast %swap3A_54 : vector<1x2000x64xf32> to vector<2000x64xf32>
    %swap3A_56 = vector.shape_cast %slice3A_50 : vector<2000x64xf32> to vector<1x2000x64xf32>
    tpu.vector_store %arg8[%swap3A_51, %swap3A_52, %swap3A_53], %swap3A_56 {strides = array<i32>} : memref<2x2000x64xf32, #tpu.memory_space<vmem>>, vector<1x2000x64xf32>,
    %slice3A_57 = vector.extract_strided_slice %mul3A_44 {offsets = [0, 128], sizes = [2000, 64], strides = [1, 1]} : vector<2000x256xf32> to vector<2000x64xf32>
    %swap3A_58 = arith.constant 0 : index
    %swap3A_59 = arith.constant 0 : index
    %swap3A_60 = arith.constant 0 : index
    %swap3A_61 = vector.load %arg9[%swap3A_58, %swap3A_59, %swap3A_60] : memref<2x2000x64xf32, #tpu.memory_space<vmem>>, vector<1x2000x64xf32>
    %swap3A_62 = vector.shape_cast %swap3A_61 : vector<1x2000x64xf32> to vector<2000x64xf32>
    %swap3A_63 = vector.shape_cast %slice3A_57 : vector<2000x64xf32> to vector<1x2000x64xf32>
    tpu.vector_store %arg9[%swap3A_58, %swap3A_59, %swap3A_60], %swap3A_63 {strides = array<i32>} : memref<2x2000x64xf32, #tpu.memory_space<vmem>>, vector<1x2000x64xf32>,
    %slice3A_64 = vector.extract_strided_slice %mul3A_44 {offsets = [0, 192], sizes = [2000, 64], strides = [1, 1]} : vector<2000x256xf32> to vector<2000x64xf32>
    %swap3A_65 = arith.constant 1 : index
    %swap3A_66 = arith.constant 0 : index
    %swap3A_67 = arith.constant 0 : index
    %swap3A_68 = vector.load %arg9[%swap3A_65, %swap3A_66, %swap3A_67] : memref<2x2000x64xf32, #tpu.memory_space<vmem>>, vector<1x2000x64xf32>
    %swap3A_69 = vector.shape_cast %swap3A_68 : vector<1x2000x64xf32> to vector<2000x64xf32>
    %swap3A_70 = vector.shape_cast %slice3A_64 : vector<2000x64xf32> to vector<1x2000x64xf32>
    tpu.vector_store %arg9[%swap3A_65, %swap3A_66, %swap3A_67], %swap3A_70 {strides = array<i32>} : memref<2x2000x64xf32, #tpu.memory_space<vmem>>, vector<1x2000x64xf32>,
    return
  }
  func.func @transform_0(%arg0: i32) -> (i32, i32, i32) {
    %c0_i32 = arith.constant 0 : i32
    %c0_i32_0 = arith.constant 0 : i32
    %c0_i32_1 = arith.constant 0 : i32
    return %c0_i32, %arg0, %c0_i32_0 : i32, i32, i32
  }
  func.func @transform_1(%arg0: i32) -> (i32, i32, i32) {
    %c1_i32 = arith.constant 1 : i32
    %c0_i32 = arith.constant 0 : i32
    %c0_i32_0 = arith.constant 0 : i32
    return %c1_i32, %arg0, %c0_i32 : i32, i32, i32
  }
  func.func @transform_2(%arg0: i32) -> (i32, i32, i32) {
    %c0_i32 = arith.constant 0 : i32
    %c0_i32_0 = arith.constant 0 : i32
    %c0_i32_1 = arith.constant 0 : i32
    return %c0_i32, %arg0, %c0_i32_0 : i32, i32, i32
  }
  func.func @transform_3(%arg0: i32) -> (i32, i32, i32) {
    %c1_i32 = arith.constant 1 : i32
    %c0_i32 = arith.constant 0 : i32
    %c0_i32_0 = arith.constant 0 : i32
    return %c1_i32, %arg0, %c0_i32 : i32, i32, i32
  }
  func.func @transform_4(%arg0: i32) -> (i32, i32) {
    %c0_i32 = arith.constant 0 : i32
    %c0_i32_0 = arith.constant 0 : i32
    return %arg0, %c0_i32 : i32, i32
  }
  func.func @transform_5(%arg0: i32) -> (i32, i32) {
    %c0_i32 = arith.constant 0 : i32
    %c0_i32_0 = arith.constant 0 : i32
    %c0_i32_1 = arith.constant 0 : i32
    return %c0_i32, %c0_i32_0 : i32, i32
  }
  func.func @transform_6(%arg0: i32) -> (i32, i32) {
    %c0_i32 = arith.constant 0 : i32
    %c0_i32_0 = arith.constant 0 : i32
    %c0_i32_1 = arith.constant 0 : i32
    return %c0_i32, %c0_i32_0 : i32, i32
  }
  func.func @transform_7(%arg0: i32) -> (i32, i32, i32) {
    %c0_i32 = arith.constant 0 : i32
    %c0_i32_0 = arith.constant 0 : i32
    %c0_i32_1 = arith.constant 0 : i32
    return %c0_i32, %arg0, %c0_i32_0 : i32, i32, i32
  }
  func.func @transform_8(%arg0: i32) -> (i32, i32, i32) {
    %c0_i32 = arith.constant 0 : i32
    %c0_i32_0 = arith.constant 0 : i32
    %c0_i32_1 = arith.constant 0 : i32
    return %c0_i32, %arg0, %c0_i32_0 : i32, i32, i32
  }
}

module attributes {stable_mosaic.version = 14 : i64} {
  func.func @_tail_kernel(%arg0: i32, %arg1: memref<1x2000x64xf32, #tpu.memory_space<vmem>>, %arg2: memref<1x2000x64xf32, #tpu.memory_space<vmem>>, %arg3: memref<1x2000x64xf32, #tpu.memory_space<vmem>>, %arg4: memref<1x2000x64xf32, #tpu.memory_space<vmem>>, %arg5: memref<2000x2xf32, #tpu.memory_space<vmem>>, %arg6: memref<1x256xf32, #tpu.memory_space<vmem>>, %arg7: memref<8x256x256xf32, #tpu.memory_space<vmem>>, %arg8: memref<8x1x256xf32, #tpu.memory_space<vmem>>, %arg9: memref<8x256x256xf32, #tpu.memory_space<vmem>>, %arg10: memref<8x1x256xf32, #tpu.memory_space<vmem>>, %arg11: memref<2000x256xf32, #tpu.memory_space<vmem>>) attributes {dimension_semantics = [#tpu.dimension_semantics<arbitrary>], iteration_bounds = array<i64: 5>, scalar_prefetch = 0 : i64, scratch_operands = 0 : i64, tpu.core_type = #tpu.core_type<tc>, window_params = [{transform_indices = @transform_0, window_bounds = array<i64: 1, 2000, 64>}, {transform_indices = @transform_1, window_bounds = array<i64: 1, 2000, 64>}, {transform_indices = @transform_2, window_bounds = array<i64: 1, 2000, 64>}, {transform_indices = @transform_3, window_bounds = array<i64: 1, 2000, 64>}, {transform_indices = @transform_4, window_bounds = array<i64: 2000, 2>}, {pipeline_mode = #tpu.pipeline_mode<synchronous>, transform_indices = @transform_5, window_bounds = array<i64: 1, 256>}, {pipeline_mode = #tpu.pipeline_mode<synchronous>, transform_indices = @transform_6, window_bounds = array<i64: 8, 256, 256>}, {pipeline_mode = #tpu.pipeline_mode<synchronous>, transform_indices = @transform_7, window_bounds = array<i64: 8, 1, 256>}, {pipeline_mode = #tpu.pipeline_mode<synchronous>, transform_indices = @transform_8, window_bounds = array<i64: 8, 256, 256>}, {pipeline_mode = #tpu.pipeline_mode<synchronous>, transform_indices = @transform_9, window_bounds = array<i64: 8, 1, 256>}, {transform_indices = @transform_10, window_bounds = array<i64: 2000, 256>}]} {
    %get3A = arith.constant 0 : index
    %get3A_0 = arith.constant 0 : index
    %get3A_1 = vector.load %arg5[%get3A, %get3A_0] : memref<2000x2xf32, #tpu.memory_space<vmem>>, vector<2000x1xf32>
    %get3A_2 = vector.shape_cast %get3A_1 : vector<2000x1xf32> to vector<2000xf32>
    %get3A_3 = arith.constant 0 : index
    %get3A_4 = arith.constant 1 : index
    %get3A_5 = vector.load %arg5[%get3A_3, %get3A_4] : memref<2000x2xf32, #tpu.memory_space<vmem>>, vector<2000x1xf32>
    %get3A_6 = vector.shape_cast %get3A_5 : vector<2000x1xf32> to vector<2000xf32>
    %add3A = arith.addf %get3A_2, %get3A_6 : vector<2000xf32>
    %add3A_7 = arith.constant 1.000000e+00 : f32
    %add3A_8 = vector.broadcast %add3A_7 : f32 to vector<2000xf32>
    %add3A_9 = arith.addf %add3A, %add3A_8 : vector<2000xf32>
    %rsqrt3A = math.rsqrt %add3A_9 : vector<2000xf32>
    %get3A_10 = arith.constant 0 : index
    %get3A_11 = arith.constant 0 : index
    %get3A_12 = arith.constant 0 : index
    %get3A_13 = vector.load %arg1[%get3A_10, %get3A_11, %get3A_12] : memref<1x2000x64xf32, #tpu.memory_space<vmem>>, vector<1x2000x64xf32>
    %get3A_14 = vector.shape_cast %get3A_13 : vector<1x2000x64xf32> to vector<2000x64xf32>
    %get3A_15 = arith.constant 0 : index
    %get3A_16 = arith.constant 0 : index
    %get3A_17 = arith.constant 0 : index
    %get3A_18 = vector.load %arg2[%get3A_15, %get3A_16, %get3A_17] : memref<1x2000x64xf32, #tpu.memory_space<vmem>>, vector<1x2000x64xf32>
    %get3A_19 = vector.shape_cast %get3A_18 : vector<1x2000x64xf32> to vector<2000x64xf32>
    %get3A_20 = arith.constant 0 : index
    %get3A_21 = arith.constant 0 : index
    %get3A_22 = arith.constant 0 : index
    %get3A_23 = vector.load %arg3[%get3A_20, %get3A_21, %get3A_22] : memref<1x2000x64xf32, #tpu.memory_space<vmem>>, vector<1x2000x64xf32>
    %get3A_24 = vector.shape_cast %get3A_23 : vector<1x2000x64xf32> to vector<2000x64xf32>
    %get3A_25 = arith.constant 0 : index
    %get3A_26 = arith.constant 0 : index
    %get3A_27 = arith.constant 0 : index
    %get3A_28 = vector.load %arg4[%get3A_25, %get3A_26, %get3A_27] : memref<1x2000x64xf32, #tpu.memory_space<vmem>>, vector<1x2000x64xf32>
    %get3A_29 = vector.shape_cast %get3A_28 : vector<1x2000x64xf32> to vector<2000x64xf32>
    %concatenate3A = tpu.concatenate %get3A_14, %get3A_19, %get3A_24, %get3A_29 in 1 : vector<2000x64xf32>, vector<2000x64xf32>, vector<2000x64xf32>, vector<2000x64xf32> -> vector<2000x256xf32>
    %broadcast_in_dim3A = vector.shape_cast %rsqrt3A : vector<2000xf32> to vector<2000x1xf32>
    %mul3A = vector.broadcast %broadcast_in_dim3A : vector<2000x1xf32> to vector<2000x256xf32>
    %mul3A_30 = arith.mulf %concatenate3A, %mul3A : vector<2000x256xf32>
    %get3A_31 = arith.constant 0 : index
    %get3A_32 = arith.constant 0 : index
    %get3A_33 = vector.load %arg6[%get3A_31, %get3A_32] : memref<1x256xf32, #tpu.memory_space<vmem>>, vector<1x256xf32>
    %add3A_34 = vector.broadcast %get3A_33 : vector<1x256xf32> to vector<2000x256xf32>
    %add3A_35 = arith.addf %mul3A_30, %add3A_34 : vector<2000x256xf32>
    %get3A_36 = arith.constant 0 : index
    %get3A_37 = arith.constant 0 : index
    %get3A_38 = arith.constant 0 : index
    %get3A_39 = vector.load %arg7[%get3A_36, %get3A_37, %get3A_38] : memref<8x256x256xf32, #tpu.memory_space<vmem>>, vector<1x256x256xf32>
    %get3A_40 = vector.shape_cast %get3A_39 : vector<1x256x256xf32> to vector<256x256xf32>
    %dot_general3A = arith.constant dense<0.000000e+00> : vector<2000x256xf32>
    %dot_general3A_41 = tpu.matmul %add3A_35, %get3A_40, %dot_general3A {dimension_numbers = #tpu.dot_dimension_numbers<[1], [0], [0], [1], [0, 0, 1, 1], [], []>, transpose_lhs_hint = false} : vector<2000x256xf32>, vector<256x256xf32>, vector<2000x256xf32> -> vector<2000x256xf32>
    %get3A_42 = arith.constant 0 : index
    %get3A_43 = arith.constant 0 : index
    %get3A_44 = arith.constant 0 : index
    %get3A_45 = vector.load %arg8[%get3A_42, %get3A_43, %get3A_44] : memref<8x1x256xf32, #tpu.memory_space<vmem>>, vector<1x1x256xf32>
    %get3A_46 = vector.shape_cast %get3A_45 : vector<1x1x256xf32> to vector<1x256xf32>
    %add3A_47 = vector.broadcast %get3A_46 : vector<1x256xf32> to vector<2000x256xf32>
    %add3A_48 = arith.addf %dot_general3A_41, %add3A_47 : vector<2000x256xf32>
    %max3A = arith.constant 0.000000e+00 : f32
    %max3A_49 = vector.broadcast %max3A : f32 to vector<2000x256xf32>
    %max3A_50 = arith.maximumf %add3A_48, %max3A_49 : vector<2000x256xf32>
    %get3A_51 = arith.constant 1 : index
    %get3A_52 = arith.constant 0 : index
    %get3A_53 = arith.constant 0 : index
    %get3A_54 = vector.load %arg7[%get3A_51, %get3A_52, %get3A_53] : memref<8x256x256xf32, #tpu.memory_space<vmem>>, vector<1x256x256xf32>
    %get3A_55 = vector.shape_cast %get3A_54 : vector<1x256x256xf32> to vector<256x256xf32>
    %dot_general3A_56 = arith.constant dense<0.000000e+00> : vector<2000x256xf32>
    %dot_general3A_57 = tpu.matmul %max3A_50, %get3A_55, %dot_general3A_56 {dimension_numbers = #tpu.dot_dimension_numbers<[1], [0], [0], [1], [0, 0, 1, 1], [], []>, transpose_lhs_hint = false} : vector<2000x256xf32>, vector<256x256xf32>, vector<2000x256xf32> -> vector<2000x256xf32>
    %get3A_58 = arith.constant 1 : index
    %get3A_59 = arith.constant 0 : index
    %get3A_60 = arith.constant 0 : index
    %get3A_61 = vector.load %arg8[%get3A_58, %get3A_59, %get3A_60] : memref<8x1x256xf32, #tpu.memory_space<vmem>>, vector<1x1x256xf32>
    %get3A_62 = vector.shape_cast %get3A_61 : vector<1x1x256xf32> to vector<1x256xf32>
    %add3A_63 = vector.broadcast %get3A_62 : vector<1x256xf32> to vector<2000x256xf32>
    %add3A_64 = arith.addf %dot_general3A_57, %add3A_63 : vector<2000x256xf32>
    %max3A_65 = arith.constant 0.000000e+00 : f32
    %max3A_66 = vector.broadcast %max3A_65 : f32 to vector<2000x256xf32>
    %max3A_67 = arith.maximumf %add3A_64, %max3A_66 : vector<2000x256xf32>
    %get3A_68 = arith.constant 2 : index
    %get3A_69 = arith.constant 0 : index
    %get3A_70 = arith.constant 0 : index
    %get3A_71 = vector.load %arg7[%get3A_68, %get3A_69, %get3A_70] : memref<8x256x256xf32, #tpu.memory_space<vmem>>, vector<1x256x256xf32>
    %get3A_72 = vector.shape_cast %get3A_71 : vector<1x256x256xf32> to vector<256x256xf32>
    %dot_general3A_73 = arith.constant dense<0.000000e+00> : vector<2000x256xf32>
    %dot_general3A_74 = tpu.matmul %max3A_67, %get3A_72, %dot_general3A_73 {dimension_numbers = #tpu.dot_dimension_numbers<[1], [0], [0], [1], [0, 0, 1, 1], [], []>, transpose_lhs_hint = false} : vector<2000x256xf32>, vector<256x256xf32>, vector<2000x256xf32> -> vector<2000x256xf32>
    %get3A_75 = arith.constant 2 : index
    %get3A_76 = arith.constant 0 : index
    %get3A_77 = arith.constant 0 : index
    %get3A_78 = vector.load %arg8[%get3A_75, %get3A_76, %get3A_77] : memref<8x1x256xf32, #tpu.memory_space<vmem>>, vector<1x1x256xf32>
    %get3A_79 = vector.shape_cast %get3A_78 : vector<1x1x256xf32> to vector<1x256xf32>
    %add3A_80 = vector.broadcast %get3A_79 : vector<1x256xf32> to vector<2000x256xf32>
    %add3A_81 = arith.addf %dot_general3A_74, %add3A_80 : vector<2000x256xf32>
    %max3A_82 = arith.constant 0.000000e+00 : f32
    %max3A_83 = vector.broadcast %max3A_82 : f32 to vector<2000x256xf32>
    %max3A_84 = arith.maximumf %add3A_81, %max3A_83 : vector<2000x256xf32>
    %get3A_85 = arith.constant 3 : index
    %get3A_86 = arith.constant 0 : index
    %get3A_87 = arith.constant 0 : index
    %get3A_88 = vector.load %arg7[%get3A_85, %get3A_86, %get3A_87] : memref<8x256x256xf32, #tpu.memory_space<vmem>>, vector<1x256x256xf32>
    %get3A_89 = vector.shape_cast %get3A_88 : vector<1x256x256xf32> to vector<256x256xf32>
    %dot_general3A_90 = arith.constant dense<0.000000e+00> : vector<2000x256xf32>
    %dot_general3A_91 = tpu.matmul %max3A_84, %get3A_89, %dot_general3A_90 {dimension_numbers = #tpu.dot_dimension_numbers<[1], [0], [0], [1], [0, 0, 1, 1], [], []>, transpose_lhs_hint = false} : vector<2000x256xf32>, vector<256x256xf32>, vector<2000x256xf32> -> vector<2000x256xf32>
    %get3A_92 = arith.constant 3 : index
    %get3A_93 = arith.constant 0 : index
    %get3A_94 = arith.constant 0 : index
    %get3A_95 = vector.load %arg8[%get3A_92, %get3A_93, %get3A_94] : memref<8x1x256xf32, #tpu.memory_space<vmem>>, vector<1x1x256xf32>
    %get3A_96 = vector.shape_cast %get3A_95 : vector<1x1x256xf32> to vector<1x256xf32>
    %add3A_97 = vector.broadcast %get3A_96 : vector<1x256xf32> to vector<2000x256xf32>
    %add3A_98 = arith.addf %dot_general3A_91, %add3A_97 : vector<2000x256xf32>
    %max3A_99 = arith.constant 0.000000e+00 : f32
    %max3A_100 = vector.broadcast %max3A_99 : f32 to vector<2000x256xf32>
    %max3A_101 = arith.maximumf %add3A_98, %max3A_100 : vector<2000x256xf32>
    %get3A_102 = arith.constant 4 : index
    %get3A_103 = arith.constant 0 : index
    %get3A_104 = arith.constant 0 : index
    %get3A_105 = vector.load %arg7[%get3A_102, %get3A_103, %get3A_104] : memref<8x256x256xf32, #tpu.memory_space<vmem>>, vector<1x256x256xf32>
    %get3A_106 = vector.shape_cast %get3A_105 : vector<1x256x256xf32> to vector<256x256xf32>
    %dot_general3A_107 = arith.constant dense<0.000000e+00> : vector<2000x256xf32>
    %dot_general3A_108 = tpu.matmul %max3A_101, %get3A_106, %dot_general3A_107 {dimension_numbers = #tpu.dot_dimension_numbers<[1], [0], [0], [1], [0, 0, 1, 1], [], []>, transpose_lhs_hint = false} : vector<2000x256xf32>, vector<256x256xf32>, vector<2000x256xf32> -> vector<2000x256xf32>
    %get3A_109 = arith.constant 4 : index
    %get3A_110 = arith.constant 0 : index
    %get3A_111 = arith.constant 0 : index
    %get3A_112 = vector.load %arg8[%get3A_109, %get3A_110, %get3A_111] : memref<8x1x256xf32, #tpu.memory_space<vmem>>, vector<1x1x256xf32>
    %get3A_113 = vector.shape_cast %get3A_112 : vector<1x1x256xf32> to vector<1x256xf32>
    %add3A_114 = vector.broadcast %get3A_113 : vector<1x256xf32> to vector<2000x256xf32>
    %add3A_115 = arith.addf %dot_general3A_108, %add3A_114 : vector<2000x256xf32>
    %max3A_116 = arith.constant 0.000000e+00 : f32
    %max3A_117 = vector.broadcast %max3A_116 : f32 to vector<2000x256xf32>
    %max3A_118 = arith.maximumf %add3A_115, %max3A_117 : vector<2000x256xf32>
    %get3A_119 = arith.constant 5 : index
    %get3A_120 = arith.constant 0 : index
    %get3A_121 = arith.constant 0 : index
    %get3A_122 = vector.load %arg7[%get3A_119, %get3A_120, %get3A_121] : memref<8x256x256xf32, #tpu.memory_space<vmem>>, vector<1x256x256xf32>
    %get3A_123 = vector.shape_cast %get3A_122 : vector<1x256x256xf32> to vector<256x256xf32>
    %dot_general3A_124 = arith.constant dense<0.000000e+00> : vector<2000x256xf32>
    %dot_general3A_125 = tpu.matmul %max3A_118, %get3A_123, %dot_general3A_124 {dimension_numbers = #tpu.dot_dimension_numbers<[1], [0], [0], [1], [0, 0, 1, 1], [], []>, transpose_lhs_hint = false} : vector<2000x256xf32>, vector<256x256xf32>, vector<2000x256xf32> -> vector<2000x256xf32>
    %get3A_126 = arith.constant 5 : index
    %get3A_127 = arith.constant 0 : index
    %get3A_128 = arith.constant 0 : index
    %get3A_129 = vector.load %arg8[%get3A_126, %get3A_127, %get3A_128] : memref<8x1x256xf32, #tpu.memory_space<vmem>>, vector<1x1x256xf32>
    %get3A_130 = vector.shape_cast %get3A_129 : vector<1x1x256xf32> to vector<1x256xf32>
    %add3A_131 = vector.broadcast %get3A_130 : vector<1x256xf32> to vector<2000x256xf32>
    %add3A_132 = arith.addf %dot_general3A_125, %add3A_131 : vector<2000x256xf32>
    %max3A_133 = arith.constant 0.000000e+00 : f32
    %max3A_134 = vector.broadcast %max3A_133 : f32 to vector<2000x256xf32>
    %max3A_135 = arith.maximumf %add3A_132, %max3A_134 : vector<2000x256xf32>
    %get3A_136 = arith.constant 6 : index
    %get3A_137 = arith.constant 0 : index
    %get3A_138 = arith.constant 0 : index
    %get3A_139 = vector.load %arg7[%get3A_136, %get3A_137, %get3A_138] : memref<8x256x256xf32, #tpu.memory_space<vmem>>, vector<1x256x256xf32>
    %get3A_140 = vector.shape_cast %get3A_139 : vector<1x256x256xf32> to vector<256x256xf32>
    %dot_general3A_141 = arith.constant dense<0.000000e+00> : vector<2000x256xf32>
    %dot_general3A_142 = tpu.matmul %max3A_135, %get3A_140, %dot_general3A_141 {dimension_numbers = #tpu.dot_dimension_numbers<[1], [0], [0], [1], [0, 0, 1, 1], [], []>, transpose_lhs_hint = false} : vector<2000x256xf32>, vector<256x256xf32>, vector<2000x256xf32> -> vector<2000x256xf32>
    %get3A_143 = arith.constant 6 : index
    %get3A_144 = arith.constant 0 : index
    %get3A_145 = arith.constant 0 : index
    %get3A_146 = vector.load %arg8[%get3A_143, %get3A_144, %get3A_145] : memref<8x1x256xf32, #tpu.memory_space<vmem>>, vector<1x1x256xf32>
    %get3A_147 = vector.shape_cast %get3A_146 : vector<1x1x256xf32> to vector<1x256xf32>
    %add3A_148 = vector.broadcast %get3A_147 : vector<1x256xf32> to vector<2000x256xf32>
    %add3A_149 = arith.addf %dot_general3A_142, %add3A_148 : vector<2000x256xf32>
    %max3A_150 = arith.constant 0.000000e+00 : f32
    %max3A_151 = vector.broadcast %max3A_150 : f32 to vector<2000x256xf32>
    %max3A_152 = arith.maximumf %add3A_149, %max3A_151 : vector<2000x256xf32>
    %get3A_153 = arith.constant 7 : index
    %get3A_154 = arith.constant 0 : index
    %get3A_155 = arith.constant 0 : index
    %get3A_156 = vector.load %arg7[%get3A_153, %get3A_154, %get3A_155] : memref<8x256x256xf32, #tpu.memory_space<vmem>>, vector<1x256x256xf32>
    %get3A_157 = vector.shape_cast %get3A_156 : vector<1x256x256xf32> to vector<256x256xf32>
    %dot_general3A_158 = arith.constant dense<0.000000e+00> : vector<2000x256xf32>
    %dot_general3A_159 = tpu.matmul %max3A_152, %get3A_157, %dot_general3A_158 {dimension_numbers = #tpu.dot_dimension_numbers<[1], [0], [0], [1], [0, 0, 1, 1], [], []>, transpose_lhs_hint = false} : vector<2000x256xf32>, vector<256x256xf32>, vector<2000x256xf32> -> vector<2000x256xf32>
    %get3A_160 = arith.constant 7 : index
    %get3A_161 = arith.constant 0 : index
    %get3A_162 = arith.constant 0 : index
    %get3A_163 = vector.load %arg8[%get3A_160, %get3A_161, %get3A_162] : memref<8x1x256xf32, #tpu.memory_space<vmem>>, vector<1x1x256xf32>
    %get3A_164 = vector.shape_cast %get3A_163 : vector<1x1x256xf32> to vector<1x256xf32>
    %add3A_165 = vector.broadcast %get3A_164 : vector<1x256xf32> to vector<2000x256xf32>
    %add3A_166 = arith.addf %dot_general3A_159, %add3A_165 : vector<2000x256xf32>
    %max3A_167 = arith.constant 0.000000e+00 : f32
    %max3A_168 = vector.broadcast %max3A_167 : f32 to vector<2000x256xf32>
    %max3A_169 = arith.maximumf %add3A_166, %max3A_168 : vector<2000x256xf32>
    %get3A_170 = arith.constant 0 : index
    %get3A_171 = arith.constant 0 : index
    %get3A_172 = arith.constant 0 : index
    %get3A_173 = vector.load %arg9[%get3A_170, %get3A_171, %get3A_172] : memref<8x256x256xf32, #tpu.memory_space<vmem>>, vector<1x256x256xf32>
    %get3A_174 = vector.shape_cast %get3A_173 : vector<1x256x256xf32> to vector<256x256xf32>
    %dot_general3A_175 = arith.constant dense<0.000000e+00> : vector<2000x256xf32>
    %dot_general3A_176 = tpu.matmul %max3A_169, %get3A_174, %dot_general3A_175 {dimension_numbers = #tpu.dot_dimension_numbers<[1], [0], [0], [1], [0, 0, 1, 1], [], []>, transpose_lhs_hint = false} : vector<2000x256xf32>, vector<256x256xf32>, vector<2000x256xf32> -> vector<2000x256xf32>
    %get3A_177 = arith.constant 0 : index
    %get3A_178 = arith.constant 0 : index
    %get3A_179 = arith.constant 0 : index
    %get3A_180 = vector.load %arg10[%get3A_177, %get3A_178, %get3A_179] : memref<8x1x256xf32, #tpu.memory_space<vmem>>, vector<1x1x256xf32>
    %get3A_181 = vector.shape_cast %get3A_180 : vector<1x1x256xf32> to vector<1x256xf32>
    %add3A_182 = vector.broadcast %get3A_181 : vector<1x256xf32> to vector<2000x256xf32>
    %add3A_183 = arith.addf %dot_general3A_176, %add3A_182 : vector<2000x256xf32>
    %max3A_184 = arith.constant 0.000000e+00 : f32
    %max3A_185 = vector.broadcast %max3A_184 : f32 to vector<2000x256xf32>
    %max3A_186 = arith.maximumf %add3A_183, %max3A_185 : vector<2000x256xf32>
    %get3A_187 = arith.constant 1 : index
    %get3A_188 = arith.constant 0 : index
    %get3A_189 = arith.constant 0 : index
    %get3A_190 = vector.load %arg9[%get3A_187, %get3A_188, %get3A_189] : memref<8x256x256xf32, #tpu.memory_space<vmem>>, vector<1x256x256xf32>
    %get3A_191 = vector.shape_cast %get3A_190 : vector<1x256x256xf32> to vector<256x256xf32>
    %dot_general3A_192 = arith.constant dense<0.000000e+00> : vector<2000x256xf32>
    %dot_general3A_193 = tpu.matmul %max3A_186, %get3A_191, %dot_general3A_192 {dimension_numbers = #tpu.dot_dimension_numbers<[1], [0], [0], [1], [0, 0, 1, 1], [], []>, transpose_lhs_hint = false} : vector<2000x256xf32>, vector<256x256xf32>, vector<2000x256xf32> -> vector<2000x256xf32>
    %get3A_194 = arith.constant 1 : index
    %get3A_195 = arith.constant 0 : index
    %get3A_196 = arith.constant 0 : index
    %get3A_197 = vector.load %arg10[%get3A_194, %get3A_195, %get3A_196] : memref<8x1x256xf32, #tpu.memory_space<vmem>>, vector<1x1x256xf32>
    %get3A_198 = vector.shape_cast %get3A_197 : vector<1x1x256xf32> to vector<1x256xf32>
    %add3A_199 = vector.broadcast %get3A_198 : vector<1x256xf32> to vector<2000x256xf32>
    %add3A_200 = arith.addf %dot_general3A_193, %add3A_199 : vector<2000x256xf32>
    %max3A_201 = arith.constant 0.000000e+00 : f32
    %max3A_202 = vector.broadcast %max3A_201 : f32 to vector<2000x256xf32>
    %max3A_203 = arith.maximumf %add3A_200, %max3A_202 : vector<2000x256xf32>
    %get3A_204 = arith.constant 2 : index
    %get3A_205 = arith.constant 0 : index
    %get3A_206 = arith.constant 0 : index
    %get3A_207 = vector.load %arg9[%get3A_204, %get3A_205, %get3A_206] : memref<8x256x256xf32, #tpu.memory_space<vmem>>, vector<1x256x256xf32>
    %get3A_208 = vector.shape_cast %get3A_207 : vector<1x256x256xf32> to vector<256x256xf32>
    %dot_general3A_209 = arith.constant dense<0.000000e+00> : vector<2000x256xf32>
    %dot_general3A_210 = tpu.matmul %max3A_203, %get3A_208, %dot_general3A_209 {dimension_numbers = #tpu.dot_dimension_numbers<[1], [0], [0], [1], [0, 0, 1, 1], [], []>, transpose_lhs_hint = false} : vector<2000x256xf32>, vector<256x256xf32>, vector<2000x256xf32> -> vector<2000x256xf32>
    %get3A_211 = arith.constant 2 : index
    %get3A_212 = arith.constant 0 : index
    %get3A_213 = arith.constant 0 : index
    %get3A_214 = vector.load %arg10[%get3A_211, %get3A_212, %get3A_213] : memref<8x1x256xf32, #tpu.memory_space<vmem>>, vector<1x1x256xf32>
    %get3A_215 = vector.shape_cast %get3A_214 : vector<1x1x256xf32> to vector<1x256xf32>
    %add3A_216 = vector.broadcast %get3A_215 : vector<1x256xf32> to vector<2000x256xf32>
    %add3A_217 = arith.addf %dot_general3A_210, %add3A_216 : vector<2000x256xf32>
    %max3A_218 = arith.constant 0.000000e+00 : f32
    %max3A_219 = vector.broadcast %max3A_218 : f32 to vector<2000x256xf32>
    %max3A_220 = arith.maximumf %add3A_217, %max3A_219 : vector<2000x256xf32>
    %get3A_221 = arith.constant 3 : index
    %get3A_222 = arith.constant 0 : index
    %get3A_223 = arith.constant 0 : index
    %get3A_224 = vector.load %arg9[%get3A_221, %get3A_222, %get3A_223] : memref<8x256x256xf32, #tpu.memory_space<vmem>>, vector<1x256x256xf32>
    %get3A_225 = vector.shape_cast %get3A_224 : vector<1x256x256xf32> to vector<256x256xf32>
    %dot_general3A_226 = arith.constant dense<0.000000e+00> : vector<2000x256xf32>
    %dot_general3A_227 = tpu.matmul %max3A_220, %get3A_225, %dot_general3A_226 {dimension_numbers = #tpu.dot_dimension_numbers<[1], [0], [0], [1], [0, 0, 1, 1], [], []>, transpose_lhs_hint = false} : vector<2000x256xf32>, vector<256x256xf32>, vector<2000x256xf32> -> vector<2000x256xf32>
    %get3A_228 = arith.constant 3 : index
    %get3A_229 = arith.constant 0 : index
    %get3A_230 = arith.constant 0 : index
    %get3A_231 = vector.load %arg10[%get3A_228, %get3A_229, %get3A_230] : memref<8x1x256xf32, #tpu.memory_space<vmem>>, vector<1x1x256xf32>
    %get3A_232 = vector.shape_cast %get3A_231 : vector<1x1x256xf32> to vector<1x256xf32>
    %add3A_233 = vector.broadcast %get3A_232 : vector<1x256xf32> to vector<2000x256xf32>
    %add3A_234 = arith.addf %dot_general3A_227, %add3A_233 : vector<2000x256xf32>
    %max3A_235 = arith.constant 0.000000e+00 : f32
    %max3A_236 = vector.broadcast %max3A_235 : f32 to vector<2000x256xf32>
    %max3A_237 = arith.maximumf %add3A_234, %max3A_236 : vector<2000x256xf32>
    %get3A_238 = arith.constant 4 : index
    %get3A_239 = arith.constant 0 : index
    %get3A_240 = arith.constant 0 : index
    %get3A_241 = vector.load %arg9[%get3A_238, %get3A_239, %get3A_240] : memref<8x256x256xf32, #tpu.memory_space<vmem>>, vector<1x256x256xf32>
    %get3A_242 = vector.shape_cast %get3A_241 : vector<1x256x256xf32> to vector<256x256xf32>
    %dot_general3A_243 = arith.constant dense<0.000000e+00> : vector<2000x256xf32>
    %dot_general3A_244 = tpu.matmul %max3A_237, %get3A_242, %dot_general3A_243 {dimension_numbers = #tpu.dot_dimension_numbers<[1], [0], [0], [1], [0, 0, 1, 1], [], []>, transpose_lhs_hint = false} : vector<2000x256xf32>, vector<256x256xf32>, vector<2000x256xf32> -> vector<2000x256xf32>
    %get3A_245 = arith.constant 4 : index
    %get3A_246 = arith.constant 0 : index
    %get3A_247 = arith.constant 0 : index
    %get3A_248 = vector.load %arg10[%get3A_245, %get3A_246, %get3A_247] : memref<8x1x256xf32, #tpu.memory_space<vmem>>, vector<1x1x256xf32>
    %get3A_249 = vector.shape_cast %get3A_248 : vector<1x1x256xf32> to vector<1x256xf32>
    %add3A_250 = vector.broadcast %get3A_249 : vector<1x256xf32> to vector<2000x256xf32>
    %add3A_251 = arith.addf %dot_general3A_244, %add3A_250 : vector<2000x256xf32>
    %max3A_252 = arith.constant 0.000000e+00 : f32
    %max3A_253 = vector.broadcast %max3A_252 : f32 to vector<2000x256xf32>
    %max3A_254 = arith.maximumf %add3A_251, %max3A_253 : vector<2000x256xf32>
    %get3A_255 = arith.constant 5 : index
    %get3A_256 = arith.constant 0 : index
    %get3A_257 = arith.constant 0 : index
    %get3A_258 = vector.load %arg9[%get3A_255, %get3A_256, %get3A_257] : memref<8x256x256xf32, #tpu.memory_space<vmem>>, vector<1x256x256xf32>
    %get3A_259 = vector.shape_cast %get3A_258 : vector<1x256x256xf32> to vector<256x256xf32>
    %dot_general3A_260 = arith.constant dense<0.000000e+00> : vector<2000x256xf32>
    %dot_general3A_261 = tpu.matmul %max3A_254, %get3A_259, %dot_general3A_260 {dimension_numbers = #tpu.dot_dimension_numbers<[1], [0], [0], [1], [0, 0, 1, 1], [], []>, transpose_lhs_hint = false} : vector<2000x256xf32>, vector<256x256xf32>, vector<2000x256xf32> -> vector<2000x256xf32>
    %get3A_262 = arith.constant 5 : index
    %get3A_263 = arith.constant 0 : index
    %get3A_264 = arith.constant 0 : index
    %get3A_265 = vector.load %arg10[%get3A_262, %get3A_263, %get3A_264] : memref<8x1x256xf32, #tpu.memory_space<vmem>>, vector<1x1x256xf32>
    %get3A_266 = vector.shape_cast %get3A_265 : vector<1x1x256xf32> to vector<1x256xf32>
    %add3A_267 = vector.broadcast %get3A_266 : vector<1x256xf32> to vector<2000x256xf32>
    %add3A_268 = arith.addf %dot_general3A_261, %add3A_267 : vector<2000x256xf32>
    %max3A_269 = arith.constant 0.000000e+00 : f32
    %max3A_270 = vector.broadcast %max3A_269 : f32 to vector<2000x256xf32>
    %max3A_271 = arith.maximumf %add3A_268, %max3A_270 : vector<2000x256xf32>
    %get3A_272 = arith.constant 6 : index
    %get3A_273 = arith.constant 0 : index
    %get3A_274 = arith.constant 0 : index
    %get3A_275 = vector.load %arg9[%get3A_272, %get3A_273, %get3A_274] : memref<8x256x256xf32, #tpu.memory_space<vmem>>, vector<1x256x256xf32>
    %get3A_276 = vector.shape_cast %get3A_275 : vector<1x256x256xf32> to vector<256x256xf32>
    %dot_general3A_277 = arith.constant dense<0.000000e+00> : vector<2000x256xf32>
    %dot_general3A_278 = tpu.matmul %max3A_271, %get3A_276, %dot_general3A_277 {dimension_numbers = #tpu.dot_dimension_numbers<[1], [0], [0], [1], [0, 0, 1, 1], [], []>, transpose_lhs_hint = false} : vector<2000x256xf32>, vector<256x256xf32>, vector<2000x256xf32> -> vector<2000x256xf32>
    %get3A_279 = arith.constant 6 : index
    %get3A_280 = arith.constant 0 : index
    %get3A_281 = arith.constant 0 : index
    %get3A_282 = vector.load %arg10[%get3A_279, %get3A_280, %get3A_281] : memref<8x1x256xf32, #tpu.memory_space<vmem>>, vector<1x1x256xf32>
    %get3A_283 = vector.shape_cast %get3A_282 : vector<1x1x256xf32> to vector<1x256xf32>
    %add3A_284 = vector.broadcast %get3A_283 : vector<1x256xf32> to vector<2000x256xf32>
    %add3A_285 = arith.addf %dot_general3A_278, %add3A_284 : vector<2000x256xf32>
    %max3A_286 = arith.constant 0.000000e+00 : f32
    %max3A_287 = vector.broadcast %max3A_286 : f32 to vector<2000x256xf32>
    %max3A_288 = arith.maximumf %add3A_285, %max3A_287 : vector<2000x256xf32>
    %get3A_289 = arith.constant 7 : index
    %get3A_290 = arith.constant 0 : index
    %get3A_291 = arith.constant 0 : index
    %get3A_292 = vector.load %arg9[%get3A_289, %get3A_290, %get3A_291] : memref<8x256x256xf32, #tpu.memory_space<vmem>>, vector<1x256x256xf32>
    %get3A_293 = vector.shape_cast %get3A_292 : vector<1x256x256xf32> to vector<256x256xf32>
    %dot_general3A_294 = arith.constant dense<0.000000e+00> : vector<2000x256xf32>
    %dot_general3A_295 = tpu.matmul %max3A_288, %get3A_293, %dot_general3A_294 {dimension_numbers = #tpu.dot_dimension_numbers<[1], [0], [0], [1], [0, 0, 1, 1], [], []>, transpose_lhs_hint = false} : vector<2000x256xf32>, vector<256x256xf32>, vector<2000x256xf32> -> vector<2000x256xf32>
    %get3A_296 = arith.constant 7 : index
    %get3A_297 = arith.constant 0 : index
    %get3A_298 = arith.constant 0 : index
    %get3A_299 = vector.load %arg10[%get3A_296, %get3A_297, %get3A_298] : memref<8x1x256xf32, #tpu.memory_space<vmem>>, vector<1x1x256xf32>
    %get3A_300 = vector.shape_cast %get3A_299 : vector<1x1x256xf32> to vector<1x256xf32>
    %add3A_301 = vector.broadcast %get3A_300 : vector<1x256xf32> to vector<2000x256xf32>
    %add3A_302 = arith.addf %dot_general3A_295, %add3A_301 : vector<2000x256xf32>
    %swap3A = arith.constant 0 : index
    %swap3A_303 = arith.constant 0 : index
    %swap3A_304 = vector.load %arg11[%swap3A, %swap3A_303] : memref<2000x256xf32, #tpu.memory_space<vmem>>, vector<2000x256xf32>
    tpu.vector_store %arg11[%swap3A, %swap3A_303], %add3A_302 {strides = array<i32>} : memref<2000x256xf32, #tpu.memory_space<vmem>>, vector<2000x256xf32>,
    return
  }
  func.func @transform_0(%arg0: i32) -> (i32, i32, i32) {
    %c0_i32 = arith.constant 0 : i32
    %c0_i32_0 = arith.constant 0 : i32
    %c0_i32_1 = arith.constant 0 : i32
    return %c0_i32, %arg0, %c0_i32_0 : i32, i32, i32
  }
  func.func @transform_1(%arg0: i32) -> (i32, i32, i32) {
    %c1_i32 = arith.constant 1 : i32
    %c0_i32 = arith.constant 0 : i32
    %c0_i32_0 = arith.constant 0 : i32
    return %c1_i32, %arg0, %c0_i32 : i32, i32, i32
  }
  func.func @transform_2(%arg0: i32) -> (i32, i32, i32) {
    %c0_i32 = arith.constant 0 : i32
    %c0_i32_0 = arith.constant 0 : i32
    %c0_i32_1 = arith.constant 0 : i32
    return %c0_i32, %arg0, %c0_i32_0 : i32, i32, i32
  }
  func.func @transform_3(%arg0: i32) -> (i32, i32, i32) {
    %c1_i32 = arith.constant 1 : i32
    %c0_i32 = arith.constant 0 : i32
    %c0_i32_0 = arith.constant 0 : i32
    return %c1_i32, %arg0, %c0_i32 : i32, i32, i32
  }
  func.func @transform_4(%arg0: i32) -> (i32, i32) {
    %c0_i32 = arith.constant 0 : i32
    %c0_i32_0 = arith.constant 0 : i32
    return %arg0, %c0_i32 : i32, i32
  }
  func.func @transform_5(%arg0: i32) -> (i32, i32) {
    %c0_i32 = arith.constant 0 : i32
    %c0_i32_0 = arith.constant 0 : i32
    %c0_i32_1 = arith.constant 0 : i32
    return %c0_i32, %c0_i32_0 : i32, i32
  }
  func.func @transform_6(%arg0: i32) -> (i32, i32, i32) {
    %c0_i32 = arith.constant 0 : i32
    %c0_i32_0 = arith.constant 0 : i32
    %c0_i32_1 = arith.constant 0 : i32
    %c0_i32_2 = arith.constant 0 : i32
    return %c0_i32, %c0_i32_0, %c0_i32_1 : i32, i32, i32
  }
  func.func @transform_7(%arg0: i32) -> (i32, i32, i32) {
    %c0_i32 = arith.constant 0 : i32
    %c0_i32_0 = arith.constant 0 : i32
    %c0_i32_1 = arith.constant 0 : i32
    %c0_i32_2 = arith.constant 0 : i32
    return %c0_i32, %c0_i32_0, %c0_i32_1 : i32, i32, i32
  }
  func.func @transform_8(%arg0: i32) -> (i32, i32, i32) {
    %c0_i32 = arith.constant 0 : i32
    %c0_i32_0 = arith.constant 0 : i32
    %c0_i32_1 = arith.constant 0 : i32
    %c0_i32_2 = arith.constant 0 : i32
    return %c0_i32, %c0_i32_0, %c0_i32_1 : i32, i32, i32
  }
  func.func @transform_9(%arg0: i32) -> (i32, i32, i32) {
    %c0_i32 = arith.constant 0 : i32
    %c0_i32_0 = arith.constant 0 : i32
    %c0_i32_1 = arith.constant 0 : i32
    %c0_i32_2 = arith.constant 0 : i32
    return %c0_i32, %c0_i32_0, %c0_i32_1 : i32, i32, i32
  }
  func.func @transform_10(%arg0: i32) -> (i32, i32) {
    %c0_i32 = arith.constant 0 : i32
    %c0_i32_0 = arith.constant 0 : i32
    return %arg0, %c0_i32 : i32, i32
  }
}

</mosaic_0001>

<sc_bundles>
// kernel: kernel.10.cloned.1.call-start
scs
__scs_entry_jumppad:
0x0: {  	(pc) =	sbr.rel $0x88, $3  }
0x1: {  	(tag) =	ssettag $0x0;
	lr =	simm.s32 $0x1  }
0x2: {  	[smem:$0x3F97] =	sst lr;
	_ =	strace $0xD0000000  }
0x3: {  	_ = 	snop  }
0x4: {  	_ = 	snop  }
0x5: {  	_ = 	snop  }
0x6: {  	_ = 	snop  }
0x7: {  	_ = 	snop  }
__scs_overlays_trampoline_lowered:
0x8: {  	[smem:$0x3FA6] =	sst s0  }
0x9: {  	[smem:$0x3FA7] =	sst s1  }
0xa: {  	[smem:$0x3FA8] =	sst s2  }
0xb: {  	[smem:$0x3FA9] =	sst s3  }
0xc: {  	[smem:$0x3FAA] =	sst s4  }
0xd: {  	[smem:$0x3FAB] =	sst s5  }
0xe: {  	[smem:$0x3FAC] =	sst s6  }
0xf: {  	[smem:$0x3FAD] =	sst s7  }
0x10: {  	[smem:$0x3FAE] =	sst s8  }
0x11: {  	[smem:$0x3FAF] =	sst s9;
	s0 =	simm.s32 @!p0 $0x0  }
0x12: {  	s1 =	sld [smem:$0x3F95];
	s0 =	simm.s32 @p0 $0x1  }
0x13: {  	[smem:$0x3FB0] =	sst s0;
	s0 =	simm.s32 @!p1 $0x0  }
0x14: {  	s2 =	sld [smem:$0x3F94];
	s0 =	simm.s32 @p1 $0x1  }
0x15: {  	[smem:$0x3FB1] =	sst s0;
	s0 =	simm.s32 @!p2 $0x0  }
0x16: {  	s3 =	sld [smem:$0x3FDB];
	s0 =	simm.s32 @p2 $0x1  }
0x17: {  	s4 =	simm.s32 $0x1BF5;
	[smem:$0x3FB3] =	sst s0  }
0x18: {  	s0 =	sld [smem:$0x3F96];
	_ =	swait.ge [sflag:s4], $0x0  }
0x19: {  	s7 =	sld [smem:$0x3F97]  }
0x1a: {  	s8 =	sadd.s32 $0xFFFFE003, lr  }
0x1b: {  	s9 =	sadd.s32 $0xFFFFFEF7, lr;
	s5 =	simm.s32 $0xFFFFFFFF;
	p2 =	slt.u32 s8, $0xFFFFF086  }
0x1c: {  	p1 =	slt.u32 s9, $0xF7A;
	s5 =	simm.s32 @!p2 $0x0  }
0x1d: {  	s5 =	simm.s32 @p1 $0x1;
	p0 =	seq.s32 s7, s2  }
0x1e: {  	s7 =	smul.u32 @!p0 $0xF7A, s2;
	p2 =	seq.s32 @!p0 s5, $0x0  }
0x1f: {  	s9 =	smul.u32 $0xF7A, s1;
	s8 =	simm.s32 @!p0 $0x1BF5;
	p2 =	por !p2, p0  }
0x20: {  	[sflag:s8] =	ssyncset.s32 @!p0 $0xFFFFF086;
	s6 =	sadd.s32 @!p0 s3, s7;
	s7 =	simm.s32 @!p0 $0x108  }
0x21: {  	s3 =	sadd.s32 s3, s9;
	s6 =	sadd.s32 @!p0 $0x88, s6;
	s7 =	simm.s32 @p2 $0x1082  }
0x22: {  	[simem:s7], [sflag:s8] =	dma.local @!p0 [hbm:s6], $0xF7A  }
0x23: {  	s9 =	sor.u32 $0xD0000000, s2;
	s6 =	simm.s32 $0x108;
	_ =	swait.ge @!p0 [sflag:s8], $0x0  }
0x24: {  	s3 =	sadd.s32 $0x88, s3;
	s6 =	simm.s32 @!p1 $0x1082;
	[sflag:s4] =	ssyncset.s32 $0xFFFFF086  }
0x25: {  	[simem:s6], [sflag:s4] =	dma.local [hbm:s3], $0xF7A  }
0x26: {  	[smem:$0x3F97] =	sst s1;
	(tag) =	ssettag s2;
	_ =	strace s9  }
0x27: {  	s1 =	sld [smem:$0x3FA7]  }
0x28: {  	s2 =	sld [smem:$0x3FA8]  }
0x29: {  	s4 =	sld [smem:$0x3FAA]  }
0x2a: {  	p0 =	seq.s32 s5, $0x0;
	s5 =	sld [smem:$0x3FAB]  }
0x2b: {  	s6 =	sld [smem:$0x3FAC]  }
0x2c: {  	s7 =	sld [smem:$0x3FAD]  }
0x2d: {  	s3 =	simm.s32 $0x108;
	s8 =	sld [smem:$0x3FAE]  }
0x2e: {  	s3 =	simm.s32 @!p0 $0x1082;
	s9 =	sld [smem:$0x3FAF]  }
0x2f: {  	lr =	sadd.s32 s0, s3;
	s0 =	sld [smem:$0x3FA6]  }
0x30: {  	s3 =	sld [smem:$0x3FA9]  }
0x31: {  	[smem:$0x3FB2] =	sst s10  }
0x32: {  	s10 =	sld [smem:$0x3FB0];
	_ =	sdelay $0x3  }
0x33: {  	p0 =	seq.s32 s10, $0x1;
	s10 =	sld [smem:$0x3FB2];
	_ =	sdelay $0x3  }
0x34: {  	[smem:$0x3FB2] =	sst s10  }
0x35: {  	s10 =	sld [smem:$0x3FB1];
	_ =	sdelay $0x3  }
0x36: {  	p1 =	seq.s32 s10, $0x1;
	s10 =	sld [smem:$0x3FB2];
	_ =	sdelay $0x3  }
0x37: {  	[smem:$0x3FB2] =	sst s10  }
0x38: {  	s10 =	sld [smem:$0x3FB3]  }
0x39: {  	_ = 	snop;
	(pc) =	sbr.ind lr, $3  }
0x3a: {  	_ = 	snop  }
0x3b: {  	_ = 	snop  }
0x3c: {  	p2 =	seq.s32 s10, $0x1;
	s10 =	sld [smem:$0x3FB2]  }
0x3d: {  	_ =	shalt  }
0x3e: {  	_ =	shalt  }
0x3f: {  	_ =	shalt  }
0x40: {  	_ =	shalt  }
0x41: {  	_ =	shalt  }
0x42: {  	_ =	shalt  }
0x43: {  	_ =	shalt  }
0x44: {  	_ =	shalt  }
0x45: {  	_ =	shalt  }
0x46: {  	_ =	shalt  }
0x47: {  	_ =	shalt  }
0x48: {  	_ =	shalt  }
0x49: {  	_ =	shalt  }
0x4a: {  	_ =	shalt  }
0x4b: {  	_ =	shalt  }
0x4c: {  	_ =	shalt  }
0x4d: {  	_ =	shalt  }
0x4e: {  	_ =	shalt  }
0x4f: {  	_ =	shalt  }
0x50: {  	_ =	shalt  }
0x51: {  	_ =	shalt  }
0x52: {  	_ =	shalt  }
0x53: {  	_ =	shalt  }
0x54: {  	_ =	shalt  }
0x55: {  	_ =	shalt  }
0x56: {  	_ =	shalt  }
0x57: {  	_ =	shalt  }
0x58: {  	_ =	shalt  }
0x59: {  	_ =	shalt  }
0x5a: {  	_ =	shalt  }
0x5b: {  	_ =	shalt  }
0x5c: {  	_ =	shalt  }
0x5d: {  	_ =	shalt  }
0x5e: {  	_ =	shalt  }
0x5f: {  	_ =	shalt  }
0x60: {  	_ =	shalt  }
0x61: {  	_ =	shalt  }
0x62: {  	_ =	shalt  }
0x63: {  	_ =	shalt  }
0x64: {  	_ =	shalt  }
0x65: {  	_ =	shalt  }
0x66: {  	_ =	shalt  }
0x67: {  	_ =	shalt  }
0x68: {  	_ =	shalt  }
0x69: {  	_ =	shalt  }
0x6a: {  	_ =	shalt  }
0x6b: {  	_ =	shalt  }
0x6c: {  	_ =	shalt  }
0x6d: {  	_ =	shalt  }
0x6e: {  	_ =	shalt  }
0x6f: {  	_ =	shalt  }
0x70: {  	_ =	shalt  }
0x71: {  	_ =	shalt  }
0x72: {  	_ =	shalt  }
0x73: {  	_ =	shalt  }
0x74: {  	_ =	shalt  }
0x75: {  	_ =	shalt  }
0x76: {  	_ =	shalt  }
0x77: {  	_ =	shalt  }
0x78: {  	_ =	shalt  }
0x79: {  	_ =	shalt  }
0x7a: {  	_ =	shalt  }
0x7b: {  	_ =	shalt  }
0x7c: {  	_ =	shalt  }
0x7d: {  	_ =	shalt  }
0x7e: {  	_ =	shalt  }
0x7f: {  	_ =	shalt  }
0x80: {  	_ =	shalt  }
0x81: {  	_ =	shalt  }
0x82: {  	_ =	shalt  }
0x83: {  	_ =	shalt  }
0x84: {  	_ =	shalt  }
0x85: {  	_ =	shalt  }
0x86: {  	_ =	shalt  }
0x87: {  	_ =	shalt  }
.Lfunc_end0:
.L_simem_size_0:
called_computation_lowered:
.L_overlay_start_0:
0x88: {  	s2 =	sld [smem:$0x3FD9]  }
0x89: {  	s3 =	sld [smem:$0x3FFE];
	_ =	sdelay $0x1  }
0x8a: {  	s1 =	srdreg.scid  }
0x8b: {  	s0 =	sand.u32 $0x1, s1  }
0x8c: {  	s17 =	sshll.u32 s0, $0xA;
	s2 =	sadd.s32 s3, s2  }
0x8d: {  	s2 =	sadd.s32 s2, s17  }
0x8e: {  	[smem:$0x3FBE] =	sst s2  }
0x8f: {  	_ = 	snop  }
0x90: {  	s2 =	sld [smem:$0x3FD0];
	(tm) =	ssettm $0x1  }
0x91: {  	s18 =	sld [smem:$0x3FFB];
	_ =	sdelay $0x3  }
0x92: {  	_ =	strace s18  }
0x93: {  	s3 =	sld [smem:$0x3FFC];
	_ =	sdelay $0x3  }
0x94: {  	_ =	strace s3  }
0x95: {  	s3 =	sld [smem:$0x3FFD];
	_ =	sdelay $0x3  }
0x96: {  	_ =	strace s3  }
0x97: {  	_ =	strace $0x8FFFFFFF  }
0x98: {  	s19 =	sld [smem:$0x3FDB];
	_ =	sdelay $0x1  }
0x99: {  	s4 =	simm.s32 $_scs_section_size  }
0x9a: {  	s5 =	simm.s32 $_size__tile_overlayer_lowered;
	s6 =	simm.s32 $_tile_overlayer_lowered  }
0x9b: {  	s22 =	simm.s32 $0x1BFF;
	s21 =	sshll.u32 s6, $0x1;
	s3 =	sadd.s32 s4, s19  }
0x9c: {  	s7 =	simm.s32 $0x0;
	s20 =	sshll.u32 s5, $0x1;
	s5 =	sadd.s32 s21, s3  }
0x9d: {  	[timem:s7], [sflag:s22] =	dma.local [hbm:s5], s20  }
0x9e: {  	_ =	swait.ge [sflag:s22], s20  }
0x9f: {  	s4 =	ssub.s32 $0x0, s20;
	[sflag:s22] =	ssyncset.done $0x0  }
0xa0: {  	[sflag:s22] =	ssyncadd.s32 s4;
	_ =	sdelay $0x1  }
0xa1: {  	s23 =	simm.s32 $0x1B8B  }
0xa2: {  	_ =	swait.ge [sflag:s23], $0x1  }
0xa3: {  	[sflag:s23] =	ssyncset.done $0x0  }
0xa4: {  	s25 =	simm.s32 $0x1B8E;
	s24 =	sld [smem:$0x3FFE];
	[sflag:s23] =	ssyncadd.s32 $0xFFFFFFFF  }
0xa5: {  	s26 =	simm.s32 $execute0_lowered;
	[smem:$0x3FD2] =	sst s25  }
0xa6: {  	s5 =	sshll.u32 s26, $0x1;
	_ =	strace $0x80000046;
	[dreg:$0x1] =	wrdreg $0xFFFFFFFF  }
0xa7: {  	s28 =	simm.s32 $_size_execute0_lowered;
	s3 =	sadd.s32 s3, s5;
	[dreg:$0x0] =	wrdreg $0x0  }
0xa8: {  	s5 =	sshll.u32 s28, $0x1;
	[dreg:$0x2] =	wrdreg s3  }
0xa9: {  	[dreg:$0x3] =	wrdreg s5  }
0xaa: {  	[dreg:$0x4] =	wrdreg $0xC0  }
0xab: {  	_ =	task [dreg:s7], $0x5FFFF  }
0xac: {  	[dreg:$0x1] =	wrdreg $0xFFFFFFFF  }
0xad: {  	[dreg:$0x0] =	wrdreg $0x60  }
0xae: {  	[dreg:$0x2] =	wrdreg s24  }
0xaf: {  	[dreg:$0x3] =	wrdreg s2  }
0xb0: {  	[dreg:$0x4] =	wrdreg $0x41000  }
0xb1: {  	[dreg:$0x5] =	wrdreg $0x9  }
0xb2: {  	_ =	task.clear_ibuf [dreg:s7], $0x6FFFF;
	_ =	strace $0x90000046  }
0xb3: {  	s29 =	simm.s32 $0x9;
	_ =	strace $0x80000048  }
0xb4: {  	_ =	swait.ge [sflag:s29], $0x1  }
0xb5: {  	[sflag:s29] =	ssyncadd.s32 $0xFFFFFFFF  }
0xb6: {  	_ =	strace $0x90000048  }
0xb7: {  	_ =	sfence  }
0xb8: {  	s30 =	sld [smem:$0x0];
	_ =	sdelay $0x2  }
0xb9: {  	s31 =	sshll.u32 s1, $0xD;
	s1 =	sshrl.u32 s1, $0x2  }
0xba: {  	s3 =	sand.u32 $0x4000, s31;
	s1 =	sadd.s32 s1, s30  }
0xbb: {  	s0 =	sor.u32 s3, s0;
	s1 =	sshll.u32 s1, $0x11  }
0xbc: {  	s0 =	sor.u32 s1, s0  }
0xbd: {  	s0 =	sadd.s32 $0x8F2B, s0  }
0xbe: {  	[sflag:s0] =	ssyncadd.remote.s32 $0x1  }
0xbf: {  	_ =	sfence.sel $0xFFFF  }
0xc0: {  	[dreg:$0x0] =	wrdreg $0xFFFFFFFF;
	(pc) =	sbr.abs _section_cstart, $3  }
0xc1: {  	[dreg:$0x1] =	wrdreg $0xFFFFFFFF  }
0xc2: {  	_ =	task.clear_ibuf [dreg:s7], $0x2FFFF;
	_ =	strace $0x9FFFFFFF  }
0xc3: {  	(tm) =	ssettm $0x7FFFFFFF  }
tec
execute0_lowered:
.L_overlay_start_1:
0x0: {  	(tag) =	ssettag $0x1  }
0x1: {  	s3 =	rddreg [dreg:$0x0]  }
0x2: {  	s0 =	srdreg.scid;
	s6 =	rddreg [dreg:$0x1]  }
0x3: {  	s5 =	rddreg [dreg:$0x2];
	s1 =	stileid.u32;
	s2 =	simm.s32 $0x0  }
0x4: {  	s12 =	simm.s32 $0x3C00;
	s13 =	simm.s32 $0x3E80;
	s14 =	simm.s32 $0x100  }
0x5: {  	s15 =	simm.s32 $0x0;
	s4 =	sand.u32 $0x1, s0;
	s0 =	rddreg [dreg:$0x3]  }
0x6: {  	[smem:$0x7FF] =	sst s2;
	s9 =	sshrl.u32 s1, $0x3;
	s28 =	smul.u32 $0x500, s1  }
0x7: {  	s10 =	sshll.u32 s1, $0x7;
	s11 =	smul.u32 $0x5000, s1;
	s7 =	sshll.u32 s4, $0x4  }
0x8: {  	_ =	strace $0x80000047;
	s8 =	ssub.s32 $0x2, s4;
	s9 =	smul.u32 $0x50000, s9  }
0x9: {  	s4 =	sshll.u32 s4, $0x7;
	s10 =	sand.u32 $0x380, s10;
	s7 =	sor.u32 s1, s7  }
0xa: {  	s26 =	sshrl.u32 s8, $0x1;
	s4 =	sor.u32 s4, s28;
	s30 =	sshrl.u32 s11, $0x2  }
0xb: {  	s11 =	simm.s32 $0x400;
	s7 =	smul.u32 $0x271, s7;
	s9 =	sshrl.u32 s9, $0x2  }
0xc: {  	s31 =	sshrl.u32 s4, $0x3;
	s29 =	sadd.s32 s9, s5;
	s5 =	sadd.s32 s30, s5  }
0xd: {  	s6 =	sadd.s32 s6, s31;
	s9 =	simm.s32 $0x1400;
	s3 =	sadd.s32 s7, s3  }
0xe: {  	s7 =	ssub.s32 s8, s26;
	s4 =	sadd.s32 s10, s29;
	s8 =	simm.s32 $0x1  }
0xf: {  	v0 =	vimm.f32 $0.0e+00;
	v1 =	vimm.f32 $1.000000000e+00;
	vm0 =	vcmask $0x3F20;
	s10 =	simm.s32 $0x80;
	s3 =	sadd.s32 $0x2E00, s3;
	s7 =	smax.u32 s7, $0x1  }
.LBB2_1:
0x10: {  	[tilespmem:s2], [sflag:$0x1] =	stream.linear.gather [hbm4b:s3+s2], $0x1388, $0x38;
	[tilespmem:$0x6900] =	vst v63  }
0x11: {  	_ =	swait.ge [sflag:s8], $0x1388  }
0x12: {  	[sflag:s8] =	ssyncset.done $0x0  }
0x13: {  	s16 =	simm.s32 $0x0;
	[sflag:s8] =	ssyncadd.s32 $0xFFFFEC78  }
.LBB2_2:
0x14: {  	p0 =	sne.s32 s16, $0x9FC0  }
.Ltmp0:
0x15: {  	_ = 	snop;
	(pc) =	sbr.rel @p0 .LBB2_2-.Ltmp0, $3  }
0x16: {  	_ =	sdelay $0x1  }
0x17: {  	s17 =	sshra.s32 s16, $0x2  }
0x18: {  	s16 =	sadd.s32 $0x40, s16;
	[tilespmem:s17+$0x1400] =	vst v0  }
0x19: {  	s17 =	simm.s32 $0x0;
	s16 =	simm.s32 $0x40  }
.LBB2_4:
0x1a: {  	p0 =	sne.s32 s16, $0x4DC0;
	v2 =	vld [tilespmem:s17+$0x0];
	_ =	sdelay $0x3  }
.Ltmp1:
0x1b: {  	(pc) =	sbr.rel @p0 .LBB2_4-.Ltmp1, $2  }
0x1c: {  	_ =	sdelay $0x2  }
0x1d: {  	s17 =	sshra.s32 s16, $0x2;
	s16 =	sadd.s32 $0x40, s16;
	[tilespmem:v2+s9+$0x0] =	vst.idx.add.f32.msk $0xffff, v1  }
0x1e: {  	v2 =	vld [tilespmem:s17+$0x0];
	_ =	sdelay $0x7  }
0x1f: {  	[tilespmem:v2+s9+$0x0] =	vst.idx.add.f32.msk $0xffff, v1  }
0x20: {  	v2 =	vld [tilespmem:$0x1378];
	_ =	sdelay $0x7  }
0x21: {  	s16 =	simm.s32 $0x1;
	[tilespmem:v2+s9+$0x0] =	vst.idx.add.f32.msk vm0, v1  }
0x22: {  	[spmem:s4] =	stream.strided.scatter [tilespmem:s9], [sflag:$0x1], $0x2800, s11, s10, $0x38;
	[tilespmem:$0x6900] =	vst v63  }
0x23: {  	_ =	swait.ge [sflag:s16], $0x2800  }
0x24: {  	[sflag:s16] =	ssyncset.done $0x0  }
0x25: {  	[sflag:s16] =	ssyncadd.s32 $0xFFFFD800  }
0x26: {  	[bflag:$0x0] =	sbarrier.arrive $0xFFFF  }
0x27: {  	[tilespmem:s12], [sflag:$0x1] =	stream.strided.gather [spmem:s5], $0x280, s11, s10, $0x38;
	[tilespmem:$0x6900] =	vst v63  }
0x28: {  	_ =	swait.ge [sflag:s16], $0x280  }
0x29: {  	[sflag:s16] =	ssyncset.done $0x0  }
0x2a: {  	[sflag:s16] =	ssyncadd.s32 $0xFFFFFD80  }
.LBB2_6:
0x2b: {  	s17 =	sshrl.u32 s16, $0x3  }
0x2c: {  	s17 =	smul.u32 $0x50000, s17;
	_ =	sdelay $0x1  }
0x2d: {  	s18 =	sshll.u32 s16, $0x7;
	s17 =	sshra.s32 s17, $0x2  }
0x2e: {  	s18 =	sand.u32 $0x380, s18;
	s17 =	sadd.s32 s17, s5  }
0x2f: {  	s17 =	sadd.s32 s18, s17  }
0x30: {  	[tilespmem:s13], [sflag:$0x1] =	stream.strided.gather [spmem:s17], $0x280, s11, s10, $0x38;
	[tilespmem:$0x6900] =	vst v63  }
0x31: {  	_ =	swait.ge [sflag:s8], $0x280  }
0x32: {  	[sflag:s8] =	ssyncset.done $0x0  }
0x33: {  	s17 =	simm.s32 $0x0;
	[sflag:s8] =	ssyncadd.s32 $0xFFFFFD80  }
0x34: {  	s18 =	simm.s32 $0x40;
	v2 =	vld [tilespmem:s17+$0x3E80]  }
.LBB2_7:
0x35: {  	p0 =	sne.s32 s18, $0x9C0;
	v3 =	vld [tilespmem:s17+$0x3C00];
	_ =	sdelay $0x2  }
.Ltmp2:
0x36: {  	(pc) =	sbr.rel @p0 .LBB2_7-.Ltmp2, $4  }
0x37: {  	_ = 	snop  }
0x38: {  	v3 =	vadd.f32 v2, v3  }
0x39: {  	s19 =	sshra.s32 s18, $0x2  }
0x3a: {  	s18 =	sadd.s32 $0x40, s18;
	v2 =	vld [tilespmem:s19+$0x3E80];
	[tilespmem:s17+$0x3C00] =	vst v3;
	s17 =	smov.u32 s19  }
0x3b: {  	v3 =	vld [tilespmem:s17+$0x3C00]  }
0x3c: {  	s16 =	sadd.s32 $0x1, s16  }
0x3d: {  	p0 =	sne.s32 s16, $0x10  }
.Ltmp3:
0x3e: {  	_ = 	snop;
	(pc) =	sbr.rel @p0 .LBB2_6-.Ltmp3, $3  }
0x3f: {  	_ = 	snop  }
0x40: {  	v2 =	vadd.f32 v2, v3;
	_ =	sdelay $0x1  }
0x41: {  	[tilespmem:s17+$0x3C00] =	vst v2  }
0x42: {  	s15 =	sadd.s32 $0x1, s15  }
0x43: {  	p0 =	sne.s32 s15, s7  }
.Ltmp4:
0x44: {  	_ = 	snop;
	(pc) =	sbr.rel @p0 .LBB2_1-.Ltmp4, $4  }
0x45: {  	[hbm4b:s6+s10] =	stream.strided.scatter [tilespmem:s12], [sflag:$0x1], $0x280, s14, s10, $0x38;
	[tilespmem:$0x6900] =	vst v63  }
0x46: {  	_ =	swait.ge [sflag:s8], $0x280  }
0x47: {  	[sflag:s8] =	ssyncset.done $0x0  }
0x48: {  	[sflag:s8] =	ssyncadd.s32 $0xFFFFFD80  }
0x49: {  	_ =	sfence.sel $0x180000  }
0x4a: {  	[bflag:$0x0] =	sbarrier.arrive $0xFFFF  }
0x4b: {  	p0 =	sne.s32 s1, $0x0;
	_ =	strace $0x90000047  }
0x4c: {  	s0 =	sadd.s32 @!p0 $0x100000, s0;
	[bflag:$0x2] =	sbarrier.arrive $0xFFFF  }
0x4d: {  	[sflag:s0] =	ssyncadd.tile.s32 @!p0 $0x1;
	_ =	shalt  }
.Lfunc_end2:
_tile_overlayer_lowered:
.L_overlay_start_2:
0x4e: {  	(tag) =	ssettag $0x2  }
0x4f: {  	s0 =	rddreg [dreg:$0x0];
	s2 =	stileid.u32  }
0x50: {  	s1 =	rddreg [dreg:$0x1];
	p0 =	sne.s32 s2, $0x0  }
0x51: {  	s3 =	rddreg [dreg:$0x2];
	[bflag:$0x3] =	sbarrier.arrive $0xFFFF;
	s2 =	simm.s32 @!p0 $0x1C01  }
0x52: {  	[timem:s3], [sflag:s2] =	dma.local @!p0 [hbm:s0], s1  }
0x53: {  	s0 =	simm.s32 @!p0 $0x1  }
0x54: {  	_ =	swait.ge @!p0 [sflag:s0], s1  }
0x55: {  	s1 =	ssub.s32 @!p0 $0x0, s1;
	[sflag:s0] =	ssyncset.done @!p0 $0x0  }
0x56: {  	[sflag:s0] =	ssyncadd.s32 @!p0 s1  }
0x57: {  	[bflag:$0x3] =	sbarrier.arrive $0xFFFF  }
0x58: {  	_ =	shalt  }

// kernel: kernel.13.cloned.1.call-start
scs
__scs_entry_jumppad:
0x0: {  	(pc) =	sbr.rel $0x88, $3  }
0x1: {  	(tag) =	ssettag $0x0;
	lr =	simm.s32 $0x1  }
0x2: {  	[smem:$0x3F97] =	sst lr;
	_ =	strace $0xD0000000  }
0x3: {  	_ = 	snop  }
0x4: {  	_ = 	snop  }
0x5: {  	_ = 	snop  }
0x6: {  	_ = 	snop  }
0x7: {  	_ = 	snop  }
__scs_overlays_trampoline_lowered:
0x8: {  	[smem:$0x3FA6] =	sst s0  }
0x9: {  	[smem:$0x3FA7] =	sst s1  }
0xa: {  	[smem:$0x3FA8] =	sst s2  }
0xb: {  	[smem:$0x3FA9] =	sst s3  }
0xc: {  	[smem:$0x3FAA] =	sst s4  }
0xd: {  	[smem:$0x3FAB] =	sst s5  }
0xe: {  	[smem:$0x3FAC] =	sst s6  }
0xf: {  	[smem:$0x3FAD] =	sst s7  }
0x10: {  	[smem:$0x3FAE] =	sst s8  }
0x11: {  	[smem:$0x3FAF] =	sst s9;
	s0 =	simm.s32 @!p0 $0x0  }
0x12: {  	s1 =	sld [smem:$0x3F95];
	s0 =	simm.s32 @p0 $0x1  }
0x13: {  	[smem:$0x3FB0] =	sst s0;
	s0 =	simm.s32 @!p1 $0x0  }
0x14: {  	s2 =	sld [smem:$0x3F94];
	s0 =	simm.s32 @p1 $0x1  }
0x15: {  	[smem:$0x3FB1] =	sst s0;
	s0 =	simm.s32 @!p2 $0x0  }
0x16: {  	s3 =	sld [smem:$0x3FDB];
	s0 =	simm.s32 @p2 $0x1  }
0x17: {  	s4 =	simm.s32 $0x1BF5;
	[smem:$0x3FB3] =	sst s0  }
0x18: {  	s0 =	sld [smem:$0x3F96];
	_ =	swait.ge [sflag:s4], $0x0  }
0x19: {  	s7 =	sld [smem:$0x3F97]  }
0x1a: {  	s8 =	sadd.s32 $0xFFFFE003, lr  }
0x1b: {  	s9 =	sadd.s32 $0xFFFFFEF7, lr;
	s5 =	simm.s32 $0xFFFFFFFF;
	p2 =	slt.u32 s8, $0xFFFFF086  }
0x1c: {  	p1 =	slt.u32 s9, $0xF7A;
	s5 =	simm.s32 @!p2 $0x0  }
0x1d: {  	s5 =	simm.s32 @p1 $0x1;
	p0 =	seq.s32 s7, s2  }
0x1e: {  	s7 =	smul.u32 @!p0 $0xF7A, s2;
	p2 =	seq.s32 @!p0 s5, $0x0  }
0x1f: {  	s9 =	smul.u32 $0xF7A, s1;
	s8 =	simm.s32 @!p0 $0x1BF5;
	p2 =	por !p2, p0  }
0x20: {  	[sflag:s8] =	ssyncset.s32 @!p0 $0xFFFFF086;
	s6 =	sadd.s32 @!p0 s3, s7;
	s7 =	simm.s32 @!p0 $0x108  }
0x21: {  	s3 =	sadd.s32 s3, s9;
	s6 =	sadd.s32 @!p0 $0x88, s6;
	s7 =	simm.s32 @p2 $0x1082  }
0x22: {  	[simem:s7], [sflag:s8] =	dma.local @!p0 [hbm:s6], $0xF7A  }
0x23: {  	s9 =	sor.u32 $0xD0000000, s2;
	s6 =	simm.s32 $0x108;
	_ =	swait.ge @!p0 [sflag:s8], $0x0  }
0x24: {  	s3 =	sadd.s32 $0x88, s3;
	s6 =	simm.s32 @!p1 $0x1082;
	[sflag:s4] =	ssyncset.s32 $0xFFFFF086  }
0x25: {  	[simem:s6], [sflag:s4] =	dma.local [hbm:s3], $0xF7A  }
0x26: {  	[smem:$0x3F97] =	sst s1;
	(tag) =	ssettag s2;
	_ =	strace s9  }
0x27: {  	s1 =	sld [smem:$0x3FA7]  }
0x28: {  	s2 =	sld [smem:$0x3FA8]  }
0x29: {  	s4 =	sld [smem:$0x3FAA]  }
0x2a: {  	p0 =	seq.s32 s5, $0x0;
	s5 =	sld [smem:$0x3FAB]  }
0x2b: {  	s6 =	sld [smem:$0x3FAC]  }
0x2c: {  	s7 =	sld [smem:$0x3FAD]  }
0x2d: {  	s3 =	simm.s32 $0x108;
	s8 =	sld [smem:$0x3FAE]  }
0x2e: {  	s3 =	simm.s32 @!p0 $0x1082;
	s9 =	sld [smem:$0x3FAF]  }
0x2f: {  	lr =	sadd.s32 s0, s3;
	s0 =	sld [smem:$0x3FA6]  }
0x30: {  	s3 =	sld [smem:$0x3FA9]  }
0x31: {  	[smem:$0x3FB2] =	sst s10  }
0x32: {  	s10 =	sld [smem:$0x3FB0];
	_ =	sdelay $0x3  }
0x33: {  	p0 =	seq.s32 s10, $0x1;
	s10 =	sld [smem:$0x3FB2];
	_ =	sdelay $0x3  }
0x34: {  	[smem:$0x3FB2] =	sst s10  }
0x35: {  	s10 =	sld [smem:$0x3FB1];
	_ =	sdelay $0x3  }
0x36: {  	p1 =	seq.s32 s10, $0x1;
	s10 =	sld [smem:$0x3FB2];
	_ =	sdelay $0x3  }
0x37: {  	[smem:$0x3FB2] =	sst s10  }
0x38: {  	s10 =	sld [smem:$0x3FB3]  }
0x39: {  	_ = 	snop;
	(pc) =	sbr.ind lr, $3  }
0x3a: {  	_ = 	snop  }
0x3b: {  	_ = 	snop  }
0x3c: {  	p2 =	seq.s32 s10, $0x1;
	s10 =	sld [smem:$0x3FB2]  }
0x3d: {  	_ =	shalt  }
0x3e: {  	_ =	shalt  }
0x3f: {  	_ =	shalt  }
0x40: {  	_ =	shalt  }
0x41: {  	_ =	shalt  }
0x42: {  	_ =	shalt  }
0x43: {  	_ =	shalt  }
0x44: {  	_ =	shalt  }
0x45: {  	_ =	shalt  }
0x46: {  	_ =	shalt  }
0x47: {  	_ =	shalt  }
0x48: {  	_ =	shalt  }
0x49: {  	_ =	shalt  }
0x4a: {  	_ =	shalt  }
0x4b: {  	_ =	shalt  }
0x4c: {  	_ =	shalt  }
0x4d: {  	_ =	shalt  }
0x4e: {  	_ =	shalt  }
0x4f: {  	_ =	shalt  }
0x50: {  	_ =	shalt  }
0x51: {  	_ =	shalt  }
0x52: {  	_ =	shalt  }
0x53: {  	_ =	shalt  }
0x54: {  	_ =	shalt  }
0x55: {  	_ =	shalt  }
0x56: {  	_ =	shalt  }
0x57: {  	_ =	shalt  }
0x58: {  	_ =	shalt  }
0x59: {  	_ =	shalt  }
0x5a: {  	_ =	shalt  }
0x5b: {  	_ =	shalt  }
0x5c: {  	_ =	shalt  }
0x5d: {  	_ =	shalt  }
0x5e: {  	_ =	shalt  }
0x5f: {  	_ =	shalt  }
0x60: {  	_ =	shalt  }
0x61: {  	_ =	shalt  }
0x62: {  	_ =	shalt  }
0x63: {  	_ =	shalt  }
0x64: {  	_ =	shalt  }
0x65: {  	_ =	shalt  }
0x66: {  	_ =	shalt  }
0x67: {  	_ =	shalt  }
0x68: {  	_ =	shalt  }
0x69: {  	_ =	shalt  }
0x6a: {  	_ =	shalt  }
0x6b: {  	_ =	shalt  }
0x6c: {  	_ =	shalt  }
0x6d: {  	_ =	shalt  }
0x6e: {  	_ =	shalt  }
0x6f: {  	_ =	shalt  }
0x70: {  	_ =	shalt  }
0x71: {  	_ =	shalt  }
0x72: {  	_ =	shalt  }
0x73: {  	_ =	shalt  }
0x74: {  	_ =	shalt  }
0x75: {  	_ =	shalt  }
0x76: {  	_ =	shalt  }
0x77: {  	_ =	shalt  }
0x78: {  	_ =	shalt  }
0x79: {  	_ =	shalt  }
0x7a: {  	_ =	shalt  }
0x7b: {  	_ =	shalt  }
0x7c: {  	_ =	shalt  }
0x7d: {  	_ =	shalt  }
0x7e: {  	_ =	shalt  }
0x7f: {  	_ =	shalt  }
0x80: {  	_ =	shalt  }
0x81: {  	_ =	shalt  }
0x82: {  	_ =	shalt  }
0x83: {  	_ =	shalt  }
0x84: {  	_ =	shalt  }
0x85: {  	_ =	shalt  }
0x86: {  	_ =	shalt  }
0x87: {  	_ =	shalt  }
.Lfunc_end0:
.L_simem_size_0:
called_computation.1_lowered:
.L_overlay_start_0:
0x88: {  	s2 =	sld [smem:$0x3FD9]  }
0x89: {  	s3 =	sld [smem:$0x3FFE];
	_ =	sdelay $0x1  }
0x8a: {  	s1 =	srdreg.scid  }
0x8b: {  	s0 =	sand.u32 $0x1, s1  }
0x8c: {  	s17 =	sshll.u32 s0, $0xA;
	s2 =	sadd.s32 s3, s2  }
0x8d: {  	s2 =	sadd.s32 s2, s17  }
0x8e: {  	[smem:$0x3FBE] =	sst s2  }
0x8f: {  	_ = 	snop  }
0x90: {  	s18 =	sld [smem:$0x3FD0];
	(tm) =	ssettm $0x1  }
0x91: {  	s19 =	sld [smem:$0x3FFB];
	_ =	sdelay $0x3  }
0x92: {  	_ =	strace s19  }
0x93: {  	s2 =	sld [smem:$0x3FFC];
	_ =	sdelay $0x3  }
0x94: {  	_ =	strace s2  }
0x95: {  	s2 =	sld [smem:$0x3FFD];
	_ =	sdelay $0x3  }
0x96: {  	_ =	strace s2  }
0x97: {  	_ =	strace $0x8FFFFFFF  }
0x98: {  	s20 =	sld [smem:$0x3FDB];
	_ =	sdelay $0x1  }
0x99: {  	s4 =	simm.s32 $_scs_section_size  }
0x9a: {  	s5 =	simm.s32 $_size__tile_overlayer_lowered;
	s6 =	simm.s32 $_tile_overlayer_lowered  }
0x9b: {  	s7 =	simm.s32 $0x1BFF;
	s21 =	sshll.u32 s6, $0x1;
	s4 =	sadd.s32 s4, s20  }
0x9c: {  	s22 =	simm.s32 $0x0;
	s5 =	sshll.u32 s5, $0x1;
	s6 =	sadd.s32 s21, s4  }
0x9d: {  	[timem:s22], [sflag:s7] =	dma.local [hbm:s6], s5  }
0x9e: {  	_ =	swait.ge [sflag:s7], s5  }
0x9f: {  	s5 =	ssub.s32 $0x0, s5;
	[sflag:s7] =	ssyncset.done $0x0  }
0xa0: {  	[sflag:s7] =	ssyncadd.s32 s5;
	_ =	sdelay $0x1  }
0xa1: {  	s23 =	simm.s32 $0x1B8B  }
0xa2: {  	_ =	swait.ge [sflag:s23], $0x1  }
0xa3: {  	[sflag:s23] =	ssyncset.done $0x0  }
0xa4: {  	[sflag:s23] =	ssyncadd.s32 $0xFFFFFFFF  }
0xa5: {  	s5 =	sld [smem:$0x0]  }
0xa6: {  	s6 =	sand.u32 $0xFFFFFFFE, s1  }
0xa7: {  	p0 =	sne.s32 s1, s6  }
0xa8: {  	s6 =	sshll.u32 @p0 s6, $0xE  }
0xa9: {  	s6 =	sadd.s32 @p0 $0x11B8D, s6;
	s7 =	sshll.u32 @p0 s5, $0x11  }
0xaa: {  	s6 =	sor.u32 @p0 s7, s6  }
0xab: {  	[sflag:s6] =	ssyncadd.remote.s32 @p0 $0x1;
	_ =	sdelay $0x1  }
0xac: {  	s6 =	simm.s32 @p0 $0x1B8D  }
0xad: {  	_ =	swait.eq @p0 [sflag:s6], $0x1  }
0xae: {  	[sflag:s6] =	ssyncadd.s32 @p0 $0xFFFFFFFF  }
0xaf: {  	s7 =	sshll.u32 @!p0 s1, $0xE  }
0xb0: {  	s7 =	sor.u32 @!p0 $0x4000, s7;
	s6 =	simm.s32 @!p0 $0x1B8D  }
0xb1: {  	s5 =	sshll.u32 @!p0 s5, $0x11;
	s7 =	sadd.s32 @!p0 $0x11B8D, s7;
	_ =	swait.eq @!p0 [sflag:s6], $0x1  }
0xb2: {  	s5 =	sor.u32 @!p0 s5, s7;
	[sflag:s6] =	ssyncadd.s32 @!p0 $0xFFFFFFFF  }
0xb3: {  	s25 =	simm.s32 $0x1B8E;
	s24 =	sld [smem:$0x3FFE];
	[sflag:s5] =	ssyncadd.remote.s32 @!p0 $0x1  }
0xb4: {  	s26 =	simm.s32 $execute0_lowered;
	[smem:$0x3FD2] =	sst s25  }
0xb5: {  	s6 =	sshll.u32 s26, $0x1;
	_ =	strace $0x8000004C;
	[dreg:$0x1] =	wrdreg $0xFFFFFFFF  }
0xb6: {  	s28 =	simm.s32 $_size_execute0_lowered;
	s4 =	sadd.s32 s4, s6;
	[dreg:$0x0] =	wrdreg $0x0  }
0xb7: {  	s6 =	sshll.u32 s28, $0x1;
	[dreg:$0x2] =	wrdreg s4  }
0xb8: {  	[dreg:$0x3] =	wrdreg s6  }
0xb9: {  	[dreg:$0x4] =	wrdreg $0xC0  }
0xba: {  	_ =	task [dreg:s22], $0x5FFFF  }
0xbb: {  	[dreg:$0x1] =	wrdreg $0xFFFFFFFF  }
0xbc: {  	[dreg:$0x0] =	wrdreg $0x60  }
0xbd: {  	[dreg:$0x2] =	wrdreg s18  }
0xbe: {  	[dreg:$0x3] =	wrdreg s24  }
0xbf: {  	[dreg:$0x4] =	wrdreg $0xB2200  }
0xc0: {  	[dreg:$0x5] =	wrdreg $0x9  }
0xc1: {  	_ =	task.clear_ibuf [dreg:s22], $0x6FFFF;
	_ =	strace $0x9000004C  }
0xc2: {  	s29 =	simm.s32 $0x9;
	_ =	strace $0x8000004E  }
0xc3: {  	_ =	swait.ge [sflag:s29], $0x1  }
0xc4: {  	[sflag:s29] =	ssyncadd.s32 $0xFFFFFFFF  }
0xc5: {  	_ =	strace $0x9000004E  }
0xc6: {  	_ =	sfence  }
0xc7: {  	s30 =	sld [smem:$0x0];
	_ =	sdelay $0x2  }
0xc8: {  	s31 =	sshll.u32 s1, $0xD;
	s1 =	sshrl.u32 s1, $0x2  }
0xc9: {  	s4 =	sand.u32 $0x4000, s31;
	s1 =	sadd.s32 s1, s30  }
0xca: {  	s0 =	sor.u32 s4, s0;
	s1 =	sshll.u32 s1, $0x11  }
0xcb: {  	s0 =	sor.u32 s1, s0  }
0xcc: {  	s0 =	sadd.s32 $0x8F2B, s0  }
0xcd: {  	[sflag:s0] =	ssyncadd.remote.s32 $0x1  }
0xce: {  	_ =	sfence.sel $0xFFFF  }
0xcf: {  	[dreg:$0x0] =	wrdreg $0xFFFFFFFF;
	(pc) =	sbr.abs _section_cstart, $3  }
0xd0: {  	[dreg:$0x1] =	wrdreg $0xFFFFFFFF  }
0xd1: {  	_ =	task.clear_ibuf [dreg:s22], $0x2FFFF;
	_ =	strace $0x9FFFFFFF  }
0xd2: {  	(tm) =	ssettm $0x7FFFFFFF  }
0xd3: {  	_ =	shalt  }
tec
execute0_lowered:
.L_overlay_start_1:
0x0: {  	(tag) =	ssettag $0x1  }
0x1: {  	s0 =	srdreg.scid;
	s1 =	rddreg [dreg:$0x0]  }
0x2: {  	s10 =	stileid.u32;
	s5 =	rddreg [dreg:$0x1]  }
0x3: {  	s3 =	rddreg [dreg:$0x2];
	s4 =	simm.s32 $0x0;
	s12 =	simm.s32 $0x6  }
0x4: {  	s14 =	simm.s32 $0x50;
	s15 =	simm.s32 $0x4E20;
	s16 =	simm.s32 $0x6220  }
0x5: {  	s18 =	simm.s32 $0x7620;
	s20 =	simm.s32 $0x8A20;
	s22 =	simm.s32 $0x9E20  }
0x6: {  	s28 =	simm.s32 $0x5;
	s29 =	simm.s32 $0x4C90;
	s30 =	simm.s32 $0x4CE0  }
0x7: {  	s31 =	simm.s32 $0x4D30;
	s13 =	simm.s32 $0x0;
	s7 =	smul.u32 $0x280, s10  }
0x8: {  	s0 =	sand.u32 $0x1, s0;
	[smem:$0x7FF] =	sst s4;
	s8 =	smul.u32 $0x4E2, s10  }
0x9: {  	s23 =	smul.u32 $0x28000, s10;
	s26 =	sshll.u32 s10, $0x6;
	s2 =	sshll.u32 s0, $0x4  }
0xa: {  	s6 =	smul.u32 $0x2800, s0;
	_ =	strace $0x8000004D;
	s0 =	ssub.s32 $0x2, s0  }
0xb: {  	s2 =	sor.u32 s10, s2;
	s8 =	sadd.s32 s8, s5;
	s24 =	sshrl.u32 s0, $0x1  }
0xc: {  	s25 =	sshrl.u32 s23, $0x2;
	s23 =	simm.s32 $0x1;
	s2 =	smul.u32 $0x4E2, s2  }
0xd: {  	s6 =	sadd.s32 s7, s6;
	s0 =	ssub.s32 s0, s24;
	s11 =	sadd.s32 s25, s3  }
0xe: {  	s8 =	sadd.s32 $0x2E00, s8;
	s24 =	simm.s32 $0x2;
	s25 =	simm.s32 $0x3  }
0xf: {  	s6 =	sshll.u32 s6, $0x3;
	s10 =	smax.u32 s0, $0x1;
	s11 =	sshrl.u32 s11, $0x3  }
0x10: {  	s0 =	simm.s32 $0x4DD0;
	s2 =	sadd.s32 s2, s5;
	s9 =	sadd.s32 s6, s5  }
0x11: {  	s5 =	sadd.s32 s1, s6;
	s6 =	sor.u32 $0x1C06, s26;
	s26 =	simm.s32 $0x4  }
0x12: {  	s7 =	sadd.s32 $0x7E00, s2;
	s9 =	sadd.s32 $0x39C00, s9;
	s2 =	simm.s32 $0x4D80  }
.LBB2_1:
0x13: {  	[spmem:s11], [sflag:s6] =	dma.local [hbm:s5], $0x1400  }
0x14: {  	_ =	swait.ge [sflag:s12], $0x1400  }
0x15: {  	[sflag:s12] =	ssyncset.done $0x0  }
0x16: {  	[sflag:s12] =	ssyncadd.s32 $0xFFFFEC00  }
0x17: {  	[tilespmem:s4], [sflag:$0x6] =	stream.linear.gather [hbm4b:s7+s4], $0x2710, $0x38;
	[tilespmem:$0x15220] =	vst v63  }
0x18: {  	_ =	swait.ge [sflag:s12], $0x2710  }
0x19: {  	[sflag:s12] =	ssyncset.done $0x0  }
0x1a: {  	s17 =	simm.s32 $0x2710;
	[sflag:s12] =	ssyncadd.s32 $0xFFFFD8F0  }
0x1b: {  	[tilespmem:s17], [sflag:$0x6] =	stream.linear.gather [hbm4b:s8+s4], $0x2710, $0x38;
	[tilespmem:$0x15220] =	vst v63  }
0x1c: {  	_ =	swait.ge [sflag:s12], $0x2710  }
0x1d: {  	[sflag:s12] =	ssyncset.done $0x0  }
0x1e: {  	[sflag:s12] =	ssyncadd.s32 $0xFFFFD8F0  }
0x1f: {  	[bflag:$0x0] =	sbarrier.arrive $0xFFFF  }
0x20: {  	[tilespmem:s15], [sflag:$0x1] =	stream.indirect.gather [hbm4b:s1+s14], $0x40, s4, s14, $0xb8;
	[tilespmem:$0x15220] =	vst v63  }
0x21: {  	_ = 	snop  }
0x22: {  	[tilespmem:s16], [sflag:$0x2] =	stream.indirect.gather [hbm4b:s1+s14], $0x40, s14, s14, $0xb8;
	[tilespmem:$0x15220] =	vst v63  }
0x23: {  	s19 =	simm.s32 $0xA0  }
0x24: {  	[tilespmem:s18], [sflag:$0x3] =	stream.indirect.gather [hbm4b:s1+s14], $0x40, s19, s14, $0xb8;
	[tilespmem:$0x15220] =	vst v63  }
0x25: {  	s21 =	simm.s32 $0xF0  }
0x26: {  	[tilespmem:s20], [sflag:$0x4] =	stream.indirect.gather [hbm4b:s1+s14], $0x40, s21, s14, $0xb8;
	[tilespmem:$0x15220] =	vst v63  }
0x27: {  	s19 =	simm.s32 $0x140  }
0x28: {  	[tilespmem:s22], [sflag:$0x5] =	stream.indirect.gather [hbm4b:s1+s14], $0x40, s19, s14, $0xb8;
	[tilespmem:$0x15220] =	vst v63  }
0x29: {  	_ =	swait.ge [sflag:s23], $0x1400  }
0x2a: {  	[sflag:s23] =	ssyncset.done $0x0  }
0x2b: {  	s21 =	simm.s32 $0x2710;
	[sflag:s23] =	ssyncadd.s32 $0xFFFFEC00  }
0x2c: {  	[spmem:s3] =	stream.indirect.scatter.add.f32 [tilespmem:s15], [sflag:$0x6], $0x40, s21, s14, $0xb8;
	[tilespmem:$0x15220] =	vst v63  }
0x2d: {  	_ =	swait.ge [sflag:s12], $0x1400  }
0x2e: {  	[sflag:s12] =	ssyncset.done $0x0  }
0x2f: {  	s19 =	simm.s32 $0x190;
	[sflag:s12] =	ssyncadd.s32 $0xFFFFEC00  }
0x30: {  	[tilespmem:s15], [sflag:$0x1] =	stream.indirect.gather [hbm4b:s1+s14], $0x40, s19, s14, $0xb8;
	[tilespmem:$0x15220] =	vst v63  }
0x31: {  	_ =	swait.ge [sflag:s24], $0x1400  }
0x32: {  	[sflag:s24] =	ssyncset.done $0x0  }
0x33: {  	s21 =	simm.s32 $0x2760;
	[sflag:s24] =	ssyncadd.s32 $0xFFFFEC00  }
0x34: {  	[spmem:s3] =	stream.indirect.scatter.add.f32 [tilespmem:s16], [sflag:$0x6], $0x40, s21, s14, $0xb8;
	[tilespmem:$0x15220] =	vst v63  }
0x35: {  	_ =	swait.ge [sflag:s12], $0x1400  }
0x36: {  	[sflag:s12] =	ssyncset.done $0x0  }
0x37: {  	s19 =	simm.s32 $0x1E0;
	[sflag:s12] =	ssyncadd.s32 $0xFFFFEC00  }
0x38: {  	[tilespmem:s16], [sflag:$0x2] =	stream.indirect.gather [hbm4b:s1+s14], $0x40, s19, s14, $0xb8;
	[tilespmem:$0x15220] =	vst v63  }
0x39: {  	_ =	swait.ge [sflag:s25], $0x1400  }
0x3a: {  	[sflag:s25] =	ssyncset.done $0x0  }
0x3b: {  	s21 =	simm.s32 $0x27B0;
	[sflag:s25] =	ssyncadd.s32 $0xFFFFEC00  }
0x3c: {  	[spmem:s3] =	stream.indirect.scatter.add.f32 [tilespmem:s18], [sflag:$0x6], $0x40, s21, s14, $0xb8;
	[tilespmem:$0x15220] =	vst v63  }
0x3d: {  	_ =	swait.ge [sflag:s12], $0x1400  }
0x3e: {  	[sflag:s12] =	ssyncset.done $0x0  }
0x3f: {  	s19 =	simm.s32 $0x230;
	[sflag:s12] =	ssyncadd.s32 $0xFFFFEC00  }
0x40: {  	[tilespmem:s18], [sflag:$0x3] =	stream.indirect.gather [hbm4b:s1+s14], $0x40, s19, s14, $0xb8;
	[tilespmem:$0x15220] =	vst v63  }
0x41: {  	_ =	swait.ge [sflag:s26], $0x1400  }
0x42: {  	[sflag:s26] =	ssyncset.done $0x0  }
0x43: {  	s21 =	simm.s32 $0x2800;
	[sflag:s26] =	ssyncadd.s32 $0xFFFFEC00  }
0x44: {  	[spmem:s3] =	stream.indirect.scatter.add.f32 [tilespmem:s20], [sflag:$0x6], $0x40, s21, s14, $0xb8;
	[tilespmem:$0x15220] =	vst v63  }
0x45: {  	_ =	swait.ge [sflag:s12], $0x1400  }
0x46: {  	[sflag:s12] =	ssyncset.done $0x0  }
0x47: {  	s19 =	simm.s32 $0x280;
	[sflag:s12] =	ssyncadd.s32 $0xFFFFEC00  }
0x48: {  	[tilespmem:s20], [sflag:$0x4] =	stream.indirect.gather [hbm4b:s1+s14], $0x40, s19, s14, $0xb8;
	[tilespmem:$0x15220] =	vst v63  }
0x49: {  	_ =	swait.ge [sflag:s28], $0x1400  }
0x4a: {  	[sflag:s28] =	ssyncset.done $0x0  }
0x4b: {  	s21 =	simm.s32 $0x2850;
	[sflag:s28] =	ssyncadd.s32 $0xFFFFEC00  }
0x4c: {  	[spmem:s3] =	stream.indirect.scatter.add.f32 [tilespmem:s22], [sflag:$0x6], $0x40, s21, s14, $0xb8;
	[tilespmem:$0x15220] =	vst v63  }
0x4d: {  	_ =	swait.ge [sflag:s12], $0x1400  }
0x4e: {  	[sflag:s12] =	ssyncset.done $0x0  }
0x4f: {  	s17 =	simm.s32 $0x640;
	s19 =	simm.s32 $0x2D0;
	[sflag:s12] =	ssyncadd.s32 $0xFFFFEC00  }
.LBB2_2:
0x50: {  	[tilespmem:s22], [sflag:$0x5] =	stream.indirect.gather [hbm4b:s1+s14], $0x40, s19, s14, $0xb8;
	[tilespmem:$0x15220] =	vst v63  }
0x51: {  	s19 =	smov.u32 s17  }
0x52: {  	p0 =	sne.s32 s17, $0x8FC0;
	s17 =	sadd.s32 $0x640, s17;
	_ =	swait.ge [sflag:s23], $0x1400  }
0x53: {  	s19 =	sshra.s32 s19, $0x2;
	[sflag:s23] =	ssyncset.done $0x0  }
0x54: {  	s21 =	sadd.s32 $0x2710, s19;
	[sflag:s23] =	ssyncadd.s32 $0xFFFFEC00  }
0x55: {  	[spmem:s3] =	stream.indirect.scatter.add.f32 [tilespmem:s15], [sflag:$0x6], $0x40, s21, s14, $0xb8;
	[tilespmem:$0x15220] =	vst v63  }
0x56: {  	_ =	swait.ge [sflag:s12], $0x1400  }
0x57: {  	[sflag:s12] =	ssyncset.done $0x0  }
0x58: {  	s21 =	sadd.s32 $0x190, s19;
	[sflag:s12] =	ssyncadd.s32 $0xFFFFEC00  }
0x59: {  	[tilespmem:s15], [sflag:$0x1] =	stream.indirect.gather [hbm4b:s1+s14], $0x40, s21, s14, $0xb8;
	[tilespmem:$0x15220] =	vst v63  }
0x5a: {  	_ =	swait.ge [sflag:s24], $0x1400  }
0x5b: {  	[sflag:s24] =	ssyncset.done $0x0  }
0x5c: {  	s21 =	sadd.s32 $0x2760, s19;
	[sflag:s24] =	ssyncadd.s32 $0xFFFFEC00  }
0x5d: {  	[spmem:s3] =	stream.indirect.scatter.add.f32 [tilespmem:s16], [sflag:$0x6], $0x40, s21, s14, $0xb8;
	[tilespmem:$0x15220] =	vst v63  }
0x5e: {  	_ =	swait.ge [sflag:s12], $0x1400  }
0x5f: {  	[sflag:s12] =	ssyncset.done $0x0  }
0x60: {  	s21 =	sadd.s32 $0x1E0, s19;
	[sflag:s12] =	ssyncadd.s32 $0xFFFFEC00  }
0x61: {  	[tilespmem:s16], [sflag:$0x2] =	stream.indirect.gather [hbm4b:s1+s14], $0x40, s21, s14, $0xb8;
	[tilespmem:$0x15220] =	vst v63  }
0x62: {  	_ =	swait.ge [sflag:s25], $0x1400  }
0x63: {  	[sflag:s25] =	ssyncset.done $0x0  }
0x64: {  	s21 =	sadd.s32 $0x27B0, s19;
	[sflag:s25] =	ssyncadd.s32 $0xFFFFEC00  }
0x65: {  	[spmem:s3] =	stream.indirect.scatter.add.f32 [tilespmem:s18], [sflag:$0x6], $0x40, s21, s14, $0xb8;
	[tilespmem:$0x15220] =	vst v63  }
0x66: {  	_ =	swait.ge [sflag:s12], $0x1400  }
0x67: {  	[sflag:s12] =	ssyncset.done $0x0  }
0x68: {  	s21 =	sadd.s32 $0x230, s19;
	[sflag:s12] =	ssyncadd.s32 $0xFFFFEC00  }
0x69: {  	[tilespmem:s18], [sflag:$0x3] =	stream.indirect.gather [hbm4b:s1+s14], $0x40, s21, s14, $0xb8;
	[tilespmem:$0x15220] =	vst v63  }
0x6a: {  	_ =	swait.ge [sflag:s26], $0x1400  }
0x6b: {  	[sflag:s26] =	ssyncset.done $0x0  }
0x6c: {  	s21 =	sadd.s32 $0x2800, s19;
	[sflag:s26] =	ssyncadd.s32 $0xFFFFEC00  }
0x6d: {  	[spmem:s3] =	stream.indirect.scatter.add.f32 [tilespmem:s20], [sflag:$0x6], $0x40, s21, s14, $0xb8;
	[tilespmem:$0x15220] =	vst v63  }
0x6e: {  	_ =	swait.ge [sflag:s12], $0x1400  }
0x6f: {  	[sflag:s12] =	ssyncset.done $0x0  }
0x70: {  	s21 =	sadd.s32 $0x280, s19;
	[sflag:s12] =	ssyncadd.s32 $0xFFFFEC00  }
0x71: {  	[tilespmem:s20], [sflag:$0x4] =	stream.indirect.gather [hbm4b:s1+s14], $0x40, s21, s14, $0xb8;
	[tilespmem:$0x15220] =	vst v63  }
0x72: {  	_ =	swait.ge [sflag:s28], $0x1400  }
0x73: {  	[sflag:s28] =	ssyncset.done $0x0  }
.Ltmp0:
0x74: {  	s21 =	sadd.s32 $0x2850, s19;
	[sflag:s28] =	ssyncadd.s32 $0xFFFFEC00;
	(pc) =	sbr.rel @p0 .LBB2_2-.Ltmp0, $4  }
0x75: {  	[spmem:s3] =	stream.indirect.scatter.add.f32 [tilespmem:s22], [sflag:$0x6], $0x40, s21, s14, $0xb8;
	[tilespmem:$0x15220] =	vst v63  }
0x76: {  	_ =	swait.ge [sflag:s12], $0x1400  }
0x77: {  	[sflag:s12] =	ssyncset.done $0x0  }
0x78: {  	s19 =	sadd.s32 $0x2D0, s19;
	[sflag:s12] =	ssyncadd.s32 $0xFFFFEC00  }
0x79: {  	[tilespmem:s22], [sflag:$0x5] =	stream.indirect.gather [hbm4b:s1+s14], $0x40, s19, s14, $0xb8;
	[tilespmem:$0x15220] =	vst v63  }
0x7a: {  	_ =	swait.ge [sflag:s23], $0x1400  }
0x7b: {  	[sflag:s23] =	ssyncset.done $0x0  }
0x7c: {  	[sflag:s23] =	ssyncadd.s32 $0xFFFFEC00  }
0x7d: {  	[spmem:s3] =	stream.indirect.scatter.add.f32 [tilespmem:s15], [sflag:$0x6], $0x40, s29, s14, $0xb8;
	[tilespmem:$0x15220] =	vst v63  }
0x7e: {  	_ =	swait.ge [sflag:s12], $0x1400  }
0x7f: {  	[sflag:s12] =	ssyncset.done $0x0  }
0x80: {  	[sflag:s12] =	ssyncadd.s32 $0xFFFFEC00  }
0x81: {  	_ =	swait.ge [sflag:s24], $0x1400  }
0x82: {  	[sflag:s24] =	ssyncset.done $0x0  }
0x83: {  	[sflag:s24] =	ssyncadd.s32 $0xFFFFEC00  }
0x84: {  	[spmem:s3] =	stream.indirect.scatter.add.f32 [tilespmem:s16], [sflag:$0x6], $0x40, s30, s14, $0xb8;
	[tilespmem:$0x15220] =	vst v63  }
0x85: {  	_ =	swait.ge [sflag:s12], $0x1400  }
0x86: {  	[sflag:s12] =	ssyncset.done $0x0  }
0x87: {  	[sflag:s12] =	ssyncadd.s32 $0xFFFFEC00  }
0x88: {  	_ =	swait.ge [sflag:s25], $0x1400  }
0x89: {  	[sflag:s25] =	ssyncset.done $0x0  }
0x8a: {  	[sflag:s25] =	ssyncadd.s32 $0xFFFFEC00  }
0x8b: {  	[spmem:s3] =	stream.indirect.scatter.add.f32 [tilespmem:s18], [sflag:$0x6], $0x40, s31, s14, $0xb8;
	[tilespmem:$0x15220] =	vst v63  }
0x8c: {  	_ =	swait.ge [sflag:s12], $0x1400  }
0x8d: {  	[sflag:s12] =	ssyncset.done $0x0  }
0x8e: {  	[sflag:s12] =	ssyncadd.s32 $0xFFFFEC00  }
0x8f: {  	_ =	swait.ge [sflag:s26], $0x1400  }
0x90: {  	[sflag:s26] =	ssyncset.done $0x0  }
0x91: {  	[sflag:s26] =	ssyncadd.s32 $0xFFFFEC00  }
0x92: {  	[spmem:s3] =	stream.indirect.scatter.add.f32 [tilespmem:s20], [sflag:$0x6], $0x40, s2, s14, $0xb8;
	[tilespmem:$0x15220] =	vst v63  }
0x93: {  	_ =	swait.ge [sflag:s12], $0x1400  }
0x94: {  	[sflag:s12] =	ssyncset.done $0x0  }
0x95: {  	[sflag:s12] =	ssyncadd.s32 $0xFFFFEC00  }
0x96: {  	_ =	swait.ge [sflag:s28], $0x1400  }
0x97: {  	[sflag:s28] =	ssyncset.done $0x0  }
0x98: {  	[sflag:s28] =	ssyncadd.s32 $0xFFFFEC00  }
0x99: {  	[spmem:s3] =	stream.indirect.scatter.add.f32 [tilespmem:s22], [sflag:$0x6], $0x40, s0, s14, $0xb8;
	[tilespmem:$0x15220] =	vst v63  }
0x9a: {  	_ =	swait.ge [sflag:s12], $0x1400  }
0x9b: {  	s13 =	sadd.s32 $0x1, s13;
	[sflag:s12] =	ssyncset.done $0x0  }
0x9c: {  	p0 =	sne.s32 s13, s10;
	[sflag:s12] =	ssyncadd.s32 $0xFFFFEC00  }
.Ltmp1:
0x9d: {  	[bflag:$0x0] =	sbarrier.arrive $0xFFFF;
	(pc) =	sbr.rel @p0 .LBB2_1-.Ltmp1, $4  }
0x9e: {  	[hbm:s9], [sflag:s6] =	dma.local [spmem:s11], $0x1400  }
0x9f: {  	_ =	swait.ge [sflag:s12], $0x1400  }
0xa0: {  	[sflag:s12] =	ssyncset.done $0x0  }
0xa1: {  	[sflag:s12] =	ssyncadd.s32 $0xFFFFEC00  }
0xa2: {  	_ =	sfence.sel $0x180000  }
0xa3: {  	[bflag:$0x0] =	sbarrier.arrive $0xFFFF  }
0xa4: {  	_ =	strace $0x9000004D  }
0xa5: {  	s0 =	stileid.u32;
	[bflag:$0x2] =	sbarrier.arrive $0xFFFF  }
0xa6: {  	p0 =	sne.s32 s0, $0x0;
	s0 =	rddreg [dreg:$0x3]  }
0xa7: {  	s0 =	sadd.s32 @!p0 $0x100000, s0  }
0xa8: {  	[sflag:s0] =	ssyncadd.tile.s32 @!p0 $0x1;
	_ =	shalt  }
.Lfunc_end2:
_tile_overlayer_lowered:
.L_overlay_start_2:
0xa9: {  	(tag) =	ssettag $0x2  }
0xaa: {  	s0 =	rddreg [dreg:$0x0];
	s2 =	stileid.u32  }
0xab: {  	s1 =	rddreg [dreg:$0x1];
	p0 =	sne.s32 s2, $0x0  }
0xac: {  	s3 =	rddreg [dreg:$0x2];
	[bflag:$0x3] =	sbarrier.arrive $0xFFFF;
	s2 =	simm.s32 @!p0 $0x1C06  }
0xad: {  	[timem:s3], [sflag:s2] =	dma.local @!p0 [hbm:s0], s1  }
0xae: {  	s0 =	simm.s32 @!p0 $0x6  }
0xaf: {  	_ =	swait.ge @!p0 [sflag:s0], s1  }
0xb0: {  	s1 =	ssub.s32 @!p0 $0x0, s1;
	[sflag:s0] =	ssyncset.done @!p0 $0x0  }
0xb1: {  	[sflag:s0] =	ssyncadd.s32 @!p0 s1  }
0xb2: {  	[bflag:$0x3] =	sbarrier.arrive $0xFFFF  }
0xb3: {  	_ =	shalt  }

// kernel: kernel.16.cloned.1.call-start
scs
__scs_entry_jumppad:
0x0: {  	(pc) =	sbr.rel $0x88, $3  }
0x1: {  	(tag) =	ssettag $0x0;
	lr =	simm.s32 $0x1  }
0x2: {  	[smem:$0x3F97] =	sst lr;
	_ =	strace $0xD0000000  }
0x3: {  	_ = 	snop  }
0x4: {  	_ = 	snop  }
0x5: {  	_ = 	snop  }
0x6: {  	_ = 	snop  }
0x7: {  	_ = 	snop  }
__scs_overlays_trampoline_lowered:
0x8: {  	[smem:$0x3FA6] =	sst s0  }
0x9: {  	[smem:$0x3FA7] =	sst s1  }
0xa: {  	[smem:$0x3FA8] =	sst s2  }
0xb: {  	[smem:$0x3FA9] =	sst s3  }
0xc: {  	[smem:$0x3FAA] =	sst s4  }
0xd: {  	[smem:$0x3FAB] =	sst s5  }
0xe: {  	[smem:$0x3FAC] =	sst s6  }
0xf: {  	[smem:$0x3FAD] =	sst s7  }
0x10: {  	[smem:$0x3FAE] =	sst s8  }
0x11: {  	[smem:$0x3FAF] =	sst s9;
	s0 =	simm.s32 @!p0 $0x0  }
0x12: {  	s1 =	sld [smem:$0x3F95];
	s0 =	simm.s32 @p0 $0x1  }
0x13: {  	[smem:$0x3FB0] =	sst s0;
	s0 =	simm.s32 @!p1 $0x0  }
0x14: {  	s2 =	sld [smem:$0x3F94];
	s0 =	simm.s32 @p1 $0x1  }
0x15: {  	[smem:$0x3FB1] =	sst s0;
	s0 =	simm.s32 @!p2 $0x0  }
0x16: {  	s3 =	sld [smem:$0x3FDB];
	s0 =	simm.s32 @p2 $0x1  }
0x17: {  	s4 =	simm.s32 $0x1BF5;
	[smem:$0x3FB3] =	sst s0  }
0x18: {  	s0 =	sld [smem:$0x3F96];
	_ =	swait.ge [sflag:s4], $0x0  }
0x19: {  	s7 =	sld [smem:$0x3F97]  }
0x1a: {  	s8 =	sadd.s32 $0xFFFFE003, lr  }
0x1b: {  	s9 =	sadd.s32 $0xFFFFFEF7, lr;
	s5 =	simm.s32 $0xFFFFFFFF;
	p2 =	slt.u32 s8, $0xFFFFF086  }
0x1c: {  	p1 =	slt.u32 s9, $0xF7A;
	s5 =	simm.s32 @!p2 $0x0  }
0x1d: {  	s5 =	simm.s32 @p1 $0x1;
	p0 =	seq.s32 s7, s2  }
0x1e: {  	s7 =	smul.u32 @!p0 $0xF7A, s2;
	p2 =	seq.s32 @!p0 s5, $0x0  }
0x1f: {  	s9 =	smul.u32 $0xF7A, s1;
	s8 =	simm.s32 @!p0 $0x1BF5;
	p2 =	por !p2, p0  }
0x20: {  	[sflag:s8] =	ssyncset.s32 @!p0 $0xFFFFF086;
	s6 =	sadd.s32 @!p0 s3, s7;
	s7 =	simm.s32 @!p0 $0x108  }
0x21: {  	s3 =	sadd.s32 s3, s9;
	s6 =	sadd.s32 @!p0 $0x88, s6;
	s7 =	simm.s32 @p2 $0x1082  }
0x22: {  	[simem:s7], [sflag:s8] =	dma.local @!p0 [hbm:s6], $0xF7A  }
0x23: {  	s9 =	sor.u32 $0xD0000000, s2;
	s6 =	simm.s32 $0x108;
	_ =	swait.ge @!p0 [sflag:s8], $0x0  }
0x24: {  	s3 =	sadd.s32 $0x88, s3;
	s6 =	simm.s32 @!p1 $0x1082;
	[sflag:s4] =	ssyncset.s32 $0xFFFFF086  }
0x25: {  	[simem:s6], [sflag:s4] =	dma.local [hbm:s3], $0xF7A  }
0x26: {  	[smem:$0x3F97] =	sst s1;
	(tag) =	ssettag s2;
	_ =	strace s9  }
0x27: {  	s1 =	sld [smem:$0x3FA7]  }
0x28: {  	s2 =	sld [smem:$0x3FA8]  }
0x29: {  	s4 =	sld [smem:$0x3FAA]  }
0x2a: {  	p0 =	seq.s32 s5, $0x0;
	s5 =	sld [smem:$0x3FAB]  }
0x2b: {  	s6 =	sld [smem:$0x3FAC]  }
0x2c: {  	s7 =	sld [smem:$0x3FAD]  }
0x2d: {  	s3 =	simm.s32 $0x108;
	s8 =	sld [smem:$0x3FAE]  }
0x2e: {  	s3 =	simm.s32 @!p0 $0x1082;
	s9 =	sld [smem:$0x3FAF]  }
0x2f: {  	lr =	sadd.s32 s0, s3;
	s0 =	sld [smem:$0x3FA6]  }
0x30: {  	s3 =	sld [smem:$0x3FA9]  }
0x31: {  	[smem:$0x3FB2] =	sst s10  }
0x32: {  	s10 =	sld [smem:$0x3FB0];
	_ =	sdelay $0x3  }
0x33: {  	p0 =	seq.s32 s10, $0x1;
	s10 =	sld [smem:$0x3FB2];
	_ =	sdelay $0x3  }
0x34: {  	[smem:$0x3FB2] =	sst s10  }
0x35: {  	s10 =	sld [smem:$0x3FB1];
	_ =	sdelay $0x3  }
0x36: {  	p1 =	seq.s32 s10, $0x1;
	s10 =	sld [smem:$0x3FB2];
	_ =	sdelay $0x3  }
0x37: {  	[smem:$0x3FB2] =	sst s10  }
0x38: {  	s10 =	sld [smem:$0x3FB3]  }
0x39: {  	_ = 	snop;
	(pc) =	sbr.ind lr, $3  }
0x3a: {  	_ = 	snop  }
0x3b: {  	_ = 	snop  }
0x3c: {  	p2 =	seq.s32 s10, $0x1;
	s10 =	sld [smem:$0x3FB2]  }
0x3d: {  	_ =	shalt  }
0x3e: {  	_ =	shalt  }
0x3f: {  	_ =	shalt  }
0x40: {  	_ =	shalt  }
0x41: {  	_ =	shalt  }
0x42: {  	_ =	shalt  }
0x43: {  	_ =	shalt  }
0x44: {  	_ =	shalt  }
0x45: {  	_ =	shalt  }
0x46: {  	_ =	shalt  }
0x47: {  	_ =	shalt  }
0x48: {  	_ =	shalt  }
0x49: {  	_ =	shalt  }
0x4a: {  	_ =	shalt  }
0x4b: {  	_ =	shalt  }
0x4c: {  	_ =	shalt  }
0x4d: {  	_ =	shalt  }
0x4e: {  	_ =	shalt  }
0x4f: {  	_ =	shalt  }
0x50: {  	_ =	shalt  }
0x51: {  	_ =	shalt  }
0x52: {  	_ =	shalt  }
0x53: {  	_ =	shalt  }
0x54: {  	_ =	shalt  }
0x55: {  	_ =	shalt  }
0x56: {  	_ =	shalt  }
0x57: {  	_ =	shalt  }
0x58: {  	_ =	shalt  }
0x59: {  	_ =	shalt  }
0x5a: {  	_ =	shalt  }
0x5b: {  	_ =	shalt  }
0x5c: {  	_ =	shalt  }
0x5d: {  	_ =	shalt  }
0x5e: {  	_ =	shalt  }
0x5f: {  	_ =	shalt  }
0x60: {  	_ =	shalt  }
0x61: {  	_ =	shalt  }
0x62: {  	_ =	shalt  }
0x63: {  	_ =	shalt  }
0x64: {  	_ =	shalt  }
0x65: {  	_ =	shalt  }
0x66: {  	_ =	shalt  }
0x67: {  	_ =	shalt  }
0x68: {  	_ =	shalt  }
0x69: {  	_ =	shalt  }
0x6a: {  	_ =	shalt  }
0x6b: {  	_ =	shalt  }
0x6c: {  	_ =	shalt  }
0x6d: {  	_ =	shalt  }
0x6e: {  	_ =	shalt  }
0x6f: {  	_ =	shalt  }
0x70: {  	_ =	shalt  }
0x71: {  	_ =	shalt  }
0x72: {  	_ =	shalt  }
0x73: {  	_ =	shalt  }
0x74: {  	_ =	shalt  }
0x75: {  	_ =	shalt  }
0x76: {  	_ =	shalt  }
0x77: {  	_ =	shalt  }
0x78: {  	_ =	shalt  }
0x79: {  	_ =	shalt  }
0x7a: {  	_ =	shalt  }
0x7b: {  	_ =	shalt  }
0x7c: {  	_ =	shalt  }
0x7d: {  	_ =	shalt  }
0x7e: {  	_ =	shalt  }
0x7f: {  	_ =	shalt  }
0x80: {  	_ =	shalt  }
0x81: {  	_ =	shalt  }
0x82: {  	_ =	shalt  }
0x83: {  	_ =	shalt  }
0x84: {  	_ =	shalt  }
0x85: {  	_ =	shalt  }
0x86: {  	_ =	shalt  }
0x87: {  	_ =	shalt  }
.Lfunc_end0:
.L_simem_size_0:
called_computation.2_lowered:
.L_overlay_start_0:
0x88: {  	s2 =	sld [smem:$0x3FD9]  }
0x89: {  	s3 =	sld [smem:$0x3FFE];
	_ =	sdelay $0x1  }
0x8a: {  	s1 =	srdreg.scid  }
0x8b: {  	s0 =	sand.u32 $0x1, s1  }
0x8c: {  	s16 =	sshll.u32 s0, $0xA;
	s2 =	sadd.s32 s3, s2  }
0x8d: {  	s2 =	sadd.s32 s2, s16  }
0x8e: {  	[smem:$0x3FBE] =	sst s2  }
0x8f: {  	_ = 	snop  }
0x90: {  	(tm) =	ssettm $0x1  }
0x91: {  	s17 =	sld [smem:$0x3FFB];
	_ =	sdelay $0x3  }
0x92: {  	_ =	strace s17  }
0x93: {  	s2 =	sld [smem:$0x3FFC];
	_ =	sdelay $0x3  }
0x94: {  	_ =	strace s2  }
0x95: {  	s2 =	sld [smem:$0x3FFD];
	_ =	sdelay $0x3  }
0x96: {  	_ =	strace s2  }
0x97: {  	_ =	strace $0x8FFFFFFF  }
0x98: {  	s18 =	sld [smem:$0x3FDB];
	_ =	sdelay $0x1  }
0x99: {  	s19 =	simm.s32 $_scs_section_size  }
0x9a: {  	s4 =	simm.s32 $_size__tile_overlayer_lowered;
	s5 =	simm.s32 $_tile_overlayer_lowered  }
0x9b: {  	s22 =	simm.s32 $0x1BFF;
	s21 =	sshll.u32 s5, $0x1;
	s2 =	sadd.s32 s19, s18  }
0x9c: {  	s6 =	simm.s32 $0x0;
	s20 =	sshll.u32 s4, $0x1;
	s4 =	sadd.s32 s21, s2  }
0x9d: {  	[timem:s6], [sflag:s22] =	dma.local [hbm:s4], s20  }
0x9e: {  	_ =	swait.ge [sflag:s22], s20  }
0x9f: {  	s3 =	ssub.s32 $0x0, s20;
	[sflag:s22] =	ssyncset.done $0x0  }
0xa0: {  	[sflag:s22] =	ssyncadd.s32 s3;
	_ =	sdelay $0x1  }
0xa1: {  	s23 =	simm.s32 $0x1B8B  }
0xa2: {  	_ =	swait.ge [sflag:s23], $0x1  }
0xa3: {  	[sflag:s23] =	ssyncset.done $0x0  }
0xa4: {  	s25 =	simm.s32 $0x1B8E;
	s24 =	sld [smem:$0x3FFE];
	[sflag:s23] =	ssyncadd.s32 $0xFFFFFFFF  }
0xa5: {  	s26 =	simm.s32 $execute0_lowered;
	[smem:$0x3FD2] =	sst s25  }
0xa6: {  	s4 =	sshll.u32 s26, $0x1;
	_ =	strace $0x80000049;
	[dreg:$0x1] =	wrdreg $0xFFFFFFFF  }
0xa7: {  	s28 =	simm.s32 $_size_execute0_lowered;
	s2 =	sadd.s32 s2, s4;
	[dreg:$0x0] =	wrdreg $0x0  }
0xa8: {  	s4 =	sshll.u32 s28, $0x1;
	[dreg:$0x2] =	wrdreg s2  }
0xa9: {  	[dreg:$0x3] =	wrdreg s4  }
0xaa: {  	[dreg:$0x4] =	wrdreg $0xC0  }
0xab: {  	_ =	task [dreg:s6], $0x5FFFF  }
0xac: {  	[dreg:$0x1] =	wrdreg $0xFFFFFFFF  }
0xad: {  	[dreg:$0x0] =	wrdreg $0x60  }
0xae: {  	[dreg:$0x2] =	wrdreg s24  }
0xaf: {  	[dreg:$0x3] =	wrdreg $0xB2200  }
0xb0: {  	[dreg:$0x4] =	wrdreg $0xA  }
0xb1: {  	_ =	task.clear_ibuf [dreg:s6], $0x5FFFF;
	_ =	strace $0x90000049  }
0xb2: {  	s29 =	simm.s32 $0xA;
	_ =	strace $0x8000004B  }
0xb3: {  	_ =	swait.ge [sflag:s29], $0x1  }
0xb4: {  	[sflag:s29] =	ssyncadd.s32 $0xFFFFFFFF  }
0xb5: {  	_ =	strace $0x9000004B  }
0xb6: {  	_ =	sfence  }
0xb7: {  	s30 =	sld [smem:$0x0];
	_ =	sdelay $0x2  }
0xb8: {  	s31 =	sshll.u32 s1, $0xD;
	s1 =	sshrl.u32 s1, $0x2  }
0xb9: {  	s3 =	sand.u32 $0x4000, s31;
	s1 =	sadd.s32 s1, s30  }
0xba: {  	s0 =	sor.u32 s3, s0;
	s1 =	sshll.u32 s1, $0x11  }
0xbb: {  	s0 =	sor.u32 s1, s0  }
0xbc: {  	s0 =	sadd.s32 $0x8F2B, s0  }
0xbd: {  	[sflag:s0] =	ssyncadd.remote.s32 $0x1  }
0xbe: {  	_ =	sfence.sel $0xFFFF  }
0xbf: {  	[dreg:$0x0] =	wrdreg $0xFFFFFFFF;
	(pc) =	sbr.abs _section_cstart, $3  }
0xc0: {  	[dreg:$0x1] =	wrdreg $0xFFFFFFFF  }
0xc1: {  	_ =	task.clear_ibuf [dreg:s6], $0x2FFFF;
	_ =	strace $0x9FFFFFFF  }
0xc2: {  	(tm) =	ssettm $0x7FFFFFFF  }
0xc3: {  	_ =	shalt  }
tec
execute0_lowered:
.L_overlay_start_1:
0x0: {  	(tag) =	ssettag $0x1  }
0x1: {  	s0 =	srdreg.scid;
	s5 =	rddreg [dreg:$0x0]  }
0x2: {  	s10 =	stileid.u32;
	s2 =	rddreg [dreg:$0x1]  }
0x3: {  	s3 =	simm.s32 $0x0;
	s12 =	simm.s32 $0x6;
	s14 =	simm.s32 $0x50  }
0x4: {  	s15 =	simm.s32 $0x4E20;
	s16 =	simm.s32 $0x6220;
	s18 =	simm.s32 $0x7620  }
0x5: {  	s20 =	simm.s32 $0x8A20;
	s22 =	simm.s32 $0x9E20;
	s28 =	simm.s32 $0x5  }
0x6: {  	s29 =	simm.s32 $0x4C90;
	s30 =	simm.s32 $0x4CE0;
	s31 =	simm.s32 $0x4D30  }
0x7: {  	s13 =	simm.s32 $0x0;
	s0 =	sand.u32 $0x1, s0;
	s7 =	smul.u32 $0x280, s10  }
0x8: {  	[smem:$0x7FF] =	sst s3;
	s4 =	sadd.s32 $0xB1C00, s5;
	s8 =	smul.u32 $0x4E2, s10  }
0x9: {  	s23 =	smul.u32 $0x28000, s10;
	s26 =	sshll.u32 s10, $0x6;
	s1 =	sshll.u32 s0, $0x4  }
0xa: {  	s6 =	smul.u32 $0x2800, s0;
	_ =	strace $0x8000004A;
	s0 =	ssub.s32 $0x2, s0  }
0xb: {  	s1 =	sor.u32 s10, s1;
	s8 =	sadd.s32 s8, s5;
	s24 =	sshrl.u32 s0, $0x1  }
0xc: {  	s25 =	sshrl.u32 s23, $0x2;
	s23 =	simm.s32 $0x1;
	s1 =	smul.u32 $0x4E2, s1  }
0xd: {  	s6 =	sadd.s32 s7, s6;
	s0 =	ssub.s32 s0, s24;
	s11 =	sadd.s32 s25, s2  }
0xe: {  	s8 =	sadd.s32 $0x2E00, s8;
	s24 =	simm.s32 $0x2;
	s25 =	simm.s32 $0x3  }
0xf: {  	s6 =	sshll.u32 s6, $0x3;
	s10 =	smax.u32 s0, $0x1;
	s11 =	sshrl.u32 s11, $0x3  }
0x10: {  	s0 =	simm.s32 $0x4DD0;
	s1 =	sadd.s32 s1, s5;
	s9 =	sadd.s32 s6, s5  }
0x11: {  	s5 =	sadd.s32 s4, s6;
	s6 =	sor.u32 $0x1C06, s26;
	s26 =	simm.s32 $0x4  }
0x12: {  	s7 =	sadd.s32 $0x7E00, s1;
	s9 =	sadd.s32 $0x11C00, s9;
	s1 =	simm.s32 $0x4D80  }
.LBB2_1:
0x13: {  	[spmem:s11], [sflag:s6] =	dma.local [hbm:s5], $0x1400  }
0x14: {  	_ =	swait.ge [sflag:s12], $0x1400  }
0x15: {  	[sflag:s12] =	ssyncset.done $0x0  }
0x16: {  	[sflag:s12] =	ssyncadd.s32 $0xFFFFEC00  }
0x17: {  	[tilespmem:s3], [sflag:$0x6] =	stream.linear.gather [hbm4b:s7+s3], $0x2710, $0x38;
	[tilespmem:$0x15220] =	vst v63  }
0x18: {  	_ =	swait.ge [sflag:s12], $0x2710  }
0x19: {  	[sflag:s12] =	ssyncset.done $0x0  }
0x1a: {  	s17 =	simm.s32 $0x2710;
	[sflag:s12] =	ssyncadd.s32 $0xFFFFD8F0  }
0x1b: {  	[tilespmem:s17], [sflag:$0x6] =	stream.linear.gather [hbm4b:s8+s3], $0x2710, $0x38;
	[tilespmem:$0x15220] =	vst v63  }
0x1c: {  	_ =	swait.ge [sflag:s12], $0x2710  }
0x1d: {  	[sflag:s12] =	ssyncset.done $0x0  }
0x1e: {  	[sflag:s12] =	ssyncadd.s32 $0xFFFFD8F0  }
0x1f: {  	[bflag:$0x0] =	sbarrier.arrive $0xFFFF  }
0x20: {  	[tilespmem:s15], [sflag:$0x1] =	stream.indirect.gather [hbm4b:s4+s14], $0x40, s3, s14, $0xb8;
	[tilespmem:$0x15220] =	vst v63  }
0x21: {  	_ = 	snop  }
0x22: {  	[tilespmem:s16], [sflag:$0x2] =	stream.indirect.gather [hbm4b:s4+s14], $0x40, s14, s14, $0xb8;
	[tilespmem:$0x15220] =	vst v63  }
0x23: {  	s19 =	simm.s32 $0xA0  }
0x24: {  	[tilespmem:s18], [sflag:$0x3] =	stream.indirect.gather [hbm4b:s4+s14], $0x40, s19, s14, $0xb8;
	[tilespmem:$0x15220] =	vst v63  }
0x25: {  	s21 =	simm.s32 $0xF0  }
0x26: {  	[tilespmem:s20], [sflag:$0x4] =	stream.indirect.gather [hbm4b:s4+s14], $0x40, s21, s14, $0xb8;
	[tilespmem:$0x15220] =	vst v63  }
0x27: {  	s19 =	simm.s32 $0x140  }
0x28: {  	[tilespmem:s22], [sflag:$0x5] =	stream.indirect.gather [hbm4b:s4+s14], $0x40, s19, s14, $0xb8;
	[tilespmem:$0x15220] =	vst v63  }
0x29: {  	_ =	swait.ge [sflag:s23], $0x1400  }
0x2a: {  	[sflag:s23] =	ssyncset.done $0x0  }
0x2b: {  	s21 =	simm.s32 $0x2710;
	[sflag:s23] =	ssyncadd.s32 $0xFFFFEC00  }
0x2c: {  	[spmem:s2] =	stream.indirect.scatter.add.f32 [tilespmem:s15], [sflag:$0x6], $0x40, s21, s14, $0xb8;
	[tilespmem:$0x15220] =	vst v63  }
0x2d: {  	_ =	swait.ge [sflag:s12], $0x1400  }
0x2e: {  	[sflag:s12] =	ssyncset.done $0x0  }
0x2f: {  	s19 =	simm.s32 $0x190;
	[sflag:s12] =	ssyncadd.s32 $0xFFFFEC00  }
0x30: {  	[tilespmem:s15], [sflag:$0x1] =	stream.indirect.gather [hbm4b:s4+s14], $0x40, s19, s14, $0xb8;
	[tilespmem:$0x15220] =	vst v63  }
0x31: {  	_ =	swait.ge [sflag:s24], $0x1400  }
0x32: {  	[sflag:s24] =	ssyncset.done $0x0  }
0x33: {  	s21 =	simm.s32 $0x2760;
	[sflag:s24] =	ssyncadd.s32 $0xFFFFEC00  }
0x34: {  	[spmem:s2] =	stream.indirect.scatter.add.f32 [tilespmem:s16], [sflag:$0x6], $0x40, s21, s14, $0xb8;
	[tilespmem:$0x15220] =	vst v63  }
0x35: {  	_ =	swait.ge [sflag:s12], $0x1400  }
0x36: {  	[sflag:s12] =	ssyncset.done $0x0  }
0x37: {  	s19 =	simm.s32 $0x1E0;
	[sflag:s12] =	ssyncadd.s32 $0xFFFFEC00  }
0x38: {  	[tilespmem:s16], [sflag:$0x2] =	stream.indirect.gather [hbm4b:s4+s14], $0x40, s19, s14, $0xb8;
	[tilespmem:$0x15220] =	vst v63  }
0x39: {  	_ =	swait.ge [sflag:s25], $0x1400  }
0x3a: {  	[sflag:s25] =	ssyncset.done $0x0  }
0x3b: {  	s21 =	simm.s32 $0x27B0;
	[sflag:s25] =	ssyncadd.s32 $0xFFFFEC00  }
0x3c: {  	[spmem:s2] =	stream.indirect.scatter.add.f32 [tilespmem:s18], [sflag:$0x6], $0x40, s21, s14, $0xb8;
	[tilespmem:$0x15220] =	vst v63  }
0x3d: {  	_ =	swait.ge [sflag:s12], $0x1400  }
0x3e: {  	[sflag:s12] =	ssyncset.done $0x0  }
0x3f: {  	s19 =	simm.s32 $0x230;
	[sflag:s12] =	ssyncadd.s32 $0xFFFFEC00  }
0x40: {  	[tilespmem:s18], [sflag:$0x3] =	stream.indirect.gather [hbm4b:s4+s14], $0x40, s19, s14, $0xb8;
	[tilespmem:$0x15220] =	vst v63  }
0x41: {  	_ =	swait.ge [sflag:s26], $0x1400  }
0x42: {  	[sflag:s26] =	ssyncset.done $0x0  }
0x43: {  	s21 =	simm.s32 $0x2800;
	[sflag:s26] =	ssyncadd.s32 $0xFFFFEC00  }
0x44: {  	[spmem:s2] =	stream.indirect.scatter.add.f32 [tilespmem:s20], [sflag:$0x6], $0x40, s21, s14, $0xb8;
	[tilespmem:$0x15220] =	vst v63  }
0x45: {  	_ =	swait.ge [sflag:s12], $0x1400  }
0x46: {  	[sflag:s12] =	ssyncset.done $0x0  }
0x47: {  	s19 =	simm.s32 $0x280;
	[sflag:s12] =	ssyncadd.s32 $0xFFFFEC00  }
0x48: {  	[tilespmem:s20], [sflag:$0x4] =	stream.indirect.gather [hbm4b:s4+s14], $0x40, s19, s14, $0xb8;
	[tilespmem:$0x15220] =	vst v63  }
0x49: {  	_ =	swait.ge [sflag:s28], $0x1400  }
0x4a: {  	[sflag:s28] =	ssyncset.done $0x0  }
0x4b: {  	s21 =	simm.s32 $0x2850;
	[sflag:s28] =	ssyncadd.s32 $0xFFFFEC00  }
0x4c: {  	[spmem:s2] =	stream.indirect.scatter.add.f32 [tilespmem:s22], [sflag:$0x6], $0x40, s21, s14, $0xb8;
	[tilespmem:$0x15220] =	vst v63  }
0x4d: {  	_ =	swait.ge [sflag:s12], $0x1400  }
0x4e: {  	[sflag:s12] =	ssyncset.done $0x0  }
0x4f: {  	s17 =	simm.s32 $0x640;
	s19 =	simm.s32 $0x2D0;
	[sflag:s12] =	ssyncadd.s32 $0xFFFFEC00  }
.LBB2_2:
0x50: {  	[tilespmem:s22], [sflag:$0x5] =	stream.indirect.gather [hbm4b:s4+s14], $0x40, s19, s14, $0xb8;
	[tilespmem:$0x15220] =	vst v63  }
0x51: {  	s19 =	smov.u32 s17  }
0x52: {  	p0 =	sne.s32 s17, $0x8FC0;
	s17 =	sadd.s32 $0x640, s17;
	_ =	swait.ge [sflag:s23], $0x1400  }
0x53: {  	s19 =	sshra.s32 s19, $0x2;
	[sflag:s23] =	ssyncset.done $0x0  }
0x54: {  	s21 =	sadd.s32 $0x2710, s19;
	[sflag:s23] =	ssyncadd.s32 $0xFFFFEC00  }
0x55: {  	[spmem:s2] =	stream.indirect.scatter.add.f32 [tilespmem:s15], [sflag:$0x6], $0x40, s21, s14, $0xb8;
	[tilespmem:$0x15220] =	vst v63  }
0x56: {  	_ =	swait.ge [sflag:s12], $0x1400  }
0x57: {  	[sflag:s12] =	ssyncset.done $0x0  }
0x58: {  	s21 =	sadd.s32 $0x190, s19;
	[sflag:s12] =	ssyncadd.s32 $0xFFFFEC00  }
0x59: {  	[tilespmem:s15], [sflag:$0x1] =	stream.indirect.gather [hbm4b:s4+s14], $0x40, s21, s14, $0xb8;
	[tilespmem:$0x15220] =	vst v63  }
0x5a: {  	_ =	swait.ge [sflag:s24], $0x1400  }
0x5b: {  	[sflag:s24] =	ssyncset.done $0x0  }
0x5c: {  	s21 =	sadd.s32 $0x2760, s19;
	[sflag:s24] =	ssyncadd.s32 $0xFFFFEC00  }
0x5d: {  	[spmem:s2] =	stream.indirect.scatter.add.f32 [tilespmem:s16], [sflag:$0x6], $0x40, s21, s14, $0xb8;
	[tilespmem:$0x15220] =	vst v63  }
0x5e: {  	_ =	swait.ge [sflag:s12], $0x1400  }
0x5f: {  	[sflag:s12] =	ssyncset.done $0x0  }
0x60: {  	s21 =	sadd.s32 $0x1E0, s19;
	[sflag:s12] =	ssyncadd.s32 $0xFFFFEC00  }
0x61: {  	[tilespmem:s16], [sflag:$0x2] =	stream.indirect.gather [hbm4b:s4+s14], $0x40, s21, s14, $0xb8;
	[tilespmem:$0x15220] =	vst v63  }
0x62: {  	_ =	swait.ge [sflag:s25], $0x1400  }
0x63: {  	[sflag:s25] =	ssyncset.done $0x0  }
0x64: {  	s21 =	sadd.s32 $0x27B0, s19;
	[sflag:s25] =	ssyncadd.s32 $0xFFFFEC00  }
0x65: {  	[spmem:s2] =	stream.indirect.scatter.add.f32 [tilespmem:s18], [sflag:$0x6], $0x40, s21, s14, $0xb8;
	[tilespmem:$0x15220] =	vst v63  }
0x66: {  	_ =	swait.ge [sflag:s12], $0x1400  }
0x67: {  	[sflag:s12] =	ssyncset.done $0x0  }
0x68: {  	s21 =	sadd.s32 $0x230, s19;
	[sflag:s12] =	ssyncadd.s32 $0xFFFFEC00  }
0x69: {  	[tilespmem:s18], [sflag:$0x3] =	stream.indirect.gather [hbm4b:s4+s14], $0x40, s21, s14, $0xb8;
	[tilespmem:$0x15220] =	vst v63  }
0x6a: {  	_ =	swait.ge [sflag:s26], $0x1400  }
0x6b: {  	[sflag:s26] =	ssyncset.done $0x0  }
0x6c: {  	s21 =	sadd.s32 $0x2800, s19;
	[sflag:s26] =	ssyncadd.s32 $0xFFFFEC00  }
0x6d: {  	[spmem:s2] =	stream.indirect.scatter.add.f32 [tilespmem:s20], [sflag:$0x6], $0x40, s21, s14, $0xb8;
	[tilespmem:$0x15220] =	vst v63  }
0x6e: {  	_ =	swait.ge [sflag:s12], $0x1400  }
0x6f: {  	[sflag:s12] =	ssyncset.done $0x0  }
0x70: {  	s21 =	sadd.s32 $0x280, s19;
	[sflag:s12] =	ssyncadd.s32 $0xFFFFEC00  }
0x71: {  	[tilespmem:s20], [sflag:$0x4] =	stream.indirect.gather [hbm4b:s4+s14], $0x40, s21, s14, $0xb8;
	[tilespmem:$0x15220] =	vst v63  }
0x72: {  	_ =	swait.ge [sflag:s28], $0x1400  }
0x73: {  	[sflag:s28] =	ssyncset.done $0x0  }
.Ltmp0:
0x74: {  	s21 =	sadd.s32 $0x2850, s19;
	[sflag:s28] =	ssyncadd.s32 $0xFFFFEC00;
	(pc) =	sbr.rel @p0 .LBB2_2-.Ltmp0, $4  }
0x75: {  	[spmem:s2] =	stream.indirect.scatter.add.f32 [tilespmem:s22], [sflag:$0x6], $0x40, s21, s14, $0xb8;
	[tilespmem:$0x15220] =	vst v63  }
0x76: {  	_ =	swait.ge [sflag:s12], $0x1400  }
0x77: {  	[sflag:s12] =	ssyncset.done $0x0  }
0x78: {  	s19 =	sadd.s32 $0x2D0, s19;
	[sflag:s12] =	ssyncadd.s32 $0xFFFFEC00  }
0x79: {  	[tilespmem:s22], [sflag:$0x5] =	stream.indirect.gather [hbm4b:s4+s14], $0x40, s19, s14, $0xb8;
	[tilespmem:$0x15220] =	vst v63  }
0x7a: {  	_ =	swait.ge [sflag:s23], $0x1400  }
0x7b: {  	[sflag:s23] =	ssyncset.done $0x0  }
0x7c: {  	[sflag:s23] =	ssyncadd.s32 $0xFFFFEC00  }
0x7d: {  	[spmem:s2] =	stream.indirect.scatter.add.f32 [tilespmem:s15], [sflag:$0x6], $0x40, s29, s14, $0xb8;
	[tilespmem:$0x15220] =	vst v63  }
0x7e: {  	_ =	swait.ge [sflag:s12], $0x1400  }
0x7f: {  	[sflag:s12] =	ssyncset.done $0x0  }
0x80: {  	[sflag:s12] =	ssyncadd.s32 $0xFFFFEC00  }
0x81: {  	_ =	swait.ge [sflag:s24], $0x1400  }
0x82: {  	[sflag:s24] =	ssyncset.done $0x0  }
0x83: {  	[sflag:s24] =	ssyncadd.s32 $0xFFFFEC00  }
0x84: {  	[spmem:s2] =	stream.indirect.scatter.add.f32 [tilespmem:s16], [sflag:$0x6], $0x40, s30, s14, $0xb8;
	[tilespmem:$0x15220] =	vst v63  }
0x85: {  	_ =	swait.ge [sflag:s12], $0x1400  }
0x86: {  	[sflag:s12] =	ssyncset.done $0x0  }
0x87: {  	[sflag:s12] =	ssyncadd.s32 $0xFFFFEC00  }
0x88: {  	_ =	swait.ge [sflag:s25], $0x1400  }
0x89: {  	[sflag:s25] =	ssyncset.done $0x0  }
0x8a: {  	[sflag:s25] =	ssyncadd.s32 $0xFFFFEC00  }
0x8b: {  	[spmem:s2] =	stream.indirect.scatter.add.f32 [tilespmem:s18], [sflag:$0x6], $0x40, s31, s14, $0xb8;
	[tilespmem:$0x15220] =	vst v63  }
0x8c: {  	_ =	swait.ge [sflag:s12], $0x1400  }
0x8d: {  	[sflag:s12] =	ssyncset.done $0x0  }
0x8e: {  	[sflag:s12] =	ssyncadd.s32 $0xFFFFEC00  }
0x8f: {  	_ =	swait.ge [sflag:s26], $0x1400  }
0x90: {  	[sflag:s26] =	ssyncset.done $0x0  }
0x91: {  	[sflag:s26] =	ssyncadd.s32 $0xFFFFEC00  }
0x92: {  	[spmem:s2] =	stream.indirect.scatter.add.f32 [tilespmem:s20], [sflag:$0x6], $0x40, s1, s14, $0xb8;
	[tilespmem:$0x15220] =	vst v63  }
0x93: {  	_ =	swait.ge [sflag:s12], $0x1400  }
0x94: {  	[sflag:s12] =	ssyncset.done $0x0  }
0x95: {  	[sflag:s12] =	ssyncadd.s32 $0xFFFFEC00  }
0x96: {  	_ =	swait.ge [sflag:s28], $0x1400  }
0x97: {  	[sflag:s28] =	ssyncset.done $0x0  }
0x98: {  	[sflag:s28] =	ssyncadd.s32 $0xFFFFEC00  }
0x99: {  	[spmem:s2] =	stream.indirect.scatter.add.f32 [tilespmem:s22], [sflag:$0x6], $0x40, s0, s14, $0xb8;
	[tilespmem:$0x15220] =	vst v63  }
0x9a: {  	_ =	swait.ge [sflag:s12], $0x1400  }
0x9b: {  	s13 =	sadd.s32 $0x1, s13;
	[sflag:s12] =	ssyncset.done $0x0  }
0x9c: {  	p0 =	sne.s32 s13, s10;
	[sflag:s12] =	ssyncadd.s32 $0xFFFFEC00  }
.Ltmp1:
0x9d: {  	[bflag:$0x0] =	sbarrier.arrive $0xFFFF;
	(pc) =	sbr.rel @p0 .LBB2_1-.Ltmp1, $4  }
0x9e: {  	[hbm:s9], [sflag:s6] =	dma.local [spmem:s11], $0x1400  }
0x9f: {  	_ =	swait.ge [sflag:s12], $0x1400  }
0xa0: {  	[sflag:s12] =	ssyncset.done $0x0  }
0xa1: {  	[sflag:s12] =	ssyncadd.s32 $0xFFFFEC00  }
0xa2: {  	_ =	sfence.sel $0x180000  }
0xa3: {  	[bflag:$0x0] =	sbarrier.arrive $0xFFFF  }
0xa4: {  	_ =	strace $0x9000004A  }
0xa5: {  	s0 =	stileid.u32;
	[bflag:$0x2] =	sbarrier.arrive $0xFFFF  }
0xa6: {  	p0 =	sne.s32 s0, $0x0;
	s0 =	rddreg [dreg:$0x2]  }
0xa7: {  	s0 =	sadd.s32 @!p0 $0x100000, s0  }
0xa8: {  	[sflag:s0] =	ssyncadd.tile.s32 @!p0 $0x1;
	_ =	shalt  }
.Lfunc_end2:
_tile_overlayer_lowered:
.L_overlay_start_2:
0xa9: {  	(tag) =	ssettag $0x2  }
0xaa: {  	s0 =	rddreg [dreg:$0x0];
	s2 =	stileid.u32  }
0xab: {  	s1 =	rddreg [dreg:$0x1];
	p0 =	sne.s32 s2, $0x0  }
0xac: {  	s3 =	rddreg [dreg:$0x2];
	[bflag:$0x3] =	sbarrier.arrive $0xFFFF;
	s2 =	simm.s32 @!p0 $0x1C06  }
0xad: {  	[timem:s3], [sflag:s2] =	dma.local @!p0 [hbm:s0], s1  }
0xae: {  	s0 =	simm.s32 @!p0 $0x6  }
0xaf: {  	_ =	swait.ge @!p0 [sflag:s0], s1  }
0xb0: {  	s1 =	ssub.s32 @!p0 $0x0, s1;
	[sflag:s0] =	ssyncset.done @!p0 $0x0  }
0xb1: {  	[sflag:s0] =	ssyncadd.s32 @!p0 s1  }
0xb2: {  	[bflag:$0x3] =	sbarrier.arrive $0xFFFF  }
0xb3: {  	_ =	shalt  }

// kernel: kernel.19.cloned.1.call-start
scs
__scs_entry_jumppad:
0x0: {  	(pc) =	sbr.rel $0x88, $3  }
0x1: {  	(tag) =	ssettag $0x0;
	lr =	simm.s32 $0x1  }
0x2: {  	[smem:$0x3F97] =	sst lr;
	_ =	strace $0xD0000000  }
0x3: {  	_ = 	snop  }
0x4: {  	_ = 	snop  }
0x5: {  	_ = 	snop  }
0x6: {  	_ = 	snop  }
0x7: {  	_ = 	snop  }
__scs_overlays_trampoline_lowered:
0x8: {  	[smem:$0x3FA6] =	sst s0  }
0x9: {  	[smem:$0x3FA7] =	sst s1  }
0xa: {  	[smem:$0x3FA8] =	sst s2  }
0xb: {  	[smem:$0x3FA9] =	sst s3  }
0xc: {  	[smem:$0x3FAA] =	sst s4  }
0xd: {  	[smem:$0x3FAB] =	sst s5  }
0xe: {  	[smem:$0x3FAC] =	sst s6  }
0xf: {  	[smem:$0x3FAD] =	sst s7  }
0x10: {  	[smem:$0x3FAE] =	sst s8  }
0x11: {  	[smem:$0x3FAF] =	sst s9;
	s0 =	simm.s32 @!p0 $0x0  }
0x12: {  	s1 =	sld [smem:$0x3F95];
	s0 =	simm.s32 @p0 $0x1  }
0x13: {  	[smem:$0x3FB0] =	sst s0;
	s0 =	simm.s32 @!p1 $0x0  }
0x14: {  	s2 =	sld [smem:$0x3F94];
	s0 =	simm.s32 @p1 $0x1  }
0x15: {  	[smem:$0x3FB1] =	sst s0;
	s0 =	simm.s32 @!p2 $0x0  }
0x16: {  	s3 =	sld [smem:$0x3FDB];
	s0 =	simm.s32 @p2 $0x1  }
0x17: {  	s4 =	simm.s32 $0x1BF5;
	[smem:$0x3FB3] =	sst s0  }
0x18: {  	s0 =	sld [smem:$0x3F96];
	_ =	swait.ge [sflag:s4], $0x0  }
0x19: {  	s7 =	sld [smem:$0x3F97]  }
0x1a: {  	s8 =	sadd.s32 $0xFFFFE003, lr  }
0x1b: {  	s9 =	sadd.s32 $0xFFFFFEF7, lr;
	s5 =	simm.s32 $0xFFFFFFFF;
	p2 =	slt.u32 s8, $0xFFFFF086  }
0x1c: {  	p1 =	slt.u32 s9, $0xF7A;
	s5 =	simm.s32 @!p2 $0x0  }
0x1d: {  	s5 =	simm.s32 @p1 $0x1;
	p0 =	seq.s32 s7, s2  }
0x1e: {  	s7 =	smul.u32 @!p0 $0xF7A, s2;
	p2 =	seq.s32 @!p0 s5, $0x0  }
0x1f: {  	s9 =	smul.u32 $0xF7A, s1;
	s8 =	simm.s32 @!p0 $0x1BF5;
	p2 =	por !p2, p0  }
0x20: {  	[sflag:s8] =	ssyncset.s32 @!p0 $0xFFFFF086;
	s6 =	sadd.s32 @!p0 s3, s7;
	s7 =	simm.s32 @!p0 $0x108  }
0x21: {  	s3 =	sadd.s32 s3, s9;
	s6 =	sadd.s32 @!p0 $0x88, s6;
	s7 =	simm.s32 @p2 $0x1082  }
0x22: {  	[simem:s7], [sflag:s8] =	dma.local @!p0 [hbm:s6], $0xF7A  }
0x23: {  	s9 =	sor.u32 $0xD0000000, s2;
	s6 =	simm.s32 $0x108;
	_ =	swait.ge @!p0 [sflag:s8], $0x0  }
0x24: {  	s3 =	sadd.s32 $0x88, s3;
	s6 =	simm.s32 @!p1 $0x1082;
	[sflag:s4] =	ssyncset.s32 $0xFFFFF086  }
0x25: {  	[simem:s6], [sflag:s4] =	dma.local [hbm:s3], $0xF7A  }
0x26: {  	[smem:$0x3F97] =	sst s1;
	(tag) =	ssettag s2;
	_ =	strace s9  }
0x27: {  	s1 =	sld [smem:$0x3FA7]  }
0x28: {  	s2 =	sld [smem:$0x3FA8]  }
0x29: {  	s4 =	sld [smem:$0x3FAA]  }
0x2a: {  	p0 =	seq.s32 s5, $0x0;
	s5 =	sld [smem:$0x3FAB]  }
0x2b: {  	s6 =	sld [smem:$0x3FAC]  }
0x2c: {  	s7 =	sld [smem:$0x3FAD]  }
0x2d: {  	s3 =	simm.s32 $0x108;
	s8 =	sld [smem:$0x3FAE]  }
0x2e: {  	s3 =	simm.s32 @!p0 $0x1082;
	s9 =	sld [smem:$0x3FAF]  }
0x2f: {  	lr =	sadd.s32 s0, s3;
	s0 =	sld [smem:$0x3FA6]  }
0x30: {  	s3 =	sld [smem:$0x3FA9]  }
0x31: {  	[smem:$0x3FB2] =	sst s10  }
0x32: {  	s10 =	sld [smem:$0x3FB0];
	_ =	sdelay $0x3  }
0x33: {  	p0 =	seq.s32 s10, $0x1;
	s10 =	sld [smem:$0x3FB2];
	_ =	sdelay $0x3  }
0x34: {  	[smem:$0x3FB2] =	sst s10  }
0x35: {  	s10 =	sld [smem:$0x3FB1];
	_ =	sdelay $0x3  }
0x36: {  	p1 =	seq.s32 s10, $0x1;
	s10 =	sld [smem:$0x3FB2];
	_ =	sdelay $0x3  }
0x37: {  	[smem:$0x3FB2] =	sst s10  }
0x38: {  	s10 =	sld [smem:$0x3FB3]  }
0x39: {  	_ = 	snop;
	(pc) =	sbr.ind lr, $3  }
0x3a: {  	_ = 	snop  }
0x3b: {  	_ = 	snop  }
0x3c: {  	p2 =	seq.s32 s10, $0x1;
	s10 =	sld [smem:$0x3FB2]  }
0x3d: {  	_ =	shalt  }
0x3e: {  	_ =	shalt  }
0x3f: {  	_ =	shalt  }
0x40: {  	_ =	shalt  }
0x41: {  	_ =	shalt  }
0x42: {  	_ =	shalt  }
0x43: {  	_ =	shalt  }
0x44: {  	_ =	shalt  }
0x45: {  	_ =	shalt  }
0x46: {  	_ =	shalt  }
0x47: {  	_ =	shalt  }
0x48: {  	_ =	shalt  }
0x49: {  	_ =	shalt  }
0x4a: {  	_ =	shalt  }
0x4b: {  	_ =	shalt  }
0x4c: {  	_ =	shalt  }
0x4d: {  	_ =	shalt  }
0x4e: {  	_ =	shalt  }
0x4f: {  	_ =	shalt  }
0x50: {  	_ =	shalt  }
0x51: {  	_ =	shalt  }
0x52: {  	_ =	shalt  }
0x53: {  	_ =	shalt  }
0x54: {  	_ =	shalt  }
0x55: {  	_ =	shalt  }
0x56: {  	_ =	shalt  }
0x57: {  	_ =	shalt  }
0x58: {  	_ =	shalt  }
0x59: {  	_ =	shalt  }
0x5a: {  	_ =	shalt  }
0x5b: {  	_ =	shalt  }
0x5c: {  	_ =	shalt  }
0x5d: {  	_ =	shalt  }
0x5e: {  	_ =	shalt  }
0x5f: {  	_ =	shalt  }
0x60: {  	_ =	shalt  }
0x61: {  	_ =	shalt  }
0x62: {  	_ =	shalt  }
0x63: {  	_ =	shalt  }
0x64: {  	_ =	shalt  }
0x65: {  	_ =	shalt  }
0x66: {  	_ =	shalt  }
0x67: {  	_ =	shalt  }
0x68: {  	_ =	shalt  }
0x69: {  	_ =	shalt  }
0x6a: {  	_ =	shalt  }
0x6b: {  	_ =	shalt  }
0x6c: {  	_ =	shalt  }
0x6d: {  	_ =	shalt  }
0x6e: {  	_ =	shalt  }
0x6f: {  	_ =	shalt  }
0x70: {  	_ =	shalt  }
0x71: {  	_ =	shalt  }
0x72: {  	_ =	shalt  }
0x73: {  	_ =	shalt  }
0x74: {  	_ =	shalt  }
0x75: {  	_ =	shalt  }
0x76: {  	_ =	shalt  }
0x77: {  	_ =	shalt  }
0x78: {  	_ =	shalt  }
0x79: {  	_ =	shalt  }
0x7a: {  	_ =	shalt  }
0x7b: {  	_ =	shalt  }
0x7c: {  	_ =	shalt  }
0x7d: {  	_ =	shalt  }
0x7e: {  	_ =	shalt  }
0x7f: {  	_ =	shalt  }
0x80: {  	_ =	shalt  }
0x81: {  	_ =	shalt  }
0x82: {  	_ =	shalt  }
0x83: {  	_ =	shalt  }
0x84: {  	_ =	shalt  }
0x85: {  	_ =	shalt  }
0x86: {  	_ =	shalt  }
0x87: {  	_ =	shalt  }
.Lfunc_end0:
.L_simem_size_0:
called_computation.3_lowered:
.L_overlay_start_0:
0x88: {  	s2 =	sld [smem:$0x3FD9]  }
0x89: {  	s3 =	sld [smem:$0x3FFE];
	_ =	sdelay $0x1  }
0x8a: {  	s1 =	srdreg.scid  }
0x8b: {  	s0 =	sand.u32 $0x1, s1  }
0x8c: {  	s17 =	sshll.u32 s0, $0xA;
	s2 =	sadd.s32 s3, s2  }
0x8d: {  	s2 =	sadd.s32 s2, s17  }
0x8e: {  	[smem:$0x3FBE] =	sst s2  }
0x8f: {  	_ = 	snop  }
0x90: {  	s18 =	sld [smem:$0x3FD0];
	(tm) =	ssettm $0x1  }
0x91: {  	s19 =	sld [smem:$0x3FFB];
	_ =	sdelay $0x3  }
0x92: {  	_ =	strace s19  }
0x93: {  	s2 =	sld [smem:$0x3FFC];
	_ =	sdelay $0x3  }
0x94: {  	_ =	strace s2  }
0x95: {  	s2 =	sld [smem:$0x3FFD];
	_ =	sdelay $0x3  }
0x96: {  	_ =	strace s2  }
0x97: {  	_ =	strace $0x8FFFFFFF  }
0x98: {  	s20 =	sld [smem:$0x3FDB];
	_ =	sdelay $0x1  }
0x99: {  	s4 =	simm.s32 $_scs_section_size  }
0x9a: {  	s5 =	simm.s32 $_size__tile_overlayer_lowered;
	s6 =	simm.s32 $_tile_overlayer_lowered  }
0x9b: {  	s7 =	simm.s32 $0x1BFF;
	s21 =	sshll.u32 s6, $0x1;
	s4 =	sadd.s32 s4, s20  }
0x9c: {  	s22 =	simm.s32 $0x0;
	s5 =	sshll.u32 s5, $0x1;
	s6 =	sadd.s32 s21, s4  }
0x9d: {  	[timem:s22], [sflag:s7] =	dma.local [hbm:s6], s5  }
0x9e: {  	_ =	swait.ge [sflag:s7], s5  }
0x9f: {  	s5 =	ssub.s32 $0x0, s5;
	[sflag:s7] =	ssyncset.done $0x0  }
0xa0: {  	[sflag:s7] =	ssyncadd.s32 s5;
	_ =	sdelay $0x1  }
0xa1: {  	s23 =	simm.s32 $0x1B8B  }
0xa2: {  	_ =	swait.ge [sflag:s23], $0x1  }
0xa3: {  	[sflag:s23] =	ssyncset.done $0x0  }
0xa4: {  	[sflag:s23] =	ssyncadd.s32 $0xFFFFFFFF  }
0xa5: {  	s5 =	sld [smem:$0x0]  }
0xa6: {  	s6 =	sand.u32 $0xFFFFFFFE, s1  }
0xa7: {  	p0 =	sne.s32 s1, s6  }
0xa8: {  	s6 =	sshll.u32 @p0 s6, $0xE  }
0xa9: {  	s6 =	sadd.s32 @p0 $0x11B8D, s6;
	s7 =	sshll.u32 @p0 s5, $0x11  }
0xaa: {  	s6 =	sor.u32 @p0 s7, s6  }
0xab: {  	[sflag:s6] =	ssyncadd.remote.s32 @p0 $0x1;
	_ =	sdelay $0x1  }
0xac: {  	s6 =	simm.s32 @p0 $0x1B8D  }
0xad: {  	_ =	swait.eq @p0 [sflag:s6], $0x1  }
0xae: {  	[sflag:s6] =	ssyncadd.s32 @p0 $0xFFFFFFFF  }
0xaf: {  	s7 =	sshll.u32 @!p0 s1, $0xE  }
0xb0: {  	s7 =	sor.u32 @!p0 $0x4000, s7;
	s6 =	simm.s32 @!p0 $0x1B8D  }
0xb1: {  	s5 =	sshll.u32 @!p0 s5, $0x11;
	s7 =	sadd.s32 @!p0 $0x11B8D, s7;
	_ =	swait.eq @!p0 [sflag:s6], $0x1  }
0xb2: {  	s5 =	sor.u32 @!p0 s5, s7;
	[sflag:s6] =	ssyncadd.s32 @!p0 $0xFFFFFFFF  }
0xb3: {  	s25 =	simm.s32 $0x1B8E;
	s24 =	sld [smem:$0x3FFE];
	[sflag:s5] =	ssyncadd.remote.s32 @!p0 $0x1  }
0xb4: {  	s26 =	simm.s32 $execute0_lowered;
	[smem:$0x3FD2] =	sst s25  }
0xb5: {  	s6 =	sshll.u32 s26, $0x1;
	_ =	strace $0x80000052;
	[dreg:$0x1] =	wrdreg $0xFFFFFFFF  }
0xb6: {  	s28 =	simm.s32 $_size_execute0_lowered;
	s4 =	sadd.s32 s4, s6;
	[dreg:$0x0] =	wrdreg $0x0  }
0xb7: {  	s6 =	sshll.u32 s28, $0x1;
	[dreg:$0x2] =	wrdreg s4  }
0xb8: {  	[dreg:$0x3] =	wrdreg s6  }
0xb9: {  	[dreg:$0x4] =	wrdreg $0xC0  }
0xba: {  	_ =	task [dreg:s22], $0x5FFFF  }
0xbb: {  	[dreg:$0x1] =	wrdreg $0xFFFFFFFF  }
0xbc: {  	[dreg:$0x0] =	wrdreg $0x60  }
0xbd: {  	[dreg:$0x2] =	wrdreg s18  }
0xbe: {  	[dreg:$0x3] =	wrdreg s24  }
0xbf: {  	[dreg:$0x4] =	wrdreg $0xB2200  }
0xc0: {  	[dreg:$0x5] =	wrdreg $0x9  }
0xc1: {  	_ =	task.clear_ibuf [dreg:s22], $0x6FFFF;
	_ =	strace $0x90000052  }
0xc2: {  	s29 =	simm.s32 $0x9;
	_ =	strace $0x80000054  }
0xc3: {  	_ =	swait.ge [sflag:s29], $0x1  }
0xc4: {  	[sflag:s29] =	ssyncadd.s32 $0xFFFFFFFF  }
0xc5: {  	_ =	strace $0x90000054  }
0xc6: {  	_ =	sfence  }
0xc7: {  	s30 =	sld [smem:$0x0];
	_ =	sdelay $0x2  }
0xc8: {  	s31 =	sshll.u32 s1, $0xD;
	s1 =	sshrl.u32 s1, $0x2  }
0xc9: {  	s4 =	sand.u32 $0x4000, s31;
	s1 =	sadd.s32 s1, s30  }
0xca: {  	s0 =	sor.u32 s4, s0;
	s1 =	sshll.u32 s1, $0x11  }
0xcb: {  	s0 =	sor.u32 s1, s0  }
0xcc: {  	s0 =	sadd.s32 $0x8F2B, s0  }
0xcd: {  	[sflag:s0] =	ssyncadd.remote.s32 $0x1  }
0xce: {  	_ =	sfence.sel $0xFFFF  }
0xcf: {  	[dreg:$0x0] =	wrdreg $0xFFFFFFFF;
	(pc) =	sbr.abs _section_cstart, $3  }
0xd0: {  	[dreg:$0x1] =	wrdreg $0xFFFFFFFF  }
0xd1: {  	_ =	task.clear_ibuf [dreg:s22], $0x2FFFF;
	_ =	strace $0x9FFFFFFF  }
0xd2: {  	(tm) =	ssettm $0x7FFFFFFF  }
0xd3: {  	_ =	shalt  }
tec
execute0_lowered:
.L_overlay_start_1:
0x0: {  	(tag) =	ssettag $0x1  }
0x1: {  	s0 =	srdreg.scid;
	s1 =	rddreg [dreg:$0x0]  }
0x2: {  	s10 =	stileid.u32;
	s5 =	rddreg [dreg:$0x1]  }
0x3: {  	s3 =	rddreg [dreg:$0x2];
	s4 =	simm.s32 $0x0;
	s12 =	simm.s32 $0x6  }
0x4: {  	s14 =	simm.s32 $0x50;
	s15 =	simm.s32 $0x4E20;
	s16 =	simm.s32 $0x6220  }
0x5: {  	s18 =	simm.s32 $0x7620;
	s20 =	simm.s32 $0x8A20;
	s22 =	simm.s32 $0x9E20  }
0x6: {  	s28 =	simm.s32 $0x5;
	s29 =	simm.s32 $0x4C90;
	s30 =	simm.s32 $0x4CE0  }
0x7: {  	s31 =	simm.s32 $0x4D30;
	s13 =	simm.s32 $0x0;
	s7 =	smul.u32 $0x280, s10  }
0x8: {  	s0 =	sand.u32 $0x1, s0;
	[smem:$0x7FF] =	sst s4;
	s8 =	smul.u32 $0x4E2, s10  }
0x9: {  	s23 =	smul.u32 $0x28000, s10;
	s26 =	sshll.u32 s10, $0x6;
	s2 =	sshll.u32 s0, $0x4  }
0xa: {  	s6 =	smul.u32 $0x2800, s0;
	_ =	strace $0x80000053;
	s0 =	ssub.s32 $0x2, s0  }
0xb: {  	s2 =	sor.u32 s10, s2;
	s8 =	sadd.s32 s8, s5;
	s24 =	sshrl.u32 s0, $0x1  }
0xc: {  	s25 =	sshrl.u32 s23, $0x2;
	s23 =	simm.s32 $0x1;
	s2 =	smul.u32 $0x4E2, s2  }
0xd: {  	s6 =	sadd.s32 s7, s6;
	s0 =	ssub.s32 s0, s24;
	s11 =	sadd.s32 s25, s3  }
0xe: {  	s8 =	sadd.s32 $0x2E00, s8;
	s24 =	simm.s32 $0x2;
	s25 =	simm.s32 $0x3  }
0xf: {  	s6 =	sshll.u32 s6, $0x3;
	s10 =	smax.u32 s0, $0x1;
	s11 =	sshrl.u32 s11, $0x3  }
0x10: {  	s0 =	simm.s32 $0x4DD0;
	s2 =	sadd.s32 s2, s5;
	s9 =	sadd.s32 s6, s5  }
0x11: {  	s5 =	sadd.s32 s1, s6;
	s6 =	sor.u32 $0x1C06, s26;
	s26 =	simm.s32 $0x4  }
0x12: {  	s7 =	sadd.s32 $0x7E00, s2;
	s9 =	sadd.s32 $0x39C00, s9;
	s2 =	simm.s32 $0x4D80  }
.LBB2_1:
0x13: {  	[spmem:s11], [sflag:s6] =	dma.local [hbm:s5], $0x1400  }
0x14: {  	_ =	swait.ge [sflag:s12], $0x1400  }
0x15: {  	[sflag:s12] =	ssyncset.done $0x0  }
0x16: {  	[sflag:s12] =	ssyncadd.s32 $0xFFFFEC00  }
0x17: {  	[tilespmem:s4], [sflag:$0x6] =	stream.linear.gather [hbm4b:s7+s4], $0x2710, $0x38;
	[tilespmem:$0x15220] =	vst v63  }
0x18: {  	_ =	swait.ge [sflag:s12], $0x2710  }
0x19: {  	[sflag:s12] =	ssyncset.done $0x0  }
0x1a: {  	s17 =	simm.s32 $0x2710;
	[sflag:s12] =	ssyncadd.s32 $0xFFFFD8F0  }
0x1b: {  	[tilespmem:s17], [sflag:$0x6] =	stream.linear.gather [hbm4b:s8+s4], $0x2710, $0x38;
	[tilespmem:$0x15220] =	vst v63  }
0x1c: {  	_ =	swait.ge [sflag:s12], $0x2710  }
0x1d: {  	[sflag:s12] =	ssyncset.done $0x0  }
0x1e: {  	[sflag:s12] =	ssyncadd.s32 $0xFFFFD8F0  }
0x1f: {  	[bflag:$0x0] =	sbarrier.arrive $0xFFFF  }
0x20: {  	[tilespmem:s15], [sflag:$0x1] =	stream.indirect.gather [hbm4b:s1+s14], $0x40, s4, s14, $0xb8;
	[tilespmem:$0x15220] =	vst v63  }
0x21: {  	_ = 	snop  }
0x22: {  	[tilespmem:s16], [sflag:$0x2] =	stream.indirect.gather [hbm4b:s1+s14], $0x40, s14, s14, $0xb8;
	[tilespmem:$0x15220] =	vst v63  }
0x23: {  	s19 =	simm.s32 $0xA0  }
0x24: {  	[tilespmem:s18], [sflag:$0x3] =	stream.indirect.gather [hbm4b:s1+s14], $0x40, s19, s14, $0xb8;
	[tilespmem:$0x15220] =	vst v63  }
0x25: {  	s21 =	simm.s32 $0xF0  }
0x26: {  	[tilespmem:s20], [sflag:$0x4] =	stream.indirect.gather [hbm4b:s1+s14], $0x40, s21, s14, $0xb8;
	[tilespmem:$0x15220] =	vst v63  }
0x27: {  	s19 =	simm.s32 $0x140  }
0x28: {  	[tilespmem:s22], [sflag:$0x5] =	stream.indirect.gather [hbm4b:s1+s14], $0x40, s19, s14, $0xb8;
	[tilespmem:$0x15220] =	vst v63  }
0x29: {  	_ =	swait.ge [sflag:s23], $0x1400  }
0x2a: {  	[sflag:s23] =	ssyncset.done $0x0  }
0x2b: {  	s21 =	simm.s32 $0x2710;
	[sflag:s23] =	ssyncadd.s32 $0xFFFFEC00  }
0x2c: {  	[spmem:s3] =	stream.indirect.scatter.add.f32 [tilespmem:s15], [sflag:$0x6], $0x40, s21, s14, $0xb8;
	[tilespmem:$0x15220] =	vst v63  }
0x2d: {  	_ =	swait.ge [sflag:s12], $0x1400  }
0x2e: {  	[sflag:s12] =	ssyncset.done $0x0  }
0x2f: {  	s19 =	simm.s32 $0x190;
	[sflag:s12] =	ssyncadd.s32 $0xFFFFEC00  }
0x30: {  	[tilespmem:s15], [sflag:$0x1] =	stream.indirect.gather [hbm4b:s1+s14], $0x40, s19, s14, $0xb8;
	[tilespmem:$0x15220] =	vst v63  }
0x31: {  	_ =	swait.ge [sflag:s24], $0x1400  }
0x32: {  	[sflag:s24] =	ssyncset.done $0x0  }
0x33: {  	s21 =	simm.s32 $0x2760;
	[sflag:s24] =	ssyncadd.s32 $0xFFFFEC00  }
0x34: {  	[spmem:s3] =	stream.indirect.scatter.add.f32 [tilespmem:s16], [sflag:$0x6], $0x40, s21, s14, $0xb8;
	[tilespmem:$0x15220] =	vst v63  }
0x35: {  	_ =	swait.ge [sflag:s12], $0x1400  }
0x36: {  	[sflag:s12] =	ssyncset.done $0x0  }
0x37: {  	s19 =	simm.s32 $0x1E0;
	[sflag:s12] =	ssyncadd.s32 $0xFFFFEC00  }
0x38: {  	[tilespmem:s16], [sflag:$0x2] =	stream.indirect.gather [hbm4b:s1+s14], $0x40, s19, s14, $0xb8;
	[tilespmem:$0x15220] =	vst v63  }
0x39: {  	_ =	swait.ge [sflag:s25], $0x1400  }
0x3a: {  	[sflag:s25] =	ssyncset.done $0x0  }
0x3b: {  	s21 =	simm.s32 $0x27B0;
	[sflag:s25] =	ssyncadd.s32 $0xFFFFEC00  }
0x3c: {  	[spmem:s3] =	stream.indirect.scatter.add.f32 [tilespmem:s18], [sflag:$0x6], $0x40, s21, s14, $0xb8;
	[tilespmem:$0x15220] =	vst v63  }
0x3d: {  	_ =	swait.ge [sflag:s12], $0x1400  }
0x3e: {  	[sflag:s12] =	ssyncset.done $0x0  }
0x3f: {  	s19 =	simm.s32 $0x230;
	[sflag:s12] =	ssyncadd.s32 $0xFFFFEC00  }
0x40: {  	[tilespmem:s18], [sflag:$0x3] =	stream.indirect.gather [hbm4b:s1+s14], $0x40, s19, s14, $0xb8;
	[tilespmem:$0x15220] =	vst v63  }
0x41: {  	_ =	swait.ge [sflag:s26], $0x1400  }
0x42: {  	[sflag:s26] =	ssyncset.done $0x0  }
0x43: {  	s21 =	simm.s32 $0x2800;
	[sflag:s26] =	ssyncadd.s32 $0xFFFFEC00  }
0x44: {  	[spmem:s3] =	stream.indirect.scatter.add.f32 [tilespmem:s20], [sflag:$0x6], $0x40, s21, s14, $0xb8;
	[tilespmem:$0x15220] =	vst v63  }
0x45: {  	_ =	swait.ge [sflag:s12], $0x1400  }
0x46: {  	[sflag:s12] =	ssyncset.done $0x0  }
0x47: {  	s19 =	simm.s32 $0x280;
	[sflag:s12] =	ssyncadd.s32 $0xFFFFEC00  }
0x48: {  	[tilespmem:s20], [sflag:$0x4] =	stream.indirect.gather [hbm4b:s1+s14], $0x40, s19, s14, $0xb8;
	[tilespmem:$0x15220] =	vst v63  }
0x49: {  	_ =	swait.ge [sflag:s28], $0x1400  }
0x4a: {  	[sflag:s28] =	ssyncset.done $0x0  }
0x4b: {  	s21 =	simm.s32 $0x2850;
	[sflag:s28] =	ssyncadd.s32 $0xFFFFEC00  }
0x4c: {  	[spmem:s3] =	stream.indirect.scatter.add.f32 [tilespmem:s22], [sflag:$0x6], $0x40, s21, s14, $0xb8;
	[tilespmem:$0x15220] =	vst v63  }
0x4d: {  	_ =	swait.ge [sflag:s12], $0x1400  }
0x4e: {  	[sflag:s12] =	ssyncset.done $0x0  }
0x4f: {  	s17 =	simm.s32 $0x640;
	s19 =	simm.s32 $0x2D0;
	[sflag:s12] =	ssyncadd.s32 $0xFFFFEC00  }
.LBB2_2:
0x50: {  	[tilespmem:s22], [sflag:$0x5] =	stream.indirect.gather [hbm4b:s1+s14], $0x40, s19, s14, $0xb8;
	[tilespmem:$0x15220] =	vst v63  }
0x51: {  	s19 =	smov.u32 s17  }
0x52: {  	p0 =	sne.s32 s17, $0x8FC0;
	s17 =	sadd.s32 $0x640, s17;
	_ =	swait.ge [sflag:s23], $0x1400  }
0x53: {  	s19 =	sshra.s32 s19, $0x2;
	[sflag:s23] =	ssyncset.done $0x0  }
0x54: {  	s21 =	sadd.s32 $0x2710, s19;
	[sflag:s23] =	ssyncadd.s32 $0xFFFFEC00  }
0x55: {  	[spmem:s3] =	stream.indirect.scatter.add.f32 [tilespmem:s15], [sflag:$0x6], $0x40, s21, s14, $0xb8;
	[tilespmem:$0x15220] =	vst v63  }
0x56: {  	_ =	swait.ge [sflag:s12], $0x1400  }
0x57: {  	[sflag:s12] =	ssyncset.done $0x0  }
0x58: {  	s21 =	sadd.s32 $0x190, s19;
	[sflag:s12] =	ssyncadd.s32 $0xFFFFEC00  }
0x59: {  	[tilespmem:s15], [sflag:$0x1] =	stream.indirect.gather [hbm4b:s1+s14], $0x40, s21, s14, $0xb8;
	[tilespmem:$0x15220] =	vst v63  }
0x5a: {  	_ =	swait.ge [sflag:s24], $0x1400  }
0x5b: {  	[sflag:s24] =	ssyncset.done $0x0  }
0x5c: {  	s21 =	sadd.s32 $0x2760, s19;
	[sflag:s24] =	ssyncadd.s32 $0xFFFFEC00  }
0x5d: {  	[spmem:s3] =	stream.indirect.scatter.add.f32 [tilespmem:s16], [sflag:$0x6], $0x40, s21, s14, $0xb8;
	[tilespmem:$0x15220] =	vst v63  }
0x5e: {  	_ =	swait.ge [sflag:s12], $0x1400  }
0x5f: {  	[sflag:s12] =	ssyncset.done $0x0  }
0x60: {  	s21 =	sadd.s32 $0x1E0, s19;
	[sflag:s12] =	ssyncadd.s32 $0xFFFFEC00  }
0x61: {  	[tilespmem:s16], [sflag:$0x2] =	stream.indirect.gather [hbm4b:s1+s14], $0x40, s21, s14, $0xb8;
	[tilespmem:$0x15220] =	vst v63  }
0x62: {  	_ =	swait.ge [sflag:s25], $0x1400  }
0x63: {  	[sflag:s25] =	ssyncset.done $0x0  }
0x64: {  	s21 =	sadd.s32 $0x27B0, s19;
	[sflag:s25] =	ssyncadd.s32 $0xFFFFEC00  }
0x65: {  	[spmem:s3] =	stream.indirect.scatter.add.f32 [tilespmem:s18], [sflag:$0x6], $0x40, s21, s14, $0xb8;
	[tilespmem:$0x15220] =	vst v63  }
0x66: {  	_ =	swait.ge [sflag:s12], $0x1400  }
0x67: {  	[sflag:s12] =	ssyncset.done $0x0  }
0x68: {  	s21 =	sadd.s32 $0x230, s19;
	[sflag:s12] =	ssyncadd.s32 $0xFFFFEC00  }
0x69: {  	[tilespmem:s18], [sflag:$0x3] =	stream.indirect.gather [hbm4b:s1+s14], $0x40, s21, s14, $0xb8;
	[tilespmem:$0x15220] =	vst v63  }
0x6a: {  	_ =	swait.ge [sflag:s26], $0x1400  }
0x6b: {  	[sflag:s26] =	ssyncset.done $0x0  }
0x6c: {  	s21 =	sadd.s32 $0x2800, s19;
	[sflag:s26] =	ssyncadd.s32 $0xFFFFEC00  }
0x6d: {  	[spmem:s3] =	stream.indirect.scatter.add.f32 [tilespmem:s20], [sflag:$0x6], $0x40, s21, s14, $0xb8;
	[tilespmem:$0x15220] =	vst v63  }
0x6e: {  	_ =	swait.ge [sflag:s12], $0x1400  }
0x6f: {  	[sflag:s12] =	ssyncset.done $0x0  }
0x70: {  	s21 =	sadd.s32 $0x280, s19;
	[sflag:s12] =	ssyncadd.s32 $0xFFFFEC00  }
0x71: {  	[tilespmem:s20], [sflag:$0x4] =	stream.indirect.gather [hbm4b:s1+s14], $0x40, s21, s14, $0xb8;
	[tilespmem:$0x15220] =	vst v63  }
0x72: {  	_ =	swait.ge [sflag:s28], $0x1400  }
0x73: {  	[sflag:s28] =	ssyncset.done $0x0  }
.Ltmp0:
0x74: {  	s21 =	sadd.s32 $0x2850, s19;
	[sflag:s28] =	ssyncadd.s32 $0xFFFFEC00;
	(pc) =	sbr.rel @p0 .LBB2_2-.Ltmp0, $4  }
0x75: {  	[spmem:s3] =	stream.indirect.scatter.add.f32 [tilespmem:s22], [sflag:$0x6], $0x40, s21, s14, $0xb8;
	[tilespmem:$0x15220] =	vst v63  }
0x76: {  	_ =	swait.ge [sflag:s12], $0x1400  }
0x77: {  	[sflag:s12] =	ssyncset.done $0x0  }
0x78: {  	s19 =	sadd.s32 $0x2D0, s19;
	[sflag:s12] =	ssyncadd.s32 $0xFFFFEC00  }
0x79: {  	[tilespmem:s22], [sflag:$0x5] =	stream.indirect.gather [hbm4b:s1+s14], $0x40, s19, s14, $0xb8;
	[tilespmem:$0x15220] =	vst v63  }
0x7a: {  	_ =	swait.ge [sflag:s23], $0x1400  }
0x7b: {  	[sflag:s23] =	ssyncset.done $0x0  }
0x7c: {  	[sflag:s23] =	ssyncadd.s32 $0xFFFFEC00  }
0x7d: {  	[spmem:s3] =	stream.indirect.scatter.add.f32 [tilespmem:s15], [sflag:$0x6], $0x40, s29, s14, $0xb8;
	[tilespmem:$0x15220] =	vst v63  }
0x7e: {  	_ =	swait.ge [sflag:s12], $0x1400  }
0x7f: {  	[sflag:s12] =	ssyncset.done $0x0  }
0x80: {  	[sflag:s12] =	ssyncadd.s32 $0xFFFFEC00  }
0x81: {  	_ =	swait.ge [sflag:s24], $0x1400  }
0x82: {  	[sflag:s24] =	ssyncset.done $0x0  }
0x83: {  	[sflag:s24] =	ssyncadd.s32 $0xFFFFEC00  }
0x84: {  	[spmem:s3] =	stream.indirect.scatter.add.f32 [tilespmem:s16], [sflag:$0x6], $0x40, s30, s14, $0xb8;
	[tilespmem:$0x15220] =	vst v63  }
0x85: {  	_ =	swait.ge [sflag:s12], $0x1400  }
0x86: {  	[sflag:s12] =	ssyncset.done $0x0  }
0x87: {  	[sflag:s12] =	ssyncadd.s32 $0xFFFFEC00  }
0x88: {  	_ =	swait.ge [sflag:s25], $0x1400  }
0x89: {  	[sflag:s25] =	ssyncset.done $0x0  }
0x8a: {  	[sflag:s25] =	ssyncadd.s32 $0xFFFFEC00  }
0x8b: {  	[spmem:s3] =	stream.indirect.scatter.add.f32 [tilespmem:s18], [sflag:$0x6], $0x40, s31, s14, $0xb8;
	[tilespmem:$0x15220] =	vst v63  }
0x8c: {  	_ =	swait.ge [sflag:s12], $0x1400  }
0x8d: {  	[sflag:s12] =	ssyncset.done $0x0  }
0x8e: {  	[sflag:s12] =	ssyncadd.s32 $0xFFFFEC00  }
0x8f: {  	_ =	swait.ge [sflag:s26], $0x1400  }
0x90: {  	[sflag:s26] =	ssyncset.done $0x0  }
0x91: {  	[sflag:s26] =	ssyncadd.s32 $0xFFFFEC00  }
0x92: {  	[spmem:s3] =	stream.indirect.scatter.add.f32 [tilespmem:s20], [sflag:$0x6], $0x40, s2, s14, $0xb8;
	[tilespmem:$0x15220] =	vst v63  }
0x93: {  	_ =	swait.ge [sflag:s12], $0x1400  }
0x94: {  	[sflag:s12] =	ssyncset.done $0x0  }
0x95: {  	[sflag:s12] =	ssyncadd.s32 $0xFFFFEC00  }
0x96: {  	_ =	swait.ge [sflag:s28], $0x1400  }
0x97: {  	[sflag:s28] =	ssyncset.done $0x0  }
0x98: {  	[sflag:s28] =	ssyncadd.s32 $0xFFFFEC00  }
0x99: {  	[spmem:s3] =	stream.indirect.scatter.add.f32 [tilespmem:s22], [sflag:$0x6], $0x40, s0, s14, $0xb8;
	[tilespmem:$0x15220] =	vst v63  }
0x9a: {  	_ =	swait.ge [sflag:s12], $0x1400  }
0x9b: {  	s13 =	sadd.s32 $0x1, s13;
	[sflag:s12] =	ssyncset.done $0x0  }
0x9c: {  	p0 =	sne.s32 s13, s10;
	[sflag:s12] =	ssyncadd.s32 $0xFFFFEC00  }
.Ltmp1:
0x9d: {  	[bflag:$0x0] =	sbarrier.arrive $0xFFFF;
	(pc) =	sbr.rel @p0 .LBB2_1-.Ltmp1, $4  }
0x9e: {  	[hbm:s9], [sflag:s6] =	dma.local [spmem:s11], $0x1400  }
0x9f: {  	_ =	swait.ge [sflag:s12], $0x1400  }
0xa0: {  	[sflag:s12] =	ssyncset.done $0x0  }
0xa1: {  	[sflag:s12] =	ssyncadd.s32 $0xFFFFEC00  }
0xa2: {  	_ =	sfence.sel $0x180000  }
0xa3: {  	[bflag:$0x0] =	sbarrier.arrive $0xFFFF  }
0xa4: {  	_ =	strace $0x90000053  }
0xa5: {  	s0 =	stileid.u32;
	[bflag:$0x2] =	sbarrier.arrive $0xFFFF  }
0xa6: {  	p0 =	sne.s32 s0, $0x0;
	s0 =	rddreg [dreg:$0x3]  }
0xa7: {  	s0 =	sadd.s32 @!p0 $0x100000, s0  }
0xa8: {  	[sflag:s0] =	ssyncadd.tile.s32 @!p0 $0x1;
	_ =	shalt  }
.Lfunc_end2:
_tile_overlayer_lowered:
.L_overlay_start_2:
0xa9: {  	(tag) =	ssettag $0x2  }
0xaa: {  	s0 =	rddreg [dreg:$0x0];
	s2 =	stileid.u32  }
0xab: {  	s1 =	rddreg [dreg:$0x1];
	p0 =	sne.s32 s2, $0x0  }
0xac: {  	s3 =	rddreg [dreg:$0x2];
	[bflag:$0x3] =	sbarrier.arrive $0xFFFF;
	s2 =	simm.s32 @!p0 $0x1C06  }
0xad: {  	[timem:s3], [sflag:s2] =	dma.local @!p0 [hbm:s0], s1  }
0xae: {  	s0 =	simm.s32 @!p0 $0x6  }
0xaf: {  	_ =	swait.ge @!p0 [sflag:s0], s1  }
0xb0: {  	s1 =	ssub.s32 @!p0 $0x0, s1;
	[sflag:s0] =	ssyncset.done @!p0 $0x0  }
0xb1: {  	[sflag:s0] =	ssyncadd.s32 @!p0 s1  }
0xb2: {  	[bflag:$0x3] =	sbarrier.arrive $0xFFFF  }
0xb3: {  	_ =	shalt  }

// kernel: kernel.22.cloned.1.call-start
scs
__scs_entry_jumppad:
0x0: {  	(pc) =	sbr.rel $0x88, $3  }
0x1: {  	(tag) =	ssettag $0x0;
	lr =	simm.s32 $0x1  }
0x2: {  	[smem:$0x3F97] =	sst lr;
	_ =	strace $0xD0000000  }
0x3: {  	_ = 	snop  }
0x4: {  	_ = 	snop  }
0x5: {  	_ = 	snop  }
0x6: {  	_ = 	snop  }
0x7: {  	_ = 	snop  }
__scs_overlays_trampoline_lowered:
0x8: {  	[smem:$0x3FA6] =	sst s0  }
0x9: {  	[smem:$0x3FA7] =	sst s1  }
0xa: {  	[smem:$0x3FA8] =	sst s2  }
0xb: {  	[smem:$0x3FA9] =	sst s3  }
0xc: {  	[smem:$0x3FAA] =	sst s4  }
0xd: {  	[smem:$0x3FAB] =	sst s5  }
0xe: {  	[smem:$0x3FAC] =	sst s6  }
0xf: {  	[smem:$0x3FAD] =	sst s7  }
0x10: {  	[smem:$0x3FAE] =	sst s8  }
0x11: {  	[smem:$0x3FAF] =	sst s9;
	s0 =	simm.s32 @!p0 $0x0  }
0x12: {  	s1 =	sld [smem:$0x3F95];
	s0 =	simm.s32 @p0 $0x1  }
0x13: {  	[smem:$0x3FB0] =	sst s0;
	s0 =	simm.s32 @!p1 $0x0  }
0x14: {  	s2 =	sld [smem:$0x3F94];
	s0 =	simm.s32 @p1 $0x1  }
0x15: {  	[smem:$0x3FB1] =	sst s0;
	s0 =	simm.s32 @!p2 $0x0  }
0x16: {  	s3 =	sld [smem:$0x3FDB];
	s0 =	simm.s32 @p2 $0x1  }
0x17: {  	s4 =	simm.s32 $0x1BF5;
	[smem:$0x3FB3] =	sst s0  }
0x18: {  	s0 =	sld [smem:$0x3F96];
	_ =	swait.ge [sflag:s4], $0x0  }
0x19: {  	s7 =	sld [smem:$0x3F97]  }
0x1a: {  	s8 =	sadd.s32 $0xFFFFE003, lr  }
0x1b: {  	s9 =	sadd.s32 $0xFFFFFEF7, lr;
	s5 =	simm.s32 $0xFFFFFFFF;
	p2 =	slt.u32 s8, $0xFFFFF086  }
0x1c: {  	p1 =	slt.u32 s9, $0xF7A;
	s5 =	simm.s32 @!p2 $0x0  }
0x1d: {  	s5 =	simm.s32 @p1 $0x1;
	p0 =	seq.s32 s7, s2  }
0x1e: {  	s7 =	smul.u32 @!p0 $0xF7A, s2;
	p2 =	seq.s32 @!p0 s5, $0x0  }
0x1f: {  	s9 =	smul.u32 $0xF7A, s1;
	s8 =	simm.s32 @!p0 $0x1BF5;
	p2 =	por !p2, p0  }
0x20: {  	[sflag:s8] =	ssyncset.s32 @!p0 $0xFFFFF086;
	s6 =	sadd.s32 @!p0 s3, s7;
	s7 =	simm.s32 @!p0 $0x108  }
0x21: {  	s3 =	sadd.s32 s3, s9;
	s6 =	sadd.s32 @!p0 $0x88, s6;
	s7 =	simm.s32 @p2 $0x1082  }
0x22: {  	[simem:s7], [sflag:s8] =	dma.local @!p0 [hbm:s6], $0xF7A  }
0x23: {  	s9 =	sor.u32 $0xD0000000, s2;
	s6 =	simm.s32 $0x108;
	_ =	swait.ge @!p0 [sflag:s8], $0x0  }
0x24: {  	s3 =	sadd.s32 $0x88, s3;
	s6 =	simm.s32 @!p1 $0x1082;
	[sflag:s4] =	ssyncset.s32 $0xFFFFF086  }
0x25: {  	[simem:s6], [sflag:s4] =	dma.local [hbm:s3], $0xF7A  }
0x26: {  	[smem:$0x3F97] =	sst s1;
	(tag) =	ssettag s2;
	_ =	strace s9  }
0x27: {  	s1 =	sld [smem:$0x3FA7]  }
0x28: {  	s2 =	sld [smem:$0x3FA8]  }
0x29: {  	s4 =	sld [smem:$0x3FAA]  }
0x2a: {  	p0 =	seq.s32 s5, $0x0;
	s5 =	sld [smem:$0x3FAB]  }
0x2b: {  	s6 =	sld [smem:$0x3FAC]  }
0x2c: {  	s7 =	sld [smem:$0x3FAD]  }
0x2d: {  	s3 =	simm.s32 $0x108;
	s8 =	sld [smem:$0x3FAE]  }
0x2e: {  	s3 =	simm.s32 @!p0 $0x1082;
	s9 =	sld [smem:$0x3FAF]  }
0x2f: {  	lr =	sadd.s32 s0, s3;
	s0 =	sld [smem:$0x3FA6]  }
0x30: {  	s3 =	sld [smem:$0x3FA9]  }
0x31: {  	[smem:$0x3FB2] =	sst s10  }
0x32: {  	s10 =	sld [smem:$0x3FB0];
	_ =	sdelay $0x3  }
0x33: {  	p0 =	seq.s32 s10, $0x1;
	s10 =	sld [smem:$0x3FB2];
	_ =	sdelay $0x3  }
0x34: {  	[smem:$0x3FB2] =	sst s10  }
0x35: {  	s10 =	sld [smem:$0x3FB1];
	_ =	sdelay $0x3  }
0x36: {  	p1 =	seq.s32 s10, $0x1;
	s10 =	sld [smem:$0x3FB2];
	_ =	sdelay $0x3  }
0x37: {  	[smem:$0x3FB2] =	sst s10  }
0x38: {  	s10 =	sld [smem:$0x3FB3]  }
0x39: {  	_ = 	snop;
	(pc) =	sbr.ind lr, $3  }
0x3a: {  	_ = 	snop  }
0x3b: {  	_ = 	snop  }
0x3c: {  	p2 =	seq.s32 s10, $0x1;
	s10 =	sld [smem:$0x3FB2]  }
0x3d: {  	_ =	shalt  }
0x3e: {  	_ =	shalt  }
0x3f: {  	_ =	shalt  }
0x40: {  	_ =	shalt  }
0x41: {  	_ =	shalt  }
0x42: {  	_ =	shalt  }
0x43: {  	_ =	shalt  }
0x44: {  	_ =	shalt  }
0x45: {  	_ =	shalt  }
0x46: {  	_ =	shalt  }
0x47: {  	_ =	shalt  }
0x48: {  	_ =	shalt  }
0x49: {  	_ =	shalt  }
0x4a: {  	_ =	shalt  }
0x4b: {  	_ =	shalt  }
0x4c: {  	_ =	shalt  }
0x4d: {  	_ =	shalt  }
0x4e: {  	_ =	shalt  }
0x4f: {  	_ =	shalt  }
0x50: {  	_ =	shalt  }
0x51: {  	_ =	shalt  }
0x52: {  	_ =	shalt  }
0x53: {  	_ =	shalt  }
0x54: {  	_ =	shalt  }
0x55: {  	_ =	shalt  }
0x56: {  	_ =	shalt  }
0x57: {  	_ =	shalt  }
0x58: {  	_ =	shalt  }
0x59: {  	_ =	shalt  }
0x5a: {  	_ =	shalt  }
0x5b: {  	_ =	shalt  }
0x5c: {  	_ =	shalt  }
0x5d: {  	_ =	shalt  }
0x5e: {  	_ =	shalt  }
0x5f: {  	_ =	shalt  }
0x60: {  	_ =	shalt  }
0x61: {  	_ =	shalt  }
0x62: {  	_ =	shalt  }
0x63: {  	_ =	shalt  }
0x64: {  	_ =	shalt  }
0x65: {  	_ =	shalt  }
0x66: {  	_ =	shalt  }
0x67: {  	_ =	shalt  }
0x68: {  	_ =	shalt  }
0x69: {  	_ =	shalt  }
0x6a: {  	_ =	shalt  }
0x6b: {  	_ =	shalt  }
0x6c: {  	_ =	shalt  }
0x6d: {  	_ =	shalt  }
0x6e: {  	_ =	shalt  }
0x6f: {  	_ =	shalt  }
0x70: {  	_ =	shalt  }
0x71: {  	_ =	shalt  }
0x72: {  	_ =	shalt  }
0x73: {  	_ =	shalt  }
0x74: {  	_ =	shalt  }
0x75: {  	_ =	shalt  }
0x76: {  	_ =	shalt  }
0x77: {  	_ =	shalt  }
0x78: {  	_ =	shalt  }
0x79: {  	_ =	shalt  }
0x7a: {  	_ =	shalt  }
0x7b: {  	_ =	shalt  }
0x7c: {  	_ =	shalt  }
0x7d: {  	_ =	shalt  }
0x7e: {  	_ =	shalt  }
0x7f: {  	_ =	shalt  }
0x80: {  	_ =	shalt  }
0x81: {  	_ =	shalt  }
0x82: {  	_ =	shalt  }
0x83: {  	_ =	shalt  }
0x84: {  	_ =	shalt  }
0x85: {  	_ =	shalt  }
0x86: {  	_ =	shalt  }
0x87: {  	_ =	shalt  }
.Lfunc_end0:
.L_simem_size_0:
called_computation.4_lowered:
.L_overlay_start_0:
0x88: {  	s2 =	sld [smem:$0x3FD9]  }
0x89: {  	s3 =	sld [smem:$0x3FFE];
	_ =	sdelay $0x1  }
0x8a: {  	s1 =	srdreg.scid  }
0x8b: {  	s0 =	sand.u32 $0x1, s1  }
0x8c: {  	s16 =	sshll.u32 s0, $0xA;
	s2 =	sadd.s32 s3, s2  }
0x8d: {  	s2 =	sadd.s32 s2, s16  }
0x8e: {  	[smem:$0x3FBE] =	sst s2  }
0x8f: {  	_ = 	snop  }
0x90: {  	(tm) =	ssettm $0x1  }
0x91: {  	s17 =	sld [smem:$0x3FFB];
	_ =	sdelay $0x3  }
0x92: {  	_ =	strace s17  }
0x93: {  	s2 =	sld [smem:$0x3FFC];
	_ =	sdelay $0x3  }
0x94: {  	_ =	strace s2  }
0x95: {  	s2 =	sld [smem:$0x3FFD];
	_ =	sdelay $0x3  }
0x96: {  	_ =	strace s2  }
0x97: {  	_ =	strace $0x8FFFFFFF  }
0x98: {  	s18 =	sld [smem:$0x3FDB];
	_ =	sdelay $0x1  }
0x99: {  	s19 =	simm.s32 $_scs_section_size  }
0x9a: {  	s4 =	simm.s32 $_size__tile_overlayer_lowered;
	s5 =	simm.s32 $_tile_overlayer_lowered  }
0x9b: {  	s22 =	simm.s32 $0x1BFF;
	s21 =	sshll.u32 s5, $0x1;
	s2 =	sadd.s32 s19, s18  }
0x9c: {  	s6 =	simm.s32 $0x0;
	s20 =	sshll.u32 s4, $0x1;
	s4 =	sadd.s32 s21, s2  }
0x9d: {  	[timem:s6], [sflag:s22] =	dma.local [hbm:s4], s20  }
0x9e: {  	_ =	swait.ge [sflag:s22], s20  }
0x9f: {  	s3 =	ssub.s32 $0x0, s20;
	[sflag:s22] =	ssyncset.done $0x0  }
0xa0: {  	[sflag:s22] =	ssyncadd.s32 s3;
	_ =	sdelay $0x1  }
0xa1: {  	s23 =	simm.s32 $0x1B8B  }
0xa2: {  	_ =	swait.ge [sflag:s23], $0x1  }
0xa3: {  	[sflag:s23] =	ssyncset.done $0x0  }
0xa4: {  	s25 =	simm.s32 $0x1B8E;
	s24 =	sld [smem:$0x3FFE];
	[sflag:s23] =	ssyncadd.s32 $0xFFFFFFFF  }
0xa5: {  	s26 =	simm.s32 $execute0_lowered;
	[smem:$0x3FD2] =	sst s25  }
0xa6: {  	s4 =	sshll.u32 s26, $0x1;
	_ =	strace $0x8000004F;
	[dreg:$0x1] =	wrdreg $0xFFFFFFFF  }
0xa7: {  	s28 =	simm.s32 $_size_execute0_lowered;
	s2 =	sadd.s32 s2, s4;
	[dreg:$0x0] =	wrdreg $0x0  }
0xa8: {  	s4 =	sshll.u32 s28, $0x1;
	[dreg:$0x2] =	wrdreg s2  }
0xa9: {  	[dreg:$0x3] =	wrdreg s4  }
0xaa: {  	[dreg:$0x4] =	wrdreg $0xC0  }
0xab: {  	_ =	task [dreg:s6], $0x5FFFF  }
0xac: {  	[dreg:$0x1] =	wrdreg $0xFFFFFFFF  }
0xad: {  	[dreg:$0x0] =	wrdreg $0x60  }
0xae: {  	[dreg:$0x2] =	wrdreg s24  }
0xaf: {  	[dreg:$0x3] =	wrdreg $0xB2200  }
0xb0: {  	[dreg:$0x4] =	wrdreg $0xA  }
0xb1: {  	_ =	task.clear_ibuf [dreg:s6], $0x5FFFF;
	_ =	strace $0x9000004F  }
0xb2: {  	s29 =	simm.s32 $0xA;
	_ =	strace $0x80000051  }
0xb3: {  	_ =	swait.ge [sflag:s29], $0x1  }
0xb4: {  	[sflag:s29] =	ssyncadd.s32 $0xFFFFFFFF  }
0xb5: {  	_ =	strace $0x90000051  }
0xb6: {  	_ =	sfence  }
0xb7: {  	s30 =	sld [smem:$0x0];
	_ =	sdelay $0x2  }
0xb8: {  	s31 =	sshll.u32 s1, $0xD;
	s1 =	sshrl.u32 s1, $0x2  }
0xb9: {  	s3 =	sand.u32 $0x4000, s31;
	s1 =	sadd.s32 s1, s30  }
0xba: {  	s0 =	sor.u32 s3, s0;
	s1 =	sshll.u32 s1, $0x11  }
0xbb: {  	s0 =	sor.u32 s1, s0  }
0xbc: {  	s0 =	sadd.s32 $0x8F2B, s0  }
0xbd: {  	[sflag:s0] =	ssyncadd.remote.s32 $0x1  }
0xbe: {  	_ =	sfence.sel $0xFFFF  }
0xbf: {  	[dreg:$0x0] =	wrdreg $0xFFFFFFFF;
	(pc) =	sbr.abs _section_cstart, $3  }
0xc0: {  	[dreg:$0x1] =	wrdreg $0xFFFFFFFF  }
0xc1: {  	_ =	task.clear_ibuf [dreg:s6], $0x2FFFF;
	_ =	strace $0x9FFFFFFF  }
0xc2: {  	(tm) =	ssettm $0x7FFFFFFF  }
0xc3: {  	_ =	shalt  }
tec
execute0_lowered:
.L_overlay_start_1:
0x0: {  	(tag) =	ssettag $0x1  }
0x1: {  	s0 =	srdreg.scid;
	s5 =	rddreg [dreg:$0x0]  }
0x2: {  	s10 =	stileid.u32;
	s2 =	rddreg [dreg:$0x1]  }
0x3: {  	s3 =	simm.s32 $0x0;
	s12 =	simm.s32 $0x6;
	s14 =	simm.s32 $0x50  }
0x4: {  	s15 =	simm.s32 $0x4E20;
	s16 =	simm.s32 $0x6220;
	s18 =	simm.s32 $0x7620  }
0x5: {  	s20 =	simm.s32 $0x8A20;
	s22 =	simm.s32 $0x9E20;
	s28 =	simm.s32 $0x5  }
0x6: {  	s29 =	simm.s32 $0x4C90;
	s30 =	simm.s32 $0x4CE0;
	s31 =	simm.s32 $0x4D30  }
0x7: {  	s13 =	simm.s32 $0x0;
	s0 =	sand.u32 $0x1, s0;
	s7 =	smul.u32 $0x280, s10  }
0x8: {  	[smem:$0x7FF] =	sst s3;
	s4 =	sadd.s32 $0x61C00, s5;
	s8 =	smul.u32 $0x4E2, s10  }
0x9: {  	s23 =	smul.u32 $0x28000, s10;
	s26 =	sshll.u32 s10, $0x6;
	s1 =	sshll.u32 s0, $0x4  }
0xa: {  	s6 =	smul.u32 $0x2800, s0;
	_ =	strace $0x80000050;
	s0 =	ssub.s32 $0x2, s0  }
0xb: {  	s1 =	sor.u32 s10, s1;
	s8 =	sadd.s32 s8, s5;
	s24 =	sshrl.u32 s0, $0x1  }
0xc: {  	s25 =	sshrl.u32 s23, $0x2;
	s23 =	simm.s32 $0x1;
	s1 =	smul.u32 $0x4E2, s1  }
0xd: {  	s6 =	sadd.s32 s7, s6;
	s0 =	ssub.s32 s0, s24;
	s11 =	sadd.s32 s25, s2  }
0xe: {  	s8 =	sadd.s32 $0x2E00, s8;
	s24 =	simm.s32 $0x2;
	s25 =	simm.s32 $0x3  }
0xf: {  	s6 =	sshll.u32 s6, $0x3;
	s10 =	smax.u32 s0, $0x1;
	s11 =	sshrl.u32 s11, $0x3  }
0x10: {  	s0 =	simm.s32 $0x4DD0;
	s1 =	sadd.s32 s1, s5;
	s9 =	sadd.s32 s6, s5  }
0x11: {  	s5 =	sadd.s32 s4, s6;
	s6 =	sor.u32 $0x1C06, s26;
	s26 =	simm.s32 $0x4  }
0x12: {  	s7 =	sadd.s32 $0x7E00, s1;
	s9 =	sadd.s32 $0x11C00, s9;
	s1 =	simm.s32 $0x4D80  }
.LBB2_1:
0x13: {  	[spmem:s11], [sflag:s6] =	dma.local [hbm:s5], $0x1400  }
0x14: {  	_ =	swait.ge [sflag:s12], $0x1400  }
0x15: {  	[sflag:s12] =	ssyncset.done $0x0  }
0x16: {  	[sflag:s12] =	ssyncadd.s32 $0xFFFFEC00  }
0x17: {  	[tilespmem:s3], [sflag:$0x6] =	stream.linear.gather [hbm4b:s7+s3], $0x2710, $0x38;
	[tilespmem:$0x15220] =	vst v63  }
0x18: {  	_ =	swait.ge [sflag:s12], $0x2710  }
0x19: {  	[sflag:s12] =	ssyncset.done $0x0  }
0x1a: {  	s17 =	simm.s32 $0x2710;
	[sflag:s12] =	ssyncadd.s32 $0xFFFFD8F0  }
0x1b: {  	[tilespmem:s17], [sflag:$0x6] =	stream.linear.gather [hbm4b:s8+s3], $0x2710, $0x38;
	[tilespmem:$0x15220] =	vst v63  }
0x1c: {  	_ =	swait.ge [sflag:s12], $0x2710  }
0x1d: {  	[sflag:s12] =	ssyncset.done $0x0  }
0x1e: {  	[sflag:s12] =	ssyncadd.s32 $0xFFFFD8F0  }
0x1f: {  	[bflag:$0x0] =	sbarrier.arrive $0xFFFF  }
0x20: {  	[tilespmem:s15], [sflag:$0x1] =	stream.indirect.gather [hbm4b:s4+s14], $0x40, s3, s14, $0xb8;
	[tilespmem:$0x15220] =	vst v63  }
0x21: {  	_ = 	snop  }
0x22: {  	[tilespmem:s16], [sflag:$0x2] =	stream.indirect.gather [hbm4b:s4+s14], $0x40, s14, s14, $0xb8;
	[tilespmem:$0x15220] =	vst v63  }
0x23: {  	s19 =	simm.s32 $0xA0  }
0x24: {  	[tilespmem:s18], [sflag:$0x3] =	stream.indirect.gather [hbm4b:s4+s14], $0x40, s19, s14, $0xb8;
	[tilespmem:$0x15220] =	vst v63  }
0x25: {  	s21 =	simm.s32 $0xF0  }
0x26: {  	[tilespmem:s20], [sflag:$0x4] =	stream.indirect.gather [hbm4b:s4+s14], $0x40, s21, s14, $0xb8;
	[tilespmem:$0x15220] =	vst v63  }
0x27: {  	s19 =	simm.s32 $0x140  }
0x28: {  	[tilespmem:s22], [sflag:$0x5] =	stream.indirect.gather [hbm4b:s4+s14], $0x40, s19, s14, $0xb8;
	[tilespmem:$0x15220] =	vst v63  }
0x29: {  	_ =	swait.ge [sflag:s23], $0x1400  }
0x2a: {  	[sflag:s23] =	ssyncset.done $0x0  }
0x2b: {  	s21 =	simm.s32 $0x2710;
	[sflag:s23] =	ssyncadd.s32 $0xFFFFEC00  }
0x2c: {  	[spmem:s2] =	stream.indirect.scatter.add.f32 [tilespmem:s15], [sflag:$0x6], $0x40, s21, s14, $0xb8;
	[tilespmem:$0x15220] =	vst v63  }
0x2d: {  	_ =	swait.ge [sflag:s12], $0x1400  }
0x2e: {  	[sflag:s12] =	ssyncset.done $0x0  }
0x2f: {  	s19 =	simm.s32 $0x190;
	[sflag:s12] =	ssyncadd.s32 $0xFFFFEC00  }
0x30: {  	[tilespmem:s15], [sflag:$0x1] =	stream.indirect.gather [hbm4b:s4+s14], $0x40, s19, s14, $0xb8;
	[tilespmem:$0x15220] =	vst v63  }
0x31: {  	_ =	swait.ge [sflag:s24], $0x1400  }
0x32: {  	[sflag:s24] =	ssyncset.done $0x0  }
0x33: {  	s21 =	simm.s32 $0x2760;
	[sflag:s24] =	ssyncadd.s32 $0xFFFFEC00  }
0x34: {  	[spmem:s2] =	stream.indirect.scatter.add.f32 [tilespmem:s16], [sflag:$0x6], $0x40, s21, s14, $0xb8;
	[tilespmem:$0x15220] =	vst v63  }
0x35: {  	_ =	swait.ge [sflag:s12], $0x1400  }
0x36: {  	[sflag:s12] =	ssyncset.done $0x0  }
0x37: {  	s19 =	simm.s32 $0x1E0;
	[sflag:s12] =	ssyncadd.s32 $0xFFFFEC00  }
0x38: {  	[tilespmem:s16], [sflag:$0x2] =	stream.indirect.gather [hbm4b:s4+s14], $0x40, s19, s14, $0xb8;
	[tilespmem:$0x15220] =	vst v63  }
0x39: {  	_ =	swait.ge [sflag:s25], $0x1400  }
0x3a: {  	[sflag:s25] =	ssyncset.done $0x0  }
0x3b: {  	s21 =	simm.s32 $0x27B0;
	[sflag:s25] =	ssyncadd.s32 $0xFFFFEC00  }
0x3c: {  	[spmem:s2] =	stream.indirect.scatter.add.f32 [tilespmem:s18], [sflag:$0x6], $0x40, s21, s14, $0xb8;
	[tilespmem:$0x15220] =	vst v63  }
0x3d: {  	_ =	swait.ge [sflag:s12], $0x1400  }
0x3e: {  	[sflag:s12] =	ssyncset.done $0x0  }
0x3f: {  	s19 =	simm.s32 $0x230;
	[sflag:s12] =	ssyncadd.s32 $0xFFFFEC00  }
0x40: {  	[tilespmem:s18], [sflag:$0x3] =	stream.indirect.gather [hbm4b:s4+s14], $0x40, s19, s14, $0xb8;
	[tilespmem:$0x15220] =	vst v63  }
0x41: {  	_ =	swait.ge [sflag:s26], $0x1400  }
0x42: {  	[sflag:s26] =	ssyncset.done $0x0  }
0x43: {  	s21 =	simm.s32 $0x2800;
	[sflag:s26] =	ssyncadd.s32 $0xFFFFEC00  }
0x44: {  	[spmem:s2] =	stream.indirect.scatter.add.f32 [tilespmem:s20], [sflag:$0x6], $0x40, s21, s14, $0xb8;
	[tilespmem:$0x15220] =	vst v63  }
0x45: {  	_ =	swait.ge [sflag:s12], $0x1400  }
0x46: {  	[sflag:s12] =	ssyncset.done $0x0  }
0x47: {  	s19 =	simm.s32 $0x280;
	[sflag:s12] =	ssyncadd.s32 $0xFFFFEC00  }
0x48: {  	[tilespmem:s20], [sflag:$0x4] =	stream.indirect.gather [hbm4b:s4+s14], $0x40, s19, s14, $0xb8;
	[tilespmem:$0x15220] =	vst v63  }
0x49: {  	_ =	swait.ge [sflag:s28], $0x1400  }
0x4a: {  	[sflag:s28] =	ssyncset.done $0x0  }
0x4b: {  	s21 =	simm.s32 $0x2850;
	[sflag:s28] =	ssyncadd.s32 $0xFFFFEC00  }
0x4c: {  	[spmem:s2] =	stream.indirect.scatter.add.f32 [tilespmem:s22], [sflag:$0x6], $0x40, s21, s14, $0xb8;
	[tilespmem:$0x15220] =	vst v63  }
0x4d: {  	_ =	swait.ge [sflag:s12], $0x1400  }
0x4e: {  	[sflag:s12] =	ssyncset.done $0x0  }
0x4f: {  	s17 =	simm.s32 $0x640;
	s19 =	simm.s32 $0x2D0;
	[sflag:s12] =	ssyncadd.s32 $0xFFFFEC00  }
.LBB2_2:
0x50: {  	[tilespmem:s22], [sflag:$0x5] =	stream.indirect.gather [hbm4b:s4+s14], $0x40, s19, s14, $0xb8;
	[tilespmem:$0x15220] =	vst v63  }
0x51: {  	s19 =	smov.u32 s17  }
0x52: {  	p0 =	sne.s32 s17, $0x8FC0;
	s17 =	sadd.s32 $0x640, s17;
	_ =	swait.ge [sflag:s23], $0x1400  }
0x53: {  	s19 =	sshra.s32 s19, $0x2;
	[sflag:s23] =	ssyncset.done $0x0  }
0x54: {  	s21 =	sadd.s32 $0x2710, s19;
	[sflag:s23] =	ssyncadd.s32 $0xFFFFEC00  }
0x55: {  	[spmem:s2] =	stream.indirect.scatter.add.f32 [tilespmem:s15], [sflag:$0x6], $0x40, s21, s14, $0xb8;
	[tilespmem:$0x15220] =	vst v63  }
0x56: {  	_ =	swait.ge [sflag:s12], $0x1400  }
0x57: {  	[sflag:s12] =	ssyncset.done $0x0  }
0x58: {  	s21 =	sadd.s32 $0x190, s19;
	[sflag:s12] =	ssyncadd.s32 $0xFFFFEC00  }
0x59: {  	[tilespmem:s15], [sflag:$0x1] =	stream.indirect.gather [hbm4b:s4+s14], $0x40, s21, s14, $0xb8;
	[tilespmem:$0x15220] =	vst v63  }
0x5a: {  	_ =	swait.ge [sflag:s24], $0x1400  }
0x5b: {  	[sflag:s24] =	ssyncset.done $0x0  }
0x5c: {  	s21 =	sadd.s32 $0x2760, s19;
	[sflag:s24] =	ssyncadd.s32 $0xFFFFEC00  }
0x5d: {  	[spmem:s2] =	stream.indirect.scatter.add.f32 [tilespmem:s16], [sflag:$0x6], $0x40, s21, s14, $0xb8;
	[tilespmem:$0x15220] =	vst v63  }
0x5e: {  	_ =	swait.ge [sflag:s12], $0x1400  }
0x5f: {  	[sflag:s12] =	ssyncset.done $0x0  }
0x60: {  	s21 =	sadd.s32 $0x1E0, s19;
	[sflag:s12] =	ssyncadd.s32 $0xFFFFEC00  }
0x61: {  	[tilespmem:s16], [sflag:$0x2] =	stream.indirect.gather [hbm4b:s4+s14], $0x40, s21, s14, $0xb8;
	[tilespmem:$0x15220] =	vst v63  }
0x62: {  	_ =	swait.ge [sflag:s25], $0x1400  }
0x63: {  	[sflag:s25] =	ssyncset.done $0x0  }
0x64: {  	s21 =	sadd.s32 $0x27B0, s19;
	[sflag:s25] =	ssyncadd.s32 $0xFFFFEC00  }
0x65: {  	[spmem:s2] =	stream.indirect.scatter.add.f32 [tilespmem:s18], [sflag:$0x6], $0x40, s21, s14, $0xb8;
	[tilespmem:$0x15220] =	vst v63  }
0x66: {  	_ =	swait.ge [sflag:s12], $0x1400  }
0x67: {  	[sflag:s12] =	ssyncset.done $0x0  }
0x68: {  	s21 =	sadd.s32 $0x230, s19;
	[sflag:s12] =	ssyncadd.s32 $0xFFFFEC00  }
0x69: {  	[tilespmem:s18], [sflag:$0x3] =	stream.indirect.gather [hbm4b:s4+s14], $0x40, s21, s14, $0xb8;
	[tilespmem:$0x15220] =	vst v63  }
0x6a: {  	_ =	swait.ge [sflag:s26], $0x1400  }
0x6b: {  	[sflag:s26] =	ssyncset.done $0x0  }
0x6c: {  	s21 =	sadd.s32 $0x2800, s19;
	[sflag:s26] =	ssyncadd.s32 $0xFFFFEC00  }
0x6d: {  	[spmem:s2] =	stream.indirect.scatter.add.f32 [tilespmem:s20], [sflag:$0x6], $0x40, s21, s14, $0xb8;
	[tilespmem:$0x15220] =	vst v63  }
0x6e: {  	_ =	swait.ge [sflag:s12], $0x1400  }
0x6f: {  	[sflag:s12] =	ssyncset.done $0x0  }
0x70: {  	s21 =	sadd.s32 $0x280, s19;
	[sflag:s12] =	ssyncadd.s32 $0xFFFFEC00  }
0x71: {  	[tilespmem:s20], [sflag:$0x4] =	stream.indirect.gather [hbm4b:s4+s14], $0x40, s21, s14, $0xb8;
	[tilespmem:$0x15220] =	vst v63  }
0x72: {  	_ =	swait.ge [sflag:s28], $0x1400  }
0x73: {  	[sflag:s28] =	ssyncset.done $0x0  }
.Ltmp0:
0x74: {  	s21 =	sadd.s32 $0x2850, s19;
	[sflag:s28] =	ssyncadd.s32 $0xFFFFEC00;
	(pc) =	sbr.rel @p0 .LBB2_2-.Ltmp0, $4  }
0x75: {  	[spmem:s2] =	stream.indirect.scatter.add.f32 [tilespmem:s22], [sflag:$0x6], $0x40, s21, s14, $0xb8;
	[tilespmem:$0x15220] =	vst v63  }
0x76: {  	_ =	swait.ge [sflag:s12], $0x1400  }
0x77: {  	[sflag:s12] =	ssyncset.done $0x0  }
0x78: {  	s19 =	sadd.s32 $0x2D0, s19;
	[sflag:s12] =	ssyncadd.s32 $0xFFFFEC00  }
0x79: {  	[tilespmem:s22], [sflag:$0x5] =	stream.indirect.gather [hbm4b:s4+s14], $0x40, s19, s14, $0xb8;
	[tilespmem:$0x15220] =	vst v63  }
0x7a: {  	_ =	swait.ge [sflag:s23], $0x1400  }
0x7b: {  	[sflag:s23] =	ssyncset.done $0x0  }
0x7c: {  	[sflag:s23] =	ssyncadd.s32 $0xFFFFEC00  }
0x7d: {  	[spmem:s2] =	stream.indirect.scatter.add.f32 [tilespmem:s15], [sflag:$0x6], $0x40, s29, s14, $0xb8;
	[tilespmem:$0x15220] =	vst v63  }
0x7e: {  	_ =	swait.ge [sflag:s12], $0x1400  }
0x7f: {  	[sflag:s12] =	ssyncset.done $0x0  }
0x80: {  	[sflag:s12] =	ssyncadd.s32 $0xFFFFEC00  }
0x81: {  	_ =	swait.ge [sflag:s24], $0x1400  }
0x82: {  	[sflag:s24] =	ssyncset.done $0x0  }
0x83: {  	[sflag:s24] =	ssyncadd.s32 $0xFFFFEC00  }
0x84: {  	[spmem:s2] =	stream.indirect.scatter.add.f32 [tilespmem:s16], [sflag:$0x6], $0x40, s30, s14, $0xb8;
	[tilespmem:$0x15220] =	vst v63  }
0x85: {  	_ =	swait.ge [sflag:s12], $0x1400  }
0x86: {  	[sflag:s12] =	ssyncset.done $0x0  }
0x87: {  	[sflag:s12] =	ssyncadd.s32 $0xFFFFEC00  }
0x88: {  	_ =	swait.ge [sflag:s25], $0x1400  }
0x89: {  	[sflag:s25] =	ssyncset.done $0x0  }
0x8a: {  	[sflag:s25] =	ssyncadd.s32 $0xFFFFEC00  }
0x8b: {  	[spmem:s2] =	stream.indirect.scatter.add.f32 [tilespmem:s18], [sflag:$0x6], $0x40, s31, s14, $0xb8;
	[tilespmem:$0x15220] =	vst v63  }
0x8c: {  	_ =	swait.ge [sflag:s12], $0x1400  }
0x8d: {  	[sflag:s12] =	ssyncset.done $0x0  }
0x8e: {  	[sflag:s12] =	ssyncadd.s32 $0xFFFFEC00  }
0x8f: {  	_ =	swait.ge [sflag:s26], $0x1400  }
0x90: {  	[sflag:s26] =	ssyncset.done $0x0  }
0x91: {  	[sflag:s26] =	ssyncadd.s32 $0xFFFFEC00  }
0x92: {  	[spmem:s2] =	stream.indirect.scatter.add.f32 [tilespmem:s20], [sflag:$0x6], $0x40, s1, s14, $0xb8;
	[tilespmem:$0x15220] =	vst v63  }
0x93: {  	_ =	swait.ge [sflag:s12], $0x1400  }
0x94: {  	[sflag:s12] =	ssyncset.done $0x0  }
0x95: {  	[sflag:s12] =	ssyncadd.s32 $0xFFFFEC00  }
0x96: {  	_ =	swait.ge [sflag:s28], $0x1400  }
0x97: {  	[sflag:s28] =	ssyncset.done $0x0  }
0x98: {  	[sflag:s28] =	ssyncadd.s32 $0xFFFFEC00  }
0x99: {  	[spmem:s2] =	stream.indirect.scatter.add.f32 [tilespmem:s22], [sflag:$0x6], $0x40, s0, s14, $0xb8;
	[tilespmem:$0x15220] =	vst v63  }
0x9a: {  	_ =	swait.ge [sflag:s12], $0x1400  }
0x9b: {  	s13 =	sadd.s32 $0x1, s13;
	[sflag:s12] =	ssyncset.done $0x0  }
0x9c: {  	p0 =	sne.s32 s13, s10;
	[sflag:s12] =	ssyncadd.s32 $0xFFFFEC00  }
.Ltmp1:
0x9d: {  	[bflag:$0x0] =	sbarrier.arrive $0xFFFF;
	(pc) =	sbr.rel @p0 .LBB2_1-.Ltmp1, $4  }
0x9e: {  	[hbm:s9], [sflag:s6] =	dma.local [spmem:s11], $0x1400  }
0x9f: {  	_ =	swait.ge [sflag:s12], $0x1400  }
0xa0: {  	[sflag:s12] =	ssyncset.done $0x0  }
0xa1: {  	[sflag:s12] =	ssyncadd.s32 $0xFFFFEC00  }
0xa2: {  	_ =	sfence.sel $0x180000  }
0xa3: {  	[bflag:$0x0] =	sbarrier.arrive $0xFFFF  }
0xa4: {  	_ =	strace $0x90000050  }
0xa5: {  	s0 =	stileid.u32;
	[bflag:$0x2] =	sbarrier.arrive $0xFFFF  }
0xa6: {  	p0 =	sne.s32 s0, $0x0;
	s0 =	rddreg [dreg:$0x2]  }
0xa7: {  	s0 =	sadd.s32 @!p0 $0x100000, s0  }
0xa8: {  	[sflag:s0] =	ssyncadd.tile.s32 @!p0 $0x1;
	_ =	shalt  }
.Lfunc_end2:
_tile_overlayer_lowered:
.L_overlay_start_2:
0xa9: {  	(tag) =	ssettag $0x2  }
0xaa: {  	s0 =	rddreg [dreg:$0x0];
	s2 =	stileid.u32  }
0xab: {  	s1 =	rddreg [dreg:$0x1];
	p0 =	sne.s32 s2, $0x0  }
0xac: {  	s3 =	rddreg [dreg:$0x2];
	[bflag:$0x3] =	sbarrier.arrive $0xFFFF;
	s2 =	simm.s32 @!p0 $0x1C06  }
0xad: {  	[timem:s3], [sflag:s2] =	dma.local @!p0 [hbm:s0], s1  }
0xae: {  	s0 =	simm.s32 @!p0 $0x6  }
0xaf: {  	_ =	swait.ge @!p0 [sflag:s0], s1  }
0xb0: {  	s1 =	ssub.s32 @!p0 $0x0, s1;
	[sflag:s0] =	ssyncset.done @!p0 $0x0  }
0xb1: {  	[sflag:s0] =	ssyncadd.s32 @!p0 s1  }
0xb2: {  	[bflag:$0x3] =	sbarrier.arrive $0xFFFF  }
0xb3: {  	_ =	shalt  }

</sc_bundles>
